<compile_context>
chip_gen: v7x
topology: tpu7x:2x2x1
jax: 0.10.2.dev20260603
libtpu: 0.0.44.dev20260713+nightly
codegen_flags: <defaults>
</compile_context>

<pallas_src>
import functools

import jax
import jax.numpy as jnp
from jax import lax
from jax.experimental import pallas as pl
from jax.experimental.pallas import tpu as pltpu
from jax.experimental.pallas import tpu_sc as plsc

N_NODES = 10000
IN_DIM = 128
OUT_DIM = 128
N_EDGES = 320000

NC = 2
NS = 16
NW = NC * NS
CHUNK = 64
CPW = 160
E_PAD = NW * CPW * CHUNK
N_PAD = 10240
ROWS_PER_TILE = N_PAD // NS
NBUF = 4
PHASE = 40


def _mm_body(h_ref, w_ref, y_ref):
    y = lax.dot_general(h_ref[...], w_ref[...],
                        dimension_numbers=(((1,), (1,)), ((), ())),
                        preferred_element_type=jnp.float32)
    y_ref[...] = jnp.maximum(y, 0.0)


def _relu_mm(h, w):
    m = 1000
    return pl.pallas_call(
        _mm_body,
        grid=(N_NODES // m,),
        in_specs=[pl.BlockSpec((m, IN_DIM), lambda i: (i, 0)),
                  pl.BlockSpec((OUT_DIM, IN_DIM), lambda i: (0, 0))],
        out_specs=pl.BlockSpec((m, OUT_DIM), lambda i: (i, 0)),
        out_shape=jax.ShapeDtypeStruct((N_NODES, OUT_DIM), jnp.float32),
    )(h, w)


_sc_mesh = plsc.VectorSubcoreMesh(core_axis_name="c", subcore_axis_name="s")


@functools.partial(
    pl.kernel,
    mesh=_sc_mesh,
    out_type=jax.ShapeDtypeStruct((NC, N_PAD, OUT_DIM), jnp.float32),
    scratch_types=[
        pltpu.VMEM((PHASE, CHUNK), jnp.int32),
        pltpu.VMEM((PHASE, CHUNK), jnp.int32),
        pltpu.VMEM((NBUF, CHUNK, OUT_DIM), jnp.float32),
        pltpu.VMEM_SHARED((N_PAD, OUT_DIM), jnp.float32),
        pltpu.SemaphoreType.DMA((NBUF,)),
        pltpu.SemaphoreType.DMA((NBUF,)),
        pltpu.SemaphoreType.DMA,
    ],
)
def _sc_scatter(y_hbm, src_hbm, dst_hbm, zeros_hbm, out_hbm,
                sidx, didx, rows, acc, gsem, ssem, zsem):
    c = lax.axis_index("c")
    s = lax.axis_index("s")
    w = c * NS + s

    zero_cp = pltpu.async_copy(
        zeros_hbm, acc.at[pl.ds(s * ROWS_PER_TILE, ROWS_PER_TILE)], zsem)

    def gissue(i, b):
        h = CHUNK // 4
        for q in range(4):
            pltpu.async_copy(y_hbm.at[sidx.at[i, pl.ds(q * h, h)]],
                             rows.at[b, pl.ds(q * h, h)], gsem.at[b])

    def gwait(b):
        pltpu.make_async_copy(y_hbm.at[pl.ds(0, CHUNK)], rows.at[b],
                              gsem.at[b]).wait()

    def swait(b):
        pltpu.make_async_copy(y_hbm.at[pl.ds(0, CHUNK)], rows.at[b],
                              ssem.at[b]).wait()

    for p in range(CPW // PHASE):
        base_row = w * CPW + p * PHASE
        pltpu.sync_copy(src_hbm.at[pl.ds(base_row, PHASE)], sidx)
        pltpu.sync_copy(dst_hbm.at[pl.ds(base_row, PHASE)], didx)

        for k in range(NBUF - 1):
            gissue(k, k)

        if p == 0:
            zero_cp.wait()
            plsc.subcore_barrier()

        def body(j, carry):
            for k in range(NBUF):
                i = j * NBUF + k
                pb = (k - 1) % NBUF
                gwait(k)
                pltpu.async_copy(rows.at[k], acc.at[didx.at[i]],
                                 ssem.at[k], add=True)

                @pl.when(i >= 1)
                def _():
                    swait(pb)

                @pl.when(i + NBUF - 1 < PHASE)
                def _():
                    gissue(i + NBUF - 1, pb)
            return carry

        lax.fori_loop(0, PHASE // NBUF, body, 0)
        swait((PHASE - 1) % NBUF)
    plsc.subcore_barrier()

    pltpu.sync_copy(acc.at[pl.ds(s * ROWS_PER_TILE, ROWS_PER_TILE)],
                    out_hbm.at[c, pl.ds(s * ROWS_PER_TILE, ROWS_PER_TILE)])


def _combine_body(p_ref, o_ref):
    o_ref[...] = p_ref[0] + p_ref[1]


def _combine(p):
    m = 1000
    return pl.pallas_call(
        _combine_body,
        grid=(N_NODES // m,),
        in_specs=[pl.BlockSpec((NC, m, OUT_DIM), lambda i: (0, i, 0))],
        out_specs=pl.BlockSpec((m, OUT_DIM), lambda i: (i, 0)),
        out_shape=jax.ShapeDtypeStruct((N_NODES, OUT_DIM), jnp.float32),
    )(p)


def kernel(h, edge_index, W):
    src = edge_index[0].astype(jnp.int32)
    dst = edge_index[1].astype(jnp.int32)
    pad = E_PAD - N_EDGES
    pad_idx = jnp.arange(pad, dtype=jnp.int32)
    src_p = jnp.concatenate([src, pad_idx % N_NODES]).reshape(E_PAD // CHUNK,
                                                              CHUNK)
    dst_p = jnp.concatenate(
        [dst, N_NODES + pad_idx % (N_PAD - N_NODES)]).reshape(E_PAD // CHUNK,
                                                              CHUNK)
    y = _relu_mm(h, W)
    zeros = jnp.zeros((ROWS_PER_TILE, OUT_DIM), jnp.float32)
    partial = _sc_scatter(y, src_p, dst_p, zeros)
    return _combine(partial)

# --- scband reference (transcript-rebuilt; emitter-appended) ---
"""Pipeline reference for scband-message-passing-layer-88364657148618 (READ-ONLY COPY).

The authoritative reference and input builder live on the scoring server;
editing this copy changes nothing except your own understanding.
"""

import jax, jax.numpy as jnp
import numpy as np

N_NODES = 10000
N_EDGES = 320000
IN_DIM = 128
OUT_DIM = 128

def setup_inputs(seed: int = 0) -> dict:
    key = jax.random.key(seed)
    k1, k2, k3 = jax.random.split(key, 3)
    h = jax.random.normal(k1, (N_NODES, IN_DIM), dtype=jnp.float32)
    edge_index = jax.random.randint(k2, (2, N_EDGES), 0, N_NODES, dtype=jnp.int64)
    # Linear(in_dim, out_dim, bias=False) weight, xavier-normal-ish init
    gain = jnp.sqrt(2.0)  # calculate_gain('relu')
    std = gain * jnp.sqrt(2.0 / (IN_DIM + OUT_DIM))
    W = jax.random.normal(k3, (OUT_DIM, IN_DIM), dtype=jnp.float32) * std
    return {"h": h, "edge_index": edge_index, "W": W}

def reference(h, edge_index, W):
    # message: z = h[src]  (gather)
    # reduce:  out[dst] = sum_over_incoming( relu(fc(z)) )  (scatter-add)
    src = edge_index[0]
    dst = edge_index[1]
    z = jnp.take(h, src, axis=0)              # [E, in_dim] gather
    m = jax.nn.relu(z @ W.T)                  # [E, out_dim]
    out = jax.ops.segment_sum(m, dst, num_segments=h.shape[0])  # [N, out_dim]
    return out

if __name__ == "__main__":
    import jax
    _d = setup_inputs()
    print(jax.jit(kernel)(*tuple(_d.values())))

</pallas_src>

<mosaic_0001>
#map = affine_map<(d0, d1) -> (0, 0)>
#map1 = affine_map<(d0, d1) -> (0, 0, 0)>
module attributes {stable_mosaic.version = 14 : i64} {
  func.func @_sc_scatter(%arg0: i32, %arg1: i32, %arg2: memref<10000x128xf32, #tpu.memory_space<hbm>>, %arg3: memref<5120x64xi32, #tpu.memory_space<hbm>>, %arg4: memref<5120x64xi32, #tpu.memory_space<hbm>>, %arg5: memref<640x128xf32, #tpu.memory_space<hbm>>, %arg6: memref<2x10240x128xf32, #tpu.memory_space<hbm>>, %arg7: memref<40x64xi32, #tpu.memory_space<vmem>>, %arg8: memref<40x64xi32, #tpu.memory_space<vmem>>, %arg9: memref<4x64x128xf32, #tpu.memory_space<vmem>>, %arg10: memref<10240x128xf32, #tpu.memory_space<vmem_shared>>, %arg11: memref<4x!tpu.dma_semaphore, #tpu.memory_space<semaphore_mem>>, %arg12: memref<4x!tpu.dma_semaphore, #tpu.memory_space<semaphore_mem>>, %arg13: memref<!tpu.dma_semaphore, #tpu.memory_space<semaphore_mem>>) attributes {dimension_semantics = [#tpu.dimension_semantics<core_parallel>, #tpu.dimension_semantics<subcore_parallel>], iteration_bounds = array<i64: 2, 16>, scalar_prefetch = 0 : i64, scratch_operands = 7 : i64, tpu.core_type = #tpu.core_type<sc_vector_subcore>, window_params = [{transform_indices = #map}, {transform_indices = #map}, {transform_indices = #map}, {transform_indices = #map}, {transform_indices = #map1}]} {
    %mul3A = arith.constant 16 : i32
    %mul3A_0 = arith.muli %arg0, %mul3A : i32
    %add3A = arith.addi %mul3A_0, %arg1 : i32
    %mul3A_1 = arith.constant 640 : i32
    %mul3A_2 = arith.muli %arg1, %mul3A_1 : i32
    %dma_start3A = arith.constant 0 : i32
    %dma_start3A_3 = tpu.memref_slice %arg10[%mul3A_2, %dma_start3A] : memref<10240x128xf32, #tpu.memory_space<vmem_shared>> -> memref<640x128xf32, #tpu.memory_space<vmem_shared>>
    tpu.enqueue_dma source(%arg5 : memref<640x128xf32, #tpu.memory_space<hbm>>) target(%dma_start3A_3 : memref<640x128xf32, #tpu.memory_space<vmem_shared>>) target_semaphore(%arg13 : memref<!tpu.dma_semaphore, #tpu.memory_space<semaphore_mem>>)
    %mul3A_4 = arith.constant 160 : i32
    %mul3A_5 = arith.muli %add3A, %mul3A_4 : i32
    %add3A_6 = arith.constant 0 : i32
    %add3A_7 = arith.addi %mul3A_5, %add3A_6 : i32
    "tpu.region"() ({
      %run_scoped3A = tpu.sem_alloc : memref<!tpu.dma_semaphore, #tpu.memory_space<semaphore_mem>>
      %dma_start3A_841 = arith.constant 0 : i32
      %dma_start3A_842 = tpu.memref_slice %arg3[%add3A_7, %dma_start3A_841] : memref<5120x64xi32, #tpu.memory_space<hbm>> -> memref<40x64xi32, #tpu.memory_space<hbm>>
      %dma_start3A_843 = arith.constant 0 : i32
      %dma_start3A_844 = tpu.memref_slice %arg3[%add3A_7, %dma_start3A_843] : memref<5120x64xi32, #tpu.memory_space<hbm>> -> memref<40x64xi32, #tpu.memory_space<hbm>>
      tpu.enqueue_dma source(%dma_start3A_844 : memref<40x64xi32, #tpu.memory_space<hbm>>) target(%arg7 : memref<40x64xi32, #tpu.memory_space<vmem>>) target_semaphore(%run_scoped3A : memref<!tpu.dma_semaphore, #tpu.memory_space<semaphore_mem>>)
      %dma_wait3A_845 = arith.constant 0 : i32
      %dma_wait3A_846 = tpu.memref_slice %arg3[%add3A_7, %dma_wait3A_845] : memref<5120x64xi32, #tpu.memory_space<hbm>> -> memref<40x64xi32, #tpu.memory_space<hbm>>
      %dma_wait3A_847 = arith.constant 0 : i32
      %dma_wait3A_848 = tpu.memref_slice %arg3[%add3A_7, %dma_wait3A_847] : memref<5120x64xi32, #tpu.memory_space<hbm>> -> memref<40x64xi32, #tpu.memory_space<hbm>>
      tpu.wait_dma2 semaphore(%run_scoped3A : memref<!tpu.dma_semaphore, #tpu.memory_space<semaphore_mem>>) src(%dma_wait3A_848 : memref<40x64xi32, #tpu.memory_space<hbm>>) dst(%arg7 : memref<40x64xi32, #tpu.memory_space<vmem>>)
      tpu.yield
    }) : () -> ()
    "tpu.region"() ({
      %run_scoped3A = tpu.sem_alloc : memref<!tpu.dma_semaphore, #tpu.memory_space<semaphore_mem>>
      %dma_start3A_841 = arith.constant 0 : i32
      %dma_start3A_842 = tpu.memref_slice %arg4[%add3A_7, %dma_start3A_841] : memref<5120x64xi32, #tpu.memory_space<hbm>> -> memref<40x64xi32, #tpu.memory_space<hbm>>
      %dma_start3A_843 = arith.constant 0 : i32
      %dma_start3A_844 = tpu.memref_slice %arg4[%add3A_7, %dma_start3A_843] : memref<5120x64xi32, #tpu.memory_space<hbm>> -> memref<40x64xi32, #tpu.memory_space<hbm>>
      tpu.enqueue_dma source(%dma_start3A_844 : memref<40x64xi32, #tpu.memory_space<hbm>>) target(%arg8 : memref<40x64xi32, #tpu.memory_space<vmem>>) target_semaphore(%run_scoped3A : memref<!tpu.dma_semaphore, #tpu.memory_space<semaphore_mem>>)
      %dma_wait3A_845 = arith.constant 0 : i32
      %dma_wait3A_846 = tpu.memref_slice %arg4[%add3A_7, %dma_wait3A_845] : memref<5120x64xi32, #tpu.memory_space<hbm>> -> memref<40x64xi32, #tpu.memory_space<hbm>>
      %dma_wait3A_847 = arith.constant 0 : i32
      %dma_wait3A_848 = tpu.memref_slice %arg4[%add3A_7, %dma_wait3A_847] : memref<5120x64xi32, #tpu.memory_space<hbm>> -> memref<40x64xi32, #tpu.memory_space<hbm>>
      tpu.wait_dma2 semaphore(%run_scoped3A : memref<!tpu.dma_semaphore, #tpu.memory_space<semaphore_mem>>) src(%dma_wait3A_848 : memref<40x64xi32, #tpu.memory_space<hbm>>) dst(%arg8 : memref<40x64xi32, #tpu.memory_space<vmem>>)
      tpu.yield
    }) : () -> ()
    %dma_start3A_8 = arith.constant 0 : i32
    %dma_start3A_9 = arith.constant 0 : i32
    %dma_start3A_10 = arith.constant 0 : i32
    %dma_start3A_11 = arith.constant 0 : i32
    %dma_start3A_12 = arith.constant 0 : i32
    %dma_start3A_13 = tpu.memref_slice %arg9[%dma_start3A_9, %dma_start3A_11, %dma_start3A_12] : memref<4x64x128xf32, #tpu.memory_space<vmem>> -> memref<1x16x128xf32, #tpu.memory_space<vmem>>
    %dma_start3A_14 = tpu.memref_squeeze %dma_start3A_13 : memref<1x16x128xf32, #tpu.memory_space<vmem>> -> memref<16x128xf32, #tpu.memory_space<vmem>>
    %dma_start3A_15 = arith.constant 0 : i32
    %dma_start3A_16 = tpu.memref_slice %arg7[%dma_start3A_8, %dma_start3A_15] : memref<40x64xi32, #tpu.memory_space<vmem>> -> memref<1x16xi32, #tpu.memory_space<vmem>>
    %dma_start3A_17 = tpu.memref_squeeze %dma_start3A_16 : memref<1x16xi32, #tpu.memory_space<vmem>> -> memref<16xi32, #tpu.memory_space<vmem>>
    %dma_start3A_18 = arith.constant 0 : i32
    %dma_start3A_19 = arith.constant 0 : i32
    %dma_start3A_20 = tpu.memref_slice %arg2[%dma_start3A_18, %dma_start3A_19] : memref<10000x128xf32, #tpu.memory_space<hbm>> -> memref<10000x128xf32, #tpu.memory_space<hbm>>
    %dma_start3A_21 = tpu.memref_slice %arg11[%dma_start3A_10] : memref<4x!tpu.dma_semaphore, #tpu.memory_space<semaphore_mem>> -> memref<1x!tpu.dma_semaphore, #tpu.memory_space<semaphore_mem>>
    %dma_start3A_22 = tpu.memref_squeeze %dma_start3A_21 : memref<1x!tpu.dma_semaphore, #tpu.memory_space<semaphore_mem>> -> memref<!tpu.dma_semaphore, #tpu.memory_space<semaphore_mem>>
    tpu.enqueue_indirect_dma source(%dma_start3A_20 : memref<10000x128xf32, #tpu.memory_space<hbm>>) target(%dma_start3A_14 : memref<16x128xf32, #tpu.memory_space<vmem>>) offsets(%dma_start3A_17 : memref<16xi32, #tpu.memory_space<vmem>>) semaphore(%dma_start3A_22 : memref<!tpu.dma_semaphore, #tpu.memory_space<semaphore_mem>>)
    %dma_start3A_23 = arith.constant 0 : i32
    %dma_start3A_24 = arith.constant 0 : i32
    %dma_start3A_25 = arith.constant 0 : i32
    %dma_start3A_26 = arith.constant 16 : i32
    %dma_start3A_27 = arith.constant 0 : i32
    %dma_start3A_28 = tpu.memref_slice %arg9[%dma_start3A_24, %dma_start3A_26, %dma_start3A_27] : memref<4x64x128xf32, #tpu.memory_space<vmem>> -> memref<1x16x128xf32, #tpu.memory_space<vmem>>
    %dma_start3A_29 = tpu.memref_squeeze %dma_start3A_28 : memref<1x16x128xf32, #tpu.memory_space<vmem>> -> memref<16x128xf32, #tpu.memory_space<vmem>>
    %dma_start3A_30 = arith.constant 16 : i32
    %dma_start3A_31 = tpu.memref_slice %arg7[%dma_start3A_23, %dma_start3A_30] : memref<40x64xi32, #tpu.memory_space<vmem>> -> memref<1x16xi32, #tpu.memory_space<vmem>>
    %dma_start3A_32 = tpu.memref_squeeze %dma_start3A_31 : memref<1x16xi32, #tpu.memory_space<vmem>> -> memref<16xi32, #tpu.memory_space<vmem>>
    %dma_start3A_33 = arith.constant 0 : i32
    %dma_start3A_34 = arith.constant 0 : i32
    %dma_start3A_35 = tpu.memref_slice %arg2[%dma_start3A_33, %dma_start3A_34] : memref<10000x128xf32, #tpu.memory_space<hbm>> -> memref<10000x128xf32, #tpu.memory_space<hbm>>
    %dma_start3A_36 = tpu.memref_slice %arg11[%dma_start3A_25] : memref<4x!tpu.dma_semaphore, #tpu.memory_space<semaphore_mem>> -> memref<1x!tpu.dma_semaphore, #tpu.memory_space<semaphore_mem>>
    %dma_start3A_37 = tpu.memref_squeeze %dma_start3A_36 : memref<1x!tpu.dma_semaphore, #tpu.memory_space<semaphore_mem>> -> memref<!tpu.dma_semaphore, #tpu.memory_space<semaphore_mem>>
    tpu.enqueue_indirect_dma source(%dma_start3A_35 : memref<10000x128xf32, #tpu.memory_space<hbm>>) target(%dma_start3A_29 : memref<16x128xf32, #tpu.memory_space<vmem>>) offsets(%dma_start3A_32 : memref<16xi32, #tpu.memory_space<vmem>>) semaphore(%dma_start3A_37 : memref<!tpu.dma_semaphore, #tpu.memory_space<semaphore_mem>>)
    %dma_start3A_38 = arith.constant 0 : i32
    %dma_start3A_39 = arith.constant 0 : i32
    %dma_start3A_40 = arith.constant 0 : i32
    %dma_start3A_41 = arith.constant 32 : i32
    %dma_start3A_42 = arith.constant 0 : i32
    %dma_start3A_43 = tpu.memref_slice %arg9[%dma_start3A_39, %dma_start3A_41, %dma_start3A_42] : memref<4x64x128xf32, #tpu.memory_space<vmem>> -> memref<1x16x128xf32, #tpu.memory_space<vmem>>
    %dma_start3A_44 = tpu.memref_squeeze %dma_start3A_43 : memref<1x16x128xf32, #tpu.memory_space<vmem>> -> memref<16x128xf32, #tpu.memory_space<vmem>>
    %dma_start3A_45 = arith.constant 32 : i32
    %dma_start3A_46 = tpu.memref_slice %arg7[%dma_start3A_38, %dma_start3A_45] : memref<40x64xi32, #tpu.memory_space<vmem>> -> memref<1x16xi32, #tpu.memory_space<vmem>>
    %dma_start3A_47 = tpu.memref_squeeze %dma_start3A_46 : memref<1x16xi32, #tpu.memory_space<vmem>> -> memref<16xi32, #tpu.memory_space<vmem>>
    %dma_start3A_48 = arith.constant 0 : i32
    %dma_start3A_49 = arith.constant 0 : i32
    %dma_start3A_50 = tpu.memref_slice %arg2[%dma_start3A_48, %dma_start3A_49] : memref<10000x128xf32, #tpu.memory_space<hbm>> -> memref<10000x128xf32, #tpu.memory_space<hbm>>
    %dma_start3A_51 = tpu.memref_slice %arg11[%dma_start3A_40] : memref<4x!tpu.dma_semaphore, #tpu.memory_space<semaphore_mem>> -> memref<1x!tpu.dma_semaphore, #tpu.memory_space<semaphore_mem>>
    %dma_start3A_52 = tpu.memref_squeeze %dma_start3A_51 : memref<1x!tpu.dma_semaphore, #tpu.memory_space<semaphore_mem>> -> memref<!tpu.dma_semaphore, #tpu.memory_space<semaphore_mem>>
    tpu.enqueue_indirect_dma source(%dma_start3A_50 : memref<10000x128xf32, #tpu.memory_space<hbm>>) target(%dma_start3A_44 : memref<16x128xf32, #tpu.memory_space<vmem>>) offsets(%dma_start3A_47 : memref<16xi32, #tpu.memory_space<vmem>>) semaphore(%dma_start3A_52 : memref<!tpu.dma_semaphore, #tpu.memory_space<semaphore_mem>>)
    %dma_start3A_53 = arith.constant 0 : i32
    %dma_start3A_54 = arith.constant 0 : i32
    %dma_start3A_55 = arith.constant 0 : i32
    %dma_start3A_56 = arith.constant 48 : i32
    %dma_start3A_57 = arith.constant 0 : i32
    %dma_start3A_58 = tpu.memref_slice %arg9[%dma_start3A_54, %dma_start3A_56, %dma_start3A_57] : memref<4x64x128xf32, #tpu.memory_space<vmem>> -> memref<1x16x128xf32, #tpu.memory_space<vmem>>
    %dma_start3A_59 = tpu.memref_squeeze %dma_start3A_58 : memref<1x16x128xf32, #tpu.memory_space<vmem>> -> memref<16x128xf32, #tpu.memory_space<vmem>>
    %dma_start3A_60 = arith.constant 48 : i32
    %dma_start3A_61 = tpu.memref_slice %arg7[%dma_start3A_53, %dma_start3A_60] : memref<40x64xi32, #tpu.memory_space<vmem>> -> memref<1x16xi32, #tpu.memory_space<vmem>>
    %dma_start3A_62 = tpu.memref_squeeze %dma_start3A_61 : memref<1x16xi32, #tpu.memory_space<vmem>> -> memref<16xi32, #tpu.memory_space<vmem>>
    %dma_start3A_63 = arith.constant 0 : i32
    %dma_start3A_64 = arith.constant 0 : i32
    %dma_start3A_65 = tpu.memref_slice %arg2[%dma_start3A_63, %dma_start3A_64] : memref<10000x128xf32, #tpu.memory_space<hbm>> -> memref<10000x128xf32, #tpu.memory_space<hbm>>
    %dma_start3A_66 = tpu.memref_slice %arg11[%dma_start3A_55] : memref<4x!tpu.dma_semaphore, #tpu.memory_space<semaphore_mem>> -> memref<1x!tpu.dma_semaphore, #tpu.memory_space<semaphore_mem>>
    %dma_start3A_67 = tpu.memref_squeeze %dma_start3A_66 : memref<1x!tpu.dma_semaphore, #tpu.memory_space<semaphore_mem>> -> memref<!tpu.dma_semaphore, #tpu.memory_space<semaphore_mem>>
    tpu.enqueue_indirect_dma source(%dma_start3A_65 : memref<10000x128xf32, #tpu.memory_space<hbm>>) target(%dma_start3A_59 : memref<16x128xf32, #tpu.memory_space<vmem>>) offsets(%dma_start3A_62 : memref<16xi32, #tpu.memory_space<vmem>>) semaphore(%dma_start3A_67 : memref<!tpu.dma_semaphore, #tpu.memory_space<semaphore_mem>>)
    %dma_start3A_68 = arith.constant 1 : i32
    %dma_start3A_69 = arith.constant 1 : i32
    %dma_start3A_70 = arith.constant 1 : i32
    %dma_start3A_71 = arith.constant 0 : i32
    %dma_start3A_72 = arith.constant 0 : i32
    %dma_start3A_73 = tpu.memref_slice %arg9[%dma_start3A_69, %dma_start3A_71, %dma_start3A_72] : memref<4x64x128xf32, #tpu.memory_space<vmem>> -> memref<1x16x128xf32, #tpu.memory_space<vmem>>
    %dma_start3A_74 = tpu.memref_squeeze %dma_start3A_73 : memref<1x16x128xf32, #tpu.memory_space<vmem>> -> memref<16x128xf32, #tpu.memory_space<vmem>>
    %dma_start3A_75 = arith.constant 0 : i32
    %dma_start3A_76 = tpu.memref_slice %arg7[%dma_start3A_68, %dma_start3A_75] : memref<40x64xi32, #tpu.memory_space<vmem>> -> memref<1x16xi32, #tpu.memory_space<vmem>>
    %dma_start3A_77 = tpu.memref_squeeze %dma_start3A_76 : memref<1x16xi32, #tpu.memory_space<vmem>> -> memref<16xi32, #tpu.memory_space<vmem>>
    %dma_start3A_78 = arith.constant 0 : i32
    %dma_start3A_79 = arith.constant 0 : i32
    %dma_start3A_80 = tpu.memref_slice %arg2[%dma_start3A_78, %dma_start3A_79] : memref<10000x128xf32, #tpu.memory_space<hbm>> -> memref<10000x128xf32, #tpu.memory_space<hbm>>
    %dma_start3A_81 = tpu.memref_slice %arg11[%dma_start3A_70] : memref<4x!tpu.dma_semaphore, #tpu.memory_space<semaphore_mem>> -> memref<1x!tpu.dma_semaphore, #tpu.memory_space<semaphore_mem>>
    %dma_start3A_82 = tpu.memref_squeeze %dma_start3A_81 : memref<1x!tpu.dma_semaphore, #tpu.memory_space<semaphore_mem>> -> memref<!tpu.dma_semaphore, #tpu.memory_space<semaphore_mem>>
    tpu.enqueue_indirect_dma source(%dma_start3A_80 : memref<10000x128xf32, #tpu.memory_space<hbm>>) target(%dma_start3A_74 : memref<16x128xf32, #tpu.memory_space<vmem>>) offsets(%dma_start3A_77 : memref<16xi32, #tpu.memory_space<vmem>>) semaphore(%dma_start3A_82 : memref<!tpu.dma_semaphore, #tpu.memory_space<semaphore_mem>>)
    %dma_start3A_83 = arith.constant 1 : i32
    %dma_start3A_84 = arith.constant 1 : i32
    %dma_start3A_85 = arith.constant 1 : i32
    %dma_start3A_86 = arith.constant 16 : i32
    %dma_start3A_87 = arith.constant 0 : i32
    %dma_start3A_88 = tpu.memref_slice %arg9[%dma_start3A_84, %dma_start3A_86, %dma_start3A_87] : memref<4x64x128xf32, #tpu.memory_space<vmem>> -> memref<1x16x128xf32, #tpu.memory_space<vmem>>
    %dma_start3A_89 = tpu.memref_squeeze %dma_start3A_88 : memref<1x16x128xf32, #tpu.memory_space<vmem>> -> memref<16x128xf32, #tpu.memory_space<vmem>>
    %dma_start3A_90 = arith.constant 16 : i32
    %dma_start3A_91 = tpu.memref_slice %arg7[%dma_start3A_83, %dma_start3A_90] : memref<40x64xi32, #tpu.memory_space<vmem>> -> memref<1x16xi32, #tpu.memory_space<vmem>>
    %dma_start3A_92 = tpu.memref_squeeze %dma_start3A_91 : memref<1x16xi32, #tpu.memory_space<vmem>> -> memref<16xi32, #tpu.memory_space<vmem>>
    %dma_start3A_93 = arith.constant 0 : i32
    %dma_start3A_94 = arith.constant 0 : i32
    %dma_start3A_95 = tpu.memref_slice %arg2[%dma_start3A_93, %dma_start3A_94] : memref<10000x128xf32, #tpu.memory_space<hbm>> -> memref<10000x128xf32, #tpu.memory_space<hbm>>
    %dma_start3A_96 = tpu.memref_slice %arg11[%dma_start3A_85] : memref<4x!tpu.dma_semaphore, #tpu.memory_space<semaphore_mem>> -> memref<1x!tpu.dma_semaphore, #tpu.memory_space<semaphore_mem>>
    %dma_start3A_97 = tpu.memref_squeeze %dma_start3A_96 : memref<1x!tpu.dma_semaphore, #tpu.memory_space<semaphore_mem>> -> memref<!tpu.dma_semaphore, #tpu.memory_space<semaphore_mem>>
    tpu.enqueue_indirect_dma source(%dma_start3A_95 : memref<10000x128xf32, #tpu.memory_space<hbm>>) target(%dma_start3A_89 : memref<16x128xf32, #tpu.memory_space<vmem>>) offsets(%dma_start3A_92 : memref<16xi32, #tpu.memory_space<vmem>>) semaphore(%dma_start3A_97 : memref<!tpu.dma_semaphore, #tpu.memory_space<semaphore_mem>>)
    %dma_start3A_98 = arith.constant 1 : i32
    %dma_start3A_99 = arith.constant 1 : i32
    %dma_start3A_100 = arith.constant 1 : i32
    %dma_start3A_101 = arith.constant 32 : i32
    %dma_start3A_102 = arith.constant 0 : i32
    %dma_start3A_103 = tpu.memref_slice %arg9[%dma_start3A_99, %dma_start3A_101, %dma_start3A_102] : memref<4x64x128xf32, #tpu.memory_space<vmem>> -> memref<1x16x128xf32, #tpu.memory_space<vmem>>
    %dma_start3A_104 = tpu.memref_squeeze %dma_start3A_103 : memref<1x16x128xf32, #tpu.memory_space<vmem>> -> memref<16x128xf32, #tpu.memory_space<vmem>>
    %dma_start3A_105 = arith.constant 32 : i32
    %dma_start3A_106 = tpu.memref_slice %arg7[%dma_start3A_98, %dma_start3A_105] : memref<40x64xi32, #tpu.memory_space<vmem>> -> memref<1x16xi32, #tpu.memory_space<vmem>>
    %dma_start3A_107 = tpu.memref_squeeze %dma_start3A_106 : memref<1x16xi32, #tpu.memory_space<vmem>> -> memref<16xi32, #tpu.memory_space<vmem>>
    %dma_start3A_108 = arith.constant 0 : i32
    %dma_start3A_109 = arith.constant 0 : i32
    %dma_start3A_110 = tpu.memref_slice %arg2[%dma_start3A_108, %dma_start3A_109] : memref<10000x128xf32, #tpu.memory_space<hbm>> -> memref<10000x128xf32, #tpu.memory_space<hbm>>
    %dma_start3A_111 = tpu.memref_slice %arg11[%dma_start3A_100] : memref<4x!tpu.dma_semaphore, #tpu.memory_space<semaphore_mem>> -> memref<1x!tpu.dma_semaphore, #tpu.memory_space<semaphore_mem>>
    %dma_start3A_112 = tpu.memref_squeeze %dma_start3A_111 : memref<1x!tpu.dma_semaphore, #tpu.memory_space<semaphore_mem>> -> memref<!tpu.dma_semaphore, #tpu.memory_space<semaphore_mem>>
    tpu.enqueue_indirect_dma source(%dma_start3A_110 : memref<10000x128xf32, #tpu.memory_space<hbm>>) target(%dma_start3A_104 : memref<16x128xf32, #tpu.memory_space<vmem>>) offsets(%dma_start3A_107 : memref<16xi32, #tpu.memory_space<vmem>>) semaphore(%dma_start3A_112 : memref<!tpu.dma_semaphore, #tpu.memory_space<semaphore_mem>>)
    %dma_start3A_113 = arith.constant 1 : i32
    %dma_start3A_114 = arith.constant 1 : i32
    %dma_start3A_115 = arith.constant 1 : i32
    %dma_start3A_116 = arith.constant 48 : i32
    %dma_start3A_117 = arith.constant 0 : i32
    %dma_start3A_118 = tpu.memref_slice %arg9[%dma_start3A_114, %dma_start3A_116, %dma_start3A_117] : memref<4x64x128xf32, #tpu.memory_space<vmem>> -> memref<1x16x128xf32, #tpu.memory_space<vmem>>
    %dma_start3A_119 = tpu.memref_squeeze %dma_start3A_118 : memref<1x16x128xf32, #tpu.memory_space<vmem>> -> memref<16x128xf32, #tpu.memory_space<vmem>>
    %dma_start3A_120 = arith.constant 48 : i32
    %dma_start3A_121 = tpu.memref_slice %arg7[%dma_start3A_113, %dma_start3A_120] : memref<40x64xi32, #tpu.memory_space<vmem>> -> memref<1x16xi32, #tpu.memory_space<vmem>>
    %dma_start3A_122 = tpu.memref_squeeze %dma_start3A_121 : memref<1x16xi32, #tpu.memory_space<vmem>> -> memref<16xi32, #tpu.memory_space<vmem>>
    %dma_start3A_123 = arith.constant 0 : i32
    %dma_start3A_124 = arith.constant 0 : i32
    %dma_start3A_125 = tpu.memref_slice %arg2[%dma_start3A_123, %dma_start3A_124] : memref<10000x128xf32, #tpu.memory_space<hbm>> -> memref<10000x128xf32, #tpu.memory_space<hbm>>
    %dma_start3A_126 = tpu.memref_slice %arg11[%dma_start3A_115] : memref<4x!tpu.dma_semaphore, #tpu.memory_space<semaphore_mem>> -> memref<1x!tpu.dma_semaphore, #tpu.memory_space<semaphore_mem>>
    %dma_start3A_127 = tpu.memref_squeeze %dma_start3A_126 : memref<1x!tpu.dma_semaphore, #tpu.memory_space<semaphore_mem>> -> memref<!tpu.dma_semaphore, #tpu.memory_space<semaphore_mem>>
    tpu.enqueue_indirect_dma source(%dma_start3A_125 : memref<10000x128xf32, #tpu.memory_space<hbm>>) target(%dma_start3A_119 : memref<16x128xf32, #tpu.memory_space<vmem>>) offsets(%dma_start3A_122 : memref<16xi32, #tpu.memory_space<vmem>>) semaphore(%dma_start3A_127 : memref<!tpu.dma_semaphore, #tpu.memory_space<semaphore_mem>>)
    %dma_start3A_128 = arith.constant 2 : i32
    %dma_start3A_129 = arith.constant 2 : i32
    %dma_start3A_130 = arith.constant 2 : i32
    %dma_start3A_131 = arith.constant 0 : i32
    %dma_start3A_132 = arith.constant 0 : i32
    %dma_start3A_133 = tpu.memref_slice %arg9[%dma_start3A_129, %dma_start3A_131, %dma_start3A_132] : memref<4x64x128xf32, #tpu.memory_space<vmem>> -> memref<1x16x128xf32, #tpu.memory_space<vmem>>
    %dma_start3A_134 = tpu.memref_squeeze %dma_start3A_133 : memref<1x16x128xf32, #tpu.memory_space<vmem>> -> memref<16x128xf32, #tpu.memory_space<vmem>>
    %dma_start3A_135 = arith.constant 0 : i32
    %dma_start3A_136 = tpu.memref_slice %arg7[%dma_start3A_128, %dma_start3A_135] : memref<40x64xi32, #tpu.memory_space<vmem>> -> memref<1x16xi32, #tpu.memory_space<vmem>>
    %dma_start3A_137 = tpu.memref_squeeze %dma_start3A_136 : memref<1x16xi32, #tpu.memory_space<vmem>> -> memref<16xi32, #tpu.memory_space<vmem>>
    %dma_start3A_138 = arith.constant 0 : i32
    %dma_start3A_139 = arith.constant 0 : i32
    %dma_start3A_140 = tpu.memref_slice %arg2[%dma_start3A_138, %dma_start3A_139] : memref<10000x128xf32, #tpu.memory_space<hbm>> -> memref<10000x128xf32, #tpu.memory_space<hbm>>
    %dma_start3A_141 = tpu.memref_slice %arg11[%dma_start3A_130] : memref<4x!tpu.dma_semaphore, #tpu.memory_space<semaphore_mem>> -> memref<1x!tpu.dma_semaphore, #tpu.memory_space<semaphore_mem>>
    %dma_start3A_142 = tpu.memref_squeeze %dma_start3A_141 : memref<1x!tpu.dma_semaphore, #tpu.memory_space<semaphore_mem>> -> memref<!tpu.dma_semaphore, #tpu.memory_space<semaphore_mem>>
    tpu.enqueue_indirect_dma source(%dma_start3A_140 : memref<10000x128xf32, #tpu.memory_space<hbm>>) target(%dma_start3A_134 : memref<16x128xf32, #tpu.memory_space<vmem>>) offsets(%dma_start3A_137 : memref<16xi32, #tpu.memory_space<vmem>>) semaphore(%dma_start3A_142 : memref<!tpu.dma_semaphore, #tpu.memory_space<semaphore_mem>>)
    %dma_start3A_143 = arith.constant 2 : i32
    %dma_start3A_144 = arith.constant 2 : i32
    %dma_start3A_145 = arith.constant 2 : i32
    %dma_start3A_146 = arith.constant 16 : i32
    %dma_start3A_147 = arith.constant 0 : i32
    %dma_start3A_148 = tpu.memref_slice %arg9[%dma_start3A_144, %dma_start3A_146, %dma_start3A_147] : memref<4x64x128xf32, #tpu.memory_space<vmem>> -> memref<1x16x128xf32, #tpu.memory_space<vmem>>
    %dma_start3A_149 = tpu.memref_squeeze %dma_start3A_148 : memref<1x16x128xf32, #tpu.memory_space<vmem>> -> memref<16x128xf32, #tpu.memory_space<vmem>>
    %dma_start3A_150 = arith.constant 16 : i32
    %dma_start3A_151 = tpu.memref_slice %arg7[%dma_start3A_143, %dma_start3A_150] : memref<40x64xi32, #tpu.memory_space<vmem>> -> memref<1x16xi32, #tpu.memory_space<vmem>>
    %dma_start3A_152 = tpu.memref_squeeze %dma_start3A_151 : memref<1x16xi32, #tpu.memory_space<vmem>> -> memref<16xi32, #tpu.memory_space<vmem>>
    %dma_start3A_153 = arith.constant 0 : i32
    %dma_start3A_154 = arith.constant 0 : i32
    %dma_start3A_155 = tpu.memref_slice %arg2[%dma_start3A_153, %dma_start3A_154] : memref<10000x128xf32, #tpu.memory_space<hbm>> -> memref<10000x128xf32, #tpu.memory_space<hbm>>
    %dma_start3A_156 = tpu.memref_slice %arg11[%dma_start3A_145] : memref<4x!tpu.dma_semaphore, #tpu.memory_space<semaphore_mem>> -> memref<1x!tpu.dma_semaphore, #tpu.memory_space<semaphore_mem>>
    %dma_start3A_157 = tpu.memref_squeeze %dma_start3A_156 : memref<1x!tpu.dma_semaphore, #tpu.memory_space<semaphore_mem>> -> memref<!tpu.dma_semaphore, #tpu.memory_space<semaphore_mem>>
    tpu.enqueue_indirect_dma source(%dma_start3A_155 : memref<10000x128xf32, #tpu.memory_space<hbm>>) target(%dma_start3A_149 : memref<16x128xf32, #tpu.memory_space<vmem>>) offsets(%dma_start3A_152 : memref<16xi32, #tpu.memory_space<vmem>>) semaphore(%dma_start3A_157 : memref<!tpu.dma_semaphore, #tpu.memory_space<semaphore_mem>>)
    %dma_start3A_158 = arith.constant 2 : i32
    %dma_start3A_159 = arith.constant 2 : i32
    %dma_start3A_160 = arith.constant 2 : i32
    %dma_start3A_161 = arith.constant 32 : i32
    %dma_start3A_162 = arith.constant 0 : i32
    %dma_start3A_163 = tpu.memref_slice %arg9[%dma_start3A_159, %dma_start3A_161, %dma_start3A_162] : memref<4x64x128xf32, #tpu.memory_space<vmem>> -> memref<1x16x128xf32, #tpu.memory_space<vmem>>
    %dma_start3A_164 = tpu.memref_squeeze %dma_start3A_163 : memref<1x16x128xf32, #tpu.memory_space<vmem>> -> memref<16x128xf32, #tpu.memory_space<vmem>>
    %dma_start3A_165 = arith.constant 32 : i32
    %dma_start3A_166 = tpu.memref_slice %arg7[%dma_start3A_158, %dma_start3A_165] : memref<40x64xi32, #tpu.memory_space<vmem>> -> memref<1x16xi32, #tpu.memory_space<vmem>>
    %dma_start3A_167 = tpu.memref_squeeze %dma_start3A_166 : memref<1x16xi32, #tpu.memory_space<vmem>> -> memref<16xi32, #tpu.memory_space<vmem>>
    %dma_start3A_168 = arith.constant 0 : i32
    %dma_start3A_169 = arith.constant 0 : i32
    %dma_start3A_170 = tpu.memref_slice %arg2[%dma_start3A_168, %dma_start3A_169] : memref<10000x128xf32, #tpu.memory_space<hbm>> -> memref<10000x128xf32, #tpu.memory_space<hbm>>
    %dma_start3A_171 = tpu.memref_slice %arg11[%dma_start3A_160] : memref<4x!tpu.dma_semaphore, #tpu.memory_space<semaphore_mem>> -> memref<1x!tpu.dma_semaphore, #tpu.memory_space<semaphore_mem>>
    %dma_start3A_172 = tpu.memref_squeeze %dma_start3A_171 : memref<1x!tpu.dma_semaphore, #tpu.memory_space<semaphore_mem>> -> memref<!tpu.dma_semaphore, #tpu.memory_space<semaphore_mem>>
    tpu.enqueue_indirect_dma source(%dma_start3A_170 : memref<10000x128xf32, #tpu.memory_space<hbm>>) target(%dma_start3A_164 : memref<16x128xf32, #tpu.memory_space<vmem>>) offsets(%dma_start3A_167 : memref<16xi32, #tpu.memory_space<vmem>>) semaphore(%dma_start3A_172 : memref<!tpu.dma_semaphore, #tpu.memory_space<semaphore_mem>>)
    %dma_start3A_173 = arith.constant 2 : i32
    %dma_start3A_174 = arith.constant 2 : i32
    %dma_start3A_175 = arith.constant 2 : i32
    %dma_start3A_176 = arith.constant 48 : i32
    %dma_start3A_177 = arith.constant 0 : i32
    %dma_start3A_178 = tpu.memref_slice %arg9[%dma_start3A_174, %dma_start3A_176, %dma_start3A_177] : memref<4x64x128xf32, #tpu.memory_space<vmem>> -> memref<1x16x128xf32, #tpu.memory_space<vmem>>
    %dma_start3A_179 = tpu.memref_squeeze %dma_start3A_178 : memref<1x16x128xf32, #tpu.memory_space<vmem>> -> memref<16x128xf32, #tpu.memory_space<vmem>>
    %dma_start3A_180 = arith.constant 48 : i32
    %dma_start3A_181 = tpu.memref_slice %arg7[%dma_start3A_173, %dma_start3A_180] : memref<40x64xi32, #tpu.memory_space<vmem>> -> memref<1x16xi32, #tpu.memory_space<vmem>>
    %dma_start3A_182 = tpu.memref_squeeze %dma_start3A_181 : memref<1x16xi32, #tpu.memory_space<vmem>> -> memref<16xi32, #tpu.memory_space<vmem>>
    %dma_start3A_183 = arith.constant 0 : i32
    %dma_start3A_184 = arith.constant 0 : i32
    %dma_start3A_185 = tpu.memref_slice %arg2[%dma_start3A_183, %dma_start3A_184] : memref<10000x128xf32, #tpu.memory_space<hbm>> -> memref<10000x128xf32, #tpu.memory_space<hbm>>
    %dma_start3A_186 = tpu.memref_slice %arg11[%dma_start3A_175] : memref<4x!tpu.dma_semaphore, #tpu.memory_space<semaphore_mem>> -> memref<1x!tpu.dma_semaphore, #tpu.memory_space<semaphore_mem>>
    %dma_start3A_187 = tpu.memref_squeeze %dma_start3A_186 : memref<1x!tpu.dma_semaphore, #tpu.memory_space<semaphore_mem>> -> memref<!tpu.dma_semaphore, #tpu.memory_space<semaphore_mem>>
    tpu.enqueue_indirect_dma source(%dma_start3A_185 : memref<10000x128xf32, #tpu.memory_space<hbm>>) target(%dma_start3A_179 : memref<16x128xf32, #tpu.memory_space<vmem>>) offsets(%dma_start3A_182 : memref<16xi32, #tpu.memory_space<vmem>>) semaphore(%dma_start3A_187 : memref<!tpu.dma_semaphore, #tpu.memory_space<semaphore_mem>>)
    %dma_wait3A = arith.constant 0 : i32
    %dma_wait3A_188 = tpu.memref_slice %arg10[%mul3A_2, %dma_wait3A] : memref<10240x128xf32, #tpu.memory_space<vmem_shared>> -> memref<640x128xf32, #tpu.memory_space<vmem_shared>>
    tpu.wait_dma2 semaphore(%arg13 : memref<!tpu.dma_semaphore, #tpu.memory_space<semaphore_mem>>) src(%arg5 : memref<640x128xf32, #tpu.memory_space<hbm>>) dst(%dma_wait3A_188 : memref<640x128xf32, #tpu.memory_space<vmem_shared>>)
    %barrier3A = arith.constant 0 : index
    tpu.barrier barrier_id(%barrier3A)
    %scan3A = arith.constant 0 : i32
    %scan3A_189 = arith.constant 0 : i32
    %scan3A_190 = arith.constant 10 : i32
    %scan3A_191 = arith.addi %scan3A_189, %scan3A_190 : i32
    %scan3A_192 = arith.constant 1 : i32
    scf.for %scan3A_841 = %scan3A_189 to %scan3A_191 step %scan3A_192  : i32 {
      %mul3A_842 = arith.constant 4 : i32
      %mul3A_843 = arith.muli %scan3A_841, %mul3A_842 : i32
      %add3A_844 = arith.constant 0 : i32
      %add3A_845 = arith.addi %mul3A_843, %add3A_844 : i32
      %dma_wait3A_846 = arith.constant 0 : i32
      %dma_wait3A_847 = arith.constant 0 : i32
      %dma_wait3A_848 = arith.constant 0 : i32
      %dma_wait3A_849 = arith.constant 0 : i32
      %dma_wait3A_850 = tpu.memref_slice %arg9[%dma_wait3A_846, %dma_wait3A_848, %dma_wait3A_849] : memref<4x64x128xf32, #tpu.memory_space<vmem>> -> memref<1x64x128xf32, #tpu.memory_space<vmem>>
      %dma_wait3A_851 = tpu.memref_squeeze %dma_wait3A_850 : memref<1x64x128xf32, #tpu.memory_space<vmem>> -> memref<64x128xf32, #tpu.memory_space<vmem>>
      %dma_wait3A_852 = arith.constant 0 : i32
      %dma_wait3A_853 = arith.constant 0 : i32
      %dma_wait3A_854 = tpu.memref_slice %arg2[%dma_wait3A_852, %dma_wait3A_853] : memref<10000x128xf32, #tpu.memory_space<hbm>> -> memref<64x128xf32, #tpu.memory_space<hbm>>
      %dma_wait3A_855 = tpu.memref_slice %arg11[%dma_wait3A_847] : memref<4x!tpu.dma_semaphore, #tpu.memory_space<semaphore_mem>> -> memref<1x!tpu.dma_semaphore, #tpu.memory_space<semaphore_mem>>
      %dma_wait3A_856 = tpu.memref_squeeze %dma_wait3A_855 : memref<1x!tpu.dma_semaphore, #tpu.memory_space<semaphore_mem>> -> memref<!tpu.dma_semaphore, #tpu.memory_space<semaphore_mem>>
      %dma_wait3A_857 = arith.constant 0 : i32
      %dma_wait3A_858 = arith.constant 0 : i32
      %dma_wait3A_859 = tpu.memref_slice %arg9[%dma_wait3A_846, %dma_wait3A_857, %dma_wait3A_858] : memref<4x64x128xf32, #tpu.memory_space<vmem>> -> memref<1x64x128xf32, #tpu.memory_space<vmem>>
      %dma_wait3A_860 = tpu.memref_squeeze %dma_wait3A_859 : memref<1x64x128xf32, #tpu.memory_space<vmem>> -> memref<64x128xf32, #tpu.memory_space<vmem>>
      %dma_wait3A_861 = arith.constant 0 : i32
      %dma_wait3A_862 = arith.constant 0 : i32
      %dma_wait3A_863 = tpu.memref_slice %arg2[%dma_wait3A_861, %dma_wait3A_862] : memref<10000x128xf32, #tpu.memory_space<hbm>> -> memref<64x128xf32, #tpu.memory_space<hbm>>
      tpu.wait_dma2 semaphore(%dma_wait3A_856 : memref<!tpu.dma_semaphore, #tpu.memory_space<semaphore_mem>>) src(%dma_wait3A_863 : memref<64x128xf32, #tpu.memory_space<hbm>>) dst(%dma_wait3A_860 : memref<64x128xf32, #tpu.memory_space<vmem>>)
      %dma_start3A_864 = arith.constant 0 : i32
      %dma_start3A_865 = arith.constant 0 : i32
      %dma_start3A_866 = arith.constant 0 : i32
      %dma_start3A_867 = arith.constant 0 : i32
      %dma_start3A_868 = tpu.memref_slice %arg9[%dma_start3A_864, %dma_start3A_866, %dma_start3A_867] : memref<4x64x128xf32, #tpu.memory_space<vmem>> -> memref<1x64x128xf32, #tpu.memory_space<vmem>>
      %dma_start3A_869 = tpu.memref_squeeze %dma_start3A_868 : memref<1x64x128xf32, #tpu.memory_space<vmem>> -> memref<64x128xf32, #tpu.memory_space<vmem>>
      %dma_start3A_870 = arith.constant 0 : i32
      %dma_start3A_871 = tpu.memref_slice %arg8[%add3A_845, %dma_start3A_870] : memref<40x64xi32, #tpu.memory_space<vmem>> -> memref<1x64xi32, #tpu.memory_space<vmem>>
      %dma_start3A_872 = tpu.memref_squeeze %dma_start3A_871 : memref<1x64xi32, #tpu.memory_space<vmem>> -> memref<64xi32, #tpu.memory_space<vmem>>
      %dma_start3A_873 = arith.constant 0 : i32
      %dma_start3A_874 = arith.constant 0 : i32
      %dma_start3A_875 = tpu.memref_slice %arg10[%dma_start3A_873, %dma_start3A_874] : memref<10240x128xf32, #tpu.memory_space<vmem_shared>> -> memref<10240x128xf32, #tpu.memory_space<vmem_shared>>
      %dma_start3A_876 = tpu.memref_slice %arg12[%dma_start3A_865] : memref<4x!tpu.dma_semaphore, #tpu.memory_space<semaphore_mem>> -> memref<1x!tpu.dma_semaphore, #tpu.memory_space<semaphore_mem>>
      %dma_start3A_877 = tpu.memref_squeeze %dma_start3A_876 : memref<1x!tpu.dma_semaphore, #tpu.memory_space<semaphore_mem>> -> memref<!tpu.dma_semaphore, #tpu.memory_space<semaphore_mem>>
      tpu.enqueue_indirect_dma source(%dma_start3A_869 : memref<64x128xf32, #tpu.memory_space<vmem>>) target(%dma_start3A_875 : memref<10240x128xf32, #tpu.memory_space<vmem_shared>>) offsets(%dma_start3A_872 : memref<64xi32, #tpu.memory_space<vmem>>) semaphore(%dma_start3A_877 : memref<!tpu.dma_semaphore, #tpu.memory_space<semaphore_mem>>) {add = true}
      %ge3A = arith.constant 1 : i32
      %ge3A_878 = arith.cmpi sge, %add3A_845, %ge3A : i32
      %convert_element_type3A = arith.extui %ge3A_878 : i1 to i32
      %cond3A = arith.constant 0 : i32
      %cond3A_879 = arith.cmpi ne, %convert_element_type3A, %cond3A : i32
      scf.if %cond3A_879 {
        %dma_wait3A_1037 = arith.constant 3 : i32
        %dma_wait3A_1038 = arith.constant 3 : i32
        %dma_wait3A_1039 = arith.constant 0 : i32
        %dma_wait3A_1040 = arith.constant 0 : i32
        %dma_wait3A_1041 = tpu.memref_slice %arg9[%dma_wait3A_1037, %dma_wait3A_1039, %dma_wait3A_1040] : memref<4x64x128xf32, #tpu.memory_space<vmem>> -> memref<1x64x128xf32, #tpu.memory_space<vmem>>
        %dma_wait3A_1042 = tpu.memref_squeeze %dma_wait3A_1041 : memref<1x64x128xf32, #tpu.memory_space<vmem>> -> memref<64x128xf32, #tpu.memory_space<vmem>>
        %dma_wait3A_1043 = arith.constant 0 : i32
        %dma_wait3A_1044 = arith.constant 0 : i32
        %dma_wait3A_1045 = tpu.memref_slice %arg2[%dma_wait3A_1043, %dma_wait3A_1044] : memref<10000x128xf32, #tpu.memory_space<hbm>> -> memref<64x128xf32, #tpu.memory_space<hbm>>
        %dma_wait3A_1046 = tpu.memref_slice %arg12[%dma_wait3A_1038] : memref<4x!tpu.dma_semaphore, #tpu.memory_space<semaphore_mem>> -> memref<1x!tpu.dma_semaphore, #tpu.memory_space<semaphore_mem>>
        %dma_wait3A_1047 = tpu.memref_squeeze %dma_wait3A_1046 : memref<1x!tpu.dma_semaphore, #tpu.memory_space<semaphore_mem>> -> memref<!tpu.dma_semaphore, #tpu.memory_space<semaphore_mem>>
        %dma_wait3A_1048 = arith.constant 0 : i32
        %dma_wait3A_1049 = arith.constant 0 : i32
        %dma_wait3A_1050 = tpu.memref_slice %arg9[%dma_wait3A_1037, %dma_wait3A_1048, %dma_wait3A_1049] : memref<4x64x128xf32, #tpu.memory_space<vmem>> -> memref<1x64x128xf32, #tpu.memory_space<vmem>>
        %dma_wait3A_1051 = tpu.memref_squeeze %dma_wait3A_1050 : memref<1x64x128xf32, #tpu.memory_space<vmem>> -> memref<64x128xf32, #tpu.memory_space<vmem>>
        %dma_wait3A_1052 = arith.constant 0 : i32
        %dma_wait3A_1053 = arith.constant 0 : i32
        %dma_wait3A_1054 = tpu.memref_slice %arg2[%dma_wait3A_1052, %dma_wait3A_1053] : memref<10000x128xf32, #tpu.memory_space<hbm>> -> memref<64x128xf32, #tpu.memory_space<hbm>>
        tpu.wait_dma2 semaphore(%dma_wait3A_1047 : memref<!tpu.dma_semaphore, #tpu.memory_space<semaphore_mem>>) src(%dma_wait3A_1054 : memref<64x128xf32, #tpu.memory_space<hbm>>) dst(%dma_wait3A_1051 : memref<64x128xf32, #tpu.memory_space<vmem>>)
      } else {
      }
      %add3A_880 = arith.constant 4 : i32
      %add3A_881 = arith.addi %add3A_845, %add3A_880 : i32
      %sub3A = arith.constant 1 : i32
      %sub3A_882 = arith.subi %add3A_881, %sub3A : i32
      %lt3A = arith.constant 40 : i32
      %lt3A_883 = arith.cmpi slt, %sub3A_882, %lt3A : i32
      %convert_element_type3A_884 = arith.extui %lt3A_883 : i1 to i32
      %cond3A_885 = arith.constant 0 : i32
      %cond3A_886 = arith.cmpi ne, %convert_element_type3A_884, %cond3A_885 : i32
      scf.if %cond3A_886 {
        %add3A_1037 = arith.constant 4 : i32
        %add3A_1038 = arith.addi %add3A_845, %add3A_1037 : i32
        %sub3A_1039 = arith.constant 1 : i32
        %sub3A_1040 = arith.subi %add3A_1038, %sub3A_1039 : i32
        %dma_start3A_1041 = arith.constant 3 : i32
        %dma_start3A_1042 = arith.constant 3 : i32
        %dma_start3A_1043 = arith.constant 0 : i32
        %dma_start3A_1044 = arith.constant 0 : i32
        %dma_start3A_1045 = tpu.memref_slice %arg9[%dma_start3A_1041, %dma_start3A_1043, %dma_start3A_1044] : memref<4x64x128xf32, #tpu.memory_space<vmem>> -> memref<1x16x128xf32, #tpu.memory_space<vmem>>
        %dma_start3A_1046 = tpu.memref_squeeze %dma_start3A_1045 : memref<1x16x128xf32, #tpu.memory_space<vmem>> -> memref<16x128xf32, #tpu.memory_space<vmem>>
        %dma_start3A_1047 = arith.constant 0 : i32
        %dma_start3A_1048 = tpu.memref_slice %arg7[%sub3A_1040, %dma_start3A_1047] : memref<40x64xi32, #tpu.memory_space<vmem>> -> memref<1x16xi32, #tpu.memory_space<vmem>>
        %dma_start3A_1049 = tpu.memref_squeeze %dma_start3A_1048 : memref<1x16xi32, #tpu.memory_space<vmem>> -> memref<16xi32, #tpu.memory_space<vmem>>
        %dma_start3A_1050 = arith.constant 0 : i32
        %dma_start3A_1051 = arith.constant 0 : i32
        %dma_start3A_1052 = tpu.memref_slice %arg2[%dma_start3A_1050, %dma_start3A_1051] : memref<10000x128xf32, #tpu.memory_space<hbm>> -> memref<10000x128xf32, #tpu.memory_space<hbm>>
        %dma_start3A_1053 = tpu.memref_slice %arg11[%dma_start3A_1042] : memref<4x!tpu.dma_semaphore, #tpu.memory_space<semaphore_mem>> -> memref<1x!tpu.dma_semaphore, #tpu.memory_space<semaphore_mem>>
        %dma_start3A_1054 = tpu.memref_squeeze %dma_start3A_1053 : memref<1x!tpu.dma_semaphore, #tpu.memory_space<semaphore_mem>> -> memref<!tpu.dma_semaphore, #tpu.memory_space<semaphore_mem>>
        tpu.enqueue_indirect_dma source(%dma_start3A_1052 : memref<10000x128xf32, #tpu.memory_space<hbm>>) target(%dma_start3A_1046 : memref<16x128xf32, #tpu.memory_space<vmem>>) offsets(%dma_start3A_1049 : memref<16xi32, #tpu.memory_space<vmem>>) semaphore(%dma_start3A_1054 : memref<!tpu.dma_semaphore, #tpu.memory_space<semaphore_mem>>)
        %dma_start3A_1055 = arith.constant 3 : i32
        %dma_start3A_1056 = arith.constant 3 : i32
        %dma_start3A_1057 = arith.constant 16 : i32
        %dma_start3A_1058 = arith.constant 0 : i32
        %dma_start3A_1059 = tpu.memref_slice %arg9[%dma_start3A_1055, %dma_start3A_1057, %dma_start3A_1058] : memref<4x64x128xf32, #tpu.memory_space<vmem>> -> memref<1x16x128xf32, #tpu.memory_space<vmem>>
        %dma_start3A_1060 = tpu.memref_squeeze %dma_start3A_1059 : memref<1x16x128xf32, #tpu.memory_space<vmem>> -> memref<16x128xf32, #tpu.memory_space<vmem>>
        %dma_start3A_1061 = arith.constant 16 : i32
        %dma_start3A_1062 = tpu.memref_slice %arg7[%sub3A_1040, %dma_start3A_1061] : memref<40x64xi32, #tpu.memory_space<vmem>> -> memref<1x16xi32, #tpu.memory_space<vmem>>
        %dma_start3A_1063 = tpu.memref_squeeze %dma_start3A_1062 : memref<1x16xi32, #tpu.memory_space<vmem>> -> memref<16xi32, #tpu.memory_space<vmem>>
        %dma_start3A_1064 = arith.constant 0 : i32
        %dma_start3A_1065 = arith.constant 0 : i32
        %dma_start3A_1066 = tpu.memref_slice %arg2[%dma_start3A_1064, %dma_start3A_1065] : memref<10000x128xf32, #tpu.memory_space<hbm>> -> memref<10000x128xf32, #tpu.memory_space<hbm>>
        %dma_start3A_1067 = tpu.memref_slice %arg11[%dma_start3A_1056] : memref<4x!tpu.dma_semaphore, #tpu.memory_space<semaphore_mem>> -> memref<1x!tpu.dma_semaphore, #tpu.memory_space<semaphore_mem>>
        %dma_start3A_1068 = tpu.memref_squeeze %dma_start3A_1067 : memref<1x!tpu.dma_semaphore, #tpu.memory_space<semaphore_mem>> -> memref<!tpu.dma_semaphore, #tpu.memory_space<semaphore_mem>>
        tpu.enqueue_indirect_dma source(%dma_start3A_1066 : memref<10000x128xf32, #tpu.memory_space<hbm>>) target(%dma_start3A_1060 : memref<16x128xf32, #tpu.memory_space<vmem>>) offsets(%dma_start3A_1063 : memref<16xi32, #tpu.memory_space<vmem>>) semaphore(%dma_start3A_1068 : memref<!tpu.dma_semaphore, #tpu.memory_space<semaphore_mem>>)
        %dma_start3A_1069 = arith.constant 3 : i32
        %dma_start3A_1070 = arith.constant 3 : i32
        %dma_start3A_1071 = arith.constant 32 : i32
        %dma_start3A_1072 = arith.constant 0 : i32
        %dma_start3A_1073 = tpu.memref_slice %arg9[%dma_start3A_1069, %dma_start3A_1071, %dma_start3A_1072] : memref<4x64x128xf32, #tpu.memory_space<vmem>> -> memref<1x16x128xf32, #tpu.memory_space<vmem>>
        %dma_start3A_1074 = tpu.memref_squeeze %dma_start3A_1073 : memref<1x16x128xf32, #tpu.memory_space<vmem>> -> memref<16x128xf32, #tpu.memory_space<vmem>>
        %dma_start3A_1075 = arith.constant 32 : i32
        %dma_start3A_1076 = tpu.memref_slice %arg7[%sub3A_1040, %dma_start3A_1075] : memref<40x64xi32, #tpu.memory_space<vmem>> -> memref<1x16xi32, #tpu.memory_space<vmem>>
        %dma_start3A_1077 = tpu.memref_squeeze %dma_start3A_1076 : memref<1x16xi32, #tpu.memory_space<vmem>> -> memref<16xi32, #tpu.memory_space<vmem>>
        %dma_start3A_1078 = arith.constant 0 : i32
        %dma_start3A_1079 = arith.constant 0 : i32
        %dma_start3A_1080 = tpu.memref_slice %arg2[%dma_start3A_1078, %dma_start3A_1079] : memref<10000x128xf32, #tpu.memory_space<hbm>> -> memref<10000x128xf32, #tpu.memory_space<hbm>>
        %dma_start3A_1081 = tpu.memref_slice %arg11[%dma_start3A_1070] : memref<4x!tpu.dma_semaphore, #tpu.memory_space<semaphore_mem>> -> memref<1x!tpu.dma_semaphore, #tpu.memory_space<semaphore_mem>>
        %dma_start3A_1082 = tpu.memref_squeeze %dma_start3A_1081 : memref<1x!tpu.dma_semaphore, #tpu.memory_space<semaphore_mem>> -> memref<!tpu.dma_semaphore, #tpu.memory_space<semaphore_mem>>
        tpu.enqueue_indirect_dma source(%dma_start3A_1080 : memref<10000x128xf32, #tpu.memory_space<hbm>>) target(%dma_start3A_1074 : memref<16x128xf32, #tpu.memory_space<vmem>>) offsets(%dma_start3A_1077 : memref<16xi32, #tpu.memory_space<vmem>>) semaphore(%dma_start3A_1082 : memref<!tpu.dma_semaphore, #tpu.memory_space<semaphore_mem>>)
        %dma_start3A_1083 = arith.constant 3 : i32
        %dma_start3A_1084 = arith.constant 3 : i32
        %dma_start3A_1085 = arith.constant 48 : i32
        %dma_start3A_1086 = arith.constant 0 : i32
        %dma_start3A_1087 = tpu.memref_slice %arg9[%dma_start3A_1083, %dma_start3A_1085, %dma_start3A_1086] : memref<4x64x128xf32, #tpu.memory_space<vmem>> -> memref<1x16x128xf32, #tpu.memory_space<vmem>>
        %dma_start3A_1088 = tpu.memref_squeeze %dma_start3A_1087 : memref<1x16x128xf32, #tpu.memory_space<vmem>> -> memref<16x128xf32, #tpu.memory_space<vmem>>
        %dma_start3A_1089 = arith.constant 48 : i32
        %dma_start3A_1090 = tpu.memref_slice %arg7[%sub3A_1040, %dma_start3A_1089] : memref<40x64xi32, #tpu.memory_space<vmem>> -> memref<1x16xi32, #tpu.memory_space<vmem>>
        %dma_start3A_1091 = tpu.memref_squeeze %dma_start3A_1090 : memref<1x16xi32, #tpu.memory_space<vmem>> -> memref<16xi32, #tpu.memory_space<vmem>>
        %dma_start3A_1092 = arith.constant 0 : i32
        %dma_start3A_1093 = arith.constant 0 : i32
        %dma_start3A_1094 = tpu.memref_slice %arg2[%dma_start3A_1092, %dma_start3A_1093] : memref<10000x128xf32, #tpu.memory_space<hbm>> -> memref<10000x128xf32, #tpu.memory_space<hbm>>
        %dma_start3A_1095 = tpu.memref_slice %arg11[%dma_start3A_1084] : memref<4x!tpu.dma_semaphore, #tpu.memory_space<semaphore_mem>> -> memref<1x!tpu.dma_semaphore, #tpu.memory_space<semaphore_mem>>
        %dma_start3A_1096 = tpu.memref_squeeze %dma_start3A_1095 : memref<1x!tpu.dma_semaphore, #tpu.memory_space<semaphore_mem>> -> memref<!tpu.dma_semaphore, #tpu.memory_space<semaphore_mem>>
        tpu.enqueue_indirect_dma source(%dma_start3A_1094 : memref<10000x128xf32, #tpu.memory_space<hbm>>) target(%dma_start3A_1088 : memref<16x128xf32, #tpu.memory_space<vmem>>) offsets(%dma_start3A_1091 : memref<16xi32, #tpu.memory_space<vmem>>) semaphore(%dma_start3A_1096 : memref<!tpu.dma_semaphore, #tpu.memory_space<semaphore_mem>>)
      } else {
      }
      %mul3A_887 = arith.constant 4 : i32
      %mul3A_888 = arith.muli %scan3A_841, %mul3A_887 : i32
      %add3A_889 = arith.constant 1 : i32
      %add3A_890 = arith.addi %mul3A_888, %add3A_889 : i32
      %dma_wait3A_891 = arith.constant 1 : i32
      %dma_wait3A_892 = arith.constant 1 : i32
      %dma_wait3A_893 = arith.constant 0 : i32
      %dma_wait3A_894 = arith.constant 0 : i32
      %dma_wait3A_895 = tpu.memref_slice %arg9[%dma_wait3A_891, %dma_wait3A_893, %dma_wait3A_894] : memref<4x64x128xf32, #tpu.memory_space<vmem>> -> memref<1x64x128xf32, #tpu.memory_space<vmem>>
      %dma_wait3A_896 = tpu.memref_squeeze %dma_wait3A_895 : memref<1x64x128xf32, #tpu.memory_space<vmem>> -> memref<64x128xf32, #tpu.memory_space<vmem>>
      %dma_wait3A_897 = arith.constant 0 : i32
      %dma_wait3A_898 = arith.constant 0 : i32
      %dma_wait3A_899 = tpu.memref_slice %arg2[%dma_wait3A_897, %dma_wait3A_898] : memref<10000x128xf32, #tpu.memory_space<hbm>> -> memref<64x128xf32, #tpu.memory_space<hbm>>
      %dma_wait3A_900 = tpu.memref_slice %arg11[%dma_wait3A_892] : memref<4x!tpu.dma_semaphore, #tpu.memory_space<semaphore_mem>> -> memref<1x!tpu.dma_semaphore, #tpu.memory_space<semaphore_mem>>
      %dma_wait3A_901 = tpu.memref_squeeze %dma_wait3A_900 : memref<1x!tpu.dma_semaphore, #tpu.memory_space<semaphore_mem>> -> memref<!tpu.dma_semaphore, #tpu.memory_space<semaphore_mem>>
      %dma_wait3A_902 = arith.constant 0 : i32
      %dma_wait3A_903 = arith.constant 0 : i32
      %dma_wait3A_904 = tpu.memref_slice %arg9[%dma_wait3A_891, %dma_wait3A_902, %dma_wait3A_903] : memref<4x64x128xf32, #tpu.memory_space<vmem>> -> memref<1x64x128xf32, #tpu.memory_space<vmem>>
      %dma_wait3A_905 = tpu.memref_squeeze %dma_wait3A_904 : memref<1x64x128xf32, #tpu.memory_space<vmem>> -> memref<64x128xf32, #tpu.memory_space<vmem>>
      %dma_wait3A_906 = arith.constant 0 : i32
      %dma_wait3A_907 = arith.constant 0 : i32
      %dma_wait3A_908 = tpu.memref_slice %arg2[%dma_wait3A_906, %dma_wait3A_907] : memref<10000x128xf32, #tpu.memory_space<hbm>> -> memref<64x128xf32, #tpu.memory_space<hbm>>
      tpu.wait_dma2 semaphore(%dma_wait3A_901 : memref<!tpu.dma_semaphore, #tpu.memory_space<semaphore_mem>>) src(%dma_wait3A_908 : memref<64x128xf32, #tpu.memory_space<hbm>>) dst(%dma_wait3A_905 : memref<64x128xf32, #tpu.memory_space<vmem>>)
      %dma_start3A_909 = arith.constant 1 : i32
      %dma_start3A_910 = arith.constant 1 : i32
      %dma_start3A_911 = arith.constant 0 : i32
      %dma_start3A_912 = arith.constant 0 : i32
      %dma_start3A_913 = tpu.memref_slice %arg9[%dma_start3A_909, %dma_start3A_911, %dma_start3A_912] : memref<4x64x128xf32, #tpu.memory_space<vmem>> -> memref<1x64x128xf32, #tpu.memory_space<vmem>>
      %dma_start3A_914 = tpu.memref_squeeze %dma_start3A_913 : memref<1x64x128xf32, #tpu.memory_space<vmem>> -> memref<64x128xf32, #tpu.memory_space<vmem>>
      %dma_start3A_915 = arith.constant 0 : i32
      %dma_start3A_916 = tpu.memref_slice %arg8[%add3A_890, %dma_start3A_915] : memref<40x64xi32, #tpu.memory_space<vmem>> -> memref<1x64xi32, #tpu.memory_space<vmem>>
      %dma_start3A_917 = tpu.memref_squeeze %dma_start3A_916 : memref<1x64xi32, #tpu.memory_space<vmem>> -> memref<64xi32, #tpu.memory_space<vmem>>
      %dma_start3A_918 = arith.constant 0 : i32
      %dma_start3A_919 = arith.constant 0 : i32
      %dma_start3A_920 = tpu.memref_slice %arg10[%dma_start3A_918, %dma_start3A_919] : memref<10240x128xf32, #tpu.memory_space<vmem_shared>> -> memref<10240x128xf32, #tpu.memory_space<vmem_shared>>
      %dma_start3A_921 = tpu.memref_slice %arg12[%dma_start3A_910] : memref<4x!tpu.dma_semaphore, #tpu.memory_space<semaphore_mem>> -> memref<1x!tpu.dma_semaphore, #tpu.memory_space<semaphore_mem>>
      %dma_start3A_922 = tpu.memref_squeeze %dma_start3A_921 : memref<1x!tpu.dma_semaphore, #tpu.memory_space<semaphore_mem>> -> memref<!tpu.dma_semaphore, #tpu.memory_space<semaphore_mem>>
      tpu.enqueue_indirect_dma source(%dma_start3A_914 : memref<64x128xf32, #tpu.memory_space<vmem>>) target(%dma_start3A_920 : memref<10240x128xf32, #tpu.memory_space<vmem_shared>>) offsets(%dma_start3A_917 : memref<64xi32, #tpu.memory_space<vmem>>) semaphore(%dma_start3A_922 : memref<!tpu.dma_semaphore, #tpu.memory_space<semaphore_mem>>) {add = true}
      %ge3A_923 = arith.constant 1 : i32
      %ge3A_924 = arith.cmpi sge, %add3A_890, %ge3A_923 : i32
      %convert_element_type3A_925 = arith.extui %ge3A_924 : i1 to i32
      %cond3A_926 = arith.constant 0 : i32
      %cond3A_927 = arith.cmpi ne, %convert_element_type3A_925, %cond3A_926 : i32
      scf.if %cond3A_927 {
        %dma_wait3A_1037 = arith.constant 0 : i32
        %dma_wait3A_1038 = arith.constant 0 : i32
        %dma_wait3A_1039 = arith.constant 0 : i32
        %dma_wait3A_1040 = arith.constant 0 : i32
        %dma_wait3A_1041 = tpu.memref_slice %arg9[%dma_wait3A_1037, %dma_wait3A_1039, %dma_wait3A_1040] : memref<4x64x128xf32, #tpu.memory_space<vmem>> -> memref<1x64x128xf32, #tpu.memory_space<vmem>>
        %dma_wait3A_1042 = tpu.memref_squeeze %dma_wait3A_1041 : memref<1x64x128xf32, #tpu.memory_space<vmem>> -> memref<64x128xf32, #tpu.memory_space<vmem>>
        %dma_wait3A_1043 = arith.constant 0 : i32
        %dma_wait3A_1044 = arith.constant 0 : i32
        %dma_wait3A_1045 = tpu.memref_slice %arg2[%dma_wait3A_1043, %dma_wait3A_1044] : memref<10000x128xf32, #tpu.memory_space<hbm>> -> memref<64x128xf32, #tpu.memory_space<hbm>>
        %dma_wait3A_1046 = tpu.memref_slice %arg12[%dma_wait3A_1038] : memref<4x!tpu.dma_semaphore, #tpu.memory_space<semaphore_mem>> -> memref<1x!tpu.dma_semaphore, #tpu.memory_space<semaphore_mem>>
        %dma_wait3A_1047 = tpu.memref_squeeze %dma_wait3A_1046 : memref<1x!tpu.dma_semaphore, #tpu.memory_space<semaphore_mem>> -> memref<!tpu.dma_semaphore, #tpu.memory_space<semaphore_mem>>
        %dma_wait3A_1048 = arith.constant 0 : i32
        %dma_wait3A_1049 = arith.constant 0 : i32
        %dma_wait3A_1050 = tpu.memref_slice %arg9[%dma_wait3A_1037, %dma_wait3A_1048, %dma_wait3A_1049] : memref<4x64x128xf32, #tpu.memory_space<vmem>> -> memref<1x64x128xf32, #tpu.memory_space<vmem>>
        %dma_wait3A_1051 = tpu.memref_squeeze %dma_wait3A_1050 : memref<1x64x128xf32, #tpu.memory_space<vmem>> -> memref<64x128xf32, #tpu.memory_space<vmem>>
        %dma_wait3A_1052 = arith.constant 0 : i32
        %dma_wait3A_1053 = arith.constant 0 : i32
        %dma_wait3A_1054 = tpu.memref_slice %arg2[%dma_wait3A_1052, %dma_wait3A_1053] : memref<10000x128xf32, #tpu.memory_space<hbm>> -> memref<64x128xf32, #tpu.memory_space<hbm>>
        tpu.wait_dma2 semaphore(%dma_wait3A_1047 : memref<!tpu.dma_semaphore, #tpu.memory_space<semaphore_mem>>) src(%dma_wait3A_1054 : memref<64x128xf32, #tpu.memory_space<hbm>>) dst(%dma_wait3A_1051 : memref<64x128xf32, #tpu.memory_space<vmem>>)
      } else {
      }
      %add3A_928 = arith.constant 4 : i32
      %add3A_929 = arith.addi %add3A_890, %add3A_928 : i32
      %sub3A_930 = arith.constant 1 : i32
      %sub3A_931 = arith.subi %add3A_929, %sub3A_930 : i32
      %lt3A_932 = arith.constant 40 : i32
      %lt3A_933 = arith.cmpi slt, %sub3A_931, %lt3A_932 : i32
      %convert_element_type3A_934 = arith.extui %lt3A_933 : i1 to i32
      %cond3A_935 = arith.constant 0 : i32
      %cond3A_936 = arith.cmpi ne, %convert_element_type3A_934, %cond3A_935 : i32
      scf.if %cond3A_936 {
        %add3A_1037 = arith.constant 4 : i32
        %add3A_1038 = arith.addi %add3A_890, %add3A_1037 : i32
        %sub3A_1039 = arith.constant 1 : i32
        %sub3A_1040 = arith.subi %add3A_1038, %sub3A_1039 : i32
        %dma_start3A_1041 = arith.constant 0 : i32
        %dma_start3A_1042 = arith.constant 0 : i32
        %dma_start3A_1043 = arith.constant 0 : i32
        %dma_start3A_1044 = arith.constant 0 : i32
        %dma_start3A_1045 = tpu.memref_slice %arg9[%dma_start3A_1041, %dma_start3A_1043, %dma_start3A_1044] : memref<4x64x128xf32, #tpu.memory_space<vmem>> -> memref<1x16x128xf32, #tpu.memory_space<vmem>>
        %dma_start3A_1046 = tpu.memref_squeeze %dma_start3A_1045 : memref<1x16x128xf32, #tpu.memory_space<vmem>> -> memref<16x128xf32, #tpu.memory_space<vmem>>
        %dma_start3A_1047 = arith.constant 0 : i32
        %dma_start3A_1048 = tpu.memref_slice %arg7[%sub3A_1040, %dma_start3A_1047] : memref<40x64xi32, #tpu.memory_space<vmem>> -> memref<1x16xi32, #tpu.memory_space<vmem>>
        %dma_start3A_1049 = tpu.memref_squeeze %dma_start3A_1048 : memref<1x16xi32, #tpu.memory_space<vmem>> -> memref<16xi32, #tpu.memory_space<vmem>>
        %dma_start3A_1050 = arith.constant 0 : i32
        %dma_start3A_1051 = arith.constant 0 : i32
        %dma_start3A_1052 = tpu.memref_slice %arg2[%dma_start3A_1050, %dma_start3A_1051] : memref<10000x128xf32, #tpu.memory_space<hbm>> -> memref<10000x128xf32, #tpu.memory_space<hbm>>
        %dma_start3A_1053 = tpu.memref_slice %arg11[%dma_start3A_1042] : memref<4x!tpu.dma_semaphore, #tpu.memory_space<semaphore_mem>> -> memref<1x!tpu.dma_semaphore, #tpu.memory_space<semaphore_mem>>
        %dma_start3A_1054 = tpu.memref_squeeze %dma_start3A_1053 : memref<1x!tpu.dma_semaphore, #tpu.memory_space<semaphore_mem>> -> memref<!tpu.dma_semaphore, #tpu.memory_space<semaphore_mem>>
        tpu.enqueue_indirect_dma source(%dma_start3A_1052 : memref<10000x128xf32, #tpu.memory_space<hbm>>) target(%dma_start3A_1046 : memref<16x128xf32, #tpu.memory_space<vmem>>) offsets(%dma_start3A_1049 : memref<16xi32, #tpu.memory_space<vmem>>) semaphore(%dma_start3A_1054 : memref<!tpu.dma_semaphore, #tpu.memory_space<semaphore_mem>>)
        %dma_start3A_1055 = arith.constant 0 : i32
        %dma_start3A_1056 = arith.constant 0 : i32
        %dma_start3A_1057 = arith.constant 16 : i32
        %dma_start3A_1058 = arith.constant 0 : i32
        %dma_start3A_1059 = tpu.memref_slice %arg9[%dma_start3A_1055, %dma_start3A_1057, %dma_start3A_1058] : memref<4x64x128xf32, #tpu.memory_space<vmem>> -> memref<1x16x128xf32, #tpu.memory_space<vmem>>
        %dma_start3A_1060 = tpu.memref_squeeze %dma_start3A_1059 : memref<1x16x128xf32, #tpu.memory_space<vmem>> -> memref<16x128xf32, #tpu.memory_space<vmem>>
        %dma_start3A_1061 = arith.constant 16 : i32
        %dma_start3A_1062 = tpu.memref_slice %arg7[%sub3A_1040, %dma_start3A_1061] : memref<40x64xi32, #tpu.memory_space<vmem>> -> memref<1x16xi32, #tpu.memory_space<vmem>>
        %dma_start3A_1063 = tpu.memref_squeeze %dma_start3A_1062 : memref<1x16xi32, #tpu.memory_space<vmem>> -> memref<16xi32, #tpu.memory_space<vmem>>
        %dma_start3A_1064 = arith.constant 0 : i32
        %dma_start3A_1065 = arith.constant 0 : i32
        %dma_start3A_1066 = tpu.memref_slice %arg2[%dma_start3A_1064, %dma_start3A_1065] : memref<10000x128xf32, #tpu.memory_space<hbm>> -> memref<10000x128xf32, #tpu.memory_space<hbm>>
        %dma_start3A_1067 = tpu.memref_slice %arg11[%dma_start3A_1056] : memref<4x!tpu.dma_semaphore, #tpu.memory_space<semaphore_mem>> -> memref<1x!tpu.dma_semaphore, #tpu.memory_space<semaphore_mem>>
        %dma_start3A_1068 = tpu.memref_squeeze %dma_start3A_1067 : memref<1x!tpu.dma_semaphore, #tpu.memory_space<semaphore_mem>> -> memref<!tpu.dma_semaphore, #tpu.memory_space<semaphore_mem>>
        tpu.enqueue_indirect_dma source(%dma_start3A_1066 : memref<10000x128xf32, #tpu.memory_space<hbm>>) target(%dma_start3A_1060 : memref<16x128xf32, #tpu.memory_space<vmem>>) offsets(%dma_start3A_1063 : memref<16xi32, #tpu.memory_space<vmem>>) semaphore(%dma_start3A_1068 : memref<!tpu.dma_semaphore, #tpu.memory_space<semaphore_mem>>)
        %dma_start3A_1069 = arith.constant 0 : i32
        %dma_start3A_1070 = arith.constant 0 : i32
        %dma_start3A_1071 = arith.constant 32 : i32
        %dma_start3A_1072 = arith.constant 0 : i32
        %dma_start3A_1073 = tpu.memref_slice %arg9[%dma_start3A_1069, %dma_start3A_1071, %dma_start3A_1072] : memref<4x64x128xf32, #tpu.memory_space<vmem>> -> memref<1x16x128xf32, #tpu.memory_space<vmem>>
        %dma_start3A_1074 = tpu.memref_squeeze %dma_start3A_1073 : memref<1x16x128xf32, #tpu.memory_space<vmem>> -> memref<16x128xf32, #tpu.memory_space<vmem>>
        %dma_start3A_1075 = arith.constant 32 : i32
        %dma_start3A_1076 = tpu.memref_slice %arg7[%sub3A_1040, %dma_start3A_1075] : memref<40x64xi32, #tpu.memory_space<vmem>> -> memref<1x16xi32, #tpu.memory_space<vmem>>
        %dma_start3A_1077 = tpu.memref_squeeze %dma_start3A_1076 : memref<1x16xi32, #tpu.memory_space<vmem>> -> memref<16xi32, #tpu.memory_space<vmem>>
        %dma_start3A_1078 = arith.constant 0 : i32
        %dma_start3A_1079 = arith.constant 0 : i32
        %dma_start3A_1080 = tpu.memref_slice %arg2[%dma_start3A_1078, %dma_start3A_1079] : memref<10000x128xf32, #tpu.memory_space<hbm>> -> memref<10000x128xf32, #tpu.memory_space<hbm>>
        %dma_start3A_1081 = tpu.memref_slice %arg11[%dma_start3A_1070] : memref<4x!tpu.dma_semaphore, #tpu.memory_space<semaphore_mem>> -> memref<1x!tpu.dma_semaphore, #tpu.memory_space<semaphore_mem>>
        %dma_start3A_1082 = tpu.memref_squeeze %dma_start3A_1081 : memref<1x!tpu.dma_semaphore, #tpu.memory_space<semaphore_mem>> -> memref<!tpu.dma_semaphore, #tpu.memory_space<semaphore_mem>>
        tpu.enqueue_indirect_dma source(%dma_start3A_1080 : memref<10000x128xf32, #tpu.memory_space<hbm>>) target(%dma_start3A_1074 : memref<16x128xf32, #tpu.memory_space<vmem>>) offsets(%dma_start3A_1077 : memref<16xi32, #tpu.memory_space<vmem>>) semaphore(%dma_start3A_1082 : memref<!tpu.dma_semaphore, #tpu.memory_space<semaphore_mem>>)
        %dma_start3A_1083 = arith.constant 0 : i32
        %dma_start3A_1084 = arith.constant 0 : i32
        %dma_start3A_1085 = arith.constant 48 : i32
        %dma_start3A_1086 = arith.constant 0 : i32
        %dma_start3A_1087 = tpu.memref_slice %arg9[%dma_start3A_1083, %dma_start3A_1085, %dma_start3A_1086] : memref<4x64x128xf32, #tpu.memory_space<vmem>> -> memref<1x16x128xf32, #tpu.memory_space<vmem>>
        %dma_start3A_1088 = tpu.memref_squeeze %dma_start3A_1087 : memref<1x16x128xf32, #tpu.memory_space<vmem>> -> memref<16x128xf32, #tpu.memory_space<vmem>>
        %dma_start3A_1089 = arith.constant 48 : i32
        %dma_start3A_1090 = tpu.memref_slice %arg7[%sub3A_1040, %dma_start3A_1089] : memref<40x64xi32, #tpu.memory_space<vmem>> -> memref<1x16xi32, #tpu.memory_space<vmem>>
        %dma_start3A_1091 = tpu.memref_squeeze %dma_start3A_1090 : memref<1x16xi32, #tpu.memory_space<vmem>> -> memref<16xi32, #tpu.memory_space<vmem>>
        %dma_start3A_1092 = arith.constant 0 : i32
        %dma_start3A_1093 = arith.constant 0 : i32
        %dma_start3A_1094 = tpu.memref_slice %arg2[%dma_start3A_1092, %dma_start3A_1093] : memref<10000x128xf32, #tpu.memory_space<hbm>> -> memref<10000x128xf32, #tpu.memory_space<hbm>>
        %dma_start3A_1095 = tpu.memref_slice %arg11[%dma_start3A_1084] : memref<4x!tpu.dma_semaphore, #tpu.memory_space<semaphore_mem>> -> memref<1x!tpu.dma_semaphore, #tpu.memory_space<semaphore_mem>>
        %dma_start3A_1096 = tpu.memref_squeeze %dma_start3A_1095 : memref<1x!tpu.dma_semaphore, #tpu.memory_space<semaphore_mem>> -> memref<!tpu.dma_semaphore, #tpu.memory_space<semaphore_mem>>
        tpu.enqueue_indirect_dma source(%dma_start3A_1094 : memref<10000x128xf32, #tpu.memory_space<hbm>>) target(%dma_start3A_1088 : memref<16x128xf32, #tpu.memory_space<vmem>>) offsets(%dma_start3A_1091 : memref<16xi32, #tpu.memory_space<vmem>>) semaphore(%dma_start3A_1096 : memref<!tpu.dma_semaphore, #tpu.memory_space<semaphore_mem>>)
      } else {
      }
      %mul3A_937 = arith.constant 4 : i32
      %mul3A_938 = arith.muli %scan3A_841, %mul3A_937 : i32
      %add3A_939 = arith.constant 2 : i32
      %add3A_940 = arith.addi %mul3A_938, %add3A_939 : i32
      %dma_wait3A_941 = arith.constant 2 : i32
      %dma_wait3A_942 = arith.constant 2 : i32
      %dma_wait3A_943 = arith.constant 0 : i32
      %dma_wait3A_944 = arith.constant 0 : i32
      %dma_wait3A_945 = tpu.memref_slice %arg9[%dma_wait3A_941, %dma_wait3A_943, %dma_wait3A_944] : memref<4x64x128xf32, #tpu.memory_space<vmem>> -> memref<1x64x128xf32, #tpu.memory_space<vmem>>
      %dma_wait3A_946 = tpu.memref_squeeze %dma_wait3A_945 : memref<1x64x128xf32, #tpu.memory_space<vmem>> -> memref<64x128xf32, #tpu.memory_space<vmem>>
      %dma_wait3A_947 = arith.constant 0 : i32
      %dma_wait3A_948 = arith.constant 0 : i32
      %dma_wait3A_949 = tpu.memref_slice %arg2[%dma_wait3A_947, %dma_wait3A_948] : memref<10000x128xf32, #tpu.memory_space<hbm>> -> memref<64x128xf32, #tpu.memory_space<hbm>>
      %dma_wait3A_950 = tpu.memref_slice %arg11[%dma_wait3A_942] : memref<4x!tpu.dma_semaphore, #tpu.memory_space<semaphore_mem>> -> memref<1x!tpu.dma_semaphore, #tpu.memory_space<semaphore_mem>>
      %dma_wait3A_951 = tpu.memref_squeeze %dma_wait3A_950 : memref<1x!tpu.dma_semaphore, #tpu.memory_space<semaphore_mem>> -> memref<!tpu.dma_semaphore, #tpu.memory_space<semaphore_mem>>
      %dma_wait3A_952 = arith.constant 0 : i32
      %dma_wait3A_953 = arith.constant 0 : i32
      %dma_wait3A_954 = tpu.memref_slice %arg9[%dma_wait3A_941, %dma_wait3A_952, %dma_wait3A_953] : memref<4x64x128xf32, #tpu.memory_space<vmem>> -> memref<1x64x128xf32, #tpu.memory_space<vmem>>
      %dma_wait3A_955 = tpu.memref_squeeze %dma_wait3A_954 : memref<1x64x128xf32, #tpu.memory_space<vmem>> -> memref<64x128xf32, #tpu.memory_space<vmem>>
      %dma_wait3A_956 = arith.constant 0 : i32
      %dma_wait3A_957 = arith.constant 0 : i32
      %dma_wait3A_958 = tpu.memref_slice %arg2[%dma_wait3A_956, %dma_wait3A_957] : memref<10000x128xf32, #tpu.memory_space<hbm>> -> memref<64x128xf32, #tpu.memory_space<hbm>>
      tpu.wait_dma2 semaphore(%dma_wait3A_951 : memref<!tpu.dma_semaphore, #tpu.memory_space<semaphore_mem>>) src(%dma_wait3A_958 : memref<64x128xf32, #tpu.memory_space<hbm>>) dst(%dma_wait3A_955 : memref<64x128xf32, #tpu.memory_space<vmem>>)
      %dma_start3A_959 = arith.constant 2 : i32
      %dma_start3A_960 = arith.constant 2 : i32
      %dma_start3A_961 = arith.constant 0 : i32
      %dma_start3A_962 = arith.constant 0 : i32
      %dma_start3A_963 = tpu.memref_slice %arg9[%dma_start3A_959, %dma_start3A_961, %dma_start3A_962] : memref<4x64x128xf32, #tpu.memory_space<vmem>> -> memref<1x64x128xf32, #tpu.memory_space<vmem>>
      %dma_start3A_964 = tpu.memref_squeeze %dma_start3A_963 : memref<1x64x128xf32, #tpu.memory_space<vmem>> -> memref<64x128xf32, #tpu.memory_space<vmem>>
      %dma_start3A_965 = arith.constant 0 : i32
      %dma_start3A_966 = tpu.memref_slice %arg8[%add3A_940, %dma_start3A_965] : memref<40x64xi32, #tpu.memory_space<vmem>> -> memref<1x64xi32, #tpu.memory_space<vmem>>
      %dma_start3A_967 = tpu.memref_squeeze %dma_start3A_966 : memref<1x64xi32, #tpu.memory_space<vmem>> -> memref<64xi32, #tpu.memory_space<vmem>>
      %dma_start3A_968 = arith.constant 0 : i32
      %dma_start3A_969 = arith.constant 0 : i32
      %dma_start3A_970 = tpu.memref_slice %arg10[%dma_start3A_968, %dma_start3A_969] : memref<10240x128xf32, #tpu.memory_space<vmem_shared>> -> memref<10240x128xf32, #tpu.memory_space<vmem_shared>>
      %dma_start3A_971 = tpu.memref_slice %arg12[%dma_start3A_960] : memref<4x!tpu.dma_semaphore, #tpu.memory_space<semaphore_mem>> -> memref<1x!tpu.dma_semaphore, #tpu.memory_space<semaphore_mem>>
      %dma_start3A_972 = tpu.memref_squeeze %dma_start3A_971 : memref<1x!tpu.dma_semaphore, #tpu.memory_space<semaphore_mem>> -> memref<!tpu.dma_semaphore, #tpu.memory_space<semaphore_mem>>
      tpu.enqueue_indirect_dma source(%dma_start3A_964 : memref<64x128xf32, #tpu.memory_space<vmem>>) target(%dma_start3A_970 : memref<10240x128xf32, #tpu.memory_space<vmem_shared>>) offsets(%dma_start3A_967 : memref<64xi32, #tpu.memory_space<vmem>>) semaphore(%dma_start3A_972 : memref<!tpu.dma_semaphore, #tpu.memory_space<semaphore_mem>>) {add = true}
      %ge3A_973 = arith.constant 1 : i32
      %ge3A_974 = arith.cmpi sge, %add3A_940, %ge3A_973 : i32
      %convert_element_type3A_975 = arith.extui %ge3A_974 : i1 to i32
      %cond3A_976 = arith.constant 0 : i32
      %cond3A_977 = arith.cmpi ne, %convert_element_type3A_975, %cond3A_976 : i32
      scf.if %cond3A_977 {
        %dma_wait3A_1037 = arith.constant 1 : i32
        %dma_wait3A_1038 = arith.constant 1 : i32
        %dma_wait3A_1039 = arith.constant 0 : i32
        %dma_wait3A_1040 = arith.constant 0 : i32
        %dma_wait3A_1041 = tpu.memref_slice %arg9[%dma_wait3A_1037, %dma_wait3A_1039, %dma_wait3A_1040] : memref<4x64x128xf32, #tpu.memory_space<vmem>> -> memref<1x64x128xf32, #tpu.memory_space<vmem>>
        %dma_wait3A_1042 = tpu.memref_squeeze %dma_wait3A_1041 : memref<1x64x128xf32, #tpu.memory_space<vmem>> -> memref<64x128xf32, #tpu.memory_space<vmem>>
        %dma_wait3A_1043 = arith.constant 0 : i32
        %dma_wait3A_1044 = arith.constant 0 : i32
        %dma_wait3A_1045 = tpu.memref_slice %arg2[%dma_wait3A_1043, %dma_wait3A_1044] : memref<10000x128xf32, #tpu.memory_space<hbm>> -> memref<64x128xf32, #tpu.memory_space<hbm>>
        %dma_wait3A_1046 = tpu.memref_slice %arg12[%dma_wait3A_1038] : memref<4x!tpu.dma_semaphore, #tpu.memory_space<semaphore_mem>> -> memref<1x!tpu.dma_semaphore, #tpu.memory_space<semaphore_mem>>
        %dma_wait3A_1047 = tpu.memref_squeeze %dma_wait3A_1046 : memref<1x!tpu.dma_semaphore, #tpu.memory_space<semaphore_mem>> -> memref<!tpu.dma_semaphore, #tpu.memory_space<semaphore_mem>>
        %dma_wait3A_1048 = arith.constant 0 : i32
        %dma_wait3A_1049 = arith.constant 0 : i32
        %dma_wait3A_1050 = tpu.memref_slice %arg9[%dma_wait3A_1037, %dma_wait3A_1048, %dma_wait3A_1049] : memref<4x64x128xf32, #tpu.memory_space<vmem>> -> memref<1x64x128xf32, #tpu.memory_space<vmem>>
        %dma_wait3A_1051 = tpu.memref_squeeze %dma_wait3A_1050 : memref<1x64x128xf32, #tpu.memory_space<vmem>> -> memref<64x128xf32, #tpu.memory_space<vmem>>
        %dma_wait3A_1052 = arith.constant 0 : i32
        %dma_wait3A_1053 = arith.constant 0 : i32
        %dma_wait3A_1054 = tpu.memref_slice %arg2[%dma_wait3A_1052, %dma_wait3A_1053] : memref<10000x128xf32, #tpu.memory_space<hbm>> -> memref<64x128xf32, #tpu.memory_space<hbm>>
        tpu.wait_dma2 semaphore(%dma_wait3A_1047 : memref<!tpu.dma_semaphore, #tpu.memory_space<semaphore_mem>>) src(%dma_wait3A_1054 : memref<64x128xf32, #tpu.memory_space<hbm>>) dst(%dma_wait3A_1051 : memref<64x128xf32, #tpu.memory_space<vmem>>)
      } else {
      }
      %add3A_978 = arith.constant 4 : i32
      %add3A_979 = arith.addi %add3A_940, %add3A_978 : i32
      %sub3A_980 = arith.constant 1 : i32
      %sub3A_981 = arith.subi %add3A_979, %sub3A_980 : i32
      %lt3A_982 = arith.constant 40 : i32
      %lt3A_983 = arith.cmpi slt, %sub3A_981, %lt3A_982 : i32
      %convert_element_type3A_984 = arith.extui %lt3A_983 : i1 to i32
      %cond3A_985 = arith.constant 0 : i32
      %cond3A_986 = arith.cmpi ne, %convert_element_type3A_984, %cond3A_985 : i32
      scf.if %cond3A_986 {
        %add3A_1037 = arith.constant 4 : i32
        %add3A_1038 = arith.addi %add3A_940, %add3A_1037 : i32
        %sub3A_1039 = arith.constant 1 : i32
        %sub3A_1040 = arith.subi %add3A_1038, %sub3A_1039 : i32
        %dma_start3A_1041 = arith.constant 1 : i32
        %dma_start3A_1042 = arith.constant 1 : i32
        %dma_start3A_1043 = arith.constant 0 : i32
        %dma_start3A_1044 = arith.constant 0 : i32
        %dma_start3A_1045 = tpu.memref_slice %arg9[%dma_start3A_1041, %dma_start3A_1043, %dma_start3A_1044] : memref<4x64x128xf32, #tpu.memory_space<vmem>> -> memref<1x16x128xf32, #tpu.memory_space<vmem>>
        %dma_start3A_1046 = tpu.memref_squeeze %dma_start3A_1045 : memref<1x16x128xf32, #tpu.memory_space<vmem>> -> memref<16x128xf32, #tpu.memory_space<vmem>>
        %dma_start3A_1047 = arith.constant 0 : i32
        %dma_start3A_1048 = tpu.memref_slice %arg7[%sub3A_1040, %dma_start3A_1047] : memref<40x64xi32, #tpu.memory_space<vmem>> -> memref<1x16xi32, #tpu.memory_space<vmem>>
        %dma_start3A_1049 = tpu.memref_squeeze %dma_start3A_1048 : memref<1x16xi32, #tpu.memory_space<vmem>> -> memref<16xi32, #tpu.memory_space<vmem>>
        %dma_start3A_1050 = arith.constant 0 : i32
        %dma_start3A_1051 = arith.constant 0 : i32
        %dma_start3A_1052 = tpu.memref_slice %arg2[%dma_start3A_1050, %dma_start3A_1051] : memref<10000x128xf32, #tpu.memory_space<hbm>> -> memref<10000x128xf32, #tpu.memory_space<hbm>>
        %dma_start3A_1053 = tpu.memref_slice %arg11[%dma_start3A_1042] : memref<4x!tpu.dma_semaphore, #tpu.memory_space<semaphore_mem>> -> memref<1x!tpu.dma_semaphore, #tpu.memory_space<semaphore_mem>>
        %dma_start3A_1054 = tpu.memref_squeeze %dma_start3A_1053 : memref<1x!tpu.dma_semaphore, #tpu.memory_space<semaphore_mem>> -> memref<!tpu.dma_semaphore, #tpu.memory_space<semaphore_mem>>
        tpu.enqueue_indirect_dma source(%dma_start3A_1052 : memref<10000x128xf32, #tpu.memory_space<hbm>>) target(%dma_start3A_1046 : memref<16x128xf32, #tpu.memory_space<vmem>>) offsets(%dma_start3A_1049 : memref<16xi32, #tpu.memory_space<vmem>>) semaphore(%dma_start3A_1054 : memref<!tpu.dma_semaphore, #tpu.memory_space<semaphore_mem>>)
        %dma_start3A_1055 = arith.constant 1 : i32
        %dma_start3A_1056 = arith.constant 1 : i32
        %dma_start3A_1057 = arith.constant 16 : i32
        %dma_start3A_1058 = arith.constant 0 : i32
        %dma_start3A_1059 = tpu.memref_slice %arg9[%dma_start3A_1055, %dma_start3A_1057, %dma_start3A_1058] : memref<4x64x128xf32, #tpu.memory_space<vmem>> -> memref<1x16x128xf32, #tpu.memory_space<vmem>>
        %dma_start3A_1060 = tpu.memref_squeeze %dma_start3A_1059 : memref<1x16x128xf32, #tpu.memory_space<vmem>> -> memref<16x128xf32, #tpu.memory_space<vmem>>
        %dma_start3A_1061 = arith.constant 16 : i32
        %dma_start3A_1062 = tpu.memref_slice %arg7[%sub3A_1040, %dma_start3A_1061] : memref<40x64xi32, #tpu.memory_space<vmem>> -> memref<1x16xi32, #tpu.memory_space<vmem>>
        %dma_start3A_1063 = tpu.memref_squeeze %dma_start3A_1062 : memref<1x16xi32, #tpu.memory_space<vmem>> -> memref<16xi32, #tpu.memory_space<vmem>>
        %dma_start3A_1064 = arith.constant 0 : i32
        %dma_start3A_1065 = arith.constant 0 : i32
        %dma_start3A_1066 = tpu.memref_slice %arg2[%dma_start3A_1064, %dma_start3A_1065] : memref<10000x128xf32, #tpu.memory_space<hbm>> -> memref<10000x128xf32, #tpu.memory_space<hbm>>
        %dma_start3A_1067 = tpu.memref_slice %arg11[%dma_start3A_1056] : memref<4x!tpu.dma_semaphore, #tpu.memory_space<semaphore_mem>> -> memref<1x!tpu.dma_semaphore, #tpu.memory_space<semaphore_mem>>
        %dma_start3A_1068 = tpu.memref_squeeze %dma_start3A_1067 : memref<1x!tpu.dma_semaphore, #tpu.memory_space<semaphore_mem>> -> memref<!tpu.dma_semaphore, #tpu.memory_space<semaphore_mem>>
        tpu.enqueue_indirect_dma source(%dma_start3A_1066 : memref<10000x128xf32, #tpu.memory_space<hbm>>) target(%dma_start3A_1060 : memref<16x128xf32, #tpu.memory_space<vmem>>) offsets(%dma_start3A_1063 : memref<16xi32, #tpu.memory_space<vmem>>) semaphore(%dma_start3A_1068 : memref<!tpu.dma_semaphore, #tpu.memory_space<semaphore_mem>>)
        %dma_start3A_1069 = arith.constant 1 : i32
        %dma_start3A_1070 = arith.constant 1 : i32
        %dma_start3A_1071 = arith.constant 32 : i32
        %dma_start3A_1072 = arith.constant 0 : i32
        %dma_start3A_1073 = tpu.memref_slice %arg9[%dma_start3A_1069, %dma_start3A_1071, %dma_start3A_1072] : memref<4x64x128xf32, #tpu.memory_space<vmem>> -> memref<1x16x128xf32, #tpu.memory_space<vmem>>
        %dma_start3A_1074 = tpu.memref_squeeze %dma_start3A_1073 : memref<1x16x128xf32, #tpu.memory_space<vmem>> -> memref<16x128xf32, #tpu.memory_space<vmem>>
        %dma_start3A_1075 = arith.constant 32 : i32
        %dma_start3A_1076 = tpu.memref_slice %arg7[%sub3A_1040, %dma_start3A_1075] : memref<40x64xi32, #tpu.memory_space<vmem>> -> memref<1x16xi32, #tpu.memory_space<vmem>>
        %dma_start3A_1077 = tpu.memref_squeeze %dma_start3A_1076 : memref<1x16xi32, #tpu.memory_space<vmem>> -> memref<16xi32, #tpu.memory_space<vmem>>
        %dma_start3A_1078 = arith.constant 0 : i32
        %dma_start3A_1079 = arith.constant 0 : i32
        %dma_start3A_1080 = tpu.memref_slice %arg2[%dma_start3A_1078, %dma_start3A_1079] : memref<10000x128xf32, #tpu.memory_space<hbm>> -> memref<10000x128xf32, #tpu.memory_space<hbm>>
        %dma_start3A_1081 = tpu.memref_slice %arg11[%dma_start3A_1070] : memref<4x!tpu.dma_semaphore, #tpu.memory_space<semaphore_mem>> -> memref<1x!tpu.dma_semaphore, #tpu.memory_space<semaphore_mem>>
        %dma_start3A_1082 = tpu.memref_squeeze %dma_start3A_1081 : memref<1x!tpu.dma_semaphore, #tpu.memory_space<semaphore_mem>> -> memref<!tpu.dma_semaphore, #tpu.memory_space<semaphore_mem>>
        tpu.enqueue_indirect_dma source(%dma_start3A_1080 : memref<10000x128xf32, #tpu.memory_space<hbm>>) target(%dma_start3A_1074 : memref<16x128xf32, #tpu.memory_space<vmem>>) offsets(%dma_start3A_1077 : memref<16xi32, #tpu.memory_space<vmem>>) semaphore(%dma_start3A_1082 : memref<!tpu.dma_semaphore, #tpu.memory_space<semaphore_mem>>)
        %dma_start3A_1083 = arith.constant 1 : i32
        %dma_start3A_1084 = arith.constant 1 : i32
        %dma_start3A_1085 = arith.constant 48 : i32
        %dma_start3A_1086 = arith.constant 0 : i32
        %dma_start3A_1087 = tpu.memref_slice %arg9[%dma_start3A_1083, %dma_start3A_1085, %dma_start3A_1086] : memref<4x64x128xf32, #tpu.memory_space<vmem>> -> memref<1x16x128xf32, #tpu.memory_space<vmem>>
        %dma_start3A_1088 = tpu.memref_squeeze %dma_start3A_1087 : memref<1x16x128xf32, #tpu.memory_space<vmem>> -> memref<16x128xf32, #tpu.memory_space<vmem>>
        %dma_start3A_1089 = arith.constant 48 : i32
        %dma_start3A_1090 = tpu.memref_slice %arg7[%sub3A_1040, %dma_start3A_1089] : memref<40x64xi32, #tpu.memory_space<vmem>> -> memref<1x16xi32, #tpu.memory_space<vmem>>
        %dma_start3A_1091 = tpu.memref_squeeze %dma_start3A_1090 : memref<1x16xi32, #tpu.memory_space<vmem>> -> memref<16xi32, #tpu.memory_space<vmem>>
        %dma_start3A_1092 = arith.constant 0 : i32
        %dma_start3A_1093 = arith.constant 0 : i32
        %dma_start3A_1094 = tpu.memref_slice %arg2[%dma_start3A_1092, %dma_start3A_1093] : memref<10000x128xf32, #tpu.memory_space<hbm>> -> memref<10000x128xf32, #tpu.memory_space<hbm>>
        %dma_start3A_1095 = tpu.memref_slice %arg11[%dma_start3A_1084] : memref<4x!tpu.dma_semaphore, #tpu.memory_space<semaphore_mem>> -> memref<1x!tpu.dma_semaphore, #tpu.memory_space<semaphore_mem>>
        %dma_start3A_1096 = tpu.memref_squeeze %dma_start3A_1095 : memref<1x!tpu.dma_semaphore, #tpu.memory_space<semaphore_mem>> -> memref<!tpu.dma_semaphore, #tpu.memory_space<semaphore_mem>>
        tpu.enqueue_indirect_dma source(%dma_start3A_1094 : memref<10000x128xf32, #tpu.memory_space<hbm>>) target(%dma_start3A_1088 : memref<16x128xf32, #tpu.memory_space<vmem>>) offsets(%dma_start3A_1091 : memref<16xi32, #tpu.memory_space<vmem>>) semaphore(%dma_start3A_1096 : memref<!tpu.dma_semaphore, #tpu.memory_space<semaphore_mem>>)
      } else {
      }
      %mul3A_987 = arith.constant 4 : i32
      %mul3A_988 = arith.muli %scan3A_841, %mul3A_987 : i32
      %add3A_989 = arith.constant 3 : i32
      %add3A_990 = arith.addi %mul3A_988, %add3A_989 : i32
      %dma_wait3A_991 = arith.constant 3 : i32
      %dma_wait3A_992 = arith.constant 3 : i32
      %dma_wait3A_993 = arith.constant 0 : i32
      %dma_wait3A_994 = arith.constant 0 : i32
      %dma_wait3A_995 = tpu.memref_slice %arg9[%dma_wait3A_991, %dma_wait3A_993, %dma_wait3A_994] : memref<4x64x128xf32, #tpu.memory_space<vmem>> -> memref<1x64x128xf32, #tpu.memory_space<vmem>>
      %dma_wait3A_996 = tpu.memref_squeeze %dma_wait3A_995 : memref<1x64x128xf32, #tpu.memory_space<vmem>> -> memref<64x128xf32, #tpu.memory_space<vmem>>
      %dma_wait3A_997 = arith.constant 0 : i32
      %dma_wait3A_998 = arith.constant 0 : i32
      %dma_wait3A_999 = tpu.memref_slice %arg2[%dma_wait3A_997, %dma_wait3A_998] : memref<10000x128xf32, #tpu.memory_space<hbm>> -> memref<64x128xf32, #tpu.memory_space<hbm>>
      %dma_wait3A_1000 = tpu.memref_slice %arg11[%dma_wait3A_992] : memref<4x!tpu.dma_semaphore, #tpu.memory_space<semaphore_mem>> -> memref<1x!tpu.dma_semaphore, #tpu.memory_space<semaphore_mem>>
      %dma_wait3A_1001 = tpu.memref_squeeze %dma_wait3A_1000 : memref<1x!tpu.dma_semaphore, #tpu.memory_space<semaphore_mem>> -> memref<!tpu.dma_semaphore, #tpu.memory_space<semaphore_mem>>
      %dma_wait3A_1002 = arith.constant 0 : i32
      %dma_wait3A_1003 = arith.constant 0 : i32
      %dma_wait3A_1004 = tpu.memref_slice %arg9[%dma_wait3A_991, %dma_wait3A_1002, %dma_wait3A_1003] : memref<4x64x128xf32, #tpu.memory_space<vmem>> -> memref<1x64x128xf32, #tpu.memory_space<vmem>>
      %dma_wait3A_1005 = tpu.memref_squeeze %dma_wait3A_1004 : memref<1x64x128xf32, #tpu.memory_space<vmem>> -> memref<64x128xf32, #tpu.memory_space<vmem>>
      %dma_wait3A_1006 = arith.constant 0 : i32
      %dma_wait3A_1007 = arith.constant 0 : i32
      %dma_wait3A_1008 = tpu.memref_slice %arg2[%dma_wait3A_1006, %dma_wait3A_1007] : memref<10000x128xf32, #tpu.memory_space<hbm>> -> memref<64x128xf32, #tpu.memory_space<hbm>>
      tpu.wait_dma2 semaphore(%dma_wait3A_1001 : memref<!tpu.dma_semaphore, #tpu.memory_space<semaphore_mem>>) src(%dma_wait3A_1008 : memref<64x128xf32, #tpu.memory_space<hbm>>) dst(%dma_wait3A_1005 : memref<64x128xf32, #tpu.memory_space<vmem>>)
      %dma_start3A_1009 = arith.constant 3 : i32
      %dma_start3A_1010 = arith.constant 3 : i32
      %dma_start3A_1011 = arith.constant 0 : i32
      %dma_start3A_1012 = arith.constant 0 : i32
      %dma_start3A_1013 = tpu.memref_slice %arg9[%dma_start3A_1009, %dma_start3A_1011, %dma_start3A_1012] : memref<4x64x128xf32, #tpu.memory_space<vmem>> -> memref<1x64x128xf32, #tpu.memory_space<vmem>>
      %dma_start3A_1014 = tpu.memref_squeeze %dma_start3A_1013 : memref<1x64x128xf32, #tpu.memory_space<vmem>> -> memref<64x128xf32, #tpu.memory_space<vmem>>
      %dma_start3A_1015 = arith.constant 0 : i32
      %dma_start3A_1016 = tpu.memref_slice %arg8[%add3A_990, %dma_start3A_1015] : memref<40x64xi32, #tpu.memory_space<vmem>> -> memref<1x64xi32, #tpu.memory_space<vmem>>
      %dma_start3A_1017 = tpu.memref_squeeze %dma_start3A_1016 : memref<1x64xi32, #tpu.memory_space<vmem>> -> memref<64xi32, #tpu.memory_space<vmem>>
      %dma_start3A_1018 = arith.constant 0 : i32
      %dma_start3A_1019 = arith.constant 0 : i32
      %dma_start3A_1020 = tpu.memref_slice %arg10[%dma_start3A_1018, %dma_start3A_1019] : memref<10240x128xf32, #tpu.memory_space<vmem_shared>> -> memref<10240x128xf32, #tpu.memory_space<vmem_shared>>
      %dma_start3A_1021 = tpu.memref_slice %arg12[%dma_start3A_1010] : memref<4x!tpu.dma_semaphore, #tpu.memory_space<semaphore_mem>> -> memref<1x!tpu.dma_semaphore, #tpu.memory_space<semaphore_mem>>
      %dma_start3A_1022 = tpu.memref_squeeze %dma_start3A_1021 : memref<1x!tpu.dma_semaphore, #tpu.memory_space<semaphore_mem>> -> memref<!tpu.dma_semaphore, #tpu.memory_space<semaphore_mem>>
      tpu.enqueue_indirect_dma source(%dma_start3A_1014 : memref<64x128xf32, #tpu.memory_space<vmem>>) target(%dma_start3A_1020 : memref<10240x128xf32, #tpu.memory_space<vmem_shared>>) offsets(%dma_start3A_1017 : memref<64xi32, #tpu.memory_space<vmem>>) semaphore(%dma_start3A_1022 : memref<!tpu.dma_semaphore, #tpu.memory_space<semaphore_mem>>) {add = true}
      %ge3A_1023 = arith.constant 1 : i32
      %ge3A_1024 = arith.cmpi sge, %add3A_990, %ge3A_1023 : i32
      %convert_element_type3A_1025 = arith.extui %ge3A_1024 : i1 to i32
      %cond3A_1026 = arith.constant 0 : i32
      %cond3A_1027 = arith.cmpi ne, %convert_element_type3A_1025, %cond3A_1026 : i32
      scf.if %cond3A_1027 {
        %dma_wait3A_1037 = arith.constant 2 : i32
        %dma_wait3A_1038 = arith.constant 2 : i32
        %dma_wait3A_1039 = arith.constant 0 : i32
        %dma_wait3A_1040 = arith.constant 0 : i32
        %dma_wait3A_1041 = tpu.memref_slice %arg9[%dma_wait3A_1037, %dma_wait3A_1039, %dma_wait3A_1040] : memref<4x64x128xf32, #tpu.memory_space<vmem>> -> memref<1x64x128xf32, #tpu.memory_space<vmem>>
        %dma_wait3A_1042 = tpu.memref_squeeze %dma_wait3A_1041 : memref<1x64x128xf32, #tpu.memory_space<vmem>> -> memref<64x128xf32, #tpu.memory_space<vmem>>
        %dma_wait3A_1043 = arith.constant 0 : i32
        %dma_wait3A_1044 = arith.constant 0 : i32
        %dma_wait3A_1045 = tpu.memref_slice %arg2[%dma_wait3A_1043, %dma_wait3A_1044] : memref<10000x128xf32, #tpu.memory_space<hbm>> -> memref<64x128xf32, #tpu.memory_space<hbm>>
        %dma_wait3A_1046 = tpu.memref_slice %arg12[%dma_wait3A_1038] : memref<4x!tpu.dma_semaphore, #tpu.memory_space<semaphore_mem>> -> memref<1x!tpu.dma_semaphore, #tpu.memory_space<semaphore_mem>>
        %dma_wait3A_1047 = tpu.memref_squeeze %dma_wait3A_1046 : memref<1x!tpu.dma_semaphore, #tpu.memory_space<semaphore_mem>> -> memref<!tpu.dma_semaphore, #tpu.memory_space<semaphore_mem>>
        %dma_wait3A_1048 = arith.constant 0 : i32
        %dma_wait3A_1049 = arith.constant 0 : i32
        %dma_wait3A_1050 = tpu.memref_slice %arg9[%dma_wait3A_1037, %dma_wait3A_1048, %dma_wait3A_1049] : memref<4x64x128xf32, #tpu.memory_space<vmem>> -> memref<1x64x128xf32, #tpu.memory_space<vmem>>
        %dma_wait3A_1051 = tpu.memref_squeeze %dma_wait3A_1050 : memref<1x64x128xf32, #tpu.memory_space<vmem>> -> memref<64x128xf32, #tpu.memory_space<vmem>>
        %dma_wait3A_1052 = arith.constant 0 : i32
        %dma_wait3A_1053 = arith.constant 0 : i32
        %dma_wait3A_1054 = tpu.memref_slice %arg2[%dma_wait3A_1052, %dma_wait3A_1053] : memref<10000x128xf32, #tpu.memory_space<hbm>> -> memref<64x128xf32, #tpu.memory_space<hbm>>
        tpu.wait_dma2 semaphore(%dma_wait3A_1047 : memref<!tpu.dma_semaphore, #tpu.memory_space<semaphore_mem>>) src(%dma_wait3A_1054 : memref<64x128xf32, #tpu.memory_space<hbm>>) dst(%dma_wait3A_1051 : memref<64x128xf32, #tpu.memory_space<vmem>>)
      } else {
      }
      %add3A_1028 = arith.constant 4 : i32
      %add3A_1029 = arith.addi %add3A_990, %add3A_1028 : i32
      %sub3A_1030 = arith.constant 1 : i32
      %sub3A_1031 = arith.subi %add3A_1029, %sub3A_1030 : i32
      %lt3A_1032 = arith.constant 40 : i32
      %lt3A_1033 = arith.cmpi slt, %sub3A_1031, %lt3A_1032 : i32
      %convert_element_type3A_1034 = arith.extui %lt3A_1033 : i1 to i32
      %cond3A_1035 = arith.constant 0 : i32
      %cond3A_1036 = arith.cmpi ne, %convert_element_type3A_1034, %cond3A_1035 : i32
      scf.if %cond3A_1036 {
        %add3A_1037 = arith.constant 4 : i32
        %add3A_1038 = arith.addi %add3A_990, %add3A_1037 : i32
        %sub3A_1039 = arith.constant 1 : i32
        %sub3A_1040 = arith.subi %add3A_1038, %sub3A_1039 : i32
        %dma_start3A_1041 = arith.constant 2 : i32
        %dma_start3A_1042 = arith.constant 2 : i32
        %dma_start3A_1043 = arith.constant 0 : i32
        %dma_start3A_1044 = arith.constant 0 : i32
        %dma_start3A_1045 = tpu.memref_slice %arg9[%dma_start3A_1041, %dma_start3A_1043, %dma_start3A_1044] : memref<4x64x128xf32, #tpu.memory_space<vmem>> -> memref<1x16x128xf32, #tpu.memory_space<vmem>>
        %dma_start3A_1046 = tpu.memref_squeeze %dma_start3A_1045 : memref<1x16x128xf32, #tpu.memory_space<vmem>> -> memref<16x128xf32, #tpu.memory_space<vmem>>
        %dma_start3A_1047 = arith.constant 0 : i32
        %dma_start3A_1048 = tpu.memref_slice %arg7[%sub3A_1040, %dma_start3A_1047] : memref<40x64xi32, #tpu.memory_space<vmem>> -> memref<1x16xi32, #tpu.memory_space<vmem>>
        %dma_start3A_1049 = tpu.memref_squeeze %dma_start3A_1048 : memref<1x16xi32, #tpu.memory_space<vmem>> -> memref<16xi32, #tpu.memory_space<vmem>>
        %dma_start3A_1050 = arith.constant 0 : i32
        %dma_start3A_1051 = arith.constant 0 : i32
        %dma_start3A_1052 = tpu.memref_slice %arg2[%dma_start3A_1050, %dma_start3A_1051] : memref<10000x128xf32, #tpu.memory_space<hbm>> -> memref<10000x128xf32, #tpu.memory_space<hbm>>
        %dma_start3A_1053 = tpu.memref_slice %arg11[%dma_start3A_1042] : memref<4x!tpu.dma_semaphore, #tpu.memory_space<semaphore_mem>> -> memref<1x!tpu.dma_semaphore, #tpu.memory_space<semaphore_mem>>
        %dma_start3A_1054 = tpu.memref_squeeze %dma_start3A_1053 : memref<1x!tpu.dma_semaphore, #tpu.memory_space<semaphore_mem>> -> memref<!tpu.dma_semaphore, #tpu.memory_space<semaphore_mem>>
        tpu.enqueue_indirect_dma source(%dma_start3A_1052 : memref<10000x128xf32, #tpu.memory_space<hbm>>) target(%dma_start3A_1046 : memref<16x128xf32, #tpu.memory_space<vmem>>) offsets(%dma_start3A_1049 : memref<16xi32, #tpu.memory_space<vmem>>) semaphore(%dma_start3A_1054 : memref<!tpu.dma_semaphore, #tpu.memory_space<semaphore_mem>>)
        %dma_start3A_1055 = arith.constant 2 : i32
        %dma_start3A_1056 = arith.constant 2 : i32
        %dma_start3A_1057 = arith.constant 16 : i32
        %dma_start3A_1058 = arith.constant 0 : i32
        %dma_start3A_1059 = tpu.memref_slice %arg9[%dma_start3A_1055, %dma_start3A_1057, %dma_start3A_1058] : memref<4x64x128xf32, #tpu.memory_space<vmem>> -> memref<1x16x128xf32, #tpu.memory_space<vmem>>
        %dma_start3A_1060 = tpu.memref_squeeze %dma_start3A_1059 : memref<1x16x128xf32, #tpu.memory_space<vmem>> -> memref<16x128xf32, #tpu.memory_space<vmem>>
        %dma_start3A_1061 = arith.constant 16 : i32
        %dma_start3A_1062 = tpu.memref_slice %arg7[%sub3A_1040, %dma_start3A_1061] : memref<40x64xi32, #tpu.memory_space<vmem>> -> memref<1x16xi32, #tpu.memory_space<vmem>>
        %dma_start3A_1063 = tpu.memref_squeeze %dma_start3A_1062 : memref<1x16xi32, #tpu.memory_space<vmem>> -> memref<16xi32, #tpu.memory_space<vmem>>
        %dma_start3A_1064 = arith.constant 0 : i32
        %dma_start3A_1065 = arith.constant 0 : i32
        %dma_start3A_1066 = tpu.memref_slice %arg2[%dma_start3A_1064, %dma_start3A_1065] : memref<10000x128xf32, #tpu.memory_space<hbm>> -> memref<10000x128xf32, #tpu.memory_space<hbm>>
        %dma_start3A_1067 = tpu.memref_slice %arg11[%dma_start3A_1056] : memref<4x!tpu.dma_semaphore, #tpu.memory_space<semaphore_mem>> -> memref<1x!tpu.dma_semaphore, #tpu.memory_space<semaphore_mem>>
        %dma_start3A_1068 = tpu.memref_squeeze %dma_start3A_1067 : memref<1x!tpu.dma_semaphore, #tpu.memory_space<semaphore_mem>> -> memref<!tpu.dma_semaphore, #tpu.memory_space<semaphore_mem>>
        tpu.enqueue_indirect_dma source(%dma_start3A_1066 : memref<10000x128xf32, #tpu.memory_space<hbm>>) target(%dma_start3A_1060 : memref<16x128xf32, #tpu.memory_space<vmem>>) offsets(%dma_start3A_1063 : memref<16xi32, #tpu.memory_space<vmem>>) semaphore(%dma_start3A_1068 : memref<!tpu.dma_semaphore, #tpu.memory_space<semaphore_mem>>)
        %dma_start3A_1069 = arith.constant 2 : i32
        %dma_start3A_1070 = arith.constant 2 : i32
        %dma_start3A_1071 = arith.constant 32 : i32
        %dma_start3A_1072 = arith.constant 0 : i32
        %dma_start3A_1073 = tpu.memref_slice %arg9[%dma_start3A_1069, %dma_start3A_1071, %dma_start3A_1072] : memref<4x64x128xf32, #tpu.memory_space<vmem>> -> memref<1x16x128xf32, #tpu.memory_space<vmem>>
        %dma_start3A_1074 = tpu.memref_squeeze %dma_start3A_1073 : memref<1x16x128xf32, #tpu.memory_space<vmem>> -> memref<16x128xf32, #tpu.memory_space<vmem>>
        %dma_start3A_1075 = arith.constant 32 : i32
        %dma_start3A_1076 = tpu.memref_slice %arg7[%sub3A_1040, %dma_start3A_1075] : memref<40x64xi32, #tpu.memory_space<vmem>> -> memref<1x16xi32, #tpu.memory_space<vmem>>
        %dma_start3A_1077 = tpu.memref_squeeze %dma_start3A_1076 : memref<1x16xi32, #tpu.memory_space<vmem>> -> memref<16xi32, #tpu.memory_space<vmem>>
        %dma_start3A_1078 = arith.constant 0 : i32
        %dma_start3A_1079 = arith.constant 0 : i32
        %dma_start3A_1080 = tpu.memref_slice %arg2[%dma_start3A_1078, %dma_start3A_1079] : memref<10000x128xf32, #tpu.memory_space<hbm>> -> memref<10000x128xf32, #tpu.memory_space<hbm>>
        %dma_start3A_1081 = tpu.memref_slice %arg11[%dma_start3A_1070] : memref<4x!tpu.dma_semaphore, #tpu.memory_space<semaphore_mem>> -> memref<1x!tpu.dma_semaphore, #tpu.memory_space<semaphore_mem>>
        %dma_start3A_1082 = tpu.memref_squeeze %dma_start3A_1081 : memref<1x!tpu.dma_semaphore, #tpu.memory_space<semaphore_mem>> -> memref<!tpu.dma_semaphore, #tpu.memory_space<semaphore_mem>>
        tpu.enqueue_indirect_dma source(%dma_start3A_1080 : memref<10000x128xf32, #tpu.memory_space<hbm>>) target(%dma_start3A_1074 : memref<16x128xf32, #tpu.memory_space<vmem>>) offsets(%dma_start3A_1077 : memref<16xi32, #tpu.memory_space<vmem>>) semaphore(%dma_start3A_1082 : memref<!tpu.dma_semaphore, #tpu.memory_space<semaphore_mem>>)
        %dma_start3A_1083 = arith.constant 2 : i32
        %dma_start3A_1084 = arith.constant 2 : i32
        %dma_start3A_1085 = arith.constant 48 : i32
        %dma_start3A_1086 = arith.constant 0 : i32
        %dma_start3A_1087 = tpu.memref_slice %arg9[%dma_start3A_1083, %dma_start3A_1085, %dma_start3A_1086] : memref<4x64x128xf32, #tpu.memory_space<vmem>> -> memref<1x16x128xf32, #tpu.memory_space<vmem>>
        %dma_start3A_1088 = tpu.memref_squeeze %dma_start3A_1087 : memref<1x16x128xf32, #tpu.memory_space<vmem>> -> memref<16x128xf32, #tpu.memory_space<vmem>>
        %dma_start3A_1089 = arith.constant 48 : i32
        %dma_start3A_1090 = tpu.memref_slice %arg7[%sub3A_1040, %dma_start3A_1089] : memref<40x64xi32, #tpu.memory_space<vmem>> -> memref<1x16xi32, #tpu.memory_space<vmem>>
        %dma_start3A_1091 = tpu.memref_squeeze %dma_start3A_1090 : memref<1x16xi32, #tpu.memory_space<vmem>> -> memref<16xi32, #tpu.memory_space<vmem>>
        %dma_start3A_1092 = arith.constant 0 : i32
        %dma_start3A_1093 = arith.constant 0 : i32
        %dma_start3A_1094 = tpu.memref_slice %arg2[%dma_start3A_1092, %dma_start3A_1093] : memref<10000x128xf32, #tpu.memory_space<hbm>> -> memref<10000x128xf32, #tpu.memory_space<hbm>>
        %dma_start3A_1095 = tpu.memref_slice %arg11[%dma_start3A_1084] : memref<4x!tpu.dma_semaphore, #tpu.memory_space<semaphore_mem>> -> memref<1x!tpu.dma_semaphore, #tpu.memory_space<semaphore_mem>>
        %dma_start3A_1096 = tpu.memref_squeeze %dma_start3A_1095 : memref<1x!tpu.dma_semaphore, #tpu.memory_space<semaphore_mem>> -> memref<!tpu.dma_semaphore, #tpu.memory_space<semaphore_mem>>
        tpu.enqueue_indirect_dma source(%dma_start3A_1094 : memref<10000x128xf32, #tpu.memory_space<hbm>>) target(%dma_start3A_1088 : memref<16x128xf32, #tpu.memory_space<vmem>>) offsets(%dma_start3A_1091 : memref<16xi32, #tpu.memory_space<vmem>>) semaphore(%dma_start3A_1096 : memref<!tpu.dma_semaphore, #tpu.memory_space<semaphore_mem>>)
      } else {
      }
    }
    %scan3A_193 = arith.constant 10 : i32
    %dma_wait3A_194 = arith.constant 3 : i32
    %dma_wait3A_195 = arith.constant 3 : i32
    %dma_wait3A_196 = arith.constant 0 : i32
    %dma_wait3A_197 = arith.constant 0 : i32
    %dma_wait3A_198 = tpu.memref_slice %arg9[%dma_wait3A_194, %dma_wait3A_196, %dma_wait3A_197] : memref<4x64x128xf32, #tpu.memory_space<vmem>> -> memref<1x64x128xf32, #tpu.memory_space<vmem>>
    %dma_wait3A_199 = tpu.memref_squeeze %dma_wait3A_198 : memref<1x64x128xf32, #tpu.memory_space<vmem>> -> memref<64x128xf32, #tpu.memory_space<vmem>>
    %dma_wait3A_200 = arith.constant 0 : i32
    %dma_wait3A_201 = arith.constant 0 : i32
    %dma_wait3A_202 = tpu.memref_slice %arg2[%dma_wait3A_200, %dma_wait3A_201] : memref<10000x128xf32, #tpu.memory_space<hbm>> -> memref<64x128xf32, #tpu.memory_space<hbm>>
    %dma_wait3A_203 = tpu.memref_slice %arg12[%dma_wait3A_195] : memref<4x!tpu.dma_semaphore, #tpu.memory_space<semaphore_mem>> -> memref<1x!tpu.dma_semaphore, #tpu.memory_space<semaphore_mem>>
    %dma_wait3A_204 = tpu.memref_squeeze %dma_wait3A_203 : memref<1x!tpu.dma_semaphore, #tpu.memory_space<semaphore_mem>> -> memref<!tpu.dma_semaphore, #tpu.memory_space<semaphore_mem>>
    %dma_wait3A_205 = arith.constant 0 : i32
    %dma_wait3A_206 = arith.constant 0 : i32
    %dma_wait3A_207 = tpu.memref_slice %arg9[%dma_wait3A_194, %dma_wait3A_205, %dma_wait3A_206] : memref<4x64x128xf32, #tpu.memory_space<vmem>> -> memref<1x64x128xf32, #tpu.memory_space<vmem>>
    %dma_wait3A_208 = tpu.memref_squeeze %dma_wait3A_207 : memref<1x64x128xf32, #tpu.memory_space<vmem>> -> memref<64x128xf32, #tpu.memory_space<vmem>>
    %dma_wait3A_209 = arith.constant 0 : i32
    %dma_wait3A_210 = arith.constant 0 : i32
    %dma_wait3A_211 = tpu.memref_slice %arg2[%dma_wait3A_209, %dma_wait3A_210] : memref<10000x128xf32, #tpu.memory_space<hbm>> -> memref<64x128xf32, #tpu.memory_space<hbm>>
    tpu.wait_dma2 semaphore(%dma_wait3A_204 : memref<!tpu.dma_semaphore, #tpu.memory_space<semaphore_mem>>) src(%dma_wait3A_211 : memref<64x128xf32, #tpu.memory_space<hbm>>) dst(%dma_wait3A_208 : memref<64x128xf32, #tpu.memory_space<vmem>>)
    %mul3A_212 = arith.constant 160 : i32
    %mul3A_213 = arith.muli %add3A, %mul3A_212 : i32
    %add3A_214 = arith.constant 40 : i32
    %add3A_215 = arith.addi %mul3A_213, %add3A_214 : i32
    "tpu.region"() ({
      %run_scoped3A = tpu.sem_alloc : memref<!tpu.dma_semaphore, #tpu.memory_space<semaphore_mem>>
      %dma_start3A_841 = arith.constant 0 : i32
      %dma_start3A_842 = tpu.memref_slice %arg3[%add3A_215, %dma_start3A_841] : memref<5120x64xi32, #tpu.memory_space<hbm>> -> memref<40x64xi32, #tpu.memory_space<hbm>>
      %dma_start3A_843 = arith.constant 0 : i32
      %dma_start3A_844 = tpu.memref_slice %arg3[%add3A_215, %dma_start3A_843] : memref<5120x64xi32, #tpu.memory_space<hbm>> -> memref<40x64xi32, #tpu.memory_space<hbm>>
      tpu.enqueue_dma source(%dma_start3A_844 : memref<40x64xi32, #tpu.memory_space<hbm>>) target(%arg7 : memref<40x64xi32, #tpu.memory_space<vmem>>) target_semaphore(%run_scoped3A : memref<!tpu.dma_semaphore, #tpu.memory_space<semaphore_mem>>)
      %dma_wait3A_845 = arith.constant 0 : i32
      %dma_wait3A_846 = tpu.memref_slice %arg3[%add3A_215, %dma_wait3A_845] : memref<5120x64xi32, #tpu.memory_space<hbm>> -> memref<40x64xi32, #tpu.memory_space<hbm>>
      %dma_wait3A_847 = arith.constant 0 : i32
      %dma_wait3A_848 = tpu.memref_slice %arg3[%add3A_215, %dma_wait3A_847] : memref<5120x64xi32, #tpu.memory_space<hbm>> -> memref<40x64xi32, #tpu.memory_space<hbm>>
      tpu.wait_dma2 semaphore(%run_scoped3A : memref<!tpu.dma_semaphore, #tpu.memory_space<semaphore_mem>>) src(%dma_wait3A_848 : memref<40x64xi32, #tpu.memory_space<hbm>>) dst(%arg7 : memref<40x64xi32, #tpu.memory_space<vmem>>)
      tpu.yield
    }) : () -> ()
    "tpu.region"() ({
      %run_scoped3A = tpu.sem_alloc : memref<!tpu.dma_semaphore, #tpu.memory_space<semaphore_mem>>
      %dma_start3A_841 = arith.constant 0 : i32
      %dma_start3A_842 = tpu.memref_slice %arg4[%add3A_215, %dma_start3A_841] : memref<5120x64xi32, #tpu.memory_space<hbm>> -> memref<40x64xi32, #tpu.memory_space<hbm>>
      %dma_start3A_843 = arith.constant 0 : i32
      %dma_start3A_844 = tpu.memref_slice %arg4[%add3A_215, %dma_start3A_843] : memref<5120x64xi32, #tpu.memory_space<hbm>> -> memref<40x64xi32, #tpu.memory_space<hbm>>
      tpu.enqueue_dma source(%dma_start3A_844 : memref<40x64xi32, #tpu.memory_space<hbm>>) target(%arg8 : memref<40x64xi32, #tpu.memory_space<vmem>>) target_semaphore(%run_scoped3A : memref<!tpu.dma_semaphore, #tpu.memory_space<semaphore_mem>>)
      %dma_wait3A_845 = arith.constant 0 : i32
      %dma_wait3A_846 = tpu.memref_slice %arg4[%add3A_215, %dma_wait3A_845] : memref<5120x64xi32, #tpu.memory_space<hbm>> -> memref<40x64xi32, #tpu.memory_space<hbm>>
      %dma_wait3A_847 = arith.constant 0 : i32
      %dma_wait3A_848 = tpu.memref_slice %arg4[%add3A_215, %dma_wait3A_847] : memref<5120x64xi32, #tpu.memory_space<hbm>> -> memref<40x64xi32, #tpu.memory_space<hbm>>
      tpu.wait_dma2 semaphore(%run_scoped3A : memref<!tpu.dma_semaphore, #tpu.memory_space<semaphore_mem>>) src(%dma_wait3A_848 : memref<40x64xi32, #tpu.memory_space<hbm>>) dst(%arg8 : memref<40x64xi32, #tpu.memory_space<vmem>>)
      tpu.yield
    }) : () -> ()
    %dma_start3A_216 = arith.constant 0 : i32
    %dma_start3A_217 = arith.constant 0 : i32
    %dma_start3A_218 = arith.constant 0 : i32
    %dma_start3A_219 = arith.constant 0 : i32
    %dma_start3A_220 = arith.constant 0 : i32
    %dma_start3A_221 = tpu.memref_slice %arg9[%dma_start3A_217, %dma_start3A_219, %dma_start3A_220] : memref<4x64x128xf32, #tpu.memory_space<vmem>> -> memref<1x16x128xf32, #tpu.memory_space<vmem>>
    %dma_start3A_222 = tpu.memref_squeeze %dma_start3A_221 : memref<1x16x128xf32, #tpu.memory_space<vmem>> -> memref<16x128xf32, #tpu.memory_space<vmem>>
    %dma_start3A_223 = arith.constant 0 : i32
    %dma_start3A_224 = tpu.memref_slice %arg7[%dma_start3A_216, %dma_start3A_223] : memref<40x64xi32, #tpu.memory_space<vmem>> -> memref<1x16xi32, #tpu.memory_space<vmem>>
    %dma_start3A_225 = tpu.memref_squeeze %dma_start3A_224 : memref<1x16xi32, #tpu.memory_space<vmem>> -> memref<16xi32, #tpu.memory_space<vmem>>
    %dma_start3A_226 = arith.constant 0 : i32
    %dma_start3A_227 = arith.constant 0 : i32
    %dma_start3A_228 = tpu.memref_slice %arg2[%dma_start3A_226, %dma_start3A_227] : memref<10000x128xf32, #tpu.memory_space<hbm>> -> memref<10000x128xf32, #tpu.memory_space<hbm>>
    %dma_start3A_229 = tpu.memref_slice %arg11[%dma_start3A_218] : memref<4x!tpu.dma_semaphore, #tpu.memory_space<semaphore_mem>> -> memref<1x!tpu.dma_semaphore, #tpu.memory_space<semaphore_mem>>
    %dma_start3A_230 = tpu.memref_squeeze %dma_start3A_229 : memref<1x!tpu.dma_semaphore, #tpu.memory_space<semaphore_mem>> -> memref<!tpu.dma_semaphore, #tpu.memory_space<semaphore_mem>>
    tpu.enqueue_indirect_dma source(%dma_start3A_228 : memref<10000x128xf32, #tpu.memory_space<hbm>>) target(%dma_start3A_222 : memref<16x128xf32, #tpu.memory_space<vmem>>) offsets(%dma_start3A_225 : memref<16xi32, #tpu.memory_space<vmem>>) semaphore(%dma_start3A_230 : memref<!tpu.dma_semaphore, #tpu.memory_space<semaphore_mem>>)
    %dma_start3A_231 = arith.constant 0 : i32
    %dma_start3A_232 = arith.constant 0 : i32
    %dma_start3A_233 = arith.constant 0 : i32
    %dma_start3A_234 = arith.constant 16 : i32
    %dma_start3A_235 = arith.constant 0 : i32
    %dma_start3A_236 = tpu.memref_slice %arg9[%dma_start3A_232, %dma_start3A_234, %dma_start3A_235] : memref<4x64x128xf32, #tpu.memory_space<vmem>> -> memref<1x16x128xf32, #tpu.memory_space<vmem>>
    %dma_start3A_237 = tpu.memref_squeeze %dma_start3A_236 : memref<1x16x128xf32, #tpu.memory_space<vmem>> -> memref<16x128xf32, #tpu.memory_space<vmem>>
    %dma_start3A_238 = arith.constant 16 : i32
    %dma_start3A_239 = tpu.memref_slice %arg7[%dma_start3A_231, %dma_start3A_238] : memref<40x64xi32, #tpu.memory_space<vmem>> -> memref<1x16xi32, #tpu.memory_space<vmem>>
    %dma_start3A_240 = tpu.memref_squeeze %dma_start3A_239 : memref<1x16xi32, #tpu.memory_space<vmem>> -> memref<16xi32, #tpu.memory_space<vmem>>
    %dma_start3A_241 = arith.constant 0 : i32
    %dma_start3A_242 = arith.constant 0 : i32
    %dma_start3A_243 = tpu.memref_slice %arg2[%dma_start3A_241, %dma_start3A_242] : memref<10000x128xf32, #tpu.memory_space<hbm>> -> memref<10000x128xf32, #tpu.memory_space<hbm>>
    %dma_start3A_244 = tpu.memref_slice %arg11[%dma_start3A_233] : memref<4x!tpu.dma_semaphore, #tpu.memory_space<semaphore_mem>> -> memref<1x!tpu.dma_semaphore, #tpu.memory_space<semaphore_mem>>
    %dma_start3A_245 = tpu.memref_squeeze %dma_start3A_244 : memref<1x!tpu.dma_semaphore, #tpu.memory_space<semaphore_mem>> -> memref<!tpu.dma_semaphore, #tpu.memory_space<semaphore_mem>>
    tpu.enqueue_indirect_dma source(%dma_start3A_243 : memref<10000x128xf32, #tpu.memory_space<hbm>>) target(%dma_start3A_237 : memref<16x128xf32, #tpu.memory_space<vmem>>) offsets(%dma_start3A_240 : memref<16xi32, #tpu.memory_space<vmem>>) semaphore(%dma_start3A_245 : memref<!tpu.dma_semaphore, #tpu.memory_space<semaphore_mem>>)
    %dma_start3A_246 = arith.constant 0 : i32
    %dma_start3A_247 = arith.constant 0 : i32
    %dma_start3A_248 = arith.constant 0 : i32
    %dma_start3A_249 = arith.constant 32 : i32
    %dma_start3A_250 = arith.constant 0 : i32
    %dma_start3A_251 = tpu.memref_slice %arg9[%dma_start3A_247, %dma_start3A_249, %dma_start3A_250] : memref<4x64x128xf32, #tpu.memory_space<vmem>> -> memref<1x16x128xf32, #tpu.memory_space<vmem>>
    %dma_start3A_252 = tpu.memref_squeeze %dma_start3A_251 : memref<1x16x128xf32, #tpu.memory_space<vmem>> -> memref<16x128xf32, #tpu.memory_space<vmem>>
    %dma_start3A_253 = arith.constant 32 : i32
    %dma_start3A_254 = tpu.memref_slice %arg7[%dma_start3A_246, %dma_start3A_253] : memref<40x64xi32, #tpu.memory_space<vmem>> -> memref<1x16xi32, #tpu.memory_space<vmem>>
    %dma_start3A_255 = tpu.memref_squeeze %dma_start3A_254 : memref<1x16xi32, #tpu.memory_space<vmem>> -> memref<16xi32, #tpu.memory_space<vmem>>
    %dma_start3A_256 = arith.constant 0 : i32
    %dma_start3A_257 = arith.constant 0 : i32
    %dma_start3A_258 = tpu.memref_slice %arg2[%dma_start3A_256, %dma_start3A_257] : memref<10000x128xf32, #tpu.memory_space<hbm>> -> memref<10000x128xf32, #tpu.memory_space<hbm>>
    %dma_start3A_259 = tpu.memref_slice %arg11[%dma_start3A_248] : memref<4x!tpu.dma_semaphore, #tpu.memory_space<semaphore_mem>> -> memref<1x!tpu.dma_semaphore, #tpu.memory_space<semaphore_mem>>
    %dma_start3A_260 = tpu.memref_squeeze %dma_start3A_259 : memref<1x!tpu.dma_semaphore, #tpu.memory_space<semaphore_mem>> -> memref<!tpu.dma_semaphore, #tpu.memory_space<semaphore_mem>>
    tpu.enqueue_indirect_dma source(%dma_start3A_258 : memref<10000x128xf32, #tpu.memory_space<hbm>>) target(%dma_start3A_252 : memref<16x128xf32, #tpu.memory_space<vmem>>) offsets(%dma_start3A_255 : memref<16xi32, #tpu.memory_space<vmem>>) semaphore(%dma_start3A_260 : memref<!tpu.dma_semaphore, #tpu.memory_space<semaphore_mem>>)
    %dma_start3A_261 = arith.constant 0 : i32
    %dma_start3A_262 = arith.constant 0 : i32
    %dma_start3A_263 = arith.constant 0 : i32
    %dma_start3A_264 = arith.constant 48 : i32
    %dma_start3A_265 = arith.constant 0 : i32
    %dma_start3A_266 = tpu.memref_slice %arg9[%dma_start3A_262, %dma_start3A_264, %dma_start3A_265] : memref<4x64x128xf32, #tpu.memory_space<vmem>> -> memref<1x16x128xf32, #tpu.memory_space<vmem>>
    %dma_start3A_267 = tpu.memref_squeeze %dma_start3A_266 : memref<1x16x128xf32, #tpu.memory_space<vmem>> -> memref<16x128xf32, #tpu.memory_space<vmem>>
    %dma_start3A_268 = arith.constant 48 : i32
    %dma_start3A_269 = tpu.memref_slice %arg7[%dma_start3A_261, %dma_start3A_268] : memref<40x64xi32, #tpu.memory_space<vmem>> -> memref<1x16xi32, #tpu.memory_space<vmem>>
    %dma_start3A_270 = tpu.memref_squeeze %dma_start3A_269 : memref<1x16xi32, #tpu.memory_space<vmem>> -> memref<16xi32, #tpu.memory_space<vmem>>
    %dma_start3A_271 = arith.constant 0 : i32
    %dma_start3A_272 = arith.constant 0 : i32
    %dma_start3A_273 = tpu.memref_slice %arg2[%dma_start3A_271, %dma_start3A_272] : memref<10000x128xf32, #tpu.memory_space<hbm>> -> memref<10000x128xf32, #tpu.memory_space<hbm>>
    %dma_start3A_274 = tpu.memref_slice %arg11[%dma_start3A_263] : memref<4x!tpu.dma_semaphore, #tpu.memory_space<semaphore_mem>> -> memref<1x!tpu.dma_semaphore, #tpu.memory_space<semaphore_mem>>
    %dma_start3A_275 = tpu.memref_squeeze %dma_start3A_274 : memref<1x!tpu.dma_semaphore, #tpu.memory_space<semaphore_mem>> -> memref<!tpu.dma_semaphore, #tpu.memory_space<semaphore_mem>>
    tpu.enqueue_indirect_dma source(%dma_start3A_273 : memref<10000x128xf32, #tpu.memory_space<hbm>>) target(%dma_start3A_267 : memref<16x128xf32, #tpu.memory_space<vmem>>) offsets(%dma_start3A_270 : memref<16xi32, #tpu.memory_space<vmem>>) semaphore(%dma_start3A_275 : memref<!tpu.dma_semaphore, #tpu.memory_space<semaphore_mem>>)
    %dma_start3A_276 = arith.constant 1 : i32
    %dma_start3A_277 = arith.constant 1 : i32
    %dma_start3A_278 = arith.constant 1 : i32
    %dma_start3A_279 = arith.constant 0 : i32
    %dma_start3A_280 = arith.constant 0 : i32
    %dma_start3A_281 = tpu.memref_slice %arg9[%dma_start3A_277, %dma_start3A_279, %dma_start3A_280] : memref<4x64x128xf32, #tpu.memory_space<vmem>> -> memref<1x16x128xf32, #tpu.memory_space<vmem>>
    %dma_start3A_282 = tpu.memref_squeeze %dma_start3A_281 : memref<1x16x128xf32, #tpu.memory_space<vmem>> -> memref<16x128xf32, #tpu.memory_space<vmem>>
    %dma_start3A_283 = arith.constant 0 : i32
    %dma_start3A_284 = tpu.memref_slice %arg7[%dma_start3A_276, %dma_start3A_283] : memref<40x64xi32, #tpu.memory_space<vmem>> -> memref<1x16xi32, #tpu.memory_space<vmem>>
    %dma_start3A_285 = tpu.memref_squeeze %dma_start3A_284 : memref<1x16xi32, #tpu.memory_space<vmem>> -> memref<16xi32, #tpu.memory_space<vmem>>
    %dma_start3A_286 = arith.constant 0 : i32
    %dma_start3A_287 = arith.constant 0 : i32
    %dma_start3A_288 = tpu.memref_slice %arg2[%dma_start3A_286, %dma_start3A_287] : memref<10000x128xf32, #tpu.memory_space<hbm>> -> memref<10000x128xf32, #tpu.memory_space<hbm>>
    %dma_start3A_289 = tpu.memref_slice %arg11[%dma_start3A_278] : memref<4x!tpu.dma_semaphore, #tpu.memory_space<semaphore_mem>> -> memref<1x!tpu.dma_semaphore, #tpu.memory_space<semaphore_mem>>
    %dma_start3A_290 = tpu.memref_squeeze %dma_start3A_289 : memref<1x!tpu.dma_semaphore, #tpu.memory_space<semaphore_mem>> -> memref<!tpu.dma_semaphore, #tpu.memory_space<semaphore_mem>>
    tpu.enqueue_indirect_dma source(%dma_start3A_288 : memref<10000x128xf32, #tpu.memory_space<hbm>>) target(%dma_start3A_282 : memref<16x128xf32, #tpu.memory_space<vmem>>) offsets(%dma_start3A_285 : memref<16xi32, #tpu.memory_space<vmem>>) semaphore(%dma_start3A_290 : memref<!tpu.dma_semaphore, #tpu.memory_space<semaphore_mem>>)
    %dma_start3A_291 = arith.constant 1 : i32
    %dma_start3A_292 = arith.constant 1 : i32
    %dma_start3A_293 = arith.constant 1 : i32
    %dma_start3A_294 = arith.constant 16 : i32
    %dma_start3A_295 = arith.constant 0 : i32
    %dma_start3A_296 = tpu.memref_slice %arg9[%dma_start3A_292, %dma_start3A_294, %dma_start3A_295] : memref<4x64x128xf32, #tpu.memory_space<vmem>> -> memref<1x16x128xf32, #tpu.memory_space<vmem>>
    %dma_start3A_297 = tpu.memref_squeeze %dma_start3A_296 : memref<1x16x128xf32, #tpu.memory_space<vmem>> -> memref<16x128xf32, #tpu.memory_space<vmem>>
    %dma_start3A_298 = arith.constant 16 : i32
    %dma_start3A_299 = tpu.memref_slice %arg7[%dma_start3A_291, %dma_start3A_298] : memref<40x64xi32, #tpu.memory_space<vmem>> -> memref<1x16xi32, #tpu.memory_space<vmem>>
    %dma_start3A_300 = tpu.memref_squeeze %dma_start3A_299 : memref<1x16xi32, #tpu.memory_space<vmem>> -> memref<16xi32, #tpu.memory_space<vmem>>
    %dma_start3A_301 = arith.constant 0 : i32
    %dma_start3A_302 = arith.constant 0 : i32
    %dma_start3A_303 = tpu.memref_slice %arg2[%dma_start3A_301, %dma_start3A_302] : memref<10000x128xf32, #tpu.memory_space<hbm>> -> memref<10000x128xf32, #tpu.memory_space<hbm>>
    %dma_start3A_304 = tpu.memref_slice %arg11[%dma_start3A_293] : memref<4x!tpu.dma_semaphore, #tpu.memory_space<semaphore_mem>> -> memref<1x!tpu.dma_semaphore, #tpu.memory_space<semaphore_mem>>
    %dma_start3A_305 = tpu.memref_squeeze %dma_start3A_304 : memref<1x!tpu.dma_semaphore, #tpu.memory_space<semaphore_mem>> -> memref<!tpu.dma_semaphore, #tpu.memory_space<semaphore_mem>>
    tpu.enqueue_indirect_dma source(%dma_start3A_303 : memref<10000x128xf32, #tpu.memory_space<hbm>>) target(%dma_start3A_297 : memref<16x128xf32, #tpu.memory_space<vmem>>) offsets(%dma_start3A_300 : memref<16xi32, #tpu.memory_space<vmem>>) semaphore(%dma_start3A_305 : memref<!tpu.dma_semaphore, #tpu.memory_space<semaphore_mem>>)
    %dma_start3A_306 = arith.constant 1 : i32
    %dma_start3A_307 = arith.constant 1 : i32
    %dma_start3A_308 = arith.constant 1 : i32
    %dma_start3A_309 = arith.constant 32 : i32
    %dma_start3A_310 = arith.constant 0 : i32
    %dma_start3A_311 = tpu.memref_slice %arg9[%dma_start3A_307, %dma_start3A_309, %dma_start3A_310] : memref<4x64x128xf32, #tpu.memory_space<vmem>> -> memref<1x16x128xf32, #tpu.memory_space<vmem>>
    %dma_start3A_312 = tpu.memref_squeeze %dma_start3A_311 : memref<1x16x128xf32, #tpu.memory_space<vmem>> -> memref<16x128xf32, #tpu.memory_space<vmem>>
    %dma_start3A_313 = arith.constant 32 : i32
    %dma_start3A_314 = tpu.memref_slice %arg7[%dma_start3A_306, %dma_start3A_313] : memref<40x64xi32, #tpu.memory_space<vmem>> -> memref<1x16xi32, #tpu.memory_space<vmem>>
    %dma_start3A_315 = tpu.memref_squeeze %dma_start3A_314 : memref<1x16xi32, #tpu.memory_space<vmem>> -> memref<16xi32, #tpu.memory_space<vmem>>
    %dma_start3A_316 = arith.constant 0 : i32
    %dma_start3A_317 = arith.constant 0 : i32
    %dma_start3A_318 = tpu.memref_slice %arg2[%dma_start3A_316, %dma_start3A_317] : memref<10000x128xf32, #tpu.memory_space<hbm>> -> memref<10000x128xf32, #tpu.memory_space<hbm>>
    %dma_start3A_319 = tpu.memref_slice %arg11[%dma_start3A_308] : memref<4x!tpu.dma_semaphore, #tpu.memory_space<semaphore_mem>> -> memref<1x!tpu.dma_semaphore, #tpu.memory_space<semaphore_mem>>
    %dma_start3A_320 = tpu.memref_squeeze %dma_start3A_319 : memref<1x!tpu.dma_semaphore, #tpu.memory_space<semaphore_mem>> -> memref<!tpu.dma_semaphore, #tpu.memory_space<semaphore_mem>>
    tpu.enqueue_indirect_dma source(%dma_start3A_318 : memref<10000x128xf32, #tpu.memory_space<hbm>>) target(%dma_start3A_312 : memref<16x128xf32, #tpu.memory_space<vmem>>) offsets(%dma_start3A_315 : memref<16xi32, #tpu.memory_space<vmem>>) semaphore(%dma_start3A_320 : memref<!tpu.dma_semaphore, #tpu.memory_space<semaphore_mem>>)
    %dma_start3A_321 = arith.constant 1 : i32
    %dma_start3A_322 = arith.constant 1 : i32
    %dma_start3A_323 = arith.constant 1 : i32
    %dma_start3A_324 = arith.constant 48 : i32
    %dma_start3A_325 = arith.constant 0 : i32
    %dma_start3A_326 = tpu.memref_slice %arg9[%dma_start3A_322, %dma_start3A_324, %dma_start3A_325] : memref<4x64x128xf32, #tpu.memory_space<vmem>> -> memref<1x16x128xf32, #tpu.memory_space<vmem>>
    %dma_start3A_327 = tpu.memref_squeeze %dma_start3A_326 : memref<1x16x128xf32, #tpu.memory_space<vmem>> -> memref<16x128xf32, #tpu.memory_space<vmem>>
    %dma_start3A_328 = arith.constant 48 : i32
    %dma_start3A_329 = tpu.memref_slice %arg7[%dma_start3A_321, %dma_start3A_328] : memref<40x64xi32, #tpu.memory_space<vmem>> -> memref<1x16xi32, #tpu.memory_space<vmem>>
    %dma_start3A_330 = tpu.memref_squeeze %dma_start3A_329 : memref<1x16xi32, #tpu.memory_space<vmem>> -> memref<16xi32, #tpu.memory_space<vmem>>
    %dma_start3A_331 = arith.constant 0 : i32
    %dma_start3A_332 = arith.constant 0 : i32
    %dma_start3A_333 = tpu.memref_slice %arg2[%dma_start3A_331, %dma_start3A_332] : memref<10000x128xf32, #tpu.memory_space<hbm>> -> memref<10000x128xf32, #tpu.memory_space<hbm>>
    %dma_start3A_334 = tpu.memref_slice %arg11[%dma_start3A_323] : memref<4x!tpu.dma_semaphore, #tpu.memory_space<semaphore_mem>> -> memref<1x!tpu.dma_semaphore, #tpu.memory_space<semaphore_mem>>
    %dma_start3A_335 = tpu.memref_squeeze %dma_start3A_334 : memref<1x!tpu.dma_semaphore, #tpu.memory_space<semaphore_mem>> -> memref<!tpu.dma_semaphore, #tpu.memory_space<semaphore_mem>>
    tpu.enqueue_indirect_dma source(%dma_start3A_333 : memref<10000x128xf32, #tpu.memory_space<hbm>>) target(%dma_start3A_327 : memref<16x128xf32, #tpu.memory_space<vmem>>) offsets(%dma_start3A_330 : memref<16xi32, #tpu.memory_space<vmem>>) semaphore(%dma_start3A_335 : memref<!tpu.dma_semaphore, #tpu.memory_space<semaphore_mem>>)
    %dma_start3A_336 = arith.constant 2 : i32
    %dma_start3A_337 = arith.constant 2 : i32
    %dma_start3A_338 = arith.constant 2 : i32
    %dma_start3A_339 = arith.constant 0 : i32
    %dma_start3A_340 = arith.constant 0 : i32
    %dma_start3A_341 = tpu.memref_slice %arg9[%dma_start3A_337, %dma_start3A_339, %dma_start3A_340] : memref<4x64x128xf32, #tpu.memory_space<vmem>> -> memref<1x16x128xf32, #tpu.memory_space<vmem>>
    %dma_start3A_342 = tpu.memref_squeeze %dma_start3A_341 : memref<1x16x128xf32, #tpu.memory_space<vmem>> -> memref<16x128xf32, #tpu.memory_space<vmem>>
    %dma_start3A_343 = arith.constant 0 : i32
    %dma_start3A_344 = tpu.memref_slice %arg7[%dma_start3A_336, %dma_start3A_343] : memref<40x64xi32, #tpu.memory_space<vmem>> -> memref<1x16xi32, #tpu.memory_space<vmem>>
    %dma_start3A_345 = tpu.memref_squeeze %dma_start3A_344 : memref<1x16xi32, #tpu.memory_space<vmem>> -> memref<16xi32, #tpu.memory_space<vmem>>
    %dma_start3A_346 = arith.constant 0 : i32
    %dma_start3A_347 = arith.constant 0 : i32
    %dma_start3A_348 = tpu.memref_slice %arg2[%dma_start3A_346, %dma_start3A_347] : memref<10000x128xf32, #tpu.memory_space<hbm>> -> memref<10000x128xf32, #tpu.memory_space<hbm>>
    %dma_start3A_349 = tpu.memref_slice %arg11[%dma_start3A_338] : memref<4x!tpu.dma_semaphore, #tpu.memory_space<semaphore_mem>> -> memref<1x!tpu.dma_semaphore, #tpu.memory_space<semaphore_mem>>
    %dma_start3A_350 = tpu.memref_squeeze %dma_start3A_349 : memref<1x!tpu.dma_semaphore, #tpu.memory_space<semaphore_mem>> -> memref<!tpu.dma_semaphore, #tpu.memory_space<semaphore_mem>>
    tpu.enqueue_indirect_dma source(%dma_start3A_348 : memref<10000x128xf32, #tpu.memory_space<hbm>>) target(%dma_start3A_342 : memref<16x128xf32, #tpu.memory_space<vmem>>) offsets(%dma_start3A_345 : memref<16xi32, #tpu.memory_space<vmem>>) semaphore(%dma_start3A_350 : memref<!tpu.dma_semaphore, #tpu.memory_space<semaphore_mem>>)
    %dma_start3A_351 = arith.constant 2 : i32
    %dma_start3A_352 = arith.constant 2 : i32
    %dma_start3A_353 = arith.constant 2 : i32
    %dma_start3A_354 = arith.constant 16 : i32
    %dma_start3A_355 = arith.constant 0 : i32
    %dma_start3A_356 = tpu.memref_slice %arg9[%dma_start3A_352, %dma_start3A_354, %dma_start3A_355] : memref<4x64x128xf32, #tpu.memory_space<vmem>> -> memref<1x16x128xf32, #tpu.memory_space<vmem>>
    %dma_start3A_357 = tpu.memref_squeeze %dma_start3A_356 : memref<1x16x128xf32, #tpu.memory_space<vmem>> -> memref<16x128xf32, #tpu.memory_space<vmem>>
    %dma_start3A_358 = arith.constant 16 : i32
    %dma_start3A_359 = tpu.memref_slice %arg7[%dma_start3A_351, %dma_start3A_358] : memref<40x64xi32, #tpu.memory_space<vmem>> -> memref<1x16xi32, #tpu.memory_space<vmem>>
    %dma_start3A_360 = tpu.memref_squeeze %dma_start3A_359 : memref<1x16xi32, #tpu.memory_space<vmem>> -> memref<16xi32, #tpu.memory_space<vmem>>
    %dma_start3A_361 = arith.constant 0 : i32
    %dma_start3A_362 = arith.constant 0 : i32
    %dma_start3A_363 = tpu.memref_slice %arg2[%dma_start3A_361, %dma_start3A_362] : memref<10000x128xf32, #tpu.memory_space<hbm>> -> memref<10000x128xf32, #tpu.memory_space<hbm>>
    %dma_start3A_364 = tpu.memref_slice %arg11[%dma_start3A_353] : memref<4x!tpu.dma_semaphore, #tpu.memory_space<semaphore_mem>> -> memref<1x!tpu.dma_semaphore, #tpu.memory_space<semaphore_mem>>
    %dma_start3A_365 = tpu.memref_squeeze %dma_start3A_364 : memref<1x!tpu.dma_semaphore, #tpu.memory_space<semaphore_mem>> -> memref<!tpu.dma_semaphore, #tpu.memory_space<semaphore_mem>>
    tpu.enqueue_indirect_dma source(%dma_start3A_363 : memref<10000x128xf32, #tpu.memory_space<hbm>>) target(%dma_start3A_357 : memref<16x128xf32, #tpu.memory_space<vmem>>) offsets(%dma_start3A_360 : memref<16xi32, #tpu.memory_space<vmem>>) semaphore(%dma_start3A_365 : memref<!tpu.dma_semaphore, #tpu.memory_space<semaphore_mem>>)
    %dma_start3A_366 = arith.constant 2 : i32
    %dma_start3A_367 = arith.constant 2 : i32
    %dma_start3A_368 = arith.constant 2 : i32
    %dma_start3A_369 = arith.constant 32 : i32
    %dma_start3A_370 = arith.constant 0 : i32
    %dma_start3A_371 = tpu.memref_slice %arg9[%dma_start3A_367, %dma_start3A_369, %dma_start3A_370] : memref<4x64x128xf32, #tpu.memory_space<vmem>> -> memref<1x16x128xf32, #tpu.memory_space<vmem>>
    %dma_start3A_372 = tpu.memref_squeeze %dma_start3A_371 : memref<1x16x128xf32, #tpu.memory_space<vmem>> -> memref<16x128xf32, #tpu.memory_space<vmem>>
    %dma_start3A_373 = arith.constant 32 : i32
    %dma_start3A_374 = tpu.memref_slice %arg7[%dma_start3A_366, %dma_start3A_373] : memref<40x64xi32, #tpu.memory_space<vmem>> -> memref<1x16xi32, #tpu.memory_space<vmem>>
    %dma_start3A_375 = tpu.memref_squeeze %dma_start3A_374 : memref<1x16xi32, #tpu.memory_space<vmem>> -> memref<16xi32, #tpu.memory_space<vmem>>
    %dma_start3A_376 = arith.constant 0 : i32
    %dma_start3A_377 = arith.constant 0 : i32
    %dma_start3A_378 = tpu.memref_slice %arg2[%dma_start3A_376, %dma_start3A_377] : memref<10000x128xf32, #tpu.memory_space<hbm>> -> memref<10000x128xf32, #tpu.memory_space<hbm>>
    %dma_start3A_379 = tpu.memref_slice %arg11[%dma_start3A_368] : memref<4x!tpu.dma_semaphore, #tpu.memory_space<semaphore_mem>> -> memref<1x!tpu.dma_semaphore, #tpu.memory_space<semaphore_mem>>
    %dma_start3A_380 = tpu.memref_squeeze %dma_start3A_379 : memref<1x!tpu.dma_semaphore, #tpu.memory_space<semaphore_mem>> -> memref<!tpu.dma_semaphore, #tpu.memory_space<semaphore_mem>>
    tpu.enqueue_indirect_dma source(%dma_start3A_378 : memref<10000x128xf32, #tpu.memory_space<hbm>>) target(%dma_start3A_372 : memref<16x128xf32, #tpu.memory_space<vmem>>) offsets(%dma_start3A_375 : memref<16xi32, #tpu.memory_space<vmem>>) semaphore(%dma_start3A_380 : memref<!tpu.dma_semaphore, #tpu.memory_space<semaphore_mem>>)
    %dma_start3A_381 = arith.constant 2 : i32
    %dma_start3A_382 = arith.constant 2 : i32
    %dma_start3A_383 = arith.constant 2 : i32
    %dma_start3A_384 = arith.constant 48 : i32
    %dma_start3A_385 = arith.constant 0 : i32
    %dma_start3A_386 = tpu.memref_slice %arg9[%dma_start3A_382, %dma_start3A_384, %dma_start3A_385] : memref<4x64x128xf32, #tpu.memory_space<vmem>> -> memref<1x16x128xf32, #tpu.memory_space<vmem>>
    %dma_start3A_387 = tpu.memref_squeeze %dma_start3A_386 : memref<1x16x128xf32, #tpu.memory_space<vmem>> -> memref<16x128xf32, #tpu.memory_space<vmem>>
    %dma_start3A_388 = arith.constant 48 : i32
    %dma_start3A_389 = tpu.memref_slice %arg7[%dma_start3A_381, %dma_start3A_388] : memref<40x64xi32, #tpu.memory_space<vmem>> -> memref<1x16xi32, #tpu.memory_space<vmem>>
    %dma_start3A_390 = tpu.memref_squeeze %dma_start3A_389 : memref<1x16xi32, #tpu.memory_space<vmem>> -> memref<16xi32, #tpu.memory_space<vmem>>
    %dma_start3A_391 = arith.constant 0 : i32
    %dma_start3A_392 = arith.constant 0 : i32
    %dma_start3A_393 = tpu.memref_slice %arg2[%dma_start3A_391, %dma_start3A_392] : memref<10000x128xf32, #tpu.memory_space<hbm>> -> memref<10000x128xf32, #tpu.memory_space<hbm>>
    %dma_start3A_394 = tpu.memref_slice %arg11[%dma_start3A_383] : memref<4x!tpu.dma_semaphore, #tpu.memory_space<semaphore_mem>> -> memref<1x!tpu.dma_semaphore, #tpu.memory_space<semaphore_mem>>
    %dma_start3A_395 = tpu.memref_squeeze %dma_start3A_394 : memref<1x!tpu.dma_semaphore, #tpu.memory_space<semaphore_mem>> -> memref<!tpu.dma_semaphore, #tpu.memory_space<semaphore_mem>>
    tpu.enqueue_indirect_dma source(%dma_start3A_393 : memref<10000x128xf32, #tpu.memory_space<hbm>>) target(%dma_start3A_387 : memref<16x128xf32, #tpu.memory_space<vmem>>) offsets(%dma_start3A_390 : memref<16xi32, #tpu.memory_space<vmem>>) semaphore(%dma_start3A_395 : memref<!tpu.dma_semaphore, #tpu.memory_space<semaphore_mem>>)
    %scan3A_396 = arith.constant 0 : i32
    %scan3A_397 = arith.constant 0 : i32
    %scan3A_398 = arith.constant 10 : i32
    %scan3A_399 = arith.addi %scan3A_397, %scan3A_398 : i32
    %scan3A_400 = arith.constant 1 : i32
    scf.for %scan3A_841 = %scan3A_397 to %scan3A_399 step %scan3A_400  : i32 {
      %mul3A_842 = arith.constant 4 : i32
      %mul3A_843 = arith.muli %scan3A_841, %mul3A_842 : i32
      %add3A_844 = arith.constant 0 : i32
      %add3A_845 = arith.addi %mul3A_843, %add3A_844 : i32
      %dma_wait3A_846 = arith.constant 0 : i32
      %dma_wait3A_847 = arith.constant 0 : i32
      %dma_wait3A_848 = arith.constant 0 : i32
      %dma_wait3A_849 = arith.constant 0 : i32
      %dma_wait3A_850 = tpu.memref_slice %arg9[%dma_wait3A_846, %dma_wait3A_848, %dma_wait3A_849] : memref<4x64x128xf32, #tpu.memory_space<vmem>> -> memref<1x64x128xf32, #tpu.memory_space<vmem>>
      %dma_wait3A_851 = tpu.memref_squeeze %dma_wait3A_850 : memref<1x64x128xf32, #tpu.memory_space<vmem>> -> memref<64x128xf32, #tpu.memory_space<vmem>>
      %dma_wait3A_852 = arith.constant 0 : i32
      %dma_wait3A_853 = arith.constant 0 : i32
      %dma_wait3A_854 = tpu.memref_slice %arg2[%dma_wait3A_852, %dma_wait3A_853] : memref<10000x128xf32, #tpu.memory_space<hbm>> -> memref<64x128xf32, #tpu.memory_space<hbm>>
      %dma_wait3A_855 = tpu.memref_slice %arg11[%dma_wait3A_847] : memref<4x!tpu.dma_semaphore, #tpu.memory_space<semaphore_mem>> -> memref<1x!tpu.dma_semaphore, #tpu.memory_space<semaphore_mem>>
      %dma_wait3A_856 = tpu.memref_squeeze %dma_wait3A_855 : memref<1x!tpu.dma_semaphore, #tpu.memory_space<semaphore_mem>> -> memref<!tpu.dma_semaphore, #tpu.memory_space<semaphore_mem>>
      %dma_wait3A_857 = arith.constant 0 : i32
      %dma_wait3A_858 = arith.constant 0 : i32
      %dma_wait3A_859 = tpu.memref_slice %arg9[%dma_wait3A_846, %dma_wait3A_857, %dma_wait3A_858] : memref<4x64x128xf32, #tpu.memory_space<vmem>> -> memref<1x64x128xf32, #tpu.memory_space<vmem>>
      %dma_wait3A_860 = tpu.memref_squeeze %dma_wait3A_859 : memref<1x64x128xf32, #tpu.memory_space<vmem>> -> memref<64x128xf32, #tpu.memory_space<vmem>>
      %dma_wait3A_861 = arith.constant 0 : i32
      %dma_wait3A_862 = arith.constant 0 : i32
      %dma_wait3A_863 = tpu.memref_slice %arg2[%dma_wait3A_861, %dma_wait3A_862] : memref<10000x128xf32, #tpu.memory_space<hbm>> -> memref<64x128xf32, #tpu.memory_space<hbm>>
      tpu.wait_dma2 semaphore(%dma_wait3A_856 : memref<!tpu.dma_semaphore, #tpu.memory_space<semaphore_mem>>) src(%dma_wait3A_863 : memref<64x128xf32, #tpu.memory_space<hbm>>) dst(%dma_wait3A_860 : memref<64x128xf32, #tpu.memory_space<vmem>>)
      %dma_start3A_864 = arith.constant 0 : i32
      %dma_start3A_865 = arith.constant 0 : i32
      %dma_start3A_866 = arith.constant 0 : i32
      %dma_start3A_867 = arith.constant 0 : i32
      %dma_start3A_868 = tpu.memref_slice %arg9[%dma_start3A_864, %dma_start3A_866, %dma_start3A_867] : memref<4x64x128xf32, #tpu.memory_space<vmem>> -> memref<1x64x128xf32, #tpu.memory_space<vmem>>
      %dma_start3A_869 = tpu.memref_squeeze %dma_start3A_868 : memref<1x64x128xf32, #tpu.memory_space<vmem>> -> memref<64x128xf32, #tpu.memory_space<vmem>>
      %dma_start3A_870 = arith.constant 0 : i32
      %dma_start3A_871 = tpu.memref_slice %arg8[%add3A_845, %dma_start3A_870] : memref<40x64xi32, #tpu.memory_space<vmem>> -> memref<1x64xi32, #tpu.memory_space<vmem>>
      %dma_start3A_872 = tpu.memref_squeeze %dma_start3A_871 : memref<1x64xi32, #tpu.memory_space<vmem>> -> memref<64xi32, #tpu.memory_space<vmem>>
      %dma_start3A_873 = arith.constant 0 : i32
      %dma_start3A_874 = arith.constant 0 : i32
      %dma_start3A_875 = tpu.memref_slice %arg10[%dma_start3A_873, %dma_start3A_874] : memref<10240x128xf32, #tpu.memory_space<vmem_shared>> -> memref<10240x128xf32, #tpu.memory_space<vmem_shared>>
      %dma_start3A_876 = tpu.memref_slice %arg12[%dma_start3A_865] : memref<4x!tpu.dma_semaphore, #tpu.memory_space<semaphore_mem>> -> memref<1x!tpu.dma_semaphore, #tpu.memory_space<semaphore_mem>>
      %dma_start3A_877 = tpu.memref_squeeze %dma_start3A_876 : memref<1x!tpu.dma_semaphore, #tpu.memory_space<semaphore_mem>> -> memref<!tpu.dma_semaphore, #tpu.memory_space<semaphore_mem>>
      tpu.enqueue_indirect_dma source(%dma_start3A_869 : memref<64x128xf32, #tpu.memory_space<vmem>>) target(%dma_start3A_875 : memref<10240x128xf32, #tpu.memory_space<vmem_shared>>) offsets(%dma_start3A_872 : memref<64xi32, #tpu.memory_space<vmem>>) semaphore(%dma_start3A_877 : memref<!tpu.dma_semaphore, #tpu.memory_space<semaphore_mem>>) {add = true}
      %ge3A = arith.constant 1 : i32
      %ge3A_878 = arith.cmpi sge, %add3A_845, %ge3A : i32
      %convert_element_type3A = arith.extui %ge3A_878 : i1 to i32
      %cond3A = arith.constant 0 : i32
      %cond3A_879 = arith.cmpi ne, %convert_element_type3A, %cond3A : i32
      scf.if %cond3A_879 {
        %dma_wait3A_1037 = arith.constant 3 : i32
        %dma_wait3A_1038 = arith.constant 3 : i32
        %dma_wait3A_1039 = arith.constant 0 : i32
        %dma_wait3A_1040 = arith.constant 0 : i32
        %dma_wait3A_1041 = tpu.memref_slice %arg9[%dma_wait3A_1037, %dma_wait3A_1039, %dma_wait3A_1040] : memref<4x64x128xf32, #tpu.memory_space<vmem>> -> memref<1x64x128xf32, #tpu.memory_space<vmem>>
        %dma_wait3A_1042 = tpu.memref_squeeze %dma_wait3A_1041 : memref<1x64x128xf32, #tpu.memory_space<vmem>> -> memref<64x128xf32, #tpu.memory_space<vmem>>
        %dma_wait3A_1043 = arith.constant 0 : i32
        %dma_wait3A_1044 = arith.constant 0 : i32
        %dma_wait3A_1045 = tpu.memref_slice %arg2[%dma_wait3A_1043, %dma_wait3A_1044] : memref<10000x128xf32, #tpu.memory_space<hbm>> -> memref<64x128xf32, #tpu.memory_space<hbm>>
        %dma_wait3A_1046 = tpu.memref_slice %arg12[%dma_wait3A_1038] : memref<4x!tpu.dma_semaphore, #tpu.memory_space<semaphore_mem>> -> memref<1x!tpu.dma_semaphore, #tpu.memory_space<semaphore_mem>>
        %dma_wait3A_1047 = tpu.memref_squeeze %dma_wait3A_1046 : memref<1x!tpu.dma_semaphore, #tpu.memory_space<semaphore_mem>> -> memref<!tpu.dma_semaphore, #tpu.memory_space<semaphore_mem>>
        %dma_wait3A_1048 = arith.constant 0 : i32
        %dma_wait3A_1049 = arith.constant 0 : i32
        %dma_wait3A_1050 = tpu.memref_slice %arg9[%dma_wait3A_1037, %dma_wait3A_1048, %dma_wait3A_1049] : memref<4x64x128xf32, #tpu.memory_space<vmem>> -> memref<1x64x128xf32, #tpu.memory_space<vmem>>
        %dma_wait3A_1051 = tpu.memref_squeeze %dma_wait3A_1050 : memref<1x64x128xf32, #tpu.memory_space<vmem>> -> memref<64x128xf32, #tpu.memory_space<vmem>>
        %dma_wait3A_1052 = arith.constant 0 : i32
        %dma_wait3A_1053 = arith.constant 0 : i32
        %dma_wait3A_1054 = tpu.memref_slice %arg2[%dma_wait3A_1052, %dma_wait3A_1053] : memref<10000x128xf32, #tpu.memory_space<hbm>> -> memref<64x128xf32, #tpu.memory_space<hbm>>
        tpu.wait_dma2 semaphore(%dma_wait3A_1047 : memref<!tpu.dma_semaphore, #tpu.memory_space<semaphore_mem>>) src(%dma_wait3A_1054 : memref<64x128xf32, #tpu.memory_space<hbm>>) dst(%dma_wait3A_1051 : memref<64x128xf32, #tpu.memory_space<vmem>>)
      } else {
      }
      %add3A_880 = arith.constant 4 : i32
      %add3A_881 = arith.addi %add3A_845, %add3A_880 : i32
      %sub3A = arith.constant 1 : i32
      %sub3A_882 = arith.subi %add3A_881, %sub3A : i32
      %lt3A = arith.constant 40 : i32
      %lt3A_883 = arith.cmpi slt, %sub3A_882, %lt3A : i32
      %convert_element_type3A_884 = arith.extui %lt3A_883 : i1 to i32
      %cond3A_885 = arith.constant 0 : i32
      %cond3A_886 = arith.cmpi ne, %convert_element_type3A_884, %cond3A_885 : i32
      scf.if %cond3A_886 {
        %add3A_1037 = arith.constant 4 : i32
        %add3A_1038 = arith.addi %add3A_845, %add3A_1037 : i32
        %sub3A_1039 = arith.constant 1 : i32
        %sub3A_1040 = arith.subi %add3A_1038, %sub3A_1039 : i32
        %dma_start3A_1041 = arith.constant 3 : i32
        %dma_start3A_1042 = arith.constant 3 : i32
        %dma_start3A_1043 = arith.constant 0 : i32
        %dma_start3A_1044 = arith.constant 0 : i32
        %dma_start3A_1045 = tpu.memref_slice %arg9[%dma_start3A_1041, %dma_start3A_1043, %dma_start3A_1044] : memref<4x64x128xf32, #tpu.memory_space<vmem>> -> memref<1x16x128xf32, #tpu.memory_space<vmem>>
        %dma_start3A_1046 = tpu.memref_squeeze %dma_start3A_1045 : memref<1x16x128xf32, #tpu.memory_space<vmem>> -> memref<16x128xf32, #tpu.memory_space<vmem>>
        %dma_start3A_1047 = arith.constant 0 : i32
        %dma_start3A_1048 = tpu.memref_slice %arg7[%sub3A_1040, %dma_start3A_1047] : memref<40x64xi32, #tpu.memory_space<vmem>> -> memref<1x16xi32, #tpu.memory_space<vmem>>
        %dma_start3A_1049 = tpu.memref_squeeze %dma_start3A_1048 : memref<1x16xi32, #tpu.memory_space<vmem>> -> memref<16xi32, #tpu.memory_space<vmem>>
        %dma_start3A_1050 = arith.constant 0 : i32
        %dma_start3A_1051 = arith.constant 0 : i32
        %dma_start3A_1052 = tpu.memref_slice %arg2[%dma_start3A_1050, %dma_start3A_1051] : memref<10000x128xf32, #tpu.memory_space<hbm>> -> memref<10000x128xf32, #tpu.memory_space<hbm>>
        %dma_start3A_1053 = tpu.memref_slice %arg11[%dma_start3A_1042] : memref<4x!tpu.dma_semaphore, #tpu.memory_space<semaphore_mem>> -> memref<1x!tpu.dma_semaphore, #tpu.memory_space<semaphore_mem>>
        %dma_start3A_1054 = tpu.memref_squeeze %dma_start3A_1053 : memref<1x!tpu.dma_semaphore, #tpu.memory_space<semaphore_mem>> -> memref<!tpu.dma_semaphore, #tpu.memory_space<semaphore_mem>>
        tpu.enqueue_indirect_dma source(%dma_start3A_1052 : memref<10000x128xf32, #tpu.memory_space<hbm>>) target(%dma_start3A_1046 : memref<16x128xf32, #tpu.memory_space<vmem>>) offsets(%dma_start3A_1049 : memref<16xi32, #tpu.memory_space<vmem>>) semaphore(%dma_start3A_1054 : memref<!tpu.dma_semaphore, #tpu.memory_space<semaphore_mem>>)
        %dma_start3A_1055 = arith.constant 3 : i32
        %dma_start3A_1056 = arith.constant 3 : i32
        %dma_start3A_1057 = arith.constant 16 : i32
        %dma_start3A_1058 = arith.constant 0 : i32
        %dma_start3A_1059 = tpu.memref_slice %arg9[%dma_start3A_1055, %dma_start3A_1057, %dma_start3A_1058] : memref<4x64x128xf32, #tpu.memory_space<vmem>> -> memref<1x16x128xf32, #tpu.memory_space<vmem>>
        %dma_start3A_1060 = tpu.memref_squeeze %dma_start3A_1059 : memref<1x16x128xf32, #tpu.memory_space<vmem>> -> memref<16x128xf32, #tpu.memory_space<vmem>>
        %dma_start3A_1061 = arith.constant 16 : i32
        %dma_start3A_1062 = tpu.memref_slice %arg7[%sub3A_1040, %dma_start3A_1061] : memref<40x64xi32, #tpu.memory_space<vmem>> -> memref<1x16xi32, #tpu.memory_space<vmem>>
        %dma_start3A_1063 = tpu.memref_squeeze %dma_start3A_1062 : memref<1x16xi32, #tpu.memory_space<vmem>> -> memref<16xi32, #tpu.memory_space<vmem>>
        %dma_start3A_1064 = arith.constant 0 : i32
        %dma_start3A_1065 = arith.constant 0 : i32
        %dma_start3A_1066 = tpu.memref_slice %arg2[%dma_start3A_1064, %dma_start3A_1065] : memref<10000x128xf32, #tpu.memory_space<hbm>> -> memref<10000x128xf32, #tpu.memory_space<hbm>>
        %dma_start3A_1067 = tpu.memref_slice %arg11[%dma_start3A_1056] : memref<4x!tpu.dma_semaphore, #tpu.memory_space<semaphore_mem>> -> memref<1x!tpu.dma_semaphore, #tpu.memory_space<semaphore_mem>>
        %dma_start3A_1068 = tpu.memref_squeeze %dma_start3A_1067 : memref<1x!tpu.dma_semaphore, #tpu.memory_space<semaphore_mem>> -> memref<!tpu.dma_semaphore, #tpu.memory_space<semaphore_mem>>
        tpu.enqueue_indirect_dma source(%dma_start3A_1066 : memref<10000x128xf32, #tpu.memory_space<hbm>>) target(%dma_start3A_1060 : memref<16x128xf32, #tpu.memory_space<vmem>>) offsets(%dma_start3A_1063 : memref<16xi32, #tpu.memory_space<vmem>>) semaphore(%dma_start3A_1068 : memref<!tpu.dma_semaphore, #tpu.memory_space<semaphore_mem>>)
        %dma_start3A_1069 = arith.constant 3 : i32
        %dma_start3A_1070 = arith.constant 3 : i32
        %dma_start3A_1071 = arith.constant 32 : i32
        %dma_start3A_1072 = arith.constant 0 : i32
        %dma_start3A_1073 = tpu.memref_slice %arg9[%dma_start3A_1069, %dma_start3A_1071, %dma_start3A_1072] : memref<4x64x128xf32, #tpu.memory_space<vmem>> -> memref<1x16x128xf32, #tpu.memory_space<vmem>>
        %dma_start3A_1074 = tpu.memref_squeeze %dma_start3A_1073 : memref<1x16x128xf32, #tpu.memory_space<vmem>> -> memref<16x128xf32, #tpu.memory_space<vmem>>
        %dma_start3A_1075 = arith.constant 32 : i32
        %dma_start3A_1076 = tpu.memref_slice %arg7[%sub3A_1040, %dma_start3A_1075] : memref<40x64xi32, #tpu.memory_space<vmem>> -> memref<1x16xi32, #tpu.memory_space<vmem>>
        %dma_start3A_1077 = tpu.memref_squeeze %dma_start3A_1076 : memref<1x16xi32, #tpu.memory_space<vmem>> -> memref<16xi32, #tpu.memory_space<vmem>>
        %dma_start3A_1078 = arith.constant 0 : i32
        %dma_start3A_1079 = arith.constant 0 : i32
        %dma_start3A_1080 = tpu.memref_slice %arg2[%dma_start3A_1078, %dma_start3A_1079] : memref<10000x128xf32, #tpu.memory_space<hbm>> -> memref<10000x128xf32, #tpu.memory_space<hbm>>
        %dma_start3A_1081 = tpu.memref_slice %arg11[%dma_start3A_1070] : memref<4x!tpu.dma_semaphore, #tpu.memory_space<semaphore_mem>> -> memref<1x!tpu.dma_semaphore, #tpu.memory_space<semaphore_mem>>
        %dma_start3A_1082 = tpu.memref_squeeze %dma_start3A_1081 : memref<1x!tpu.dma_semaphore, #tpu.memory_space<semaphore_mem>> -> memref<!tpu.dma_semaphore, #tpu.memory_space<semaphore_mem>>
        tpu.enqueue_indirect_dma source(%dma_start3A_1080 : memref<10000x128xf32, #tpu.memory_space<hbm>>) target(%dma_start3A_1074 : memref<16x128xf32, #tpu.memory_space<vmem>>) offsets(%dma_start3A_1077 : memref<16xi32, #tpu.memory_space<vmem>>) semaphore(%dma_start3A_1082 : memref<!tpu.dma_semaphore, #tpu.memory_space<semaphore_mem>>)
        %dma_start3A_1083 = arith.constant 3 : i32
        %dma_start3A_1084 = arith.constant 3 : i32
        %dma_start3A_1085 = arith.constant 48 : i32
        %dma_start3A_1086 = arith.constant 0 : i32
        %dma_start3A_1087 = tpu.memref_slice %arg9[%dma_start3A_1083, %dma_start3A_1085, %dma_start3A_1086] : memref<4x64x128xf32, #tpu.memory_space<vmem>> -> memref<1x16x128xf32, #tpu.memory_space<vmem>>
        %dma_start3A_1088 = tpu.memref_squeeze %dma_start3A_1087 : memref<1x16x128xf32, #tpu.memory_space<vmem>> -> memref<16x128xf32, #tpu.memory_space<vmem>>
        %dma_start3A_1089 = arith.constant 48 : i32
        %dma_start3A_1090 = tpu.memref_slice %arg7[%sub3A_1040, %dma_start3A_1089] : memref<40x64xi32, #tpu.memory_space<vmem>> -> memref<1x16xi32, #tpu.memory_space<vmem>>
        %dma_start3A_1091 = tpu.memref_squeeze %dma_start3A_1090 : memref<1x16xi32, #tpu.memory_space<vmem>> -> memref<16xi32, #tpu.memory_space<vmem>>
        %dma_start3A_1092 = arith.constant 0 : i32
        %dma_start3A_1093 = arith.constant 0 : i32
        %dma_start3A_1094 = tpu.memref_slice %arg2[%dma_start3A_1092, %dma_start3A_1093] : memref<10000x128xf32, #tpu.memory_space<hbm>> -> memref<10000x128xf32, #tpu.memory_space<hbm>>
        %dma_start3A_1095 = tpu.memref_slice %arg11[%dma_start3A_1084] : memref<4x!tpu.dma_semaphore, #tpu.memory_space<semaphore_mem>> -> memref<1x!tpu.dma_semaphore, #tpu.memory_space<semaphore_mem>>
        %dma_start3A_1096 = tpu.memref_squeeze %dma_start3A_1095 : memref<1x!tpu.dma_semaphore, #tpu.memory_space<semaphore_mem>> -> memref<!tpu.dma_semaphore, #tpu.memory_space<semaphore_mem>>
        tpu.enqueue_indirect_dma source(%dma_start3A_1094 : memref<10000x128xf32, #tpu.memory_space<hbm>>) target(%dma_start3A_1088 : memref<16x128xf32, #tpu.memory_space<vmem>>) offsets(%dma_start3A_1091 : memref<16xi32, #tpu.memory_space<vmem>>) semaphore(%dma_start3A_1096 : memref<!tpu.dma_semaphore, #tpu.memory_space<semaphore_mem>>)
      } else {
      }
      %mul3A_887 = arith.constant 4 : i32
      %mul3A_888 = arith.muli %scan3A_841, %mul3A_887 : i32
      %add3A_889 = arith.constant 1 : i32
      %add3A_890 = arith.addi %mul3A_888, %add3A_889 : i32
      %dma_wait3A_891 = arith.constant 1 : i32
      %dma_wait3A_892 = arith.constant 1 : i32
      %dma_wait3A_893 = arith.constant 0 : i32
      %dma_wait3A_894 = arith.constant 0 : i32
      %dma_wait3A_895 = tpu.memref_slice %arg9[%dma_wait3A_891, %dma_wait3A_893, %dma_wait3A_894] : memref<4x64x128xf32, #tpu.memory_space<vmem>> -> memref<1x64x128xf32, #tpu.memory_space<vmem>>
      %dma_wait3A_896 = tpu.memref_squeeze %dma_wait3A_895 : memref<1x64x128xf32, #tpu.memory_space<vmem>> -> memref<64x128xf32, #tpu.memory_space<vmem>>
      %dma_wait3A_897 = arith.constant 0 : i32
      %dma_wait3A_898 = arith.constant 0 : i32
      %dma_wait3A_899 = tpu.memref_slice %arg2[%dma_wait3A_897, %dma_wait3A_898] : memref<10000x128xf32, #tpu.memory_space<hbm>> -> memref<64x128xf32, #tpu.memory_space<hbm>>
      %dma_wait3A_900 = tpu.memref_slice %arg11[%dma_wait3A_892] : memref<4x!tpu.dma_semaphore, #tpu.memory_space<semaphore_mem>> -> memref<1x!tpu.dma_semaphore, #tpu.memory_space<semaphore_mem>>
      %dma_wait3A_901 = tpu.memref_squeeze %dma_wait3A_900 : memref<1x!tpu.dma_semaphore, #tpu.memory_space<semaphore_mem>> -> memref<!tpu.dma_semaphore, #tpu.memory_space<semaphore_mem>>
      %dma_wait3A_902 = arith.constant 0 : i32
      %dma_wait3A_903 = arith.constant 0 : i32
      %dma_wait3A_904 = tpu.memref_slice %arg9[%dma_wait3A_891, %dma_wait3A_902, %dma_wait3A_903] : memref<4x64x128xf32, #tpu.memory_space<vmem>> -> memref<1x64x128xf32, #tpu.memory_space<vmem>>
      %dma_wait3A_905 = tpu.memref_squeeze %dma_wait3A_904 : memref<1x64x128xf32, #tpu.memory_space<vmem>> -> memref<64x128xf32, #tpu.memory_space<vmem>>
      %dma_wait3A_906 = arith.constant 0 : i32
      %dma_wait3A_907 = arith.constant 0 : i32
      %dma_wait3A_908 = tpu.memref_slice %arg2[%dma_wait3A_906, %dma_wait3A_907] : memref<10000x128xf32, #tpu.memory_space<hbm>> -> memref<64x128xf32, #tpu.memory_space<hbm>>
      tpu.wait_dma2 semaphore(%dma_wait3A_901 : memref<!tpu.dma_semaphore, #tpu.memory_space<semaphore_mem>>) src(%dma_wait3A_908 : memref<64x128xf32, #tpu.memory_space<hbm>>) dst(%dma_wait3A_905 : memref<64x128xf32, #tpu.memory_space<vmem>>)
      %dma_start3A_909 = arith.constant 1 : i32
      %dma_start3A_910 = arith.constant 1 : i32
      %dma_start3A_911 = arith.constant 0 : i32
      %dma_start3A_912 = arith.constant 0 : i32
      %dma_start3A_913 = tpu.memref_slice %arg9[%dma_start3A_909, %dma_start3A_911, %dma_start3A_912] : memref<4x64x128xf32, #tpu.memory_space<vmem>> -> memref<1x64x128xf32, #tpu.memory_space<vmem>>
      %dma_start3A_914 = tpu.memref_squeeze %dma_start3A_913 : memref<1x64x128xf32, #tpu.memory_space<vmem>> -> memref<64x128xf32, #tpu.memory_space<vmem>>
      %dma_start3A_915 = arith.constant 0 : i32
      %dma_start3A_916 = tpu.memref_slice %arg8[%add3A_890, %dma_start3A_915] : memref<40x64xi32, #tpu.memory_space<vmem>> -> memref<1x64xi32, #tpu.memory_space<vmem>>
      %dma_start3A_917 = tpu.memref_squeeze %dma_start3A_916 : memref<1x64xi32, #tpu.memory_space<vmem>> -> memref<64xi32, #tpu.memory_space<vmem>>
      %dma_start3A_918 = arith.constant 0 : i32
      %dma_start3A_919 = arith.constant 0 : i32
      %dma_start3A_920 = tpu.memref_slice %arg10[%dma_start3A_918, %dma_start3A_919] : memref<10240x128xf32, #tpu.memory_space<vmem_shared>> -> memref<10240x128xf32, #tpu.memory_space<vmem_shared>>
      %dma_start3A_921 = tpu.memref_slice %arg12[%dma_start3A_910] : memref<4x!tpu.dma_semaphore, #tpu.memory_space<semaphore_mem>> -> memref<1x!tpu.dma_semaphore, #tpu.memory_space<semaphore_mem>>
      %dma_start3A_922 = tpu.memref_squeeze %dma_start3A_921 : memref<1x!tpu.dma_semaphore, #tpu.memory_space<semaphore_mem>> -> memref<!tpu.dma_semaphore, #tpu.memory_space<semaphore_mem>>
      tpu.enqueue_indirect_dma source(%dma_start3A_914 : memref<64x128xf32, #tpu.memory_space<vmem>>) target(%dma_start3A_920 : memref<10240x128xf32, #tpu.memory_space<vmem_shared>>) offsets(%dma_start3A_917 : memref<64xi32, #tpu.memory_space<vmem>>) semaphore(%dma_start3A_922 : memref<!tpu.dma_semaphore, #tpu.memory_space<semaphore_mem>>) {add = true}
      %ge3A_923 = arith.constant 1 : i32
      %ge3A_924 = arith.cmpi sge, %add3A_890, %ge3A_923 : i32
      %convert_element_type3A_925 = arith.extui %ge3A_924 : i1 to i32
      %cond3A_926 = arith.constant 0 : i32
      %cond3A_927 = arith.cmpi ne, %convert_element_type3A_925, %cond3A_926 : i32
      scf.if %cond3A_927 {
        %dma_wait3A_1037 = arith.constant 0 : i32
        %dma_wait3A_1038 = arith.constant 0 : i32
        %dma_wait3A_1039 = arith.constant 0 : i32
        %dma_wait3A_1040 = arith.constant 0 : i32
        %dma_wait3A_1041 = tpu.memref_slice %arg9[%dma_wait3A_1037, %dma_wait3A_1039, %dma_wait3A_1040] : memref<4x64x128xf32, #tpu.memory_space<vmem>> -> memref<1x64x128xf32, #tpu.memory_space<vmem>>
        %dma_wait3A_1042 = tpu.memref_squeeze %dma_wait3A_1041 : memref<1x64x128xf32, #tpu.memory_space<vmem>> -> memref<64x128xf32, #tpu.memory_space<vmem>>
        %dma_wait3A_1043 = arith.constant 0 : i32
        %dma_wait3A_1044 = arith.constant 0 : i32
        %dma_wait3A_1045 = tpu.memref_slice %arg2[%dma_wait3A_1043, %dma_wait3A_1044] : memref<10000x128xf32, #tpu.memory_space<hbm>> -> memref<64x128xf32, #tpu.memory_space<hbm>>
        %dma_wait3A_1046 = tpu.memref_slice %arg12[%dma_wait3A_1038] : memref<4x!tpu.dma_semaphore, #tpu.memory_space<semaphore_mem>> -> memref<1x!tpu.dma_semaphore, #tpu.memory_space<semaphore_mem>>
        %dma_wait3A_1047 = tpu.memref_squeeze %dma_wait3A_1046 : memref<1x!tpu.dma_semaphore, #tpu.memory_space<semaphore_mem>> -> memref<!tpu.dma_semaphore, #tpu.memory_space<semaphore_mem>>
        %dma_wait3A_1048 = arith.constant 0 : i32
        %dma_wait3A_1049 = arith.constant 0 : i32
        %dma_wait3A_1050 = tpu.memref_slice %arg9[%dma_wait3A_1037, %dma_wait3A_1048, %dma_wait3A_1049] : memref<4x64x128xf32, #tpu.memory_space<vmem>> -> memref<1x64x128xf32, #tpu.memory_space<vmem>>
        %dma_wait3A_1051 = tpu.memref_squeeze %dma_wait3A_1050 : memref<1x64x128xf32, #tpu.memory_space<vmem>> -> memref<64x128xf32, #tpu.memory_space<vmem>>
        %dma_wait3A_1052 = arith.constant 0 : i32
        %dma_wait3A_1053 = arith.constant 0 : i32
        %dma_wait3A_1054 = tpu.memref_slice %arg2[%dma_wait3A_1052, %dma_wait3A_1053] : memref<10000x128xf32, #tpu.memory_space<hbm>> -> memref<64x128xf32, #tpu.memory_space<hbm>>
        tpu.wait_dma2 semaphore(%dma_wait3A_1047 : memref<!tpu.dma_semaphore, #tpu.memory_space<semaphore_mem>>) src(%dma_wait3A_1054 : memref<64x128xf32, #tpu.memory_space<hbm>>) dst(%dma_wait3A_1051 : memref<64x128xf32, #tpu.memory_space<vmem>>)
      } else {
      }
      %add3A_928 = arith.constant 4 : i32
      %add3A_929 = arith.addi %add3A_890, %add3A_928 : i32
      %sub3A_930 = arith.constant 1 : i32
      %sub3A_931 = arith.subi %add3A_929, %sub3A_930 : i32
      %lt3A_932 = arith.constant 40 : i32
      %lt3A_933 = arith.cmpi slt, %sub3A_931, %lt3A_932 : i32
      %convert_element_type3A_934 = arith.extui %lt3A_933 : i1 to i32
      %cond3A_935 = arith.constant 0 : i32
      %cond3A_936 = arith.cmpi ne, %convert_element_type3A_934, %cond3A_935 : i32
      scf.if %cond3A_936 {
        %add3A_1037 = arith.constant 4 : i32
        %add3A_1038 = arith.addi %add3A_890, %add3A_1037 : i32
        %sub3A_1039 = arith.constant 1 : i32
        %sub3A_1040 = arith.subi %add3A_1038, %sub3A_1039 : i32
        %dma_start3A_1041 = arith.constant 0 : i32
        %dma_start3A_1042 = arith.constant 0 : i32
        %dma_start3A_1043 = arith.constant 0 : i32
        %dma_start3A_1044 = arith.constant 0 : i32
        %dma_start3A_1045 = tpu.memref_slice %arg9[%dma_start3A_1041, %dma_start3A_1043, %dma_start3A_1044] : memref<4x64x128xf32, #tpu.memory_space<vmem>> -> memref<1x16x128xf32, #tpu.memory_space<vmem>>
        %dma_start3A_1046 = tpu.memref_squeeze %dma_start3A_1045 : memref<1x16x128xf32, #tpu.memory_space<vmem>> -> memref<16x128xf32, #tpu.memory_space<vmem>>
        %dma_start3A_1047 = arith.constant 0 : i32
        %dma_start3A_1048 = tpu.memref_slice %arg7[%sub3A_1040, %dma_start3A_1047] : memref<40x64xi32, #tpu.memory_space<vmem>> -> memref<1x16xi32, #tpu.memory_space<vmem>>
        %dma_start3A_1049 = tpu.memref_squeeze %dma_start3A_1048 : memref<1x16xi32, #tpu.memory_space<vmem>> -> memref<16xi32, #tpu.memory_space<vmem>>
        %dma_start3A_1050 = arith.constant 0 : i32
        %dma_start3A_1051 = arith.constant 0 : i32
        %dma_start3A_1052 = tpu.memref_slice %arg2[%dma_start3A_1050, %dma_start3A_1051] : memref<10000x128xf32, #tpu.memory_space<hbm>> -> memref<10000x128xf32, #tpu.memory_space<hbm>>
        %dma_start3A_1053 = tpu.memref_slice %arg11[%dma_start3A_1042] : memref<4x!tpu.dma_semaphore, #tpu.memory_space<semaphore_mem>> -> memref<1x!tpu.dma_semaphore, #tpu.memory_space<semaphore_mem>>
        %dma_start3A_1054 = tpu.memref_squeeze %dma_start3A_1053 : memref<1x!tpu.dma_semaphore, #tpu.memory_space<semaphore_mem>> -> memref<!tpu.dma_semaphore, #tpu.memory_space<semaphore_mem>>
        tpu.enqueue_indirect_dma source(%dma_start3A_1052 : memref<10000x128xf32, #tpu.memory_space<hbm>>) target(%dma_start3A_1046 : memref<16x128xf32, #tpu.memory_space<vmem>>) offsets(%dma_start3A_1049 : memref<16xi32, #tpu.memory_space<vmem>>) semaphore(%dma_start3A_1054 : memref<!tpu.dma_semaphore, #tpu.memory_space<semaphore_mem>>)
        %dma_start3A_1055 = arith.constant 0 : i32
        %dma_start3A_1056 = arith.constant 0 : i32
        %dma_start3A_1057 = arith.constant 16 : i32
        %dma_start3A_1058 = arith.constant 0 : i32
        %dma_start3A_1059 = tpu.memref_slice %arg9[%dma_start3A_1055, %dma_start3A_1057, %dma_start3A_1058] : memref<4x64x128xf32, #tpu.memory_space<vmem>> -> memref<1x16x128xf32, #tpu.memory_space<vmem>>
        %dma_start3A_1060 = tpu.memref_squeeze %dma_start3A_1059 : memref<1x16x128xf32, #tpu.memory_space<vmem>> -> memref<16x128xf32, #tpu.memory_space<vmem>>
        %dma_start3A_1061 = arith.constant 16 : i32
        %dma_start3A_1062 = tpu.memref_slice %arg7[%sub3A_1040, %dma_start3A_1061] : memref<40x64xi32, #tpu.memory_space<vmem>> -> memref<1x16xi32, #tpu.memory_space<vmem>>
        %dma_start3A_1063 = tpu.memref_squeeze %dma_start3A_1062 : memref<1x16xi32, #tpu.memory_space<vmem>> -> memref<16xi32, #tpu.memory_space<vmem>>
        %dma_start3A_1064 = arith.constant 0 : i32
        %dma_start3A_1065 = arith.constant 0 : i32
        %dma_start3A_1066 = tpu.memref_slice %arg2[%dma_start3A_1064, %dma_start3A_1065] : memref<10000x128xf32, #tpu.memory_space<hbm>> -> memref<10000x128xf32, #tpu.memory_space<hbm>>
        %dma_start3A_1067 = tpu.memref_slice %arg11[%dma_start3A_1056] : memref<4x!tpu.dma_semaphore, #tpu.memory_space<semaphore_mem>> -> memref<1x!tpu.dma_semaphore, #tpu.memory_space<semaphore_mem>>
        %dma_start3A_1068 = tpu.memref_squeeze %dma_start3A_1067 : memref<1x!tpu.dma_semaphore, #tpu.memory_space<semaphore_mem>> -> memref<!tpu.dma_semaphore, #tpu.memory_space<semaphore_mem>>
        tpu.enqueue_indirect_dma source(%dma_start3A_1066 : memref<10000x128xf32, #tpu.memory_space<hbm>>) target(%dma_start3A_1060 : memref<16x128xf32, #tpu.memory_space<vmem>>) offsets(%dma_start3A_1063 : memref<16xi32, #tpu.memory_space<vmem>>) semaphore(%dma_start3A_1068 : memref<!tpu.dma_semaphore, #tpu.memory_space<semaphore_mem>>)
        %dma_start3A_1069 = arith.constant 0 : i32
        %dma_start3A_1070 = arith.constant 0 : i32
        %dma_start3A_1071 = arith.constant 32 : i32
        %dma_start3A_1072 = arith.constant 0 : i32
        %dma_start3A_1073 = tpu.memref_slice %arg9[%dma_start3A_1069, %dma_start3A_1071, %dma_start3A_1072] : memref<4x64x128xf32, #tpu.memory_space<vmem>> -> memref<1x16x128xf32, #tpu.memory_space<vmem>>
        %dma_start3A_1074 = tpu.memref_squeeze %dma_start3A_1073 : memref<1x16x128xf32, #tpu.memory_space<vmem>> -> memref<16x128xf32, #tpu.memory_space<vmem>>
        %dma_start3A_1075 = arith.constant 32 : i32
        %dma_start3A_1076 = tpu.memref_slice %arg7[%sub3A_1040, %dma_start3A_1075] : memref<40x64xi32, #tpu.memory_space<vmem>> -> memref<1x16xi32, #tpu.memory_space<vmem>>
        %dma_start3A_1077 = tpu.memref_squeeze %dma_start3A_1076 : memref<1x16xi32, #tpu.memory_space<vmem>> -> memref<16xi32, #tpu.memory_space<vmem>>
        %dma_start3A_1078 = arith.constant 0 : i32
        %dma_start3A_1079 = arith.constant 0 : i32
        %dma_start3A_1080 = tpu.memref_slice %arg2[%dma_start3A_1078, %dma_start3A_1079] : memref<10000x128xf32, #tpu.memory_space<hbm>> -> memref<10000x128xf32, #tpu.memory_space<hbm>>
        %dma_start3A_1081 = tpu.memref_slice %arg11[%dma_start3A_1070] : memref<4x!tpu.dma_semaphore, #tpu.memory_space<semaphore_mem>> -> memref<1x!tpu.dma_semaphore, #tpu.memory_space<semaphore_mem>>
        %dma_start3A_1082 = tpu.memref_squeeze %dma_start3A_1081 : memref<1x!tpu.dma_semaphore, #tpu.memory_space<semaphore_mem>> -> memref<!tpu.dma_semaphore, #tpu.memory_space<semaphore_mem>>
        tpu.enqueue_indirect_dma source(%dma_start3A_1080 : memref<10000x128xf32, #tpu.memory_space<hbm>>) target(%dma_start3A_1074 : memref<16x128xf32, #tpu.memory_space<vmem>>) offsets(%dma_start3A_1077 : memref<16xi32, #tpu.memory_space<vmem>>) semaphore(%dma_start3A_1082 : memref<!tpu.dma_semaphore, #tpu.memory_space<semaphore_mem>>)
        %dma_start3A_1083 = arith.constant 0 : i32
        %dma_start3A_1084 = arith.constant 0 : i32
        %dma_start3A_1085 = arith.constant 48 : i32
        %dma_start3A_1086 = arith.constant 0 : i32
        %dma_start3A_1087 = tpu.memref_slice %arg9[%dma_start3A_1083, %dma_start3A_1085, %dma_start3A_1086] : memref<4x64x128xf32, #tpu.memory_space<vmem>> -> memref<1x16x128xf32, #tpu.memory_space<vmem>>
        %dma_start3A_1088 = tpu.memref_squeeze %dma_start3A_1087 : memref<1x16x128xf32, #tpu.memory_space<vmem>> -> memref<16x128xf32, #tpu.memory_space<vmem>>
        %dma_start3A_1089 = arith.constant 48 : i32
        %dma_start3A_1090 = tpu.memref_slice %arg7[%sub3A_1040, %dma_start3A_1089] : memref<40x64xi32, #tpu.memory_space<vmem>> -> memref<1x16xi32, #tpu.memory_space<vmem>>
        %dma_start3A_1091 = tpu.memref_squeeze %dma_start3A_1090 : memref<1x16xi32, #tpu.memory_space<vmem>> -> memref<16xi32, #tpu.memory_space<vmem>>
        %dma_start3A_1092 = arith.constant 0 : i32
        %dma_start3A_1093 = arith.constant 0 : i32
        %dma_start3A_1094 = tpu.memref_slice %arg2[%dma_start3A_1092, %dma_start3A_1093] : memref<10000x128xf32, #tpu.memory_space<hbm>> -> memref<10000x128xf32, #tpu.memory_space<hbm>>
        %dma_start3A_1095 = tpu.memref_slice %arg11[%dma_start3A_1084] : memref<4x!tpu.dma_semaphore, #tpu.memory_space<semaphore_mem>> -> memref<1x!tpu.dma_semaphore, #tpu.memory_space<semaphore_mem>>
        %dma_start3A_1096 = tpu.memref_squeeze %dma_start3A_1095 : memref<1x!tpu.dma_semaphore, #tpu.memory_space<semaphore_mem>> -> memref<!tpu.dma_semaphore, #tpu.memory_space<semaphore_mem>>
        tpu.enqueue_indirect_dma source(%dma_start3A_1094 : memref<10000x128xf32, #tpu.memory_space<hbm>>) target(%dma_start3A_1088 : memref<16x128xf32, #tpu.memory_space<vmem>>) offsets(%dma_start3A_1091 : memref<16xi32, #tpu.memory_space<vmem>>) semaphore(%dma_start3A_1096 : memref<!tpu.dma_semaphore, #tpu.memory_space<semaphore_mem>>)
      } else {
      }
      %mul3A_937 = arith.constant 4 : i32
      %mul3A_938 = arith.muli %scan3A_841, %mul3A_937 : i32
      %add3A_939 = arith.constant 2 : i32
      %add3A_940 = arith.addi %mul3A_938, %add3A_939 : i32
      %dma_wait3A_941 = arith.constant 2 : i32
      %dma_wait3A_942 = arith.constant 2 : i32
      %dma_wait3A_943 = arith.constant 0 : i32
      %dma_wait3A_944 = arith.constant 0 : i32
      %dma_wait3A_945 = tpu.memref_slice %arg9[%dma_wait3A_941, %dma_wait3A_943, %dma_wait3A_944] : memref<4x64x128xf32, #tpu.memory_space<vmem>> -> memref<1x64x128xf32, #tpu.memory_space<vmem>>
      %dma_wait3A_946 = tpu.memref_squeeze %dma_wait3A_945 : memref<1x64x128xf32, #tpu.memory_space<vmem>> -> memref<64x128xf32, #tpu.memory_space<vmem>>
      %dma_wait3A_947 = arith.constant 0 : i32
      %dma_wait3A_948 = arith.constant 0 : i32
      %dma_wait3A_949 = tpu.memref_slice %arg2[%dma_wait3A_947, %dma_wait3A_948] : memref<10000x128xf32, #tpu.memory_space<hbm>> -> memref<64x128xf32, #tpu.memory_space<hbm>>
      %dma_wait3A_950 = tpu.memref_slice %arg11[%dma_wait3A_942] : memref<4x!tpu.dma_semaphore, #tpu.memory_space<semaphore_mem>> -> memref<1x!tpu.dma_semaphore, #tpu.memory_space<semaphore_mem>>
      %dma_wait3A_951 = tpu.memref_squeeze %dma_wait3A_950 : memref<1x!tpu.dma_semaphore, #tpu.memory_space<semaphore_mem>> -> memref<!tpu.dma_semaphore, #tpu.memory_space<semaphore_mem>>
      %dma_wait3A_952 = arith.constant 0 : i32
      %dma_wait3A_953 = arith.constant 0 : i32
      %dma_wait3A_954 = tpu.memref_slice %arg9[%dma_wait3A_941, %dma_wait3A_952, %dma_wait3A_953] : memref<4x64x128xf32, #tpu.memory_space<vmem>> -> memref<1x64x128xf32, #tpu.memory_space<vmem>>
      %dma_wait3A_955 = tpu.memref_squeeze %dma_wait3A_954 : memref<1x64x128xf32, #tpu.memory_space<vmem>> -> memref<64x128xf32, #tpu.memory_space<vmem>>
      %dma_wait3A_956 = arith.constant 0 : i32
      %dma_wait3A_957 = arith.constant 0 : i32
      %dma_wait3A_958 = tpu.memref_slice %arg2[%dma_wait3A_956, %dma_wait3A_957] : memref<10000x128xf32, #tpu.memory_space<hbm>> -> memref<64x128xf32, #tpu.memory_space<hbm>>
      tpu.wait_dma2 semaphore(%dma_wait3A_951 : memref<!tpu.dma_semaphore, #tpu.memory_space<semaphore_mem>>) src(%dma_wait3A_958 : memref<64x128xf32, #tpu.memory_space<hbm>>) dst(%dma_wait3A_955 : memref<64x128xf32, #tpu.memory_space<vmem>>)
      %dma_start3A_959 = arith.constant 2 : i32
      %dma_start3A_960 = arith.constant 2 : i32
      %dma_start3A_961 = arith.constant 0 : i32
      %dma_start3A_962 = arith.constant 0 : i32
      %dma_start3A_963 = tpu.memref_slice %arg9[%dma_start3A_959, %dma_start3A_961, %dma_start3A_962] : memref<4x64x128xf32, #tpu.memory_space<vmem>> -> memref<1x64x128xf32, #tpu.memory_space<vmem>>
      %dma_start3A_964 = tpu.memref_squeeze %dma_start3A_963 : memref<1x64x128xf32, #tpu.memory_space<vmem>> -> memref<64x128xf32, #tpu.memory_space<vmem>>
      %dma_start3A_965 = arith.constant 0 : i32
      %dma_start3A_966 = tpu.memref_slice %arg8[%add3A_940, %dma_start3A_965] : memref<40x64xi32, #tpu.memory_space<vmem>> -> memref<1x64xi32, #tpu.memory_space<vmem>>
      %dma_start3A_967 = tpu.memref_squeeze %dma_start3A_966 : memref<1x64xi32, #tpu.memory_space<vmem>> -> memref<64xi32, #tpu.memory_space<vmem>>
      %dma_start3A_968 = arith.constant 0 : i32
      %dma_start3A_969 = arith.constant 0 : i32
      %dma_start3A_970 = tpu.memref_slice %arg10[%dma_start3A_968, %dma_start3A_969] : memref<10240x128xf32, #tpu.memory_space<vmem_shared>> -> memref<10240x128xf32, #tpu.memory_space<vmem_shared>>
      %dma_start3A_971 = tpu.memref_slice %arg12[%dma_start3A_960] : memref<4x!tpu.dma_semaphore, #tpu.memory_space<semaphore_mem>> -> memref<1x!tpu.dma_semaphore, #tpu.memory_space<semaphore_mem>>
      %dma_start3A_972 = tpu.memref_squeeze %dma_start3A_971 : memref<1x!tpu.dma_semaphore, #tpu.memory_space<semaphore_mem>> -> memref<!tpu.dma_semaphore, #tpu.memory_space<semaphore_mem>>
      tpu.enqueue_indirect_dma source(%dma_start3A_964 : memref<64x128xf32, #tpu.memory_space<vmem>>) target(%dma_start3A_970 : memref<10240x128xf32, #tpu.memory_space<vmem_shared>>) offsets(%dma_start3A_967 : memref<64xi32, #tpu.memory_space<vmem>>) semaphore(%dma_start3A_972 : memref<!tpu.dma_semaphore, #tpu.memory_space<semaphore_mem>>) {add = true}
      %ge3A_973 = arith.constant 1 : i32
      %ge3A_974 = arith.cmpi sge, %add3A_940, %ge3A_973 : i32
      %convert_element_type3A_975 = arith.extui %ge3A_974 : i1 to i32
      %cond3A_976 = arith.constant 0 : i32
      %cond3A_977 = arith.cmpi ne, %convert_element_type3A_975, %cond3A_976 : i32
      scf.if %cond3A_977 {
        %dma_wait3A_1037 = arith.constant 1 : i32
        %dma_wait3A_1038 = arith.constant 1 : i32
        %dma_wait3A_1039 = arith.constant 0 : i32
        %dma_wait3A_1040 = arith.constant 0 : i32
        %dma_wait3A_1041 = tpu.memref_slice %arg9[%dma_wait3A_1037, %dma_wait3A_1039, %dma_wait3A_1040] : memref<4x64x128xf32, #tpu.memory_space<vmem>> -> memref<1x64x128xf32, #tpu.memory_space<vmem>>
        %dma_wait3A_1042 = tpu.memref_squeeze %dma_wait3A_1041 : memref<1x64x128xf32, #tpu.memory_space<vmem>> -> memref<64x128xf32, #tpu.memory_space<vmem>>
        %dma_wait3A_1043 = arith.constant 0 : i32
        %dma_wait3A_1044 = arith.constant 0 : i32
        %dma_wait3A_1045 = tpu.memref_slice %arg2[%dma_wait3A_1043, %dma_wait3A_1044] : memref<10000x128xf32, #tpu.memory_space<hbm>> -> memref<64x128xf32, #tpu.memory_space<hbm>>
        %dma_wait3A_1046 = tpu.memref_slice %arg12[%dma_wait3A_1038] : memref<4x!tpu.dma_semaphore, #tpu.memory_space<semaphore_mem>> -> memref<1x!tpu.dma_semaphore, #tpu.memory_space<semaphore_mem>>
        %dma_wait3A_1047 = tpu.memref_squeeze %dma_wait3A_1046 : memref<1x!tpu.dma_semaphore, #tpu.memory_space<semaphore_mem>> -> memref<!tpu.dma_semaphore, #tpu.memory_space<semaphore_mem>>
        %dma_wait3A_1048 = arith.constant 0 : i32
        %dma_wait3A_1049 = arith.constant 0 : i32
        %dma_wait3A_1050 = tpu.memref_slice %arg9[%dma_wait3A_1037, %dma_wait3A_1048, %dma_wait3A_1049] : memref<4x64x128xf32, #tpu.memory_space<vmem>> -> memref<1x64x128xf32, #tpu.memory_space<vmem>>
        %dma_wait3A_1051 = tpu.memref_squeeze %dma_wait3A_1050 : memref<1x64x128xf32, #tpu.memory_space<vmem>> -> memref<64x128xf32, #tpu.memory_space<vmem>>
        %dma_wait3A_1052 = arith.constant 0 : i32
        %dma_wait3A_1053 = arith.constant 0 : i32
        %dma_wait3A_1054 = tpu.memref_slice %arg2[%dma_wait3A_1052, %dma_wait3A_1053] : memref<10000x128xf32, #tpu.memory_space<hbm>> -> memref<64x128xf32, #tpu.memory_space<hbm>>
        tpu.wait_dma2 semaphore(%dma_wait3A_1047 : memref<!tpu.dma_semaphore, #tpu.memory_space<semaphore_mem>>) src(%dma_wait3A_1054 : memref<64x128xf32, #tpu.memory_space<hbm>>) dst(%dma_wait3A_1051 : memref<64x128xf32, #tpu.memory_space<vmem>>)
      } else {
      }
      %add3A_978 = arith.constant 4 : i32
      %add3A_979 = arith.addi %add3A_940, %add3A_978 : i32
      %sub3A_980 = arith.constant 1 : i32
      %sub3A_981 = arith.subi %add3A_979, %sub3A_980 : i32
      %lt3A_982 = arith.constant 40 : i32
      %lt3A_983 = arith.cmpi slt, %sub3A_981, %lt3A_982 : i32
      %convert_element_type3A_984 = arith.extui %lt3A_983 : i1 to i32
      %cond3A_985 = arith.constant 0 : i32
      %cond3A_986 = arith.cmpi ne, %convert_element_type3A_984, %cond3A_985 : i32
      scf.if %cond3A_986 {
        %add3A_1037 = arith.constant 4 : i32
        %add3A_1038 = arith.addi %add3A_940, %add3A_1037 : i32
        %sub3A_1039 = arith.constant 1 : i32
        %sub3A_1040 = arith.subi %add3A_1038, %sub3A_1039 : i32
        %dma_start3A_1041 = arith.constant 1 : i32
        %dma_start3A_1042 = arith.constant 1 : i32
        %dma_start3A_1043 = arith.constant 0 : i32
        %dma_start3A_1044 = arith.constant 0 : i32
        %dma_start3A_1045 = tpu.memref_slice %arg9[%dma_start3A_1041, %dma_start3A_1043, %dma_start3A_1044] : memref<4x64x128xf32, #tpu.memory_space<vmem>> -> memref<1x16x128xf32, #tpu.memory_space<vmem>>
        %dma_start3A_1046 = tpu.memref_squeeze %dma_start3A_1045 : memref<1x16x128xf32, #tpu.memory_space<vmem>> -> memref<16x128xf32, #tpu.memory_space<vmem>>
        %dma_start3A_1047 = arith.constant 0 : i32
        %dma_start3A_1048 = tpu.memref_slice %arg7[%sub3A_1040, %dma_start3A_1047] : memref<40x64xi32, #tpu.memory_space<vmem>> -> memref<1x16xi32, #tpu.memory_space<vmem>>
        %dma_start3A_1049 = tpu.memref_squeeze %dma_start3A_1048 : memref<1x16xi32, #tpu.memory_space<vmem>> -> memref<16xi32, #tpu.memory_space<vmem>>
        %dma_start3A_1050 = arith.constant 0 : i32
        %dma_start3A_1051 = arith.constant 0 : i32
        %dma_start3A_1052 = tpu.memref_slice %arg2[%dma_start3A_1050, %dma_start3A_1051] : memref<10000x128xf32, #tpu.memory_space<hbm>> -> memref<10000x128xf32, #tpu.memory_space<hbm>>
        %dma_start3A_1053 = tpu.memref_slice %arg11[%dma_start3A_1042] : memref<4x!tpu.dma_semaphore, #tpu.memory_space<semaphore_mem>> -> memref<1x!tpu.dma_semaphore, #tpu.memory_space<semaphore_mem>>
        %dma_start3A_1054 = tpu.memref_squeeze %dma_start3A_1053 : memref<1x!tpu.dma_semaphore, #tpu.memory_space<semaphore_mem>> -> memref<!tpu.dma_semaphore, #tpu.memory_space<semaphore_mem>>
        tpu.enqueue_indirect_dma source(%dma_start3A_1052 : memref<10000x128xf32, #tpu.memory_space<hbm>>) target(%dma_start3A_1046 : memref<16x128xf32, #tpu.memory_space<vmem>>) offsets(%dma_start3A_1049 : memref<16xi32, #tpu.memory_space<vmem>>) semaphore(%dma_start3A_1054 : memref<!tpu.dma_semaphore, #tpu.memory_space<semaphore_mem>>)
        %dma_start3A_1055 = arith.constant 1 : i32
        %dma_start3A_1056 = arith.constant 1 : i32
        %dma_start3A_1057 = arith.constant 16 : i32
        %dma_start3A_1058 = arith.constant 0 : i32
        %dma_start3A_1059 = tpu.memref_slice %arg9[%dma_start3A_1055, %dma_start3A_1057, %dma_start3A_1058] : memref<4x64x128xf32, #tpu.memory_space<vmem>> -> memref<1x16x128xf32, #tpu.memory_space<vmem>>
        %dma_start3A_1060 = tpu.memref_squeeze %dma_start3A_1059 : memref<1x16x128xf32, #tpu.memory_space<vmem>> -> memref<16x128xf32, #tpu.memory_space<vmem>>
        %dma_start3A_1061 = arith.constant 16 : i32
        %dma_start3A_1062 = tpu.memref_slice %arg7[%sub3A_1040, %dma_start3A_1061] : memref<40x64xi32, #tpu.memory_space<vmem>> -> memref<1x16xi32, #tpu.memory_space<vmem>>
        %dma_start3A_1063 = tpu.memref_squeeze %dma_start3A_1062 : memref<1x16xi32, #tpu.memory_space<vmem>> -> memref<16xi32, #tpu.memory_space<vmem>>
        %dma_start3A_1064 = arith.constant 0 : i32
        %dma_start3A_1065 = arith.constant 0 : i32
        %dma_start3A_1066 = tpu.memref_slice %arg2[%dma_start3A_1064, %dma_start3A_1065] : memref<10000x128xf32, #tpu.memory_space<hbm>> -> memref<10000x128xf32, #tpu.memory_space<hbm>>
        %dma_start3A_1067 = tpu.memref_slice %arg11[%dma_start3A_1056] : memref<4x!tpu.dma_semaphore, #tpu.memory_space<semaphore_mem>> -> memref<1x!tpu.dma_semaphore, #tpu.memory_space<semaphore_mem>>
        %dma_start3A_1068 = tpu.memref_squeeze %dma_start3A_1067 : memref<1x!tpu.dma_semaphore, #tpu.memory_space<semaphore_mem>> -> memref<!tpu.dma_semaphore, #tpu.memory_space<semaphore_mem>>
        tpu.enqueue_indirect_dma source(%dma_start3A_1066 : memref<10000x128xf32, #tpu.memory_space<hbm>>) target(%dma_start3A_1060 : memref<16x128xf32, #tpu.memory_space<vmem>>) offsets(%dma_start3A_1063 : memref<16xi32, #tpu.memory_space<vmem>>) semaphore(%dma_start3A_1068 : memref<!tpu.dma_semaphore, #tpu.memory_space<semaphore_mem>>)
        %dma_start3A_1069 = arith.constant 1 : i32
        %dma_start3A_1070 = arith.constant 1 : i32
        %dma_start3A_1071 = arith.constant 32 : i32
        %dma_start3A_1072 = arith.constant 0 : i32
        %dma_start3A_1073 = tpu.memref_slice %arg9[%dma_start3A_1069, %dma_start3A_1071, %dma_start3A_1072] : memref<4x64x128xf32, #tpu.memory_space<vmem>> -> memref<1x16x128xf32, #tpu.memory_space<vmem>>
        %dma_start3A_1074 = tpu.memref_squeeze %dma_start3A_1073 : memref<1x16x128xf32, #tpu.memory_space<vmem>> -> memref<16x128xf32, #tpu.memory_space<vmem>>
        %dma_start3A_1075 = arith.constant 32 : i32
        %dma_start3A_1076 = tpu.memref_slice %arg7[%sub3A_1040, %dma_start3A_1075] : memref<40x64xi32, #tpu.memory_space<vmem>> -> memref<1x16xi32, #tpu.memory_space<vmem>>
        %dma_start3A_1077 = tpu.memref_squeeze %dma_start3A_1076 : memref<1x16xi32, #tpu.memory_space<vmem>> -> memref<16xi32, #tpu.memory_space<vmem>>
        %dma_start3A_1078 = arith.constant 0 : i32
        %dma_start3A_1079 = arith.constant 0 : i32
        %dma_start3A_1080 = tpu.memref_slice %arg2[%dma_start3A_1078, %dma_start3A_1079] : memref<10000x128xf32, #tpu.memory_space<hbm>> -> memref<10000x128xf32, #tpu.memory_space<hbm>>
        %dma_start3A_1081 = tpu.memref_slice %arg11[%dma_start3A_1070] : memref<4x!tpu.dma_semaphore, #tpu.memory_space<semaphore_mem>> -> memref<1x!tpu.dma_semaphore, #tpu.memory_space<semaphore_mem>>
        %dma_start3A_1082 = tpu.memref_squeeze %dma_start3A_1081 : memref<1x!tpu.dma_semaphore, #tpu.memory_space<semaphore_mem>> -> memref<!tpu.dma_semaphore, #tpu.memory_space<semaphore_mem>>
        tpu.enqueue_indirect_dma source(%dma_start3A_1080 : memref<10000x128xf32, #tpu.memory_space<hbm>>) target(%dma_start3A_1074 : memref<16x128xf32, #tpu.memory_space<vmem>>) offsets(%dma_start3A_1077 : memref<16xi32, #tpu.memory_space<vmem>>) semaphore(%dma_start3A_1082 : memref<!tpu.dma_semaphore, #tpu.memory_space<semaphore_mem>>)
        %dma_start3A_1083 = arith.constant 1 : i32
        %dma_start3A_1084 = arith.constant 1 : i32
        %dma_start3A_1085 = arith.constant 48 : i32
        %dma_start3A_1086 = arith.constant 0 : i32
        %dma_start3A_1087 = tpu.memref_slice %arg9[%dma_start3A_1083, %dma_start3A_1085, %dma_start3A_1086] : memref<4x64x128xf32, #tpu.memory_space<vmem>> -> memref<1x16x128xf32, #tpu.memory_space<vmem>>
        %dma_start3A_1088 = tpu.memref_squeeze %dma_start3A_1087 : memref<1x16x128xf32, #tpu.memory_space<vmem>> -> memref<16x128xf32, #tpu.memory_space<vmem>>
        %dma_start3A_1089 = arith.constant 48 : i32
        %dma_start3A_1090 = tpu.memref_slice %arg7[%sub3A_1040, %dma_start3A_1089] : memref<40x64xi32, #tpu.memory_space<vmem>> -> memref<1x16xi32, #tpu.memory_space<vmem>>
        %dma_start3A_1091 = tpu.memref_squeeze %dma_start3A_1090 : memref<1x16xi32, #tpu.memory_space<vmem>> -> memref<16xi32, #tpu.memory_space<vmem>>
        %dma_start3A_1092 = arith.constant 0 : i32
        %dma_start3A_1093 = arith.constant 0 : i32
        %dma_start3A_1094 = tpu.memref_slice %arg2[%dma_start3A_1092, %dma_start3A_1093] : memref<10000x128xf32, #tpu.memory_space<hbm>> -> memref<10000x128xf32, #tpu.memory_space<hbm>>
        %dma_start3A_1095 = tpu.memref_slice %arg11[%dma_start3A_1084] : memref<4x!tpu.dma_semaphore, #tpu.memory_space<semaphore_mem>> -> memref<1x!tpu.dma_semaphore, #tpu.memory_space<semaphore_mem>>
        %dma_start3A_1096 = tpu.memref_squeeze %dma_start3A_1095 : memref<1x!tpu.dma_semaphore, #tpu.memory_space<semaphore_mem>> -> memref<!tpu.dma_semaphore, #tpu.memory_space<semaphore_mem>>
        tpu.enqueue_indirect_dma source(%dma_start3A_1094 : memref<10000x128xf32, #tpu.memory_space<hbm>>) target(%dma_start3A_1088 : memref<16x128xf32, #tpu.memory_space<vmem>>) offsets(%dma_start3A_1091 : memref<16xi32, #tpu.memory_space<vmem>>) semaphore(%dma_start3A_1096 : memref<!tpu.dma_semaphore, #tpu.memory_space<semaphore_mem>>)
      } else {
      }
      %mul3A_987 = arith.constant 4 : i32
      %mul3A_988 = arith.muli %scan3A_841, %mul3A_987 : i32
      %add3A_989 = arith.constant 3 : i32
      %add3A_990 = arith.addi %mul3A_988, %add3A_989 : i32
      %dma_wait3A_991 = arith.constant 3 : i32
      %dma_wait3A_992 = arith.constant 3 : i32
      %dma_wait3A_993 = arith.constant 0 : i32
      %dma_wait3A_994 = arith.constant 0 : i32
      %dma_wait3A_995 = tpu.memref_slice %arg9[%dma_wait3A_991, %dma_wait3A_993, %dma_wait3A_994] : memref<4x64x128xf32, #tpu.memory_space<vmem>> -> memref<1x64x128xf32, #tpu.memory_space<vmem>>
      %dma_wait3A_996 = tpu.memref_squeeze %dma_wait3A_995 : memref<1x64x128xf32, #tpu.memory_space<vmem>> -> memref<64x128xf32, #tpu.memory_space<vmem>>
      %dma_wait3A_997 = arith.constant 0 : i32
      %dma_wait3A_998 = arith.constant 0 : i32
      %dma_wait3A_999 = tpu.memref_slice %arg2[%dma_wait3A_997, %dma_wait3A_998] : memref<10000x128xf32, #tpu.memory_space<hbm>> -> memref<64x128xf32, #tpu.memory_space<hbm>>
      %dma_wait3A_1000 = tpu.memref_slice %arg11[%dma_wait3A_992] : memref<4x!tpu.dma_semaphore, #tpu.memory_space<semaphore_mem>> -> memref<1x!tpu.dma_semaphore, #tpu.memory_space<semaphore_mem>>
      %dma_wait3A_1001 = tpu.memref_squeeze %dma_wait3A_1000 : memref<1x!tpu.dma_semaphore, #tpu.memory_space<semaphore_mem>> -> memref<!tpu.dma_semaphore, #tpu.memory_space<semaphore_mem>>
      %dma_wait3A_1002 = arith.constant 0 : i32
      %dma_wait3A_1003 = arith.constant 0 : i32
      %dma_wait3A_1004 = tpu.memref_slice %arg9[%dma_wait3A_991, %dma_wait3A_1002, %dma_wait3A_1003] : memref<4x64x128xf32, #tpu.memory_space<vmem>> -> memref<1x64x128xf32, #tpu.memory_space<vmem>>
      %dma_wait3A_1005 = tpu.memref_squeeze %dma_wait3A_1004 : memref<1x64x128xf32, #tpu.memory_space<vmem>> -> memref<64x128xf32, #tpu.memory_space<vmem>>
      %dma_wait3A_1006 = arith.constant 0 : i32
      %dma_wait3A_1007 = arith.constant 0 : i32
      %dma_wait3A_1008 = tpu.memref_slice %arg2[%dma_wait3A_1006, %dma_wait3A_1007] : memref<10000x128xf32, #tpu.memory_space<hbm>> -> memref<64x128xf32, #tpu.memory_space<hbm>>
      tpu.wait_dma2 semaphore(%dma_wait3A_1001 : memref<!tpu.dma_semaphore, #tpu.memory_space<semaphore_mem>>) src(%dma_wait3A_1008 : memref<64x128xf32, #tpu.memory_space<hbm>>) dst(%dma_wait3A_1005 : memref<64x128xf32, #tpu.memory_space<vmem>>)
      %dma_start3A_1009 = arith.constant 3 : i32
      %dma_start3A_1010 = arith.constant 3 : i32
      %dma_start3A_1011 = arith.constant 0 : i32
      %dma_start3A_1012 = arith.constant 0 : i32
      %dma_start3A_1013 = tpu.memref_slice %arg9[%dma_start3A_1009, %dma_start3A_1011, %dma_start3A_1012] : memref<4x64x128xf32, #tpu.memory_space<vmem>> -> memref<1x64x128xf32, #tpu.memory_space<vmem>>
      %dma_start3A_1014 = tpu.memref_squeeze %dma_start3A_1013 : memref<1x64x128xf32, #tpu.memory_space<vmem>> -> memref<64x128xf32, #tpu.memory_space<vmem>>
      %dma_start3A_1015 = arith.constant 0 : i32
      %dma_start3A_1016 = tpu.memref_slice %arg8[%add3A_990, %dma_start3A_1015] : memref<40x64xi32, #tpu.memory_space<vmem>> -> memref<1x64xi32, #tpu.memory_space<vmem>>
      %dma_start3A_1017 = tpu.memref_squeeze %dma_start3A_1016 : memref<1x64xi32, #tpu.memory_space<vmem>> -> memref<64xi32, #tpu.memory_space<vmem>>
      %dma_start3A_1018 = arith.constant 0 : i32
      %dma_start3A_1019 = arith.constant 0 : i32
      %dma_start3A_1020 = tpu.memref_slice %arg10[%dma_start3A_1018, %dma_start3A_1019] : memref<10240x128xf32, #tpu.memory_space<vmem_shared>> -> memref<10240x128xf32, #tpu.memory_space<vmem_shared>>
      %dma_start3A_1021 = tpu.memref_slice %arg12[%dma_start3A_1010] : memref<4x!tpu.dma_semaphore, #tpu.memory_space<semaphore_mem>> -> memref<1x!tpu.dma_semaphore, #tpu.memory_space<semaphore_mem>>
      %dma_start3A_1022 = tpu.memref_squeeze %dma_start3A_1021 : memref<1x!tpu.dma_semaphore, #tpu.memory_space<semaphore_mem>> -> memref<!tpu.dma_semaphore, #tpu.memory_space<semaphore_mem>>
      tpu.enqueue_indirect_dma source(%dma_start3A_1014 : memref<64x128xf32, #tpu.memory_space<vmem>>) target(%dma_start3A_1020 : memref<10240x128xf32, #tpu.memory_space<vmem_shared>>) offsets(%dma_start3A_1017 : memref<64xi32, #tpu.memory_space<vmem>>) semaphore(%dma_start3A_1022 : memref<!tpu.dma_semaphore, #tpu.memory_space<semaphore_mem>>) {add = true}
      %ge3A_1023 = arith.constant 1 : i32
      %ge3A_1024 = arith.cmpi sge, %add3A_990, %ge3A_1023 : i32
      %convert_element_type3A_1025 = arith.extui %ge3A_1024 : i1 to i32
      %cond3A_1026 = arith.constant 0 : i32
      %cond3A_1027 = arith.cmpi ne, %convert_element_type3A_1025, %cond3A_1026 : i32
      scf.if %cond3A_1027 {
        %dma_wait3A_1037 = arith.constant 2 : i32
        %dma_wait3A_1038 = arith.constant 2 : i32
        %dma_wait3A_1039 = arith.constant 0 : i32
        %dma_wait3A_1040 = arith.constant 0 : i32
        %dma_wait3A_1041 = tpu.memref_slice %arg9[%dma_wait3A_1037, %dma_wait3A_1039, %dma_wait3A_1040] : memref<4x64x128xf32, #tpu.memory_space<vmem>> -> memref<1x64x128xf32, #tpu.memory_space<vmem>>
        %dma_wait3A_1042 = tpu.memref_squeeze %dma_wait3A_1041 : memref<1x64x128xf32, #tpu.memory_space<vmem>> -> memref<64x128xf32, #tpu.memory_space<vmem>>
        %dma_wait3A_1043 = arith.constant 0 : i32
        %dma_wait3A_1044 = arith.constant 0 : i32
        %dma_wait3A_1045 = tpu.memref_slice %arg2[%dma_wait3A_1043, %dma_wait3A_1044] : memref<10000x128xf32, #tpu.memory_space<hbm>> -> memref<64x128xf32, #tpu.memory_space<hbm>>
        %dma_wait3A_1046 = tpu.memref_slice %arg12[%dma_wait3A_1038] : memref<4x!tpu.dma_semaphore, #tpu.memory_space<semaphore_mem>> -> memref<1x!tpu.dma_semaphore, #tpu.memory_space<semaphore_mem>>
        %dma_wait3A_1047 = tpu.memref_squeeze %dma_wait3A_1046 : memref<1x!tpu.dma_semaphore, #tpu.memory_space<semaphore_mem>> -> memref<!tpu.dma_semaphore, #tpu.memory_space<semaphore_mem>>
        %dma_wait3A_1048 = arith.constant 0 : i32
        %dma_wait3A_1049 = arith.constant 0 : i32
        %dma_wait3A_1050 = tpu.memref_slice %arg9[%dma_wait3A_1037, %dma_wait3A_1048, %dma_wait3A_1049] : memref<4x64x128xf32, #tpu.memory_space<vmem>> -> memref<1x64x128xf32, #tpu.memory_space<vmem>>
        %dma_wait3A_1051 = tpu.memref_squeeze %dma_wait3A_1050 : memref<1x64x128xf32, #tpu.memory_space<vmem>> -> memref<64x128xf32, #tpu.memory_space<vmem>>
        %dma_wait3A_1052 = arith.constant 0 : i32
        %dma_wait3A_1053 = arith.constant 0 : i32
        %dma_wait3A_1054 = tpu.memref_slice %arg2[%dma_wait3A_1052, %dma_wait3A_1053] : memref<10000x128xf32, #tpu.memory_space<hbm>> -> memref<64x128xf32, #tpu.memory_space<hbm>>
        tpu.wait_dma2 semaphore(%dma_wait3A_1047 : memref<!tpu.dma_semaphore, #tpu.memory_space<semaphore_mem>>) src(%dma_wait3A_1054 : memref<64x128xf32, #tpu.memory_space<hbm>>) dst(%dma_wait3A_1051 : memref<64x128xf32, #tpu.memory_space<vmem>>)
      } else {
      }
      %add3A_1028 = arith.constant 4 : i32
      %add3A_1029 = arith.addi %add3A_990, %add3A_1028 : i32
      %sub3A_1030 = arith.constant 1 : i32
      %sub3A_1031 = arith.subi %add3A_1029, %sub3A_1030 : i32
      %lt3A_1032 = arith.constant 40 : i32
      %lt3A_1033 = arith.cmpi slt, %sub3A_1031, %lt3A_1032 : i32
      %convert_element_type3A_1034 = arith.extui %lt3A_1033 : i1 to i32
      %cond3A_1035 = arith.constant 0 : i32
      %cond3A_1036 = arith.cmpi ne, %convert_element_type3A_1034, %cond3A_1035 : i32
      scf.if %cond3A_1036 {
        %add3A_1037 = arith.constant 4 : i32
        %add3A_1038 = arith.addi %add3A_990, %add3A_1037 : i32
        %sub3A_1039 = arith.constant 1 : i32
        %sub3A_1040 = arith.subi %add3A_1038, %sub3A_1039 : i32
        %dma_start3A_1041 = arith.constant 2 : i32
        %dma_start3A_1042 = arith.constant 2 : i32
        %dma_start3A_1043 = arith.constant 0 : i32
        %dma_start3A_1044 = arith.constant 0 : i32
        %dma_start3A_1045 = tpu.memref_slice %arg9[%dma_start3A_1041, %dma_start3A_1043, %dma_start3A_1044] : memref<4x64x128xf32, #tpu.memory_space<vmem>> -> memref<1x16x128xf32, #tpu.memory_space<vmem>>
        %dma_start3A_1046 = tpu.memref_squeeze %dma_start3A_1045 : memref<1x16x128xf32, #tpu.memory_space<vmem>> -> memref<16x128xf32, #tpu.memory_space<vmem>>
        %dma_start3A_1047 = arith.constant 0 : i32
        %dma_start3A_1048 = tpu.memref_slice %arg7[%sub3A_1040, %dma_start3A_1047] : memref<40x64xi32, #tpu.memory_space<vmem>> -> memref<1x16xi32, #tpu.memory_space<vmem>>
        %dma_start3A_1049 = tpu.memref_squeeze %dma_start3A_1048 : memref<1x16xi32, #tpu.memory_space<vmem>> -> memref<16xi32, #tpu.memory_space<vmem>>
        %dma_start3A_1050 = arith.constant 0 : i32
        %dma_start3A_1051 = arith.constant 0 : i32
        %dma_start3A_1052 = tpu.memref_slice %arg2[%dma_start3A_1050, %dma_start3A_1051] : memref<10000x128xf32, #tpu.memory_space<hbm>> -> memref<10000x128xf32, #tpu.memory_space<hbm>>
        %dma_start3A_1053 = tpu.memref_slice %arg11[%dma_start3A_1042] : memref<4x!tpu.dma_semaphore, #tpu.memory_space<semaphore_mem>> -> memref<1x!tpu.dma_semaphore, #tpu.memory_space<semaphore_mem>>
        %dma_start3A_1054 = tpu.memref_squeeze %dma_start3A_1053 : memref<1x!tpu.dma_semaphore, #tpu.memory_space<semaphore_mem>> -> memref<!tpu.dma_semaphore, #tpu.memory_space<semaphore_mem>>
        tpu.enqueue_indirect_dma source(%dma_start3A_1052 : memref<10000x128xf32, #tpu.memory_space<hbm>>) target(%dma_start3A_1046 : memref<16x128xf32, #tpu.memory_space<vmem>>) offsets(%dma_start3A_1049 : memref<16xi32, #tpu.memory_space<vmem>>) semaphore(%dma_start3A_1054 : memref<!tpu.dma_semaphore, #tpu.memory_space<semaphore_mem>>)
        %dma_start3A_1055 = arith.constant 2 : i32
        %dma_start3A_1056 = arith.constant 2 : i32
        %dma_start3A_1057 = arith.constant 16 : i32
        %dma_start3A_1058 = arith.constant 0 : i32
        %dma_start3A_1059 = tpu.memref_slice %arg9[%dma_start3A_1055, %dma_start3A_1057, %dma_start3A_1058] : memref<4x64x128xf32, #tpu.memory_space<vmem>> -> memref<1x16x128xf32, #tpu.memory_space<vmem>>
        %dma_start3A_1060 = tpu.memref_squeeze %dma_start3A_1059 : memref<1x16x128xf32, #tpu.memory_space<vmem>> -> memref<16x128xf32, #tpu.memory_space<vmem>>
        %dma_start3A_1061 = arith.constant 16 : i32
        %dma_start3A_1062 = tpu.memref_slice %arg7[%sub3A_1040, %dma_start3A_1061] : memref<40x64xi32, #tpu.memory_space<vmem>> -> memref<1x16xi32, #tpu.memory_space<vmem>>
        %dma_start3A_1063 = tpu.memref_squeeze %dma_start3A_1062 : memref<1x16xi32, #tpu.memory_space<vmem>> -> memref<16xi32, #tpu.memory_space<vmem>>
        %dma_start3A_1064 = arith.constant 0 : i32
        %dma_start3A_1065 = arith.constant 0 : i32
        %dma_start3A_1066 = tpu.memref_slice %arg2[%dma_start3A_1064, %dma_start3A_1065] : memref<10000x128xf32, #tpu.memory_space<hbm>> -> memref<10000x128xf32, #tpu.memory_space<hbm>>
        %dma_start3A_1067 = tpu.memref_slice %arg11[%dma_start3A_1056] : memref<4x!tpu.dma_semaphore, #tpu.memory_space<semaphore_mem>> -> memref<1x!tpu.dma_semaphore, #tpu.memory_space<semaphore_mem>>
        %dma_start3A_1068 = tpu.memref_squeeze %dma_start3A_1067 : memref<1x!tpu.dma_semaphore, #tpu.memory_space<semaphore_mem>> -> memref<!tpu.dma_semaphore, #tpu.memory_space<semaphore_mem>>
        tpu.enqueue_indirect_dma source(%dma_start3A_1066 : memref<10000x128xf32, #tpu.memory_space<hbm>>) target(%dma_start3A_1060 : memref<16x128xf32, #tpu.memory_space<vmem>>) offsets(%dma_start3A_1063 : memref<16xi32, #tpu.memory_space<vmem>>) semaphore(%dma_start3A_1068 : memref<!tpu.dma_semaphore, #tpu.memory_space<semaphore_mem>>)
        %dma_start3A_1069 = arith.constant 2 : i32
        %dma_start3A_1070 = arith.constant 2 : i32
        %dma_start3A_1071 = arith.constant 32 : i32
        %dma_start3A_1072 = arith.constant 0 : i32
        %dma_start3A_1073 = tpu.memref_slice %arg9[%dma_start3A_1069, %dma_start3A_1071, %dma_start3A_1072] : memref<4x64x128xf32, #tpu.memory_space<vmem>> -> memref<1x16x128xf32, #tpu.memory_space<vmem>>
        %dma_start3A_1074 = tpu.memref_squeeze %dma_start3A_1073 : memref<1x16x128xf32, #tpu.memory_space<vmem>> -> memref<16x128xf32, #tpu.memory_space<vmem>>
        %dma_start3A_1075 = arith.constant 32 : i32
        %dma_start3A_1076 = tpu.memref_slice %arg7[%sub3A_1040, %dma_start3A_1075] : memref<40x64xi32, #tpu.memory_space<vmem>> -> memref<1x16xi32, #tpu.memory_space<vmem>>
        %dma_start3A_1077 = tpu.memref_squeeze %dma_start3A_1076 : memref<1x16xi32, #tpu.memory_space<vmem>> -> memref<16xi32, #tpu.memory_space<vmem>>
        %dma_start3A_1078 = arith.constant 0 : i32
        %dma_start3A_1079 = arith.constant 0 : i32
        %dma_start3A_1080 = tpu.memref_slice %arg2[%dma_start3A_1078, %dma_start3A_1079] : memref<10000x128xf32, #tpu.memory_space<hbm>> -> memref<10000x128xf32, #tpu.memory_space<hbm>>
        %dma_start3A_1081 = tpu.memref_slice %arg11[%dma_start3A_1070] : memref<4x!tpu.dma_semaphore, #tpu.memory_space<semaphore_mem>> -> memref<1x!tpu.dma_semaphore, #tpu.memory_space<semaphore_mem>>
        %dma_start3A_1082 = tpu.memref_squeeze %dma_start3A_1081 : memref<1x!tpu.dma_semaphore, #tpu.memory_space<semaphore_mem>> -> memref<!tpu.dma_semaphore, #tpu.memory_space<semaphore_mem>>
        tpu.enqueue_indirect_dma source(%dma_start3A_1080 : memref<10000x128xf32, #tpu.memory_space<hbm>>) target(%dma_start3A_1074 : memref<16x128xf32, #tpu.memory_space<vmem>>) offsets(%dma_start3A_1077 : memref<16xi32, #tpu.memory_space<vmem>>) semaphore(%dma_start3A_1082 : memref<!tpu.dma_semaphore, #tpu.memory_space<semaphore_mem>>)
        %dma_start3A_1083 = arith.constant 2 : i32
        %dma_start3A_1084 = arith.constant 2 : i32
        %dma_start3A_1085 = arith.constant 48 : i32
        %dma_start3A_1086 = arith.constant 0 : i32
        %dma_start3A_1087 = tpu.memref_slice %arg9[%dma_start3A_1083, %dma_start3A_1085, %dma_start3A_1086] : memref<4x64x128xf32, #tpu.memory_space<vmem>> -> memref<1x16x128xf32, #tpu.memory_space<vmem>>
        %dma_start3A_1088 = tpu.memref_squeeze %dma_start3A_1087 : memref<1x16x128xf32, #tpu.memory_space<vmem>> -> memref<16x128xf32, #tpu.memory_space<vmem>>
        %dma_start3A_1089 = arith.constant 48 : i32
        %dma_start3A_1090 = tpu.memref_slice %arg7[%sub3A_1040, %dma_start3A_1089] : memref<40x64xi32, #tpu.memory_space<vmem>> -> memref<1x16xi32, #tpu.memory_space<vmem>>
        %dma_start3A_1091 = tpu.memref_squeeze %dma_start3A_1090 : memref<1x16xi32, #tpu.memory_space<vmem>> -> memref<16xi32, #tpu.memory_space<vmem>>
        %dma_start3A_1092 = arith.constant 0 : i32
        %dma_start3A_1093 = arith.constant 0 : i32
        %dma_start3A_1094 = tpu.memref_slice %arg2[%dma_start3A_1092, %dma_start3A_1093] : memref<10000x128xf32, #tpu.memory_space<hbm>> -> memref<10000x128xf32, #tpu.memory_space<hbm>>
        %dma_start3A_1095 = tpu.memref_slice %arg11[%dma_start3A_1084] : memref<4x!tpu.dma_semaphore, #tpu.memory_space<semaphore_mem>> -> memref<1x!tpu.dma_semaphore, #tpu.memory_space<semaphore_mem>>
        %dma_start3A_1096 = tpu.memref_squeeze %dma_start3A_1095 : memref<1x!tpu.dma_semaphore, #tpu.memory_space<semaphore_mem>> -> memref<!tpu.dma_semaphore, #tpu.memory_space<semaphore_mem>>
        tpu.enqueue_indirect_dma source(%dma_start3A_1094 : memref<10000x128xf32, #tpu.memory_space<hbm>>) target(%dma_start3A_1088 : memref<16x128xf32, #tpu.memory_space<vmem>>) offsets(%dma_start3A_1091 : memref<16xi32, #tpu.memory_space<vmem>>) semaphore(%dma_start3A_1096 : memref<!tpu.dma_semaphore, #tpu.memory_space<semaphore_mem>>)
      } else {
      }
    }
    %scan3A_401 = arith.constant 10 : i32
    %dma_wait3A_402 = arith.constant 3 : i32
    %dma_wait3A_403 = arith.constant 3 : i32
    %dma_wait3A_404 = arith.constant 0 : i32
    %dma_wait3A_405 = arith.constant 0 : i32
    %dma_wait3A_406 = tpu.memref_slice %arg9[%dma_wait3A_402, %dma_wait3A_404, %dma_wait3A_405] : memref<4x64x128xf32, #tpu.memory_space<vmem>> -> memref<1x64x128xf32, #tpu.memory_space<vmem>>
    %dma_wait3A_407 = tpu.memref_squeeze %dma_wait3A_406 : memref<1x64x128xf32, #tpu.memory_space<vmem>> -> memref<64x128xf32, #tpu.memory_space<vmem>>
    %dma_wait3A_408 = arith.constant 0 : i32
    %dma_wait3A_409 = arith.constant 0 : i32
    %dma_wait3A_410 = tpu.memref_slice %arg2[%dma_wait3A_408, %dma_wait3A_409] : memref<10000x128xf32, #tpu.memory_space<hbm>> -> memref<64x128xf32, #tpu.memory_space<hbm>>
    %dma_wait3A_411 = tpu.memref_slice %arg12[%dma_wait3A_403] : memref<4x!tpu.dma_semaphore, #tpu.memory_space<semaphore_mem>> -> memref<1x!tpu.dma_semaphore, #tpu.memory_space<semaphore_mem>>
    %dma_wait3A_412 = tpu.memref_squeeze %dma_wait3A_411 : memref<1x!tpu.dma_semaphore, #tpu.memory_space<semaphore_mem>> -> memref<!tpu.dma_semaphore, #tpu.memory_space<semaphore_mem>>
    %dma_wait3A_413 = arith.constant 0 : i32
    %dma_wait3A_414 = arith.constant 0 : i32
    %dma_wait3A_415 = tpu.memref_slice %arg9[%dma_wait3A_402, %dma_wait3A_413, %dma_wait3A_414] : memref<4x64x128xf32, #tpu.memory_space<vmem>> -> memref<1x64x128xf32, #tpu.memory_space<vmem>>
    %dma_wait3A_416 = tpu.memref_squeeze %dma_wait3A_415 : memref<1x64x128xf32, #tpu.memory_space<vmem>> -> memref<64x128xf32, #tpu.memory_space<vmem>>
    %dma_wait3A_417 = arith.constant 0 : i32
    %dma_wait3A_418 = arith.constant 0 : i32
    %dma_wait3A_419 = tpu.memref_slice %arg2[%dma_wait3A_417, %dma_wait3A_418] : memref<10000x128xf32, #tpu.memory_space<hbm>> -> memref<64x128xf32, #tpu.memory_space<hbm>>
    tpu.wait_dma2 semaphore(%dma_wait3A_412 : memref<!tpu.dma_semaphore, #tpu.memory_space<semaphore_mem>>) src(%dma_wait3A_419 : memref<64x128xf32, #tpu.memory_space<hbm>>) dst(%dma_wait3A_416 : memref<64x128xf32, #tpu.memory_space<vmem>>)
    %mul3A_420 = arith.constant 160 : i32
    %mul3A_421 = arith.muli %add3A, %mul3A_420 : i32
    %add3A_422 = arith.constant 80 : i32
    %add3A_423 = arith.addi %mul3A_421, %add3A_422 : i32
    "tpu.region"() ({
      %run_scoped3A = tpu.sem_alloc : memref<!tpu.dma_semaphore, #tpu.memory_space<semaphore_mem>>
      %dma_start3A_841 = arith.constant 0 : i32
      %dma_start3A_842 = tpu.memref_slice %arg3[%add3A_423, %dma_start3A_841] : memref<5120x64xi32, #tpu.memory_space<hbm>> -> memref<40x64xi32, #tpu.memory_space<hbm>>
      %dma_start3A_843 = arith.constant 0 : i32
      %dma_start3A_844 = tpu.memref_slice %arg3[%add3A_423, %dma_start3A_843] : memref<5120x64xi32, #tpu.memory_space<hbm>> -> memref<40x64xi32, #tpu.memory_space<hbm>>
      tpu.enqueue_dma source(%dma_start3A_844 : memref<40x64xi32, #tpu.memory_space<hbm>>) target(%arg7 : memref<40x64xi32, #tpu.memory_space<vmem>>) target_semaphore(%run_scoped3A : memref<!tpu.dma_semaphore, #tpu.memory_space<semaphore_mem>>)
      %dma_wait3A_845 = arith.constant 0 : i32
      %dma_wait3A_846 = tpu.memref_slice %arg3[%add3A_423, %dma_wait3A_845] : memref<5120x64xi32, #tpu.memory_space<hbm>> -> memref<40x64xi32, #tpu.memory_space<hbm>>
      %dma_wait3A_847 = arith.constant 0 : i32
      %dma_wait3A_848 = tpu.memref_slice %arg3[%add3A_423, %dma_wait3A_847] : memref<5120x64xi32, #tpu.memory_space<hbm>> -> memref<40x64xi32, #tpu.memory_space<hbm>>
      tpu.wait_dma2 semaphore(%run_scoped3A : memref<!tpu.dma_semaphore, #tpu.memory_space<semaphore_mem>>) src(%dma_wait3A_848 : memref<40x64xi32, #tpu.memory_space<hbm>>) dst(%arg7 : memref<40x64xi32, #tpu.memory_space<vmem>>)
      tpu.yield
    }) : () -> ()
    "tpu.region"() ({
      %run_scoped3A = tpu.sem_alloc : memref<!tpu.dma_semaphore, #tpu.memory_space<semaphore_mem>>
      %dma_start3A_841 = arith.constant 0 : i32
      %dma_start3A_842 = tpu.memref_slice %arg4[%add3A_423, %dma_start3A_841] : memref<5120x64xi32, #tpu.memory_space<hbm>> -> memref<40x64xi32, #tpu.memory_space<hbm>>
      %dma_start3A_843 = arith.constant 0 : i32
      %dma_start3A_844 = tpu.memref_slice %arg4[%add3A_423, %dma_start3A_843] : memref<5120x64xi32, #tpu.memory_space<hbm>> -> memref<40x64xi32, #tpu.memory_space<hbm>>
      tpu.enqueue_dma source(%dma_start3A_844 : memref<40x64xi32, #tpu.memory_space<hbm>>) target(%arg8 : memref<40x64xi32, #tpu.memory_space<vmem>>) target_semaphore(%run_scoped3A : memref<!tpu.dma_semaphore, #tpu.memory_space<semaphore_mem>>)
      %dma_wait3A_845 = arith.constant 0 : i32
      %dma_wait3A_846 = tpu.memref_slice %arg4[%add3A_423, %dma_wait3A_845] : memref<5120x64xi32, #tpu.memory_space<hbm>> -> memref<40x64xi32, #tpu.memory_space<hbm>>
      %dma_wait3A_847 = arith.constant 0 : i32
      %dma_wait3A_848 = tpu.memref_slice %arg4[%add3A_423, %dma_wait3A_847] : memref<5120x64xi32, #tpu.memory_space<hbm>> -> memref<40x64xi32, #tpu.memory_space<hbm>>
      tpu.wait_dma2 semaphore(%run_scoped3A : memref<!tpu.dma_semaphore, #tpu.memory_space<semaphore_mem>>) src(%dma_wait3A_848 : memref<40x64xi32, #tpu.memory_space<hbm>>) dst(%arg8 : memref<40x64xi32, #tpu.memory_space<vmem>>)
      tpu.yield
    }) : () -> ()
    %dma_start3A_424 = arith.constant 0 : i32
    %dma_start3A_425 = arith.constant 0 : i32
    %dma_start3A_426 = arith.constant 0 : i32
    %dma_start3A_427 = arith.constant 0 : i32
    %dma_start3A_428 = arith.constant 0 : i32
    %dma_start3A_429 = tpu.memref_slice %arg9[%dma_start3A_425, %dma_start3A_427, %dma_start3A_428] : memref<4x64x128xf32, #tpu.memory_space<vmem>> -> memref<1x16x128xf32, #tpu.memory_space<vmem>>
    %dma_start3A_430 = tpu.memref_squeeze %dma_start3A_429 : memref<1x16x128xf32, #tpu.memory_space<vmem>> -> memref<16x128xf32, #tpu.memory_space<vmem>>
    %dma_start3A_431 = arith.constant 0 : i32
    %dma_start3A_432 = tpu.memref_slice %arg7[%dma_start3A_424, %dma_start3A_431] : memref<40x64xi32, #tpu.memory_space<vmem>> -> memref<1x16xi32, #tpu.memory_space<vmem>>
    %dma_start3A_433 = tpu.memref_squeeze %dma_start3A_432 : memref<1x16xi32, #tpu.memory_space<vmem>> -> memref<16xi32, #tpu.memory_space<vmem>>
    %dma_start3A_434 = arith.constant 0 : i32
    %dma_start3A_435 = arith.constant 0 : i32
    %dma_start3A_436 = tpu.memref_slice %arg2[%dma_start3A_434, %dma_start3A_435] : memref<10000x128xf32, #tpu.memory_space<hbm>> -> memref<10000x128xf32, #tpu.memory_space<hbm>>
    %dma_start3A_437 = tpu.memref_slice %arg11[%dma_start3A_426] : memref<4x!tpu.dma_semaphore, #tpu.memory_space<semaphore_mem>> -> memref<1x!tpu.dma_semaphore, #tpu.memory_space<semaphore_mem>>
    %dma_start3A_438 = tpu.memref_squeeze %dma_start3A_437 : memref<1x!tpu.dma_semaphore, #tpu.memory_space<semaphore_mem>> -> memref<!tpu.dma_semaphore, #tpu.memory_space<semaphore_mem>>
    tpu.enqueue_indirect_dma source(%dma_start3A_436 : memref<10000x128xf32, #tpu.memory_space<hbm>>) target(%dma_start3A_430 : memref<16x128xf32, #tpu.memory_space<vmem>>) offsets(%dma_start3A_433 : memref<16xi32, #tpu.memory_space<vmem>>) semaphore(%dma_start3A_438 : memref<!tpu.dma_semaphore, #tpu.memory_space<semaphore_mem>>)
    %dma_start3A_439 = arith.constant 0 : i32
    %dma_start3A_440 = arith.constant 0 : i32
    %dma_start3A_441 = arith.constant 0 : i32
    %dma_start3A_442 = arith.constant 16 : i32
    %dma_start3A_443 = arith.constant 0 : i32
    %dma_start3A_444 = tpu.memref_slice %arg9[%dma_start3A_440, %dma_start3A_442, %dma_start3A_443] : memref<4x64x128xf32, #tpu.memory_space<vmem>> -> memref<1x16x128xf32, #tpu.memory_space<vmem>>
    %dma_start3A_445 = tpu.memref_squeeze %dma_start3A_444 : memref<1x16x128xf32, #tpu.memory_space<vmem>> -> memref<16x128xf32, #tpu.memory_space<vmem>>
    %dma_start3A_446 = arith.constant 16 : i32
    %dma_start3A_447 = tpu.memref_slice %arg7[%dma_start3A_439, %dma_start3A_446] : memref<40x64xi32, #tpu.memory_space<vmem>> -> memref<1x16xi32, #tpu.memory_space<vmem>>
    %dma_start3A_448 = tpu.memref_squeeze %dma_start3A_447 : memref<1x16xi32, #tpu.memory_space<vmem>> -> memref<16xi32, #tpu.memory_space<vmem>>
    %dma_start3A_449 = arith.constant 0 : i32
    %dma_start3A_450 = arith.constant 0 : i32
    %dma_start3A_451 = tpu.memref_slice %arg2[%dma_start3A_449, %dma_start3A_450] : memref<10000x128xf32, #tpu.memory_space<hbm>> -> memref<10000x128xf32, #tpu.memory_space<hbm>>
    %dma_start3A_452 = tpu.memref_slice %arg11[%dma_start3A_441] : memref<4x!tpu.dma_semaphore, #tpu.memory_space<semaphore_mem>> -> memref<1x!tpu.dma_semaphore, #tpu.memory_space<semaphore_mem>>
    %dma_start3A_453 = tpu.memref_squeeze %dma_start3A_452 : memref<1x!tpu.dma_semaphore, #tpu.memory_space<semaphore_mem>> -> memref<!tpu.dma_semaphore, #tpu.memory_space<semaphore_mem>>
    tpu.enqueue_indirect_dma source(%dma_start3A_451 : memref<10000x128xf32, #tpu.memory_space<hbm>>) target(%dma_start3A_445 : memref<16x128xf32, #tpu.memory_space<vmem>>) offsets(%dma_start3A_448 : memref<16xi32, #tpu.memory_space<vmem>>) semaphore(%dma_start3A_453 : memref<!tpu.dma_semaphore, #tpu.memory_space<semaphore_mem>>)
    %dma_start3A_454 = arith.constant 0 : i32
    %dma_start3A_455 = arith.constant 0 : i32
    %dma_start3A_456 = arith.constant 0 : i32
    %dma_start3A_457 = arith.constant 32 : i32
    %dma_start3A_458 = arith.constant 0 : i32
    %dma_start3A_459 = tpu.memref_slice %arg9[%dma_start3A_455, %dma_start3A_457, %dma_start3A_458] : memref<4x64x128xf32, #tpu.memory_space<vmem>> -> memref<1x16x128xf32, #tpu.memory_space<vmem>>
    %dma_start3A_460 = tpu.memref_squeeze %dma_start3A_459 : memref<1x16x128xf32, #tpu.memory_space<vmem>> -> memref<16x128xf32, #tpu.memory_space<vmem>>
    %dma_start3A_461 = arith.constant 32 : i32
    %dma_start3A_462 = tpu.memref_slice %arg7[%dma_start3A_454, %dma_start3A_461] : memref<40x64xi32, #tpu.memory_space<vmem>> -> memref<1x16xi32, #tpu.memory_space<vmem>>
    %dma_start3A_463 = tpu.memref_squeeze %dma_start3A_462 : memref<1x16xi32, #tpu.memory_space<vmem>> -> memref<16xi32, #tpu.memory_space<vmem>>
    %dma_start3A_464 = arith.constant 0 : i32
    %dma_start3A_465 = arith.constant 0 : i32
    %dma_start3A_466 = tpu.memref_slice %arg2[%dma_start3A_464, %dma_start3A_465] : memref<10000x128xf32, #tpu.memory_space<hbm>> -> memref<10000x128xf32, #tpu.memory_space<hbm>>
    %dma_start3A_467 = tpu.memref_slice %arg11[%dma_start3A_456] : memref<4x!tpu.dma_semaphore, #tpu.memory_space<semaphore_mem>> -> memref<1x!tpu.dma_semaphore, #tpu.memory_space<semaphore_mem>>
    %dma_start3A_468 = tpu.memref_squeeze %dma_start3A_467 : memref<1x!tpu.dma_semaphore, #tpu.memory_space<semaphore_mem>> -> memref<!tpu.dma_semaphore, #tpu.memory_space<semaphore_mem>>
    tpu.enqueue_indirect_dma source(%dma_start3A_466 : memref<10000x128xf32, #tpu.memory_space<hbm>>) target(%dma_start3A_460 : memref<16x128xf32, #tpu.memory_space<vmem>>) offsets(%dma_start3A_463 : memref<16xi32, #tpu.memory_space<vmem>>) semaphore(%dma_start3A_468 : memref<!tpu.dma_semaphore, #tpu.memory_space<semaphore_mem>>)
    %dma_start3A_469 = arith.constant 0 : i32
    %dma_start3A_470 = arith.constant 0 : i32
    %dma_start3A_471 = arith.constant 0 : i32
    %dma_start3A_472 = arith.constant 48 : i32
    %dma_start3A_473 = arith.constant 0 : i32
    %dma_start3A_474 = tpu.memref_slice %arg9[%dma_start3A_470, %dma_start3A_472, %dma_start3A_473] : memref<4x64x128xf32, #tpu.memory_space<vmem>> -> memref<1x16x128xf32, #tpu.memory_space<vmem>>
    %dma_start3A_475 = tpu.memref_squeeze %dma_start3A_474 : memref<1x16x128xf32, #tpu.memory_space<vmem>> -> memref<16x128xf32, #tpu.memory_space<vmem>>
    %dma_start3A_476 = arith.constant 48 : i32
    %dma_start3A_477 = tpu.memref_slice %arg7[%dma_start3A_469, %dma_start3A_476] : memref<40x64xi32, #tpu.memory_space<vmem>> -> memref<1x16xi32, #tpu.memory_space<vmem>>
    %dma_start3A_478 = tpu.memref_squeeze %dma_start3A_477 : memref<1x16xi32, #tpu.memory_space<vmem>> -> memref<16xi32, #tpu.memory_space<vmem>>
    %dma_start3A_479 = arith.constant 0 : i32
    %dma_start3A_480 = arith.constant 0 : i32
    %dma_start3A_481 = tpu.memref_slice %arg2[%dma_start3A_479, %dma_start3A_480] : memref<10000x128xf32, #tpu.memory_space<hbm>> -> memref<10000x128xf32, #tpu.memory_space<hbm>>
    %dma_start3A_482 = tpu.memref_slice %arg11[%dma_start3A_471] : memref<4x!tpu.dma_semaphore, #tpu.memory_space<semaphore_mem>> -> memref<1x!tpu.dma_semaphore, #tpu.memory_space<semaphore_mem>>
    %dma_start3A_483 = tpu.memref_squeeze %dma_start3A_482 : memref<1x!tpu.dma_semaphore, #tpu.memory_space<semaphore_mem>> -> memref<!tpu.dma_semaphore, #tpu.memory_space<semaphore_mem>>
    tpu.enqueue_indirect_dma source(%dma_start3A_481 : memref<10000x128xf32, #tpu.memory_space<hbm>>) target(%dma_start3A_475 : memref<16x128xf32, #tpu.memory_space<vmem>>) offsets(%dma_start3A_478 : memref<16xi32, #tpu.memory_space<vmem>>) semaphore(%dma_start3A_483 : memref<!tpu.dma_semaphore, #tpu.memory_space<semaphore_mem>>)
    %dma_start3A_484 = arith.constant 1 : i32
    %dma_start3A_485 = arith.constant 1 : i32
    %dma_start3A_486 = arith.constant 1 : i32
    %dma_start3A_487 = arith.constant 0 : i32
    %dma_start3A_488 = arith.constant 0 : i32
    %dma_start3A_489 = tpu.memref_slice %arg9[%dma_start3A_485, %dma_start3A_487, %dma_start3A_488] : memref<4x64x128xf32, #tpu.memory_space<vmem>> -> memref<1x16x128xf32, #tpu.memory_space<vmem>>
    %dma_start3A_490 = tpu.memref_squeeze %dma_start3A_489 : memref<1x16x128xf32, #tpu.memory_space<vmem>> -> memref<16x128xf32, #tpu.memory_space<vmem>>
    %dma_start3A_491 = arith.constant 0 : i32
    %dma_start3A_492 = tpu.memref_slice %arg7[%dma_start3A_484, %dma_start3A_491] : memref<40x64xi32, #tpu.memory_space<vmem>> -> memref<1x16xi32, #tpu.memory_space<vmem>>
    %dma_start3A_493 = tpu.memref_squeeze %dma_start3A_492 : memref<1x16xi32, #tpu.memory_space<vmem>> -> memref<16xi32, #tpu.memory_space<vmem>>
    %dma_start3A_494 = arith.constant 0 : i32
    %dma_start3A_495 = arith.constant 0 : i32
    %dma_start3A_496 = tpu.memref_slice %arg2[%dma_start3A_494, %dma_start3A_495] : memref<10000x128xf32, #tpu.memory_space<hbm>> -> memref<10000x128xf32, #tpu.memory_space<hbm>>
    %dma_start3A_497 = tpu.memref_slice %arg11[%dma_start3A_486] : memref<4x!tpu.dma_semaphore, #tpu.memory_space<semaphore_mem>> -> memref<1x!tpu.dma_semaphore, #tpu.memory_space<semaphore_mem>>
    %dma_start3A_498 = tpu.memref_squeeze %dma_start3A_497 : memref<1x!tpu.dma_semaphore, #tpu.memory_space<semaphore_mem>> -> memref<!tpu.dma_semaphore, #tpu.memory_space<semaphore_mem>>
    tpu.enqueue_indirect_dma source(%dma_start3A_496 : memref<10000x128xf32, #tpu.memory_space<hbm>>) target(%dma_start3A_490 : memref<16x128xf32, #tpu.memory_space<vmem>>) offsets(%dma_start3A_493 : memref<16xi32, #tpu.memory_space<vmem>>) semaphore(%dma_start3A_498 : memref<!tpu.dma_semaphore, #tpu.memory_space<semaphore_mem>>)
    %dma_start3A_499 = arith.constant 1 : i32
    %dma_start3A_500 = arith.constant 1 : i32
    %dma_start3A_501 = arith.constant 1 : i32
    %dma_start3A_502 = arith.constant 16 : i32
    %dma_start3A_503 = arith.constant 0 : i32
    %dma_start3A_504 = tpu.memref_slice %arg9[%dma_start3A_500, %dma_start3A_502, %dma_start3A_503] : memref<4x64x128xf32, #tpu.memory_space<vmem>> -> memref<1x16x128xf32, #tpu.memory_space<vmem>>
    %dma_start3A_505 = tpu.memref_squeeze %dma_start3A_504 : memref<1x16x128xf32, #tpu.memory_space<vmem>> -> memref<16x128xf32, #tpu.memory_space<vmem>>
    %dma_start3A_506 = arith.constant 16 : i32
    %dma_start3A_507 = tpu.memref_slice %arg7[%dma_start3A_499, %dma_start3A_506] : memref<40x64xi32, #tpu.memory_space<vmem>> -> memref<1x16xi32, #tpu.memory_space<vmem>>
    %dma_start3A_508 = tpu.memref_squeeze %dma_start3A_507 : memref<1x16xi32, #tpu.memory_space<vmem>> -> memref<16xi32, #tpu.memory_space<vmem>>
    %dma_start3A_509 = arith.constant 0 : i32
    %dma_start3A_510 = arith.constant 0 : i32
    %dma_start3A_511 = tpu.memref_slice %arg2[%dma_start3A_509, %dma_start3A_510] : memref<10000x128xf32, #tpu.memory_space<hbm>> -> memref<10000x128xf32, #tpu.memory_space<hbm>>
    %dma_start3A_512 = tpu.memref_slice %arg11[%dma_start3A_501] : memref<4x!tpu.dma_semaphore, #tpu.memory_space<semaphore_mem>> -> memref<1x!tpu.dma_semaphore, #tpu.memory_space<semaphore_mem>>
    %dma_start3A_513 = tpu.memref_squeeze %dma_start3A_512 : memref<1x!tpu.dma_semaphore, #tpu.memory_space<semaphore_mem>> -> memref<!tpu.dma_semaphore, #tpu.memory_space<semaphore_mem>>
    tpu.enqueue_indirect_dma source(%dma_start3A_511 : memref<10000x128xf32, #tpu.memory_space<hbm>>) target(%dma_start3A_505 : memref<16x128xf32, #tpu.memory_space<vmem>>) offsets(%dma_start3A_508 : memref<16xi32, #tpu.memory_space<vmem>>) semaphore(%dma_start3A_513 : memref<!tpu.dma_semaphore, #tpu.memory_space<semaphore_mem>>)
    %dma_start3A_514 = arith.constant 1 : i32
    %dma_start3A_515 = arith.constant 1 : i32
    %dma_start3A_516 = arith.constant 1 : i32
    %dma_start3A_517 = arith.constant 32 : i32
    %dma_start3A_518 = arith.constant 0 : i32
    %dma_start3A_519 = tpu.memref_slice %arg9[%dma_start3A_515, %dma_start3A_517, %dma_start3A_518] : memref<4x64x128xf32, #tpu.memory_space<vmem>> -> memref<1x16x128xf32, #tpu.memory_space<vmem>>
    %dma_start3A_520 = tpu.memref_squeeze %dma_start3A_519 : memref<1x16x128xf32, #tpu.memory_space<vmem>> -> memref<16x128xf32, #tpu.memory_space<vmem>>
    %dma_start3A_521 = arith.constant 32 : i32
    %dma_start3A_522 = tpu.memref_slice %arg7[%dma_start3A_514, %dma_start3A_521] : memref<40x64xi32, #tpu.memory_space<vmem>> -> memref<1x16xi32, #tpu.memory_space<vmem>>
    %dma_start3A_523 = tpu.memref_squeeze %dma_start3A_522 : memref<1x16xi32, #tpu.memory_space<vmem>> -> memref<16xi32, #tpu.memory_space<vmem>>
    %dma_start3A_524 = arith.constant 0 : i32
    %dma_start3A_525 = arith.constant 0 : i32
    %dma_start3A_526 = tpu.memref_slice %arg2[%dma_start3A_524, %dma_start3A_525] : memref<10000x128xf32, #tpu.memory_space<hbm>> -> memref<10000x128xf32, #tpu.memory_space<hbm>>
    %dma_start3A_527 = tpu.memref_slice %arg11[%dma_start3A_516] : memref<4x!tpu.dma_semaphore, #tpu.memory_space<semaphore_mem>> -> memref<1x!tpu.dma_semaphore, #tpu.memory_space<semaphore_mem>>
    %dma_start3A_528 = tpu.memref_squeeze %dma_start3A_527 : memref<1x!tpu.dma_semaphore, #tpu.memory_space<semaphore_mem>> -> memref<!tpu.dma_semaphore, #tpu.memory_space<semaphore_mem>>
    tpu.enqueue_indirect_dma source(%dma_start3A_526 : memref<10000x128xf32, #tpu.memory_space<hbm>>) target(%dma_start3A_520 : memref<16x128xf32, #tpu.memory_space<vmem>>) offsets(%dma_start3A_523 : memref<16xi32, #tpu.memory_space<vmem>>) semaphore(%dma_start3A_528 : memref<!tpu.dma_semaphore, #tpu.memory_space<semaphore_mem>>)
    %dma_start3A_529 = arith.constant 1 : i32
    %dma_start3A_530 = arith.constant 1 : i32
    %dma_start3A_531 = arith.constant 1 : i32
    %dma_start3A_532 = arith.constant 48 : i32
    %dma_start3A_533 = arith.constant 0 : i32
    %dma_start3A_534 = tpu.memref_slice %arg9[%dma_start3A_530, %dma_start3A_532, %dma_start3A_533] : memref<4x64x128xf32, #tpu.memory_space<vmem>> -> memref<1x16x128xf32, #tpu.memory_space<vmem>>
    %dma_start3A_535 = tpu.memref_squeeze %dma_start3A_534 : memref<1x16x128xf32, #tpu.memory_space<vmem>> -> memref<16x128xf32, #tpu.memory_space<vmem>>
    %dma_start3A_536 = arith.constant 48 : i32
    %dma_start3A_537 = tpu.memref_slice %arg7[%dma_start3A_529, %dma_start3A_536] : memref<40x64xi32, #tpu.memory_space<vmem>> -> memref<1x16xi32, #tpu.memory_space<vmem>>
    %dma_start3A_538 = tpu.memref_squeeze %dma_start3A_537 : memref<1x16xi32, #tpu.memory_space<vmem>> -> memref<16xi32, #tpu.memory_space<vmem>>
    %dma_start3A_539 = arith.constant 0 : i32
    %dma_start3A_540 = arith.constant 0 : i32
    %dma_start3A_541 = tpu.memref_slice %arg2[%dma_start3A_539, %dma_start3A_540] : memref<10000x128xf32, #tpu.memory_space<hbm>> -> memref<10000x128xf32, #tpu.memory_space<hbm>>
    %dma_start3A_542 = tpu.memref_slice %arg11[%dma_start3A_531] : memref<4x!tpu.dma_semaphore, #tpu.memory_space<semaphore_mem>> -> memref<1x!tpu.dma_semaphore, #tpu.memory_space<semaphore_mem>>
    %dma_start3A_543 = tpu.memref_squeeze %dma_start3A_542 : memref<1x!tpu.dma_semaphore, #tpu.memory_space<semaphore_mem>> -> memref<!tpu.dma_semaphore, #tpu.memory_space<semaphore_mem>>
    tpu.enqueue_indirect_dma source(%dma_start3A_541 : memref<10000x128xf32, #tpu.memory_space<hbm>>) target(%dma_start3A_535 : memref<16x128xf32, #tpu.memory_space<vmem>>) offsets(%dma_start3A_538 : memref<16xi32, #tpu.memory_space<vmem>>) semaphore(%dma_start3A_543 : memref<!tpu.dma_semaphore, #tpu.memory_space<semaphore_mem>>)
    %dma_start3A_544 = arith.constant 2 : i32
    %dma_start3A_545 = arith.constant 2 : i32
    %dma_start3A_546 = arith.constant 2 : i32
    %dma_start3A_547 = arith.constant 0 : i32
    %dma_start3A_548 = arith.constant 0 : i32
    %dma_start3A_549 = tpu.memref_slice %arg9[%dma_start3A_545, %dma_start3A_547, %dma_start3A_548] : memref<4x64x128xf32, #tpu.memory_space<vmem>> -> memref<1x16x128xf32, #tpu.memory_space<vmem>>
    %dma_start3A_550 = tpu.memref_squeeze %dma_start3A_549 : memref<1x16x128xf32, #tpu.memory_space<vmem>> -> memref<16x128xf32, #tpu.memory_space<vmem>>
    %dma_start3A_551 = arith.constant 0 : i32
    %dma_start3A_552 = tpu.memref_slice %arg7[%dma_start3A_544, %dma_start3A_551] : memref<40x64xi32, #tpu.memory_space<vmem>> -> memref<1x16xi32, #tpu.memory_space<vmem>>
    %dma_start3A_553 = tpu.memref_squeeze %dma_start3A_552 : memref<1x16xi32, #tpu.memory_space<vmem>> -> memref<16xi32, #tpu.memory_space<vmem>>
    %dma_start3A_554 = arith.constant 0 : i32
    %dma_start3A_555 = arith.constant 0 : i32
    %dma_start3A_556 = tpu.memref_slice %arg2[%dma_start3A_554, %dma_start3A_555] : memref<10000x128xf32, #tpu.memory_space<hbm>> -> memref<10000x128xf32, #tpu.memory_space<hbm>>
    %dma_start3A_557 = tpu.memref_slice %arg11[%dma_start3A_546] : memref<4x!tpu.dma_semaphore, #tpu.memory_space<semaphore_mem>> -> memref<1x!tpu.dma_semaphore, #tpu.memory_space<semaphore_mem>>
    %dma_start3A_558 = tpu.memref_squeeze %dma_start3A_557 : memref<1x!tpu.dma_semaphore, #tpu.memory_space<semaphore_mem>> -> memref<!tpu.dma_semaphore, #tpu.memory_space<semaphore_mem>>
    tpu.enqueue_indirect_dma source(%dma_start3A_556 : memref<10000x128xf32, #tpu.memory_space<hbm>>) target(%dma_start3A_550 : memref<16x128xf32, #tpu.memory_space<vmem>>) offsets(%dma_start3A_553 : memref<16xi32, #tpu.memory_space<vmem>>) semaphore(%dma_start3A_558 : memref<!tpu.dma_semaphore, #tpu.memory_space<semaphore_mem>>)
    %dma_start3A_559 = arith.constant 2 : i32
    %dma_start3A_560 = arith.constant 2 : i32
    %dma_start3A_561 = arith.constant 2 : i32
    %dma_start3A_562 = arith.constant 16 : i32
    %dma_start3A_563 = arith.constant 0 : i32
    %dma_start3A_564 = tpu.memref_slice %arg9[%dma_start3A_560, %dma_start3A_562, %dma_start3A_563] : memref<4x64x128xf32, #tpu.memory_space<vmem>> -> memref<1x16x128xf32, #tpu.memory_space<vmem>>
    %dma_start3A_565 = tpu.memref_squeeze %dma_start3A_564 : memref<1x16x128xf32, #tpu.memory_space<vmem>> -> memref<16x128xf32, #tpu.memory_space<vmem>>
    %dma_start3A_566 = arith.constant 16 : i32
    %dma_start3A_567 = tpu.memref_slice %arg7[%dma_start3A_559, %dma_start3A_566] : memref<40x64xi32, #tpu.memory_space<vmem>> -> memref<1x16xi32, #tpu.memory_space<vmem>>
    %dma_start3A_568 = tpu.memref_squeeze %dma_start3A_567 : memref<1x16xi32, #tpu.memory_space<vmem>> -> memref<16xi32, #tpu.memory_space<vmem>>
    %dma_start3A_569 = arith.constant 0 : i32
    %dma_start3A_570 = arith.constant 0 : i32
    %dma_start3A_571 = tpu.memref_slice %arg2[%dma_start3A_569, %dma_start3A_570] : memref<10000x128xf32, #tpu.memory_space<hbm>> -> memref<10000x128xf32, #tpu.memory_space<hbm>>
    %dma_start3A_572 = tpu.memref_slice %arg11[%dma_start3A_561] : memref<4x!tpu.dma_semaphore, #tpu.memory_space<semaphore_mem>> -> memref<1x!tpu.dma_semaphore, #tpu.memory_space<semaphore_mem>>
    %dma_start3A_573 = tpu.memref_squeeze %dma_start3A_572 : memref<1x!tpu.dma_semaphore, #tpu.memory_space<semaphore_mem>> -> memref<!tpu.dma_semaphore, #tpu.memory_space<semaphore_mem>>
    tpu.enqueue_indirect_dma source(%dma_start3A_571 : memref<10000x128xf32, #tpu.memory_space<hbm>>) target(%dma_start3A_565 : memref<16x128xf32, #tpu.memory_space<vmem>>) offsets(%dma_start3A_568 : memref<16xi32, #tpu.memory_space<vmem>>) semaphore(%dma_start3A_573 : memref<!tpu.dma_semaphore, #tpu.memory_space<semaphore_mem>>)
    %dma_start3A_574 = arith.constant 2 : i32
    %dma_start3A_575 = arith.constant 2 : i32
    %dma_start3A_576 = arith.constant 2 : i32
    %dma_start3A_577 = arith.constant 32 : i32
    %dma_start3A_578 = arith.constant 0 : i32
    %dma_start3A_579 = tpu.memref_slice %arg9[%dma_start3A_575, %dma_start3A_577, %dma_start3A_578] : memref<4x64x128xf32, #tpu.memory_space<vmem>> -> memref<1x16x128xf32, #tpu.memory_space<vmem>>
    %dma_start3A_580 = tpu.memref_squeeze %dma_start3A_579 : memref<1x16x128xf32, #tpu.memory_space<vmem>> -> memref<16x128xf32, #tpu.memory_space<vmem>>
    %dma_start3A_581 = arith.constant 32 : i32
    %dma_start3A_582 = tpu.memref_slice %arg7[%dma_start3A_574, %dma_start3A_581] : memref<40x64xi32, #tpu.memory_space<vmem>> -> memref<1x16xi32, #tpu.memory_space<vmem>>
    %dma_start3A_583 = tpu.memref_squeeze %dma_start3A_582 : memref<1x16xi32, #tpu.memory_space<vmem>> -> memref<16xi32, #tpu.memory_space<vmem>>
    %dma_start3A_584 = arith.constant 0 : i32
    %dma_start3A_585 = arith.constant 0 : i32
    %dma_start3A_586 = tpu.memref_slice %arg2[%dma_start3A_584, %dma_start3A_585] : memref<10000x128xf32, #tpu.memory_space<hbm>> -> memref<10000x128xf32, #tpu.memory_space<hbm>>
    %dma_start3A_587 = tpu.memref_slice %arg11[%dma_start3A_576] : memref<4x!tpu.dma_semaphore, #tpu.memory_space<semaphore_mem>> -> memref<1x!tpu.dma_semaphore, #tpu.memory_space<semaphore_mem>>
    %dma_start3A_588 = tpu.memref_squeeze %dma_start3A_587 : memref<1x!tpu.dma_semaphore, #tpu.memory_space<semaphore_mem>> -> memref<!tpu.dma_semaphore, #tpu.memory_space<semaphore_mem>>
    tpu.enqueue_indirect_dma source(%dma_start3A_586 : memref<10000x128xf32, #tpu.memory_space<hbm>>) target(%dma_start3A_580 : memref<16x128xf32, #tpu.memory_space<vmem>>) offsets(%dma_start3A_583 : memref<16xi32, #tpu.memory_space<vmem>>) semaphore(%dma_start3A_588 : memref<!tpu.dma_semaphore, #tpu.memory_space<semaphore_mem>>)
    %dma_start3A_589 = arith.constant 2 : i32
    %dma_start3A_590 = arith.constant 2 : i32
    %dma_start3A_591 = arith.constant 2 : i32
    %dma_start3A_592 = arith.constant 48 : i32
    %dma_start3A_593 = arith.constant 0 : i32
    %dma_start3A_594 = tpu.memref_slice %arg9[%dma_start3A_590, %dma_start3A_592, %dma_start3A_593] : memref<4x64x128xf32, #tpu.memory_space<vmem>> -> memref<1x16x128xf32, #tpu.memory_space<vmem>>
    %dma_start3A_595 = tpu.memref_squeeze %dma_start3A_594 : memref<1x16x128xf32, #tpu.memory_space<vmem>> -> memref<16x128xf32, #tpu.memory_space<vmem>>
    %dma_start3A_596 = arith.constant 48 : i32
    %dma_start3A_597 = tpu.memref_slice %arg7[%dma_start3A_589, %dma_start3A_596] : memref<40x64xi32, #tpu.memory_space<vmem>> -> memref<1x16xi32, #tpu.memory_space<vmem>>
    %dma_start3A_598 = tpu.memref_squeeze %dma_start3A_597 : memref<1x16xi32, #tpu.memory_space<vmem>> -> memref<16xi32, #tpu.memory_space<vmem>>
    %dma_start3A_599 = arith.constant 0 : i32
    %dma_start3A_600 = arith.constant 0 : i32
    %dma_start3A_601 = tpu.memref_slice %arg2[%dma_start3A_599, %dma_start3A_600] : memref<10000x128xf32, #tpu.memory_space<hbm>> -> memref<10000x128xf32, #tpu.memory_space<hbm>>
    %dma_start3A_602 = tpu.memref_slice %arg11[%dma_start3A_591] : memref<4x!tpu.dma_semaphore, #tpu.memory_space<semaphore_mem>> -> memref<1x!tpu.dma_semaphore, #tpu.memory_space<semaphore_mem>>
    %dma_start3A_603 = tpu.memref_squeeze %dma_start3A_602 : memref<1x!tpu.dma_semaphore, #tpu.memory_space<semaphore_mem>> -> memref<!tpu.dma_semaphore, #tpu.memory_space<semaphore_mem>>
    tpu.enqueue_indirect_dma source(%dma_start3A_601 : memref<10000x128xf32, #tpu.memory_space<hbm>>) target(%dma_start3A_595 : memref<16x128xf32, #tpu.memory_space<vmem>>) offsets(%dma_start3A_598 : memref<16xi32, #tpu.memory_space<vmem>>) semaphore(%dma_start3A_603 : memref<!tpu.dma_semaphore, #tpu.memory_space<semaphore_mem>>)
    %scan3A_604 = arith.constant 0 : i32
    %scan3A_605 = arith.constant 0 : i32
    %scan3A_606 = arith.constant 10 : i32
    %scan3A_607 = arith.addi %scan3A_605, %scan3A_606 : i32
    %scan3A_608 = arith.constant 1 : i32
    scf.for %scan3A_841 = %scan3A_605 to %scan3A_607 step %scan3A_608  : i32 {
      %mul3A_842 = arith.constant 4 : i32
      %mul3A_843 = arith.muli %scan3A_841, %mul3A_842 : i32
      %add3A_844 = arith.constant 0 : i32
      %add3A_845 = arith.addi %mul3A_843, %add3A_844 : i32
      %dma_wait3A_846 = arith.constant 0 : i32
      %dma_wait3A_847 = arith.constant 0 : i32
      %dma_wait3A_848 = arith.constant 0 : i32
      %dma_wait3A_849 = arith.constant 0 : i32
      %dma_wait3A_850 = tpu.memref_slice %arg9[%dma_wait3A_846, %dma_wait3A_848, %dma_wait3A_849] : memref<4x64x128xf32, #tpu.memory_space<vmem>> -> memref<1x64x128xf32, #tpu.memory_space<vmem>>
      %dma_wait3A_851 = tpu.memref_squeeze %dma_wait3A_850 : memref<1x64x128xf32, #tpu.memory_space<vmem>> -> memref<64x128xf32, #tpu.memory_space<vmem>>
      %dma_wait3A_852 = arith.constant 0 : i32
      %dma_wait3A_853 = arith.constant 0 : i32
      %dma_wait3A_854 = tpu.memref_slice %arg2[%dma_wait3A_852, %dma_wait3A_853] : memref<10000x128xf32, #tpu.memory_space<hbm>> -> memref<64x128xf32, #tpu.memory_space<hbm>>
      %dma_wait3A_855 = tpu.memref_slice %arg11[%dma_wait3A_847] : memref<4x!tpu.dma_semaphore, #tpu.memory_space<semaphore_mem>> -> memref<1x!tpu.dma_semaphore, #tpu.memory_space<semaphore_mem>>
      %dma_wait3A_856 = tpu.memref_squeeze %dma_wait3A_855 : memref<1x!tpu.dma_semaphore, #tpu.memory_space<semaphore_mem>> -> memref<!tpu.dma_semaphore, #tpu.memory_space<semaphore_mem>>
      %dma_wait3A_857 = arith.constant 0 : i32
      %dma_wait3A_858 = arith.constant 0 : i32
      %dma_wait3A_859 = tpu.memref_slice %arg9[%dma_wait3A_846, %dma_wait3A_857, %dma_wait3A_858] : memref<4x64x128xf32, #tpu.memory_space<vmem>> -> memref<1x64x128xf32, #tpu.memory_space<vmem>>
      %dma_wait3A_860 = tpu.memref_squeeze %dma_wait3A_859 : memref<1x64x128xf32, #tpu.memory_space<vmem>> -> memref<64x128xf32, #tpu.memory_space<vmem>>
      %dma_wait3A_861 = arith.constant 0 : i32
      %dma_wait3A_862 = arith.constant 0 : i32
      %dma_wait3A_863 = tpu.memref_slice %arg2[%dma_wait3A_861, %dma_wait3A_862] : memref<10000x128xf32, #tpu.memory_space<hbm>> -> memref<64x128xf32, #tpu.memory_space<hbm>>
      tpu.wait_dma2 semaphore(%dma_wait3A_856 : memref<!tpu.dma_semaphore, #tpu.memory_space<semaphore_mem>>) src(%dma_wait3A_863 : memref<64x128xf32, #tpu.memory_space<hbm>>) dst(%dma_wait3A_860 : memref<64x128xf32, #tpu.memory_space<vmem>>)
      %dma_start3A_864 = arith.constant 0 : i32
      %dma_start3A_865 = arith.constant 0 : i32
      %dma_start3A_866 = arith.constant 0 : i32
      %dma_start3A_867 = arith.constant 0 : i32
      %dma_start3A_868 = tpu.memref_slice %arg9[%dma_start3A_864, %dma_start3A_866, %dma_start3A_867] : memref<4x64x128xf32, #tpu.memory_space<vmem>> -> memref<1x64x128xf32, #tpu.memory_space<vmem>>
      %dma_start3A_869 = tpu.memref_squeeze %dma_start3A_868 : memref<1x64x128xf32, #tpu.memory_space<vmem>> -> memref<64x128xf32, #tpu.memory_space<vmem>>
      %dma_start3A_870 = arith.constant 0 : i32
      %dma_start3A_871 = tpu.memref_slice %arg8[%add3A_845, %dma_start3A_870] : memref<40x64xi32, #tpu.memory_space<vmem>> -> memref<1x64xi32, #tpu.memory_space<vmem>>
      %dma_start3A_872 = tpu.memref_squeeze %dma_start3A_871 : memref<1x64xi32, #tpu.memory_space<vmem>> -> memref<64xi32, #tpu.memory_space<vmem>>
      %dma_start3A_873 = arith.constant 0 : i32
      %dma_start3A_874 = arith.constant 0 : i32
      %dma_start3A_875 = tpu.memref_slice %arg10[%dma_start3A_873, %dma_start3A_874] : memref<10240x128xf32, #tpu.memory_space<vmem_shared>> -> memref<10240x128xf32, #tpu.memory_space<vmem_shared>>
      %dma_start3A_876 = tpu.memref_slice %arg12[%dma_start3A_865] : memref<4x!tpu.dma_semaphore, #tpu.memory_space<semaphore_mem>> -> memref<1x!tpu.dma_semaphore, #tpu.memory_space<semaphore_mem>>
      %dma_start3A_877 = tpu.memref_squeeze %dma_start3A_876 : memref<1x!tpu.dma_semaphore, #tpu.memory_space<semaphore_mem>> -> memref<!tpu.dma_semaphore, #tpu.memory_space<semaphore_mem>>
      tpu.enqueue_indirect_dma source(%dma_start3A_869 : memref<64x128xf32, #tpu.memory_space<vmem>>) target(%dma_start3A_875 : memref<10240x128xf32, #tpu.memory_space<vmem_shared>>) offsets(%dma_start3A_872 : memref<64xi32, #tpu.memory_space<vmem>>) semaphore(%dma_start3A_877 : memref<!tpu.dma_semaphore, #tpu.memory_space<semaphore_mem>>) {add = true}
      %ge3A = arith.constant 1 : i32
      %ge3A_878 = arith.cmpi sge, %add3A_845, %ge3A : i32
      %convert_element_type3A = arith.extui %ge3A_878 : i1 to i32
      %cond3A = arith.constant 0 : i32
      %cond3A_879 = arith.cmpi ne, %convert_element_type3A, %cond3A : i32
      scf.if %cond3A_879 {
        %dma_wait3A_1037 = arith.constant 3 : i32
        %dma_wait3A_1038 = arith.constant 3 : i32
        %dma_wait3A_1039 = arith.constant 0 : i32
        %dma_wait3A_1040 = arith.constant 0 : i32
        %dma_wait3A_1041 = tpu.memref_slice %arg9[%dma_wait3A_1037, %dma_wait3A_1039, %dma_wait3A_1040] : memref<4x64x128xf32, #tpu.memory_space<vmem>> -> memref<1x64x128xf32, #tpu.memory_space<vmem>>
        %dma_wait3A_1042 = tpu.memref_squeeze %dma_wait3A_1041 : memref<1x64x128xf32, #tpu.memory_space<vmem>> -> memref<64x128xf32, #tpu.memory_space<vmem>>
        %dma_wait3A_1043 = arith.constant 0 : i32
        %dma_wait3A_1044 = arith.constant 0 : i32
        %dma_wait3A_1045 = tpu.memref_slice %arg2[%dma_wait3A_1043, %dma_wait3A_1044] : memref<10000x128xf32, #tpu.memory_space<hbm>> -> memref<64x128xf32, #tpu.memory_space<hbm>>
        %dma_wait3A_1046 = tpu.memref_slice %arg12[%dma_wait3A_1038] : memref<4x!tpu.dma_semaphore, #tpu.memory_space<semaphore_mem>> -> memref<1x!tpu.dma_semaphore, #tpu.memory_space<semaphore_mem>>
        %dma_wait3A_1047 = tpu.memref_squeeze %dma_wait3A_1046 : memref<1x!tpu.dma_semaphore, #tpu.memory_space<semaphore_mem>> -> memref<!tpu.dma_semaphore, #tpu.memory_space<semaphore_mem>>
        %dma_wait3A_1048 = arith.constant 0 : i32
        %dma_wait3A_1049 = arith.constant 0 : i32
        %dma_wait3A_1050 = tpu.memref_slice %arg9[%dma_wait3A_1037, %dma_wait3A_1048, %dma_wait3A_1049] : memref<4x64x128xf32, #tpu.memory_space<vmem>> -> memref<1x64x128xf32, #tpu.memory_space<vmem>>
        %dma_wait3A_1051 = tpu.memref_squeeze %dma_wait3A_1050 : memref<1x64x128xf32, #tpu.memory_space<vmem>> -> memref<64x128xf32, #tpu.memory_space<vmem>>
        %dma_wait3A_1052 = arith.constant 0 : i32
        %dma_wait3A_1053 = arith.constant 0 : i32
        %dma_wait3A_1054 = tpu.memref_slice %arg2[%dma_wait3A_1052, %dma_wait3A_1053] : memref<10000x128xf32, #tpu.memory_space<hbm>> -> memref<64x128xf32, #tpu.memory_space<hbm>>
        tpu.wait_dma2 semaphore(%dma_wait3A_1047 : memref<!tpu.dma_semaphore, #tpu.memory_space<semaphore_mem>>) src(%dma_wait3A_1054 : memref<64x128xf32, #tpu.memory_space<hbm>>) dst(%dma_wait3A_1051 : memref<64x128xf32, #tpu.memory_space<vmem>>)
      } else {
      }
      %add3A_880 = arith.constant 4 : i32
      %add3A_881 = arith.addi %add3A_845, %add3A_880 : i32
      %sub3A = arith.constant 1 : i32
      %sub3A_882 = arith.subi %add3A_881, %sub3A : i32
      %lt3A = arith.constant 40 : i32
      %lt3A_883 = arith.cmpi slt, %sub3A_882, %lt3A : i32
      %convert_element_type3A_884 = arith.extui %lt3A_883 : i1 to i32
      %cond3A_885 = arith.constant 0 : i32
      %cond3A_886 = arith.cmpi ne, %convert_element_type3A_884, %cond3A_885 : i32
      scf.if %cond3A_886 {
        %add3A_1037 = arith.constant 4 : i32
        %add3A_1038 = arith.addi %add3A_845, %add3A_1037 : i32
        %sub3A_1039 = arith.constant 1 : i32
        %sub3A_1040 = arith.subi %add3A_1038, %sub3A_1039 : i32
        %dma_start3A_1041 = arith.constant 3 : i32
        %dma_start3A_1042 = arith.constant 3 : i32
        %dma_start3A_1043 = arith.constant 0 : i32
        %dma_start3A_1044 = arith.constant 0 : i32
        %dma_start3A_1045 = tpu.memref_slice %arg9[%dma_start3A_1041, %dma_start3A_1043, %dma_start3A_1044] : memref<4x64x128xf32, #tpu.memory_space<vmem>> -> memref<1x16x128xf32, #tpu.memory_space<vmem>>
        %dma_start3A_1046 = tpu.memref_squeeze %dma_start3A_1045 : memref<1x16x128xf32, #tpu.memory_space<vmem>> -> memref<16x128xf32, #tpu.memory_space<vmem>>
        %dma_start3A_1047 = arith.constant 0 : i32
        %dma_start3A_1048 = tpu.memref_slice %arg7[%sub3A_1040, %dma_start3A_1047] : memref<40x64xi32, #tpu.memory_space<vmem>> -> memref<1x16xi32, #tpu.memory_space<vmem>>
        %dma_start3A_1049 = tpu.memref_squeeze %dma_start3A_1048 : memref<1x16xi32, #tpu.memory_space<vmem>> -> memref<16xi32, #tpu.memory_space<vmem>>
        %dma_start3A_1050 = arith.constant 0 : i32
        %dma_start3A_1051 = arith.constant 0 : i32
        %dma_start3A_1052 = tpu.memref_slice %arg2[%dma_start3A_1050, %dma_start3A_1051] : memref<10000x128xf32, #tpu.memory_space<hbm>> -> memref<10000x128xf32, #tpu.memory_space<hbm>>
        %dma_start3A_1053 = tpu.memref_slice %arg11[%dma_start3A_1042] : memref<4x!tpu.dma_semaphore, #tpu.memory_space<semaphore_mem>> -> memref<1x!tpu.dma_semaphore, #tpu.memory_space<semaphore_mem>>
        %dma_start3A_1054 = tpu.memref_squeeze %dma_start3A_1053 : memref<1x!tpu.dma_semaphore, #tpu.memory_space<semaphore_mem>> -> memref<!tpu.dma_semaphore, #tpu.memory_space<semaphore_mem>>
        tpu.enqueue_indirect_dma source(%dma_start3A_1052 : memref<10000x128xf32, #tpu.memory_space<hbm>>) target(%dma_start3A_1046 : memref<16x128xf32, #tpu.memory_space<vmem>>) offsets(%dma_start3A_1049 : memref<16xi32, #tpu.memory_space<vmem>>) semaphore(%dma_start3A_1054 : memref<!tpu.dma_semaphore, #tpu.memory_space<semaphore_mem>>)
        %dma_start3A_1055 = arith.constant 3 : i32
        %dma_start3A_1056 = arith.constant 3 : i32
        %dma_start3A_1057 = arith.constant 16 : i32
        %dma_start3A_1058 = arith.constant 0 : i32
        %dma_start3A_1059 = tpu.memref_slice %arg9[%dma_start3A_1055, %dma_start3A_1057, %dma_start3A_1058] : memref<4x64x128xf32, #tpu.memory_space<vmem>> -> memref<1x16x128xf32, #tpu.memory_space<vmem>>
        %dma_start3A_1060 = tpu.memref_squeeze %dma_start3A_1059 : memref<1x16x128xf32, #tpu.memory_space<vmem>> -> memref<16x128xf32, #tpu.memory_space<vmem>>
        %dma_start3A_1061 = arith.constant 16 : i32
        %dma_start3A_1062 = tpu.memref_slice %arg7[%sub3A_1040, %dma_start3A_1061] : memref<40x64xi32, #tpu.memory_space<vmem>> -> memref<1x16xi32, #tpu.memory_space<vmem>>
        %dma_start3A_1063 = tpu.memref_squeeze %dma_start3A_1062 : memref<1x16xi32, #tpu.memory_space<vmem>> -> memref<16xi32, #tpu.memory_space<vmem>>
        %dma_start3A_1064 = arith.constant 0 : i32
        %dma_start3A_1065 = arith.constant 0 : i32
        %dma_start3A_1066 = tpu.memref_slice %arg2[%dma_start3A_1064, %dma_start3A_1065] : memref<10000x128xf32, #tpu.memory_space<hbm>> -> memref<10000x128xf32, #tpu.memory_space<hbm>>
        %dma_start3A_1067 = tpu.memref_slice %arg11[%dma_start3A_1056] : memref<4x!tpu.dma_semaphore, #tpu.memory_space<semaphore_mem>> -> memref<1x!tpu.dma_semaphore, #tpu.memory_space<semaphore_mem>>
        %dma_start3A_1068 = tpu.memref_squeeze %dma_start3A_1067 : memref<1x!tpu.dma_semaphore, #tpu.memory_space<semaphore_mem>> -> memref<!tpu.dma_semaphore, #tpu.memory_space<semaphore_mem>>
        tpu.enqueue_indirect_dma source(%dma_start3A_1066 : memref<10000x128xf32, #tpu.memory_space<hbm>>) target(%dma_start3A_1060 : memref<16x128xf32, #tpu.memory_space<vmem>>) offsets(%dma_start3A_1063 : memref<16xi32, #tpu.memory_space<vmem>>) semaphore(%dma_start3A_1068 : memref<!tpu.dma_semaphore, #tpu.memory_space<semaphore_mem>>)
        %dma_start3A_1069 = arith.constant 3 : i32
        %dma_start3A_1070 = arith.constant 3 : i32
        %dma_start3A_1071 = arith.constant 32 : i32
        %dma_start3A_1072 = arith.constant 0 : i32
        %dma_start3A_1073 = tpu.memref_slice %arg9[%dma_start3A_1069, %dma_start3A_1071, %dma_start3A_1072] : memref<4x64x128xf32, #tpu.memory_space<vmem>> -> memref<1x16x128xf32, #tpu.memory_space<vmem>>
        %dma_start3A_1074 = tpu.memref_squeeze %dma_start3A_1073 : memref<1x16x128xf32, #tpu.memory_space<vmem>> -> memref<16x128xf32, #tpu.memory_space<vmem>>
        %dma_start3A_1075 = arith.constant 32 : i32
        %dma_start3A_1076 = tpu.memref_slice %arg7[%sub3A_1040, %dma_start3A_1075] : memref<40x64xi32, #tpu.memory_space<vmem>> -> memref<1x16xi32, #tpu.memory_space<vmem>>
        %dma_start3A_1077 = tpu.memref_squeeze %dma_start3A_1076 : memref<1x16xi32, #tpu.memory_space<vmem>> -> memref<16xi32, #tpu.memory_space<vmem>>
        %dma_start3A_1078 = arith.constant 0 : i32
        %dma_start3A_1079 = arith.constant 0 : i32
        %dma_start3A_1080 = tpu.memref_slice %arg2[%dma_start3A_1078, %dma_start3A_1079] : memref<10000x128xf32, #tpu.memory_space<hbm>> -> memref<10000x128xf32, #tpu.memory_space<hbm>>
        %dma_start3A_1081 = tpu.memref_slice %arg11[%dma_start3A_1070] : memref<4x!tpu.dma_semaphore, #tpu.memory_space<semaphore_mem>> -> memref<1x!tpu.dma_semaphore, #tpu.memory_space<semaphore_mem>>
        %dma_start3A_1082 = tpu.memref_squeeze %dma_start3A_1081 : memref<1x!tpu.dma_semaphore, #tpu.memory_space<semaphore_mem>> -> memref<!tpu.dma_semaphore, #tpu.memory_space<semaphore_mem>>
        tpu.enqueue_indirect_dma source(%dma_start3A_1080 : memref<10000x128xf32, #tpu.memory_space<hbm>>) target(%dma_start3A_1074 : memref<16x128xf32, #tpu.memory_space<vmem>>) offsets(%dma_start3A_1077 : memref<16xi32, #tpu.memory_space<vmem>>) semaphore(%dma_start3A_1082 : memref<!tpu.dma_semaphore, #tpu.memory_space<semaphore_mem>>)
        %dma_start3A_1083 = arith.constant 3 : i32
        %dma_start3A_1084 = arith.constant 3 : i32
        %dma_start3A_1085 = arith.constant 48 : i32
        %dma_start3A_1086 = arith.constant 0 : i32
        %dma_start3A_1087 = tpu.memref_slice %arg9[%dma_start3A_1083, %dma_start3A_1085, %dma_start3A_1086] : memref<4x64x128xf32, #tpu.memory_space<vmem>> -> memref<1x16x128xf32, #tpu.memory_space<vmem>>
        %dma_start3A_1088 = tpu.memref_squeeze %dma_start3A_1087 : memref<1x16x128xf32, #tpu.memory_space<vmem>> -> memref<16x128xf32, #tpu.memory_space<vmem>>
        %dma_start3A_1089 = arith.constant 48 : i32
        %dma_start3A_1090 = tpu.memref_slice %arg7[%sub3A_1040, %dma_start3A_1089] : memref<40x64xi32, #tpu.memory_space<vmem>> -> memref<1x16xi32, #tpu.memory_space<vmem>>
        %dma_start3A_1091 = tpu.memref_squeeze %dma_start3A_1090 : memref<1x16xi32, #tpu.memory_space<vmem>> -> memref<16xi32, #tpu.memory_space<vmem>>
        %dma_start3A_1092 = arith.constant 0 : i32
        %dma_start3A_1093 = arith.constant 0 : i32
        %dma_start3A_1094 = tpu.memref_slice %arg2[%dma_start3A_1092, %dma_start3A_1093] : memref<10000x128xf32, #tpu.memory_space<hbm>> -> memref<10000x128xf32, #tpu.memory_space<hbm>>
        %dma_start3A_1095 = tpu.memref_slice %arg11[%dma_start3A_1084] : memref<4x!tpu.dma_semaphore, #tpu.memory_space<semaphore_mem>> -> memref<1x!tpu.dma_semaphore, #tpu.memory_space<semaphore_mem>>
        %dma_start3A_1096 = tpu.memref_squeeze %dma_start3A_1095 : memref<1x!tpu.dma_semaphore, #tpu.memory_space<semaphore_mem>> -> memref<!tpu.dma_semaphore, #tpu.memory_space<semaphore_mem>>
        tpu.enqueue_indirect_dma source(%dma_start3A_1094 : memref<10000x128xf32, #tpu.memory_space<hbm>>) target(%dma_start3A_1088 : memref<16x128xf32, #tpu.memory_space<vmem>>) offsets(%dma_start3A_1091 : memref<16xi32, #tpu.memory_space<vmem>>) semaphore(%dma_start3A_1096 : memref<!tpu.dma_semaphore, #tpu.memory_space<semaphore_mem>>)
      } else {
      }
      %mul3A_887 = arith.constant 4 : i32
      %mul3A_888 = arith.muli %scan3A_841, %mul3A_887 : i32
      %add3A_889 = arith.constant 1 : i32
      %add3A_890 = arith.addi %mul3A_888, %add3A_889 : i32
      %dma_wait3A_891 = arith.constant 1 : i32
      %dma_wait3A_892 = arith.constant 1 : i32
      %dma_wait3A_893 = arith.constant 0 : i32
      %dma_wait3A_894 = arith.constant 0 : i32
      %dma_wait3A_895 = tpu.memref_slice %arg9[%dma_wait3A_891, %dma_wait3A_893, %dma_wait3A_894] : memref<4x64x128xf32, #tpu.memory_space<vmem>> -> memref<1x64x128xf32, #tpu.memory_space<vmem>>
      %dma_wait3A_896 = tpu.memref_squeeze %dma_wait3A_895 : memref<1x64x128xf32, #tpu.memory_space<vmem>> -> memref<64x128xf32, #tpu.memory_space<vmem>>
      %dma_wait3A_897 = arith.constant 0 : i32
      %dma_wait3A_898 = arith.constant 0 : i32
      %dma_wait3A_899 = tpu.memref_slice %arg2[%dma_wait3A_897, %dma_wait3A_898] : memref<10000x128xf32, #tpu.memory_space<hbm>> -> memref<64x128xf32, #tpu.memory_space<hbm>>
      %dma_wait3A_900 = tpu.memref_slice %arg11[%dma_wait3A_892] : memref<4x!tpu.dma_semaphore, #tpu.memory_space<semaphore_mem>> -> memref<1x!tpu.dma_semaphore, #tpu.memory_space<semaphore_mem>>
      %dma_wait3A_901 = tpu.memref_squeeze %dma_wait3A_900 : memref<1x!tpu.dma_semaphore, #tpu.memory_space<semaphore_mem>> -> memref<!tpu.dma_semaphore, #tpu.memory_space<semaphore_mem>>
      %dma_wait3A_902 = arith.constant 0 : i32
      %dma_wait3A_903 = arith.constant 0 : i32
      %dma_wait3A_904 = tpu.memref_slice %arg9[%dma_wait3A_891, %dma_wait3A_902, %dma_wait3A_903] : memref<4x64x128xf32, #tpu.memory_space<vmem>> -> memref<1x64x128xf32, #tpu.memory_space<vmem>>
      %dma_wait3A_905 = tpu.memref_squeeze %dma_wait3A_904 : memref<1x64x128xf32, #tpu.memory_space<vmem>> -> memref<64x128xf32, #tpu.memory_space<vmem>>
      %dma_wait3A_906 = arith.constant 0 : i32
      %dma_wait3A_907 = arith.constant 0 : i32
      %dma_wait3A_908 = tpu.memref_slice %arg2[%dma_wait3A_906, %dma_wait3A_907] : memref<10000x128xf32, #tpu.memory_space<hbm>> -> memref<64x128xf32, #tpu.memory_space<hbm>>
      tpu.wait_dma2 semaphore(%dma_wait3A_901 : memref<!tpu.dma_semaphore, #tpu.memory_space<semaphore_mem>>) src(%dma_wait3A_908 : memref<64x128xf32, #tpu.memory_space<hbm>>) dst(%dma_wait3A_905 : memref<64x128xf32, #tpu.memory_space<vmem>>)
      %dma_start3A_909 = arith.constant 1 : i32
      %dma_start3A_910 = arith.constant 1 : i32
      %dma_start3A_911 = arith.constant 0 : i32
      %dma_start3A_912 = arith.constant 0 : i32
      %dma_start3A_913 = tpu.memref_slice %arg9[%dma_start3A_909, %dma_start3A_911, %dma_start3A_912] : memref<4x64x128xf32, #tpu.memory_space<vmem>> -> memref<1x64x128xf32, #tpu.memory_space<vmem>>
      %dma_start3A_914 = tpu.memref_squeeze %dma_start3A_913 : memref<1x64x128xf32, #tpu.memory_space<vmem>> -> memref<64x128xf32, #tpu.memory_space<vmem>>
      %dma_start3A_915 = arith.constant 0 : i32
      %dma_start3A_916 = tpu.memref_slice %arg8[%add3A_890, %dma_start3A_915] : memref<40x64xi32, #tpu.memory_space<vmem>> -> memref<1x64xi32, #tpu.memory_space<vmem>>
      %dma_start3A_917 = tpu.memref_squeeze %dma_start3A_916 : memref<1x64xi32, #tpu.memory_space<vmem>> -> memref<64xi32, #tpu.memory_space<vmem>>
      %dma_start3A_918 = arith.constant 0 : i32
      %dma_start3A_919 = arith.constant 0 : i32
      %dma_start3A_920 = tpu.memref_slice %arg10[%dma_start3A_918, %dma_start3A_919] : memref<10240x128xf32, #tpu.memory_space<vmem_shared>> -> memref<10240x128xf32, #tpu.memory_space<vmem_shared>>
      %dma_start3A_921 = tpu.memref_slice %arg12[%dma_start3A_910] : memref<4x!tpu.dma_semaphore, #tpu.memory_space<semaphore_mem>> -> memref<1x!tpu.dma_semaphore, #tpu.memory_space<semaphore_mem>>
      %dma_start3A_922 = tpu.memref_squeeze %dma_start3A_921 : memref<1x!tpu.dma_semaphore, #tpu.memory_space<semaphore_mem>> -> memref<!tpu.dma_semaphore, #tpu.memory_space<semaphore_mem>>
      tpu.enqueue_indirect_dma source(%dma_start3A_914 : memref<64x128xf32, #tpu.memory_space<vmem>>) target(%dma_start3A_920 : memref<10240x128xf32, #tpu.memory_space<vmem_shared>>) offsets(%dma_start3A_917 : memref<64xi32, #tpu.memory_space<vmem>>) semaphore(%dma_start3A_922 : memref<!tpu.dma_semaphore, #tpu.memory_space<semaphore_mem>>) {add = true}
      %ge3A_923 = arith.constant 1 : i32
      %ge3A_924 = arith.cmpi sge, %add3A_890, %ge3A_923 : i32
      %convert_element_type3A_925 = arith.extui %ge3A_924 : i1 to i32
      %cond3A_926 = arith.constant 0 : i32
      %cond3A_927 = arith.cmpi ne, %convert_element_type3A_925, %cond3A_926 : i32
      scf.if %cond3A_927 {
        %dma_wait3A_1037 = arith.constant 0 : i32
        %dma_wait3A_1038 = arith.constant 0 : i32
        %dma_wait3A_1039 = arith.constant 0 : i32
        %dma_wait3A_1040 = arith.constant 0 : i32
        %dma_wait3A_1041 = tpu.memref_slice %arg9[%dma_wait3A_1037, %dma_wait3A_1039, %dma_wait3A_1040] : memref<4x64x128xf32, #tpu.memory_space<vmem>> -> memref<1x64x128xf32, #tpu.memory_space<vmem>>
        %dma_wait3A_1042 = tpu.memref_squeeze %dma_wait3A_1041 : memref<1x64x128xf32, #tpu.memory_space<vmem>> -> memref<64x128xf32, #tpu.memory_space<vmem>>
        %dma_wait3A_1043 = arith.constant 0 : i32
        %dma_wait3A_1044 = arith.constant 0 : i32
        %dma_wait3A_1045 = tpu.memref_slice %arg2[%dma_wait3A_1043, %dma_wait3A_1044] : memref<10000x128xf32, #tpu.memory_space<hbm>> -> memref<64x128xf32, #tpu.memory_space<hbm>>
        %dma_wait3A_1046 = tpu.memref_slice %arg12[%dma_wait3A_1038] : memref<4x!tpu.dma_semaphore, #tpu.memory_space<semaphore_mem>> -> memref<1x!tpu.dma_semaphore, #tpu.memory_space<semaphore_mem>>
        %dma_wait3A_1047 = tpu.memref_squeeze %dma_wait3A_1046 : memref<1x!tpu.dma_semaphore, #tpu.memory_space<semaphore_mem>> -> memref<!tpu.dma_semaphore, #tpu.memory_space<semaphore_mem>>
        %dma_wait3A_1048 = arith.constant 0 : i32
        %dma_wait3A_1049 = arith.constant 0 : i32
        %dma_wait3A_1050 = tpu.memref_slice %arg9[%dma_wait3A_1037, %dma_wait3A_1048, %dma_wait3A_1049] : memref<4x64x128xf32, #tpu.memory_space<vmem>> -> memref<1x64x128xf32, #tpu.memory_space<vmem>>
        %dma_wait3A_1051 = tpu.memref_squeeze %dma_wait3A_1050 : memref<1x64x128xf32, #tpu.memory_space<vmem>> -> memref<64x128xf32, #tpu.memory_space<vmem>>
        %dma_wait3A_1052 = arith.constant 0 : i32
        %dma_wait3A_1053 = arith.constant 0 : i32
        %dma_wait3A_1054 = tpu.memref_slice %arg2[%dma_wait3A_1052, %dma_wait3A_1053] : memref<10000x128xf32, #tpu.memory_space<hbm>> -> memref<64x128xf32, #tpu.memory_space<hbm>>
        tpu.wait_dma2 semaphore(%dma_wait3A_1047 : memref<!tpu.dma_semaphore, #tpu.memory_space<semaphore_mem>>) src(%dma_wait3A_1054 : memref<64x128xf32, #tpu.memory_space<hbm>>) dst(%dma_wait3A_1051 : memref<64x128xf32, #tpu.memory_space<vmem>>)
      } else {
      }
      %add3A_928 = arith.constant 4 : i32
      %add3A_929 = arith.addi %add3A_890, %add3A_928 : i32
      %sub3A_930 = arith.constant 1 : i32
      %sub3A_931 = arith.subi %add3A_929, %sub3A_930 : i32
      %lt3A_932 = arith.constant 40 : i32
      %lt3A_933 = arith.cmpi slt, %sub3A_931, %lt3A_932 : i32
      %convert_element_type3A_934 = arith.extui %lt3A_933 : i1 to i32
      %cond3A_935 = arith.constant 0 : i32
      %cond3A_936 = arith.cmpi ne, %convert_element_type3A_934, %cond3A_935 : i32
      scf.if %cond3A_936 {
        %add3A_1037 = arith.constant 4 : i32
        %add3A_1038 = arith.addi %add3A_890, %add3A_1037 : i32
        %sub3A_1039 = arith.constant 1 : i32
        %sub3A_1040 = arith.subi %add3A_1038, %sub3A_1039 : i32
        %dma_start3A_1041 = arith.constant 0 : i32
        %dma_start3A_1042 = arith.constant 0 : i32
        %dma_start3A_1043 = arith.constant 0 : i32
        %dma_start3A_1044 = arith.constant 0 : i32
        %dma_start3A_1045 = tpu.memref_slice %arg9[%dma_start3A_1041, %dma_start3A_1043, %dma_start3A_1044] : memref<4x64x128xf32, #tpu.memory_space<vmem>> -> memref<1x16x128xf32, #tpu.memory_space<vmem>>
        %dma_start3A_1046 = tpu.memref_squeeze %dma_start3A_1045 : memref<1x16x128xf32, #tpu.memory_space<vmem>> -> memref<16x128xf32, #tpu.memory_space<vmem>>
        %dma_start3A_1047 = arith.constant 0 : i32
        %dma_start3A_1048 = tpu.memref_slice %arg7[%sub3A_1040, %dma_start3A_1047] : memref<40x64xi32, #tpu.memory_space<vmem>> -> memref<1x16xi32, #tpu.memory_space<vmem>>
        %dma_start3A_1049 = tpu.memref_squeeze %dma_start3A_1048 : memref<1x16xi32, #tpu.memory_space<vmem>> -> memref<16xi32, #tpu.memory_space<vmem>>
        %dma_start3A_1050 = arith.constant 0 : i32
        %dma_start3A_1051 = arith.constant 0 : i32
        %dma_start3A_1052 = tpu.memref_slice %arg2[%dma_start3A_1050, %dma_start3A_1051] : memref<10000x128xf32, #tpu.memory_space<hbm>> -> memref<10000x128xf32, #tpu.memory_space<hbm>>
        %dma_start3A_1053 = tpu.memref_slice %arg11[%dma_start3A_1042] : memref<4x!tpu.dma_semaphore, #tpu.memory_space<semaphore_mem>> -> memref<1x!tpu.dma_semaphore, #tpu.memory_space<semaphore_mem>>
        %dma_start3A_1054 = tpu.memref_squeeze %dma_start3A_1053 : memref<1x!tpu.dma_semaphore, #tpu.memory_space<semaphore_mem>> -> memref<!tpu.dma_semaphore, #tpu.memory_space<semaphore_mem>>
        tpu.enqueue_indirect_dma source(%dma_start3A_1052 : memref<10000x128xf32, #tpu.memory_space<hbm>>) target(%dma_start3A_1046 : memref<16x128xf32, #tpu.memory_space<vmem>>) offsets(%dma_start3A_1049 : memref<16xi32, #tpu.memory_space<vmem>>) semaphore(%dma_start3A_1054 : memref<!tpu.dma_semaphore, #tpu.memory_space<semaphore_mem>>)
        %dma_start3A_1055 = arith.constant 0 : i32
        %dma_start3A_1056 = arith.constant 0 : i32
        %dma_start3A_1057 = arith.constant 16 : i32
        %dma_start3A_1058 = arith.constant 0 : i32
        %dma_start3A_1059 = tpu.memref_slice %arg9[%dma_start3A_1055, %dma_start3A_1057, %dma_start3A_1058] : memref<4x64x128xf32, #tpu.memory_space<vmem>> -> memref<1x16x128xf32, #tpu.memory_space<vmem>>
        %dma_start3A_1060 = tpu.memref_squeeze %dma_start3A_1059 : memref<1x16x128xf32, #tpu.memory_space<vmem>> -> memref<16x128xf32, #tpu.memory_space<vmem>>
        %dma_start3A_1061 = arith.constant 16 : i32
        %dma_start3A_1062 = tpu.memref_slice %arg7[%sub3A_1040, %dma_start3A_1061] : memref<40x64xi32, #tpu.memory_space<vmem>> -> memref<1x16xi32, #tpu.memory_space<vmem>>
        %dma_start3A_1063 = tpu.memref_squeeze %dma_start3A_1062 : memref<1x16xi32, #tpu.memory_space<vmem>> -> memref<16xi32, #tpu.memory_space<vmem>>
        %dma_start3A_1064 = arith.constant 0 : i32
        %dma_start3A_1065 = arith.constant 0 : i32
        %dma_start3A_1066 = tpu.memref_slice %arg2[%dma_start3A_1064, %dma_start3A_1065] : memref<10000x128xf32, #tpu.memory_space<hbm>> -> memref<10000x128xf32, #tpu.memory_space<hbm>>
        %dma_start3A_1067 = tpu.memref_slice %arg11[%dma_start3A_1056] : memref<4x!tpu.dma_semaphore, #tpu.memory_space<semaphore_mem>> -> memref<1x!tpu.dma_semaphore, #tpu.memory_space<semaphore_mem>>
        %dma_start3A_1068 = tpu.memref_squeeze %dma_start3A_1067 : memref<1x!tpu.dma_semaphore, #tpu.memory_space<semaphore_mem>> -> memref<!tpu.dma_semaphore, #tpu.memory_space<semaphore_mem>>
        tpu.enqueue_indirect_dma source(%dma_start3A_1066 : memref<10000x128xf32, #tpu.memory_space<hbm>>) target(%dma_start3A_1060 : memref<16x128xf32, #tpu.memory_space<vmem>>) offsets(%dma_start3A_1063 : memref<16xi32, #tpu.memory_space<vmem>>) semaphore(%dma_start3A_1068 : memref<!tpu.dma_semaphore, #tpu.memory_space<semaphore_mem>>)
        %dma_start3A_1069 = arith.constant 0 : i32
        %dma_start3A_1070 = arith.constant 0 : i32
        %dma_start3A_1071 = arith.constant 32 : i32
        %dma_start3A_1072 = arith.constant 0 : i32
        %dma_start3A_1073 = tpu.memref_slice %arg9[%dma_start3A_1069, %dma_start3A_1071, %dma_start3A_1072] : memref<4x64x128xf32, #tpu.memory_space<vmem>> -> memref<1x16x128xf32, #tpu.memory_space<vmem>>
        %dma_start3A_1074 = tpu.memref_squeeze %dma_start3A_1073 : memref<1x16x128xf32, #tpu.memory_space<vmem>> -> memref<16x128xf32, #tpu.memory_space<vmem>>
        %dma_start3A_1075 = arith.constant 32 : i32
        %dma_start3A_1076 = tpu.memref_slice %arg7[%sub3A_1040, %dma_start3A_1075] : memref<40x64xi32, #tpu.memory_space<vmem>> -> memref<1x16xi32, #tpu.memory_space<vmem>>
        %dma_start3A_1077 = tpu.memref_squeeze %dma_start3A_1076 : memref<1x16xi32, #tpu.memory_space<vmem>> -> memref<16xi32, #tpu.memory_space<vmem>>
        %dma_start3A_1078 = arith.constant 0 : i32
        %dma_start3A_1079 = arith.constant 0 : i32
        %dma_start3A_1080 = tpu.memref_slice %arg2[%dma_start3A_1078, %dma_start3A_1079] : memref<10000x128xf32, #tpu.memory_space<hbm>> -> memref<10000x128xf32, #tpu.memory_space<hbm>>
        %dma_start3A_1081 = tpu.memref_slice %arg11[%dma_start3A_1070] : memref<4x!tpu.dma_semaphore, #tpu.memory_space<semaphore_mem>> -> memref<1x!tpu.dma_semaphore, #tpu.memory_space<semaphore_mem>>
        %dma_start3A_1082 = tpu.memref_squeeze %dma_start3A_1081 : memref<1x!tpu.dma_semaphore, #tpu.memory_space<semaphore_mem>> -> memref<!tpu.dma_semaphore, #tpu.memory_space<semaphore_mem>>
        tpu.enqueue_indirect_dma source(%dma_start3A_1080 : memref<10000x128xf32, #tpu.memory_space<hbm>>) target(%dma_start3A_1074 : memref<16x128xf32, #tpu.memory_space<vmem>>) offsets(%dma_start3A_1077 : memref<16xi32, #tpu.memory_space<vmem>>) semaphore(%dma_start3A_1082 : memref<!tpu.dma_semaphore, #tpu.memory_space<semaphore_mem>>)
        %dma_start3A_1083 = arith.constant 0 : i32
        %dma_start3A_1084 = arith.constant 0 : i32
        %dma_start3A_1085 = arith.constant 48 : i32
        %dma_start3A_1086 = arith.constant 0 : i32
        %dma_start3A_1087 = tpu.memref_slice %arg9[%dma_start3A_1083, %dma_start3A_1085, %dma_start3A_1086] : memref<4x64x128xf32, #tpu.memory_space<vmem>> -> memref<1x16x128xf32, #tpu.memory_space<vmem>>
        %dma_start3A_1088 = tpu.memref_squeeze %dma_start3A_1087 : memref<1x16x128xf32, #tpu.memory_space<vmem>> -> memref<16x128xf32, #tpu.memory_space<vmem>>
        %dma_start3A_1089 = arith.constant 48 : i32
        %dma_start3A_1090 = tpu.memref_slice %arg7[%sub3A_1040, %dma_start3A_1089] : memref<40x64xi32, #tpu.memory_space<vmem>> -> memref<1x16xi32, #tpu.memory_space<vmem>>
        %dma_start3A_1091 = tpu.memref_squeeze %dma_start3A_1090 : memref<1x16xi32, #tpu.memory_space<vmem>> -> memref<16xi32, #tpu.memory_space<vmem>>
        %dma_start3A_1092 = arith.constant 0 : i32
        %dma_start3A_1093 = arith.constant 0 : i32
        %dma_start3A_1094 = tpu.memref_slice %arg2[%dma_start3A_1092, %dma_start3A_1093] : memref<10000x128xf32, #tpu.memory_space<hbm>> -> memref<10000x128xf32, #tpu.memory_space<hbm>>
        %dma_start3A_1095 = tpu.memref_slice %arg11[%dma_start3A_1084] : memref<4x!tpu.dma_semaphore, #tpu.memory_space<semaphore_mem>> -> memref<1x!tpu.dma_semaphore, #tpu.memory_space<semaphore_mem>>
        %dma_start3A_1096 = tpu.memref_squeeze %dma_start3A_1095 : memref<1x!tpu.dma_semaphore, #tpu.memory_space<semaphore_mem>> -> memref<!tpu.dma_semaphore, #tpu.memory_space<semaphore_mem>>
        tpu.enqueue_indirect_dma source(%dma_start3A_1094 : memref<10000x128xf32, #tpu.memory_space<hbm>>) target(%dma_start3A_1088 : memref<16x128xf32, #tpu.memory_space<vmem>>) offsets(%dma_start3A_1091 : memref<16xi32, #tpu.memory_space<vmem>>) semaphore(%dma_start3A_1096 : memref<!tpu.dma_semaphore, #tpu.memory_space<semaphore_mem>>)
      } else {
      }
      %mul3A_937 = arith.constant 4 : i32
      %mul3A_938 = arith.muli %scan3A_841, %mul3A_937 : i32
      %add3A_939 = arith.constant 2 : i32
      %add3A_940 = arith.addi %mul3A_938, %add3A_939 : i32
      %dma_wait3A_941 = arith.constant 2 : i32
      %dma_wait3A_942 = arith.constant 2 : i32
      %dma_wait3A_943 = arith.constant 0 : i32
      %dma_wait3A_944 = arith.constant 0 : i32
      %dma_wait3A_945 = tpu.memref_slice %arg9[%dma_wait3A_941, %dma_wait3A_943, %dma_wait3A_944] : memref<4x64x128xf32, #tpu.memory_space<vmem>> -> memref<1x64x128xf32, #tpu.memory_space<vmem>>
      %dma_wait3A_946 = tpu.memref_squeeze %dma_wait3A_945 : memref<1x64x128xf32, #tpu.memory_space<vmem>> -> memref<64x128xf32, #tpu.memory_space<vmem>>
      %dma_wait3A_947 = arith.constant 0 : i32
      %dma_wait3A_948 = arith.constant 0 : i32
      %dma_wait3A_949 = tpu.memref_slice %arg2[%dma_wait3A_947, %dma_wait3A_948] : memref<10000x128xf32, #tpu.memory_space<hbm>> -> memref<64x128xf32, #tpu.memory_space<hbm>>
      %dma_wait3A_950 = tpu.memref_slice %arg11[%dma_wait3A_942] : memref<4x!tpu.dma_semaphore, #tpu.memory_space<semaphore_mem>> -> memref<1x!tpu.dma_semaphore, #tpu.memory_space<semaphore_mem>>
      %dma_wait3A_951 = tpu.memref_squeeze %dma_wait3A_950 : memref<1x!tpu.dma_semaphore, #tpu.memory_space<semaphore_mem>> -> memref<!tpu.dma_semaphore, #tpu.memory_space<semaphore_mem>>
      %dma_wait3A_952 = arith.constant 0 : i32
      %dma_wait3A_953 = arith.constant 0 : i32
      %dma_wait3A_954 = tpu.memref_slice %arg9[%dma_wait3A_941, %dma_wait3A_952, %dma_wait3A_953] : memref<4x64x128xf32, #tpu.memory_space<vmem>> -> memref<1x64x128xf32, #tpu.memory_space<vmem>>
      %dma_wait3A_955 = tpu.memref_squeeze %dma_wait3A_954 : memref<1x64x128xf32, #tpu.memory_space<vmem>> -> memref<64x128xf32, #tpu.memory_space<vmem>>
      %dma_wait3A_956 = arith.constant 0 : i32
      %dma_wait3A_957 = arith.constant 0 : i32
      %dma_wait3A_958 = tpu.memref_slice %arg2[%dma_wait3A_956, %dma_wait3A_957] : memref<10000x128xf32, #tpu.memory_space<hbm>> -> memref<64x128xf32, #tpu.memory_space<hbm>>
      tpu.wait_dma2 semaphore(%dma_wait3A_951 : memref<!tpu.dma_semaphore, #tpu.memory_space<semaphore_mem>>) src(%dma_wait3A_958 : memref<64x128xf32, #tpu.memory_space<hbm>>) dst(%dma_wait3A_955 : memref<64x128xf32, #tpu.memory_space<vmem>>)
      %dma_start3A_959 = arith.constant 2 : i32
      %dma_start3A_960 = arith.constant 2 : i32
      %dma_start3A_961 = arith.constant 0 : i32
      %dma_start3A_962 = arith.constant 0 : i32
      %dma_start3A_963 = tpu.memref_slice %arg9[%dma_start3A_959, %dma_start3A_961, %dma_start3A_962] : memref<4x64x128xf32, #tpu.memory_space<vmem>> -> memref<1x64x128xf32, #tpu.memory_space<vmem>>
      %dma_start3A_964 = tpu.memref_squeeze %dma_start3A_963 : memref<1x64x128xf32, #tpu.memory_space<vmem>> -> memref<64x128xf32, #tpu.memory_space<vmem>>
      %dma_start3A_965 = arith.constant 0 : i32
      %dma_start3A_966 = tpu.memref_slice %arg8[%add3A_940, %dma_start3A_965] : memref<40x64xi32, #tpu.memory_space<vmem>> -> memref<1x64xi32, #tpu.memory_space<vmem>>
      %dma_start3A_967 = tpu.memref_squeeze %dma_start3A_966 : memref<1x64xi32, #tpu.memory_space<vmem>> -> memref<64xi32, #tpu.memory_space<vmem>>
      %dma_start3A_968 = arith.constant 0 : i32
      %dma_start3A_969 = arith.constant 0 : i32
      %dma_start3A_970 = tpu.memref_slice %arg10[%dma_start3A_968, %dma_start3A_969] : memref<10240x128xf32, #tpu.memory_space<vmem_shared>> -> memref<10240x128xf32, #tpu.memory_space<vmem_shared>>
      %dma_start3A_971 = tpu.memref_slice %arg12[%dma_start3A_960] : memref<4x!tpu.dma_semaphore, #tpu.memory_space<semaphore_mem>> -> memref<1x!tpu.dma_semaphore, #tpu.memory_space<semaphore_mem>>
      %dma_start3A_972 = tpu.memref_squeeze %dma_start3A_971 : memref<1x!tpu.dma_semaphore, #tpu.memory_space<semaphore_mem>> -> memref<!tpu.dma_semaphore, #tpu.memory_space<semaphore_mem>>
      tpu.enqueue_indirect_dma source(%dma_start3A_964 : memref<64x128xf32, #tpu.memory_space<vmem>>) target(%dma_start3A_970 : memref<10240x128xf32, #tpu.memory_space<vmem_shared>>) offsets(%dma_start3A_967 : memref<64xi32, #tpu.memory_space<vmem>>) semaphore(%dma_start3A_972 : memref<!tpu.dma_semaphore, #tpu.memory_space<semaphore_mem>>) {add = true}
      %ge3A_973 = arith.constant 1 : i32
      %ge3A_974 = arith.cmpi sge, %add3A_940, %ge3A_973 : i32
      %convert_element_type3A_975 = arith.extui %ge3A_974 : i1 to i32
      %cond3A_976 = arith.constant 0 : i32
      %cond3A_977 = arith.cmpi ne, %convert_element_type3A_975, %cond3A_976 : i32
      scf.if %cond3A_977 {
        %dma_wait3A_1037 = arith.constant 1 : i32
        %dma_wait3A_1038 = arith.constant 1 : i32
        %dma_wait3A_1039 = arith.constant 0 : i32
        %dma_wait3A_1040 = arith.constant 0 : i32
        %dma_wait3A_1041 = tpu.memref_slice %arg9[%dma_wait3A_1037, %dma_wait3A_1039, %dma_wait3A_1040] : memref<4x64x128xf32, #tpu.memory_space<vmem>> -> memref<1x64x128xf32, #tpu.memory_space<vmem>>
        %dma_wait3A_1042 = tpu.memref_squeeze %dma_wait3A_1041 : memref<1x64x128xf32, #tpu.memory_space<vmem>> -> memref<64x128xf32, #tpu.memory_space<vmem>>
        %dma_wait3A_1043 = arith.constant 0 : i32
        %dma_wait3A_1044 = arith.constant 0 : i32
        %dma_wait3A_1045 = tpu.memref_slice %arg2[%dma_wait3A_1043, %dma_wait3A_1044] : memref<10000x128xf32, #tpu.memory_space<hbm>> -> memref<64x128xf32, #tpu.memory_space<hbm>>
        %dma_wait3A_1046 = tpu.memref_slice %arg12[%dma_wait3A_1038] : memref<4x!tpu.dma_semaphore, #tpu.memory_space<semaphore_mem>> -> memref<1x!tpu.dma_semaphore, #tpu.memory_space<semaphore_mem>>
        %dma_wait3A_1047 = tpu.memref_squeeze %dma_wait3A_1046 : memref<1x!tpu.dma_semaphore, #tpu.memory_space<semaphore_mem>> -> memref<!tpu.dma_semaphore, #tpu.memory_space<semaphore_mem>>
        %dma_wait3A_1048 = arith.constant 0 : i32
        %dma_wait3A_1049 = arith.constant 0 : i32
        %dma_wait3A_1050 = tpu.memref_slice %arg9[%dma_wait3A_1037, %dma_wait3A_1048, %dma_wait3A_1049] : memref<4x64x128xf32, #tpu.memory_space<vmem>> -> memref<1x64x128xf32, #tpu.memory_space<vmem>>
        %dma_wait3A_1051 = tpu.memref_squeeze %dma_wait3A_1050 : memref<1x64x128xf32, #tpu.memory_space<vmem>> -> memref<64x128xf32, #tpu.memory_space<vmem>>
        %dma_wait3A_1052 = arith.constant 0 : i32
        %dma_wait3A_1053 = arith.constant 0 : i32
        %dma_wait3A_1054 = tpu.memref_slice %arg2[%dma_wait3A_1052, %dma_wait3A_1053] : memref<10000x128xf32, #tpu.memory_space<hbm>> -> memref<64x128xf32, #tpu.memory_space<hbm>>
        tpu.wait_dma2 semaphore(%dma_wait3A_1047 : memref<!tpu.dma_semaphore, #tpu.memory_space<semaphore_mem>>) src(%dma_wait3A_1054 : memref<64x128xf32, #tpu.memory_space<hbm>>) dst(%dma_wait3A_1051 : memref<64x128xf32, #tpu.memory_space<vmem>>)
      } else {
      }
      %add3A_978 = arith.constant 4 : i32
      %add3A_979 = arith.addi %add3A_940, %add3A_978 : i32
      %sub3A_980 = arith.constant 1 : i32
      %sub3A_981 = arith.subi %add3A_979, %sub3A_980 : i32
      %lt3A_982 = arith.constant 40 : i32
      %lt3A_983 = arith.cmpi slt, %sub3A_981, %lt3A_982 : i32
      %convert_element_type3A_984 = arith.extui %lt3A_983 : i1 to i32
      %cond3A_985 = arith.constant 0 : i32
      %cond3A_986 = arith.cmpi ne, %convert_element_type3A_984, %cond3A_985 : i32
      scf.if %cond3A_986 {
        %add3A_1037 = arith.constant 4 : i32
        %add3A_1038 = arith.addi %add3A_940, %add3A_1037 : i32
        %sub3A_1039 = arith.constant 1 : i32
        %sub3A_1040 = arith.subi %add3A_1038, %sub3A_1039 : i32
        %dma_start3A_1041 = arith.constant 1 : i32
        %dma_start3A_1042 = arith.constant 1 : i32
        %dma_start3A_1043 = arith.constant 0 : i32
        %dma_start3A_1044 = arith.constant 0 : i32
        %dma_start3A_1045 = tpu.memref_slice %arg9[%dma_start3A_1041, %dma_start3A_1043, %dma_start3A_1044] : memref<4x64x128xf32, #tpu.memory_space<vmem>> -> memref<1x16x128xf32, #tpu.memory_space<vmem>>
        %dma_start3A_1046 = tpu.memref_squeeze %dma_start3A_1045 : memref<1x16x128xf32, #tpu.memory_space<vmem>> -> memref<16x128xf32, #tpu.memory_space<vmem>>
        %dma_start3A_1047 = arith.constant 0 : i32
        %dma_start3A_1048 = tpu.memref_slice %arg7[%sub3A_1040, %dma_start3A_1047] : memref<40x64xi32, #tpu.memory_space<vmem>> -> memref<1x16xi32, #tpu.memory_space<vmem>>
        %dma_start3A_1049 = tpu.memref_squeeze %dma_start3A_1048 : memref<1x16xi32, #tpu.memory_space<vmem>> -> memref<16xi32, #tpu.memory_space<vmem>>
        %dma_start3A_1050 = arith.constant 0 : i32
        %dma_start3A_1051 = arith.constant 0 : i32
        %dma_start3A_1052 = tpu.memref_slice %arg2[%dma_start3A_1050, %dma_start3A_1051] : memref<10000x128xf32, #tpu.memory_space<hbm>> -> memref<10000x128xf32, #tpu.memory_space<hbm>>
        %dma_start3A_1053 = tpu.memref_slice %arg11[%dma_start3A_1042] : memref<4x!tpu.dma_semaphore, #tpu.memory_space<semaphore_mem>> -> memref<1x!tpu.dma_semaphore, #tpu.memory_space<semaphore_mem>>
        %dma_start3A_1054 = tpu.memref_squeeze %dma_start3A_1053 : memref<1x!tpu.dma_semaphore, #tpu.memory_space<semaphore_mem>> -> memref<!tpu.dma_semaphore, #tpu.memory_space<semaphore_mem>>
        tpu.enqueue_indirect_dma source(%dma_start3A_1052 : memref<10000x128xf32, #tpu.memory_space<hbm>>) target(%dma_start3A_1046 : memref<16x128xf32, #tpu.memory_space<vmem>>) offsets(%dma_start3A_1049 : memref<16xi32, #tpu.memory_space<vmem>>) semaphore(%dma_start3A_1054 : memref<!tpu.dma_semaphore, #tpu.memory_space<semaphore_mem>>)
        %dma_start3A_1055 = arith.constant 1 : i32
        %dma_start3A_1056 = arith.constant 1 : i32
        %dma_start3A_1057 = arith.constant 16 : i32
        %dma_start3A_1058 = arith.constant 0 : i32
        %dma_start3A_1059 = tpu.memref_slice %arg9[%dma_start3A_1055, %dma_start3A_1057, %dma_start3A_1058] : memref<4x64x128xf32, #tpu.memory_space<vmem>> -> memref<1x16x128xf32, #tpu.memory_space<vmem>>
        %dma_start3A_1060 = tpu.memref_squeeze %dma_start3A_1059 : memref<1x16x128xf32, #tpu.memory_space<vmem>> -> memref<16x128xf32, #tpu.memory_space<vmem>>
        %dma_start3A_1061 = arith.constant 16 : i32
        %dma_start3A_1062 = tpu.memref_slice %arg7[%sub3A_1040, %dma_start3A_1061] : memref<40x64xi32, #tpu.memory_space<vmem>> -> memref<1x16xi32, #tpu.memory_space<vmem>>
        %dma_start3A_1063 = tpu.memref_squeeze %dma_start3A_1062 : memref<1x16xi32, #tpu.memory_space<vmem>> -> memref<16xi32, #tpu.memory_space<vmem>>
        %dma_start3A_1064 = arith.constant 0 : i32
        %dma_start3A_1065 = arith.constant 0 : i32
        %dma_start3A_1066 = tpu.memref_slice %arg2[%dma_start3A_1064, %dma_start3A_1065] : memref<10000x128xf32, #tpu.memory_space<hbm>> -> memref<10000x128xf32, #tpu.memory_space<hbm>>
        %dma_start3A_1067 = tpu.memref_slice %arg11[%dma_start3A_1056] : memref<4x!tpu.dma_semaphore, #tpu.memory_space<semaphore_mem>> -> memref<1x!tpu.dma_semaphore, #tpu.memory_space<semaphore_mem>>
        %dma_start3A_1068 = tpu.memref_squeeze %dma_start3A_1067 : memref<1x!tpu.dma_semaphore, #tpu.memory_space<semaphore_mem>> -> memref<!tpu.dma_semaphore, #tpu.memory_space<semaphore_mem>>
        tpu.enqueue_indirect_dma source(%dma_start3A_1066 : memref<10000x128xf32, #tpu.memory_space<hbm>>) target(%dma_start3A_1060 : memref<16x128xf32, #tpu.memory_space<vmem>>) offsets(%dma_start3A_1063 : memref<16xi32, #tpu.memory_space<vmem>>) semaphore(%dma_start3A_1068 : memref<!tpu.dma_semaphore, #tpu.memory_space<semaphore_mem>>)
        %dma_start3A_1069 = arith.constant 1 : i32
        %dma_start3A_1070 = arith.constant 1 : i32
        %dma_start3A_1071 = arith.constant 32 : i32
        %dma_start3A_1072 = arith.constant 0 : i32
        %dma_start3A_1073 = tpu.memref_slice %arg9[%dma_start3A_1069, %dma_start3A_1071, %dma_start3A_1072] : memref<4x64x128xf32, #tpu.memory_space<vmem>> -> memref<1x16x128xf32, #tpu.memory_space<vmem>>
        %dma_start3A_1074 = tpu.memref_squeeze %dma_start3A_1073 : memref<1x16x128xf32, #tpu.memory_space<vmem>> -> memref<16x128xf32, #tpu.memory_space<vmem>>
        %dma_start3A_1075 = arith.constant 32 : i32
        %dma_start3A_1076 = tpu.memref_slice %arg7[%sub3A_1040, %dma_start3A_1075] : memref<40x64xi32, #tpu.memory_space<vmem>> -> memref<1x16xi32, #tpu.memory_space<vmem>>
        %dma_start3A_1077 = tpu.memref_squeeze %dma_start3A_1076 : memref<1x16xi32, #tpu.memory_space<vmem>> -> memref<16xi32, #tpu.memory_space<vmem>>
        %dma_start3A_1078 = arith.constant 0 : i32
        %dma_start3A_1079 = arith.constant 0 : i32
        %dma_start3A_1080 = tpu.memref_slice %arg2[%dma_start3A_1078, %dma_start3A_1079] : memref<10000x128xf32, #tpu.memory_space<hbm>> -> memref<10000x128xf32, #tpu.memory_space<hbm>>
        %dma_start3A_1081 = tpu.memref_slice %arg11[%dma_start3A_1070] : memref<4x!tpu.dma_semaphore, #tpu.memory_space<semaphore_mem>> -> memref<1x!tpu.dma_semaphore, #tpu.memory_space<semaphore_mem>>
        %dma_start3A_1082 = tpu.memref_squeeze %dma_start3A_1081 : memref<1x!tpu.dma_semaphore, #tpu.memory_space<semaphore_mem>> -> memref<!tpu.dma_semaphore, #tpu.memory_space<semaphore_mem>>
        tpu.enqueue_indirect_dma source(%dma_start3A_1080 : memref<10000x128xf32, #tpu.memory_space<hbm>>) target(%dma_start3A_1074 : memref<16x128xf32, #tpu.memory_space<vmem>>) offsets(%dma_start3A_1077 : memref<16xi32, #tpu.memory_space<vmem>>) semaphore(%dma_start3A_1082 : memref<!tpu.dma_semaphore, #tpu.memory_space<semaphore_mem>>)
        %dma_start3A_1083 = arith.constant 1 : i32
        %dma_start3A_1084 = arith.constant 1 : i32
        %dma_start3A_1085 = arith.constant 48 : i32
        %dma_start3A_1086 = arith.constant 0 : i32
        %dma_start3A_1087 = tpu.memref_slice %arg9[%dma_start3A_1083, %dma_start3A_1085, %dma_start3A_1086] : memref<4x64x128xf32, #tpu.memory_space<vmem>> -> memref<1x16x128xf32, #tpu.memory_space<vmem>>
        %dma_start3A_1088 = tpu.memref_squeeze %dma_start3A_1087 : memref<1x16x128xf32, #tpu.memory_space<vmem>> -> memref<16x128xf32, #tpu.memory_space<vmem>>
        %dma_start3A_1089 = arith.constant 48 : i32
        %dma_start3A_1090 = tpu.memref_slice %arg7[%sub3A_1040, %dma_start3A_1089] : memref<40x64xi32, #tpu.memory_space<vmem>> -> memref<1x16xi32, #tpu.memory_space<vmem>>
        %dma_start3A_1091 = tpu.memref_squeeze %dma_start3A_1090 : memref<1x16xi32, #tpu.memory_space<vmem>> -> memref<16xi32, #tpu.memory_space<vmem>>
        %dma_start3A_1092 = arith.constant 0 : i32
        %dma_start3A_1093 = arith.constant 0 : i32
        %dma_start3A_1094 = tpu.memref_slice %arg2[%dma_start3A_1092, %dma_start3A_1093] : memref<10000x128xf32, #tpu.memory_space<hbm>> -> memref<10000x128xf32, #tpu.memory_space<hbm>>
        %dma_start3A_1095 = tpu.memref_slice %arg11[%dma_start3A_1084] : memref<4x!tpu.dma_semaphore, #tpu.memory_space<semaphore_mem>> -> memref<1x!tpu.dma_semaphore, #tpu.memory_space<semaphore_mem>>
        %dma_start3A_1096 = tpu.memref_squeeze %dma_start3A_1095 : memref<1x!tpu.dma_semaphore, #tpu.memory_space<semaphore_mem>> -> memref<!tpu.dma_semaphore, #tpu.memory_space<semaphore_mem>>
        tpu.enqueue_indirect_dma source(%dma_start3A_1094 : memref<10000x128xf32, #tpu.memory_space<hbm>>) target(%dma_start3A_1088 : memref<16x128xf32, #tpu.memory_space<vmem>>) offsets(%dma_start3A_1091 : memref<16xi32, #tpu.memory_space<vmem>>) semaphore(%dma_start3A_1096 : memref<!tpu.dma_semaphore, #tpu.memory_space<semaphore_mem>>)
      } else {
      }
      %mul3A_987 = arith.constant 4 : i32
      %mul3A_988 = arith.muli %scan3A_841, %mul3A_987 : i32
      %add3A_989 = arith.constant 3 : i32
      %add3A_990 = arith.addi %mul3A_988, %add3A_989 : i32
      %dma_wait3A_991 = arith.constant 3 : i32
      %dma_wait3A_992 = arith.constant 3 : i32
      %dma_wait3A_993 = arith.constant 0 : i32
      %dma_wait3A_994 = arith.constant 0 : i32
      %dma_wait3A_995 = tpu.memref_slice %arg9[%dma_wait3A_991, %dma_wait3A_993, %dma_wait3A_994] : memref<4x64x128xf32, #tpu.memory_space<vmem>> -> memref<1x64x128xf32, #tpu.memory_space<vmem>>
      %dma_wait3A_996 = tpu.memref_squeeze %dma_wait3A_995 : memref<1x64x128xf32, #tpu.memory_space<vmem>> -> memref<64x128xf32, #tpu.memory_space<vmem>>
      %dma_wait3A_997 = arith.constant 0 : i32
      %dma_wait3A_998 = arith.constant 0 : i32
      %dma_wait3A_999 = tpu.memref_slice %arg2[%dma_wait3A_997, %dma_wait3A_998] : memref<10000x128xf32, #tpu.memory_space<hbm>> -> memref<64x128xf32, #tpu.memory_space<hbm>>
      %dma_wait3A_1000 = tpu.memref_slice %arg11[%dma_wait3A_992] : memref<4x!tpu.dma_semaphore, #tpu.memory_space<semaphore_mem>> -> memref<1x!tpu.dma_semaphore, #tpu.memory_space<semaphore_mem>>
      %dma_wait3A_1001 = tpu.memref_squeeze %dma_wait3A_1000 : memref<1x!tpu.dma_semaphore, #tpu.memory_space<semaphore_mem>> -> memref<!tpu.dma_semaphore, #tpu.memory_space<semaphore_mem>>
      %dma_wait3A_1002 = arith.constant 0 : i32
      %dma_wait3A_1003 = arith.constant 0 : i32
      %dma_wait3A_1004 = tpu.memref_slice %arg9[%dma_wait3A_991, %dma_wait3A_1002, %dma_wait3A_1003] : memref<4x64x128xf32, #tpu.memory_space<vmem>> -> memref<1x64x128xf32, #tpu.memory_space<vmem>>
      %dma_wait3A_1005 = tpu.memref_squeeze %dma_wait3A_1004 : memref<1x64x128xf32, #tpu.memory_space<vmem>> -> memref<64x128xf32, #tpu.memory_space<vmem>>
      %dma_wait3A_1006 = arith.constant 0 : i32
      %dma_wait3A_1007 = arith.constant 0 : i32
      %dma_wait3A_1008 = tpu.memref_slice %arg2[%dma_wait3A_1006, %dma_wait3A_1007] : memref<10000x128xf32, #tpu.memory_space<hbm>> -> memref<64x128xf32, #tpu.memory_space<hbm>>
      tpu.wait_dma2 semaphore(%dma_wait3A_1001 : memref<!tpu.dma_semaphore, #tpu.memory_space<semaphore_mem>>) src(%dma_wait3A_1008 : memref<64x128xf32, #tpu.memory_space<hbm>>) dst(%dma_wait3A_1005 : memref<64x128xf32, #tpu.memory_space<vmem>>)
      %dma_start3A_1009 = arith.constant 3 : i32
      %dma_start3A_1010 = arith.constant 3 : i32
      %dma_start3A_1011 = arith.constant 0 : i32
      %dma_start3A_1012 = arith.constant 0 : i32
      %dma_start3A_1013 = tpu.memref_slice %arg9[%dma_start3A_1009, %dma_start3A_1011, %dma_start3A_1012] : memref<4x64x128xf32, #tpu.memory_space<vmem>> -> memref<1x64x128xf32, #tpu.memory_space<vmem>>
      %dma_start3A_1014 = tpu.memref_squeeze %dma_start3A_1013 : memref<1x64x128xf32, #tpu.memory_space<vmem>> -> memref<64x128xf32, #tpu.memory_space<vmem>>
      %dma_start3A_1015 = arith.constant 0 : i32
      %dma_start3A_1016 = tpu.memref_slice %arg8[%add3A_990, %dma_start3A_1015] : memref<40x64xi32, #tpu.memory_space<vmem>> -> memref<1x64xi32, #tpu.memory_space<vmem>>
      %dma_start3A_1017 = tpu.memref_squeeze %dma_start3A_1016 : memref<1x64xi32, #tpu.memory_space<vmem>> -> memref<64xi32, #tpu.memory_space<vmem>>
      %dma_start3A_1018 = arith.constant 0 : i32
      %dma_start3A_1019 = arith.constant 0 : i32
      %dma_start3A_1020 = tpu.memref_slice %arg10[%dma_start3A_1018, %dma_start3A_1019] : memref<10240x128xf32, #tpu.memory_space<vmem_shared>> -> memref<10240x128xf32, #tpu.memory_space<vmem_shared>>
      %dma_start3A_1021 = tpu.memref_slice %arg12[%dma_start3A_1010] : memref<4x!tpu.dma_semaphore, #tpu.memory_space<semaphore_mem>> -> memref<1x!tpu.dma_semaphore, #tpu.memory_space<semaphore_mem>>
      %dma_start3A_1022 = tpu.memref_squeeze %dma_start3A_1021 : memref<1x!tpu.dma_semaphore, #tpu.memory_space<semaphore_mem>> -> memref<!tpu.dma_semaphore, #tpu.memory_space<semaphore_mem>>
      tpu.enqueue_indirect_dma source(%dma_start3A_1014 : memref<64x128xf32, #tpu.memory_space<vmem>>) target(%dma_start3A_1020 : memref<10240x128xf32, #tpu.memory_space<vmem_shared>>) offsets(%dma_start3A_1017 : memref<64xi32, #tpu.memory_space<vmem>>) semaphore(%dma_start3A_1022 : memref<!tpu.dma_semaphore, #tpu.memory_space<semaphore_mem>>) {add = true}
      %ge3A_1023 = arith.constant 1 : i32
      %ge3A_1024 = arith.cmpi sge, %add3A_990, %ge3A_1023 : i32
      %convert_element_type3A_1025 = arith.extui %ge3A_1024 : i1 to i32
      %cond3A_1026 = arith.constant 0 : i32
      %cond3A_1027 = arith.cmpi ne, %convert_element_type3A_1025, %cond3A_1026 : i32
      scf.if %cond3A_1027 {
        %dma_wait3A_1037 = arith.constant 2 : i32
        %dma_wait3A_1038 = arith.constant 2 : i32
        %dma_wait3A_1039 = arith.constant 0 : i32
        %dma_wait3A_1040 = arith.constant 0 : i32
        %dma_wait3A_1041 = tpu.memref_slice %arg9[%dma_wait3A_1037, %dma_wait3A_1039, %dma_wait3A_1040] : memref<4x64x128xf32, #tpu.memory_space<vmem>> -> memref<1x64x128xf32, #tpu.memory_space<vmem>>
        %dma_wait3A_1042 = tpu.memref_squeeze %dma_wait3A_1041 : memref<1x64x128xf32, #tpu.memory_space<vmem>> -> memref<64x128xf32, #tpu.memory_space<vmem>>
        %dma_wait3A_1043 = arith.constant 0 : i32
        %dma_wait3A_1044 = arith.constant 0 : i32
        %dma_wait3A_1045 = tpu.memref_slice %arg2[%dma_wait3A_1043, %dma_wait3A_1044] : memref<10000x128xf32, #tpu.memory_space<hbm>> -> memref<64x128xf32, #tpu.memory_space<hbm>>
        %dma_wait3A_1046 = tpu.memref_slice %arg12[%dma_wait3A_1038] : memref<4x!tpu.dma_semaphore, #tpu.memory_space<semaphore_mem>> -> memref<1x!tpu.dma_semaphore, #tpu.memory_space<semaphore_mem>>
        %dma_wait3A_1047 = tpu.memref_squeeze %dma_wait3A_1046 : memref<1x!tpu.dma_semaphore, #tpu.memory_space<semaphore_mem>> -> memref<!tpu.dma_semaphore, #tpu.memory_space<semaphore_mem>>
        %dma_wait3A_1048 = arith.constant 0 : i32
        %dma_wait3A_1049 = arith.constant 0 : i32
        %dma_wait3A_1050 = tpu.memref_slice %arg9[%dma_wait3A_1037, %dma_wait3A_1048, %dma_wait3A_1049] : memref<4x64x128xf32, #tpu.memory_space<vmem>> -> memref<1x64x128xf32, #tpu.memory_space<vmem>>
        %dma_wait3A_1051 = tpu.memref_squeeze %dma_wait3A_1050 : memref<1x64x128xf32, #tpu.memory_space<vmem>> -> memref<64x128xf32, #tpu.memory_space<vmem>>
        %dma_wait3A_1052 = arith.constant 0 : i32
        %dma_wait3A_1053 = arith.constant 0 : i32
        %dma_wait3A_1054 = tpu.memref_slice %arg2[%dma_wait3A_1052, %dma_wait3A_1053] : memref<10000x128xf32, #tpu.memory_space<hbm>> -> memref<64x128xf32, #tpu.memory_space<hbm>>
        tpu.wait_dma2 semaphore(%dma_wait3A_1047 : memref<!tpu.dma_semaphore, #tpu.memory_space<semaphore_mem>>) src(%dma_wait3A_1054 : memref<64x128xf32, #tpu.memory_space<hbm>>) dst(%dma_wait3A_1051 : memref<64x128xf32, #tpu.memory_space<vmem>>)
      } else {
      }
      %add3A_1028 = arith.constant 4 : i32
      %add3A_1029 = arith.addi %add3A_990, %add3A_1028 : i32
      %sub3A_1030 = arith.constant 1 : i32
      %sub3A_1031 = arith.subi %add3A_1029, %sub3A_1030 : i32
      %lt3A_1032 = arith.constant 40 : i32
      %lt3A_1033 = arith.cmpi slt, %sub3A_1031, %lt3A_1032 : i32
      %convert_element_type3A_1034 = arith.extui %lt3A_1033 : i1 to i32
      %cond3A_1035 = arith.constant 0 : i32
      %cond3A_1036 = arith.cmpi ne, %convert_element_type3A_1034, %cond3A_1035 : i32
      scf.if %cond3A_1036 {
        %add3A_1037 = arith.constant 4 : i32
        %add3A_1038 = arith.addi %add3A_990, %add3A_1037 : i32
        %sub3A_1039 = arith.constant 1 : i32
        %sub3A_1040 = arith.subi %add3A_1038, %sub3A_1039 : i32
        %dma_start3A_1041 = arith.constant 2 : i32
        %dma_start3A_1042 = arith.constant 2 : i32
        %dma_start3A_1043 = arith.constant 0 : i32
        %dma_start3A_1044 = arith.constant 0 : i32
        %dma_start3A_1045 = tpu.memref_slice %arg9[%dma_start3A_1041, %dma_start3A_1043, %dma_start3A_1044] : memref<4x64x128xf32, #tpu.memory_space<vmem>> -> memref<1x16x128xf32, #tpu.memory_space<vmem>>
        %dma_start3A_1046 = tpu.memref_squeeze %dma_start3A_1045 : memref<1x16x128xf32, #tpu.memory_space<vmem>> -> memref<16x128xf32, #tpu.memory_space<vmem>>
        %dma_start3A_1047 = arith.constant 0 : i32
        %dma_start3A_1048 = tpu.memref_slice %arg7[%sub3A_1040, %dma_start3A_1047] : memref<40x64xi32, #tpu.memory_space<vmem>> -> memref<1x16xi32, #tpu.memory_space<vmem>>
        %dma_start3A_1049 = tpu.memref_squeeze %dma_start3A_1048 : memref<1x16xi32, #tpu.memory_space<vmem>> -> memref<16xi32, #tpu.memory_space<vmem>>
        %dma_start3A_1050 = arith.constant 0 : i32
        %dma_start3A_1051 = arith.constant 0 : i32
        %dma_start3A_1052 = tpu.memref_slice %arg2[%dma_start3A_1050, %dma_start3A_1051] : memref<10000x128xf32, #tpu.memory_space<hbm>> -> memref<10000x128xf32, #tpu.memory_space<hbm>>
        %dma_start3A_1053 = tpu.memref_slice %arg11[%dma_start3A_1042] : memref<4x!tpu.dma_semaphore, #tpu.memory_space<semaphore_mem>> -> memref<1x!tpu.dma_semaphore, #tpu.memory_space<semaphore_mem>>
        %dma_start3A_1054 = tpu.memref_squeeze %dma_start3A_1053 : memref<1x!tpu.dma_semaphore, #tpu.memory_space<semaphore_mem>> -> memref<!tpu.dma_semaphore, #tpu.memory_space<semaphore_mem>>
        tpu.enqueue_indirect_dma source(%dma_start3A_1052 : memref<10000x128xf32, #tpu.memory_space<hbm>>) target(%dma_start3A_1046 : memref<16x128xf32, #tpu.memory_space<vmem>>) offsets(%dma_start3A_1049 : memref<16xi32, #tpu.memory_space<vmem>>) semaphore(%dma_start3A_1054 : memref<!tpu.dma_semaphore, #tpu.memory_space<semaphore_mem>>)
        %dma_start3A_1055 = arith.constant 2 : i32
        %dma_start3A_1056 = arith.constant 2 : i32
        %dma_start3A_1057 = arith.constant 16 : i32
        %dma_start3A_1058 = arith.constant 0 : i32
        %dma_start3A_1059 = tpu.memref_slice %arg9[%dma_start3A_1055, %dma_start3A_1057, %dma_start3A_1058] : memref<4x64x128xf32, #tpu.memory_space<vmem>> -> memref<1x16x128xf32, #tpu.memory_space<vmem>>
        %dma_start3A_1060 = tpu.memref_squeeze %dma_start3A_1059 : memref<1x16x128xf32, #tpu.memory_space<vmem>> -> memref<16x128xf32, #tpu.memory_space<vmem>>
        %dma_start3A_1061 = arith.constant 16 : i32
        %dma_start3A_1062 = tpu.memref_slice %arg7[%sub3A_1040, %dma_start3A_1061] : memref<40x64xi32, #tpu.memory_space<vmem>> -> memref<1x16xi32, #tpu.memory_space<vmem>>
        %dma_start3A_1063 = tpu.memref_squeeze %dma_start3A_1062 : memref<1x16xi32, #tpu.memory_space<vmem>> -> memref<16xi32, #tpu.memory_space<vmem>>
        %dma_start3A_1064 = arith.constant 0 : i32
        %dma_start3A_1065 = arith.constant 0 : i32
        %dma_start3A_1066 = tpu.memref_slice %arg2[%dma_start3A_1064, %dma_start3A_1065] : memref<10000x128xf32, #tpu.memory_space<hbm>> -> memref<10000x128xf32, #tpu.memory_space<hbm>>
        %dma_start3A_1067 = tpu.memref_slice %arg11[%dma_start3A_1056] : memref<4x!tpu.dma_semaphore, #tpu.memory_space<semaphore_mem>> -> memref<1x!tpu.dma_semaphore, #tpu.memory_space<semaphore_mem>>
        %dma_start3A_1068 = tpu.memref_squeeze %dma_start3A_1067 : memref<1x!tpu.dma_semaphore, #tpu.memory_space<semaphore_mem>> -> memref<!tpu.dma_semaphore, #tpu.memory_space<semaphore_mem>>
        tpu.enqueue_indirect_dma source(%dma_start3A_1066 : memref<10000x128xf32, #tpu.memory_space<hbm>>) target(%dma_start3A_1060 : memref<16x128xf32, #tpu.memory_space<vmem>>) offsets(%dma_start3A_1063 : memref<16xi32, #tpu.memory_space<vmem>>) semaphore(%dma_start3A_1068 : memref<!tpu.dma_semaphore, #tpu.memory_space<semaphore_mem>>)
        %dma_start3A_1069 = arith.constant 2 : i32
        %dma_start3A_1070 = arith.constant 2 : i32
        %dma_start3A_1071 = arith.constant 32 : i32
        %dma_start3A_1072 = arith.constant 0 : i32
        %dma_start3A_1073 = tpu.memref_slice %arg9[%dma_start3A_1069, %dma_start3A_1071, %dma_start3A_1072] : memref<4x64x128xf32, #tpu.memory_space<vmem>> -> memref<1x16x128xf32, #tpu.memory_space<vmem>>
        %dma_start3A_1074 = tpu.memref_squeeze %dma_start3A_1073 : memref<1x16x128xf32, #tpu.memory_space<vmem>> -> memref<16x128xf32, #tpu.memory_space<vmem>>
        %dma_start3A_1075 = arith.constant 32 : i32
        %dma_start3A_1076 = tpu.memref_slice %arg7[%sub3A_1040, %dma_start3A_1075] : memref<40x64xi32, #tpu.memory_space<vmem>> -> memref<1x16xi32, #tpu.memory_space<vmem>>
        %dma_start3A_1077 = tpu.memref_squeeze %dma_start3A_1076 : memref<1x16xi32, #tpu.memory_space<vmem>> -> memref<16xi32, #tpu.memory_space<vmem>>
        %dma_start3A_1078 = arith.constant 0 : i32
        %dma_start3A_1079 = arith.constant 0 : i32
        %dma_start3A_1080 = tpu.memref_slice %arg2[%dma_start3A_1078, %dma_start3A_1079] : memref<10000x128xf32, #tpu.memory_space<hbm>> -> memref<10000x128xf32, #tpu.memory_space<hbm>>
        %dma_start3A_1081 = tpu.memref_slice %arg11[%dma_start3A_1070] : memref<4x!tpu.dma_semaphore, #tpu.memory_space<semaphore_mem>> -> memref<1x!tpu.dma_semaphore, #tpu.memory_space<semaphore_mem>>
        %dma_start3A_1082 = tpu.memref_squeeze %dma_start3A_1081 : memref<1x!tpu.dma_semaphore, #tpu.memory_space<semaphore_mem>> -> memref<!tpu.dma_semaphore, #tpu.memory_space<semaphore_mem>>
        tpu.enqueue_indirect_dma source(%dma_start3A_1080 : memref<10000x128xf32, #tpu.memory_space<hbm>>) target(%dma_start3A_1074 : memref<16x128xf32, #tpu.memory_space<vmem>>) offsets(%dma_start3A_1077 : memref<16xi32, #tpu.memory_space<vmem>>) semaphore(%dma_start3A_1082 : memref<!tpu.dma_semaphore, #tpu.memory_space<semaphore_mem>>)
        %dma_start3A_1083 = arith.constant 2 : i32
        %dma_start3A_1084 = arith.constant 2 : i32
        %dma_start3A_1085 = arith.constant 48 : i32
        %dma_start3A_1086 = arith.constant 0 : i32
        %dma_start3A_1087 = tpu.memref_slice %arg9[%dma_start3A_1083, %dma_start3A_1085, %dma_start3A_1086] : memref<4x64x128xf32, #tpu.memory_space<vmem>> -> memref<1x16x128xf32, #tpu.memory_space<vmem>>
        %dma_start3A_1088 = tpu.memref_squeeze %dma_start3A_1087 : memref<1x16x128xf32, #tpu.memory_space<vmem>> -> memref<16x128xf32, #tpu.memory_space<vmem>>
        %dma_start3A_1089 = arith.constant 48 : i32
        %dma_start3A_1090 = tpu.memref_slice %arg7[%sub3A_1040, %dma_start3A_1089] : memref<40x64xi32, #tpu.memory_space<vmem>> -> memref<1x16xi32, #tpu.memory_space<vmem>>
        %dma_start3A_1091 = tpu.memref_squeeze %dma_start3A_1090 : memref<1x16xi32, #tpu.memory_space<vmem>> -> memref<16xi32, #tpu.memory_space<vmem>>
        %dma_start3A_1092 = arith.constant 0 : i32
        %dma_start3A_1093 = arith.constant 0 : i32
        %dma_start3A_1094 = tpu.memref_slice %arg2[%dma_start3A_1092, %dma_start3A_1093] : memref<10000x128xf32, #tpu.memory_space<hbm>> -> memref<10000x128xf32, #tpu.memory_space<hbm>>
        %dma_start3A_1095 = tpu.memref_slice %arg11[%dma_start3A_1084] : memref<4x!tpu.dma_semaphore, #tpu.memory_space<semaphore_mem>> -> memref<1x!tpu.dma_semaphore, #tpu.memory_space<semaphore_mem>>
        %dma_start3A_1096 = tpu.memref_squeeze %dma_start3A_1095 : memref<1x!tpu.dma_semaphore, #tpu.memory_space<semaphore_mem>> -> memref<!tpu.dma_semaphore, #tpu.memory_space<semaphore_mem>>
        tpu.enqueue_indirect_dma source(%dma_start3A_1094 : memref<10000x128xf32, #tpu.memory_space<hbm>>) target(%dma_start3A_1088 : memref<16x128xf32, #tpu.memory_space<vmem>>) offsets(%dma_start3A_1091 : memref<16xi32, #tpu.memory_space<vmem>>) semaphore(%dma_start3A_1096 : memref<!tpu.dma_semaphore, #tpu.memory_space<semaphore_mem>>)
      } else {
      }
    }
    %scan3A_609 = arith.constant 10 : i32
    %dma_wait3A_610 = arith.constant 3 : i32
    %dma_wait3A_611 = arith.constant 3 : i32
    %dma_wait3A_612 = arith.constant 0 : i32
    %dma_wait3A_613 = arith.constant 0 : i32
    %dma_wait3A_614 = tpu.memref_slice %arg9[%dma_wait3A_610, %dma_wait3A_612, %dma_wait3A_613] : memref<4x64x128xf32, #tpu.memory_space<vmem>> -> memref<1x64x128xf32, #tpu.memory_space<vmem>>
    %dma_wait3A_615 = tpu.memref_squeeze %dma_wait3A_614 : memref<1x64x128xf32, #tpu.memory_space<vmem>> -> memref<64x128xf32, #tpu.memory_space<vmem>>
    %dma_wait3A_616 = arith.constant 0 : i32
    %dma_wait3A_617 = arith.constant 0 : i32
    %dma_wait3A_618 = tpu.memref_slice %arg2[%dma_wait3A_616, %dma_wait3A_617] : memref<10000x128xf32, #tpu.memory_space<hbm>> -> memref<64x128xf32, #tpu.memory_space<hbm>>
    %dma_wait3A_619 = tpu.memref_slice %arg12[%dma_wait3A_611] : memref<4x!tpu.dma_semaphore, #tpu.memory_space<semaphore_mem>> -> memref<1x!tpu.dma_semaphore, #tpu.memory_space<semaphore_mem>>
    %dma_wait3A_620 = tpu.memref_squeeze %dma_wait3A_619 : memref<1x!tpu.dma_semaphore, #tpu.memory_space<semaphore_mem>> -> memref<!tpu.dma_semaphore, #tpu.memory_space<semaphore_mem>>
    %dma_wait3A_621 = arith.constant 0 : i32
    %dma_wait3A_622 = arith.constant 0 : i32
    %dma_wait3A_623 = tpu.memref_slice %arg9[%dma_wait3A_610, %dma_wait3A_621, %dma_wait3A_622] : memref<4x64x128xf32, #tpu.memory_space<vmem>> -> memref<1x64x128xf32, #tpu.memory_space<vmem>>
    %dma_wait3A_624 = tpu.memref_squeeze %dma_wait3A_623 : memref<1x64x128xf32, #tpu.memory_space<vmem>> -> memref<64x128xf32, #tpu.memory_space<vmem>>
    %dma_wait3A_625 = arith.constant 0 : i32
    %dma_wait3A_626 = arith.constant 0 : i32
    %dma_wait3A_627 = tpu.memref_slice %arg2[%dma_wait3A_625, %dma_wait3A_626] : memref<10000x128xf32, #tpu.memory_space<hbm>> -> memref<64x128xf32, #tpu.memory_space<hbm>>
    tpu.wait_dma2 semaphore(%dma_wait3A_620 : memref<!tpu.dma_semaphore, #tpu.memory_space<semaphore_mem>>) src(%dma_wait3A_627 : memref<64x128xf32, #tpu.memory_space<hbm>>) dst(%dma_wait3A_624 : memref<64x128xf32, #tpu.memory_space<vmem>>)
    %mul3A_628 = arith.constant 160 : i32
    %mul3A_629 = arith.muli %add3A, %mul3A_628 : i32
    %add3A_630 = arith.constant 120 : i32
    %add3A_631 = arith.addi %mul3A_629, %add3A_630 : i32
    "tpu.region"() ({
      %run_scoped3A = tpu.sem_alloc : memref<!tpu.dma_semaphore, #tpu.memory_space<semaphore_mem>>
      %dma_start3A_841 = arith.constant 0 : i32
      %dma_start3A_842 = tpu.memref_slice %arg3[%add3A_631, %dma_start3A_841] : memref<5120x64xi32, #tpu.memory_space<hbm>> -> memref<40x64xi32, #tpu.memory_space<hbm>>
      %dma_start3A_843 = arith.constant 0 : i32
      %dma_start3A_844 = tpu.memref_slice %arg3[%add3A_631, %dma_start3A_843] : memref<5120x64xi32, #tpu.memory_space<hbm>> -> memref<40x64xi32, #tpu.memory_space<hbm>>
      tpu.enqueue_dma source(%dma_start3A_844 : memref<40x64xi32, #tpu.memory_space<hbm>>) target(%arg7 : memref<40x64xi32, #tpu.memory_space<vmem>>) target_semaphore(%run_scoped3A : memref<!tpu.dma_semaphore, #tpu.memory_space<semaphore_mem>>)
      %dma_wait3A_845 = arith.constant 0 : i32
      %dma_wait3A_846 = tpu.memref_slice %arg3[%add3A_631, %dma_wait3A_845] : memref<5120x64xi32, #tpu.memory_space<hbm>> -> memref<40x64xi32, #tpu.memory_space<hbm>>
      %dma_wait3A_847 = arith.constant 0 : i32
      %dma_wait3A_848 = tpu.memref_slice %arg3[%add3A_631, %dma_wait3A_847] : memref<5120x64xi32, #tpu.memory_space<hbm>> -> memref<40x64xi32, #tpu.memory_space<hbm>>
      tpu.wait_dma2 semaphore(%run_scoped3A : memref<!tpu.dma_semaphore, #tpu.memory_space<semaphore_mem>>) src(%dma_wait3A_848 : memref<40x64xi32, #tpu.memory_space<hbm>>) dst(%arg7 : memref<40x64xi32, #tpu.memory_space<vmem>>)
      tpu.yield
    }) : () -> ()
    "tpu.region"() ({
      %run_scoped3A = tpu.sem_alloc : memref<!tpu.dma_semaphore, #tpu.memory_space<semaphore_mem>>
      %dma_start3A_841 = arith.constant 0 : i32
      %dma_start3A_842 = tpu.memref_slice %arg4[%add3A_631, %dma_start3A_841] : memref<5120x64xi32, #tpu.memory_space<hbm>> -> memref<40x64xi32, #tpu.memory_space<hbm>>
      %dma_start3A_843 = arith.constant 0 : i32
      %dma_start3A_844 = tpu.memref_slice %arg4[%add3A_631, %dma_start3A_843] : memref<5120x64xi32, #tpu.memory_space<hbm>> -> memref<40x64xi32, #tpu.memory_space<hbm>>
      tpu.enqueue_dma source(%dma_start3A_844 : memref<40x64xi32, #tpu.memory_space<hbm>>) target(%arg8 : memref<40x64xi32, #tpu.memory_space<vmem>>) target_semaphore(%run_scoped3A : memref<!tpu.dma_semaphore, #tpu.memory_space<semaphore_mem>>)
      %dma_wait3A_845 = arith.constant 0 : i32
      %dma_wait3A_846 = tpu.memref_slice %arg4[%add3A_631, %dma_wait3A_845] : memref<5120x64xi32, #tpu.memory_space<hbm>> -> memref<40x64xi32, #tpu.memory_space<hbm>>
      %dma_wait3A_847 = arith.constant 0 : i32
      %dma_wait3A_848 = tpu.memref_slice %arg4[%add3A_631, %dma_wait3A_847] : memref<5120x64xi32, #tpu.memory_space<hbm>> -> memref<40x64xi32, #tpu.memory_space<hbm>>
      tpu.wait_dma2 semaphore(%run_scoped3A : memref<!tpu.dma_semaphore, #tpu.memory_space<semaphore_mem>>) src(%dma_wait3A_848 : memref<40x64xi32, #tpu.memory_space<hbm>>) dst(%arg8 : memref<40x64xi32, #tpu.memory_space<vmem>>)
      tpu.yield
    }) : () -> ()
    %dma_start3A_632 = arith.constant 0 : i32
    %dma_start3A_633 = arith.constant 0 : i32
    %dma_start3A_634 = arith.constant 0 : i32
    %dma_start3A_635 = arith.constant 0 : i32
    %dma_start3A_636 = arith.constant 0 : i32
    %dma_start3A_637 = tpu.memref_slice %arg9[%dma_start3A_633, %dma_start3A_635, %dma_start3A_636] : memref<4x64x128xf32, #tpu.memory_space<vmem>> -> memref<1x16x128xf32, #tpu.memory_space<vmem>>
    %dma_start3A_638 = tpu.memref_squeeze %dma_start3A_637 : memref<1x16x128xf32, #tpu.memory_space<vmem>> -> memref<16x128xf32, #tpu.memory_space<vmem>>
    %dma_start3A_639 = arith.constant 0 : i32
    %dma_start3A_640 = tpu.memref_slice %arg7[%dma_start3A_632, %dma_start3A_639] : memref<40x64xi32, #tpu.memory_space<vmem>> -> memref<1x16xi32, #tpu.memory_space<vmem>>
    %dma_start3A_641 = tpu.memref_squeeze %dma_start3A_640 : memref<1x16xi32, #tpu.memory_space<vmem>> -> memref<16xi32, #tpu.memory_space<vmem>>
    %dma_start3A_642 = arith.constant 0 : i32
    %dma_start3A_643 = arith.constant 0 : i32
    %dma_start3A_644 = tpu.memref_slice %arg2[%dma_start3A_642, %dma_start3A_643] : memref<10000x128xf32, #tpu.memory_space<hbm>> -> memref<10000x128xf32, #tpu.memory_space<hbm>>
    %dma_start3A_645 = tpu.memref_slice %arg11[%dma_start3A_634] : memref<4x!tpu.dma_semaphore, #tpu.memory_space<semaphore_mem>> -> memref<1x!tpu.dma_semaphore, #tpu.memory_space<semaphore_mem>>
    %dma_start3A_646 = tpu.memref_squeeze %dma_start3A_645 : memref<1x!tpu.dma_semaphore, #tpu.memory_space<semaphore_mem>> -> memref<!tpu.dma_semaphore, #tpu.memory_space<semaphore_mem>>
    tpu.enqueue_indirect_dma source(%dma_start3A_644 : memref<10000x128xf32, #tpu.memory_space<hbm>>) target(%dma_start3A_638 : memref<16x128xf32, #tpu.memory_space<vmem>>) offsets(%dma_start3A_641 : memref<16xi32, #tpu.memory_space<vmem>>) semaphore(%dma_start3A_646 : memref<!tpu.dma_semaphore, #tpu.memory_space<semaphore_mem>>)
    %dma_start3A_647 = arith.constant 0 : i32
    %dma_start3A_648 = arith.constant 0 : i32
    %dma_start3A_649 = arith.constant 0 : i32
    %dma_start3A_650 = arith.constant 16 : i32
    %dma_start3A_651 = arith.constant 0 : i32
    %dma_start3A_652 = tpu.memref_slice %arg9[%dma_start3A_648, %dma_start3A_650, %dma_start3A_651] : memref<4x64x128xf32, #tpu.memory_space<vmem>> -> memref<1x16x128xf32, #tpu.memory_space<vmem>>
    %dma_start3A_653 = tpu.memref_squeeze %dma_start3A_652 : memref<1x16x128xf32, #tpu.memory_space<vmem>> -> memref<16x128xf32, #tpu.memory_space<vmem>>
    %dma_start3A_654 = arith.constant 16 : i32
    %dma_start3A_655 = tpu.memref_slice %arg7[%dma_start3A_647, %dma_start3A_654] : memref<40x64xi32, #tpu.memory_space<vmem>> -> memref<1x16xi32, #tpu.memory_space<vmem>>
    %dma_start3A_656 = tpu.memref_squeeze %dma_start3A_655 : memref<1x16xi32, #tpu.memory_space<vmem>> -> memref<16xi32, #tpu.memory_space<vmem>>
    %dma_start3A_657 = arith.constant 0 : i32
    %dma_start3A_658 = arith.constant 0 : i32
    %dma_start3A_659 = tpu.memref_slice %arg2[%dma_start3A_657, %dma_start3A_658] : memref<10000x128xf32, #tpu.memory_space<hbm>> -> memref<10000x128xf32, #tpu.memory_space<hbm>>
    %dma_start3A_660 = tpu.memref_slice %arg11[%dma_start3A_649] : memref<4x!tpu.dma_semaphore, #tpu.memory_space<semaphore_mem>> -> memref<1x!tpu.dma_semaphore, #tpu.memory_space<semaphore_mem>>
    %dma_start3A_661 = tpu.memref_squeeze %dma_start3A_660 : memref<1x!tpu.dma_semaphore, #tpu.memory_space<semaphore_mem>> -> memref<!tpu.dma_semaphore, #tpu.memory_space<semaphore_mem>>
    tpu.enqueue_indirect_dma source(%dma_start3A_659 : memref<10000x128xf32, #tpu.memory_space<hbm>>) target(%dma_start3A_653 : memref<16x128xf32, #tpu.memory_space<vmem>>) offsets(%dma_start3A_656 : memref<16xi32, #tpu.memory_space<vmem>>) semaphore(%dma_start3A_661 : memref<!tpu.dma_semaphore, #tpu.memory_space<semaphore_mem>>)
    %dma_start3A_662 = arith.constant 0 : i32
    %dma_start3A_663 = arith.constant 0 : i32
    %dma_start3A_664 = arith.constant 0 : i32
    %dma_start3A_665 = arith.constant 32 : i32
    %dma_start3A_666 = arith.constant 0 : i32
    %dma_start3A_667 = tpu.memref_slice %arg9[%dma_start3A_663, %dma_start3A_665, %dma_start3A_666] : memref<4x64x128xf32, #tpu.memory_space<vmem>> -> memref<1x16x128xf32, #tpu.memory_space<vmem>>
    %dma_start3A_668 = tpu.memref_squeeze %dma_start3A_667 : memref<1x16x128xf32, #tpu.memory_space<vmem>> -> memref<16x128xf32, #tpu.memory_space<vmem>>
    %dma_start3A_669 = arith.constant 32 : i32
    %dma_start3A_670 = tpu.memref_slice %arg7[%dma_start3A_662, %dma_start3A_669] : memref<40x64xi32, #tpu.memory_space<vmem>> -> memref<1x16xi32, #tpu.memory_space<vmem>>
    %dma_start3A_671 = tpu.memref_squeeze %dma_start3A_670 : memref<1x16xi32, #tpu.memory_space<vmem>> -> memref<16xi32, #tpu.memory_space<vmem>>
    %dma_start3A_672 = arith.constant 0 : i32
    %dma_start3A_673 = arith.constant 0 : i32
    %dma_start3A_674 = tpu.memref_slice %arg2[%dma_start3A_672, %dma_start3A_673] : memref<10000x128xf32, #tpu.memory_space<hbm>> -> memref<10000x128xf32, #tpu.memory_space<hbm>>
    %dma_start3A_675 = tpu.memref_slice %arg11[%dma_start3A_664] : memref<4x!tpu.dma_semaphore, #tpu.memory_space<semaphore_mem>> -> memref<1x!tpu.dma_semaphore, #tpu.memory_space<semaphore_mem>>
    %dma_start3A_676 = tpu.memref_squeeze %dma_start3A_675 : memref<1x!tpu.dma_semaphore, #tpu.memory_space<semaphore_mem>> -> memref<!tpu.dma_semaphore, #tpu.memory_space<semaphore_mem>>
    tpu.enqueue_indirect_dma source(%dma_start3A_674 : memref<10000x128xf32, #tpu.memory_space<hbm>>) target(%dma_start3A_668 : memref<16x128xf32, #tpu.memory_space<vmem>>) offsets(%dma_start3A_671 : memref<16xi32, #tpu.memory_space<vmem>>) semaphore(%dma_start3A_676 : memref<!tpu.dma_semaphore, #tpu.memory_space<semaphore_mem>>)
    %dma_start3A_677 = arith.constant 0 : i32
    %dma_start3A_678 = arith.constant 0 : i32
    %dma_start3A_679 = arith.constant 0 : i32
    %dma_start3A_680 = arith.constant 48 : i32
    %dma_start3A_681 = arith.constant 0 : i32
    %dma_start3A_682 = tpu.memref_slice %arg9[%dma_start3A_678, %dma_start3A_680, %dma_start3A_681] : memref<4x64x128xf32, #tpu.memory_space<vmem>> -> memref<1x16x128xf32, #tpu.memory_space<vmem>>
    %dma_start3A_683 = tpu.memref_squeeze %dma_start3A_682 : memref<1x16x128xf32, #tpu.memory_space<vmem>> -> memref<16x128xf32, #tpu.memory_space<vmem>>
    %dma_start3A_684 = arith.constant 48 : i32
    %dma_start3A_685 = tpu.memref_slice %arg7[%dma_start3A_677, %dma_start3A_684] : memref<40x64xi32, #tpu.memory_space<vmem>> -> memref<1x16xi32, #tpu.memory_space<vmem>>
    %dma_start3A_686 = tpu.memref_squeeze %dma_start3A_685 : memref<1x16xi32, #tpu.memory_space<vmem>> -> memref<16xi32, #tpu.memory_space<vmem>>
    %dma_start3A_687 = arith.constant 0 : i32
    %dma_start3A_688 = arith.constant 0 : i32
    %dma_start3A_689 = tpu.memref_slice %arg2[%dma_start3A_687, %dma_start3A_688] : memref<10000x128xf32, #tpu.memory_space<hbm>> -> memref<10000x128xf32, #tpu.memory_space<hbm>>
    %dma_start3A_690 = tpu.memref_slice %arg11[%dma_start3A_679] : memref<4x!tpu.dma_semaphore, #tpu.memory_space<semaphore_mem>> -> memref<1x!tpu.dma_semaphore, #tpu.memory_space<semaphore_mem>>
    %dma_start3A_691 = tpu.memref_squeeze %dma_start3A_690 : memref<1x!tpu.dma_semaphore, #tpu.memory_space<semaphore_mem>> -> memref<!tpu.dma_semaphore, #tpu.memory_space<semaphore_mem>>
    tpu.enqueue_indirect_dma source(%dma_start3A_689 : memref<10000x128xf32, #tpu.memory_space<hbm>>) target(%dma_start3A_683 : memref<16x128xf32, #tpu.memory_space<vmem>>) offsets(%dma_start3A_686 : memref<16xi32, #tpu.memory_space<vmem>>) semaphore(%dma_start3A_691 : memref<!tpu.dma_semaphore, #tpu.memory_space<semaphore_mem>>)
    %dma_start3A_692 = arith.constant 1 : i32
    %dma_start3A_693 = arith.constant 1 : i32
    %dma_start3A_694 = arith.constant 1 : i32
    %dma_start3A_695 = arith.constant 0 : i32
    %dma_start3A_696 = arith.constant 0 : i32
    %dma_start3A_697 = tpu.memref_slice %arg9[%dma_start3A_693, %dma_start3A_695, %dma_start3A_696] : memref<4x64x128xf32, #tpu.memory_space<vmem>> -> memref<1x16x128xf32, #tpu.memory_space<vmem>>
    %dma_start3A_698 = tpu.memref_squeeze %dma_start3A_697 : memref<1x16x128xf32, #tpu.memory_space<vmem>> -> memref<16x128xf32, #tpu.memory_space<vmem>>
    %dma_start3A_699 = arith.constant 0 : i32
    %dma_start3A_700 = tpu.memref_slice %arg7[%dma_start3A_692, %dma_start3A_699] : memref<40x64xi32, #tpu.memory_space<vmem>> -> memref<1x16xi32, #tpu.memory_space<vmem>>
    %dma_start3A_701 = tpu.memref_squeeze %dma_start3A_700 : memref<1x16xi32, #tpu.memory_space<vmem>> -> memref<16xi32, #tpu.memory_space<vmem>>
    %dma_start3A_702 = arith.constant 0 : i32
    %dma_start3A_703 = arith.constant 0 : i32
    %dma_start3A_704 = tpu.memref_slice %arg2[%dma_start3A_702, %dma_start3A_703] : memref<10000x128xf32, #tpu.memory_space<hbm>> -> memref<10000x128xf32, #tpu.memory_space<hbm>>
    %dma_start3A_705 = tpu.memref_slice %arg11[%dma_start3A_694] : memref<4x!tpu.dma_semaphore, #tpu.memory_space<semaphore_mem>> -> memref<1x!tpu.dma_semaphore, #tpu.memory_space<semaphore_mem>>
    %dma_start3A_706 = tpu.memref_squeeze %dma_start3A_705 : memref<1x!tpu.dma_semaphore, #tpu.memory_space<semaphore_mem>> -> memref<!tpu.dma_semaphore, #tpu.memory_space<semaphore_mem>>
    tpu.enqueue_indirect_dma source(%dma_start3A_704 : memref<10000x128xf32, #tpu.memory_space<hbm>>) target(%dma_start3A_698 : memref<16x128xf32, #tpu.memory_space<vmem>>) offsets(%dma_start3A_701 : memref<16xi32, #tpu.memory_space<vmem>>) semaphore(%dma_start3A_706 : memref<!tpu.dma_semaphore, #tpu.memory_space<semaphore_mem>>)
    %dma_start3A_707 = arith.constant 1 : i32
    %dma_start3A_708 = arith.constant 1 : i32
    %dma_start3A_709 = arith.constant 1 : i32
    %dma_start3A_710 = arith.constant 16 : i32
    %dma_start3A_711 = arith.constant 0 : i32
    %dma_start3A_712 = tpu.memref_slice %arg9[%dma_start3A_708, %dma_start3A_710, %dma_start3A_711] : memref<4x64x128xf32, #tpu.memory_space<vmem>> -> memref<1x16x128xf32, #tpu.memory_space<vmem>>
    %dma_start3A_713 = tpu.memref_squeeze %dma_start3A_712 : memref<1x16x128xf32, #tpu.memory_space<vmem>> -> memref<16x128xf32, #tpu.memory_space<vmem>>
    %dma_start3A_714 = arith.constant 16 : i32
    %dma_start3A_715 = tpu.memref_slice %arg7[%dma_start3A_707, %dma_start3A_714] : memref<40x64xi32, #tpu.memory_space<vmem>> -> memref<1x16xi32, #tpu.memory_space<vmem>>
    %dma_start3A_716 = tpu.memref_squeeze %dma_start3A_715 : memref<1x16xi32, #tpu.memory_space<vmem>> -> memref<16xi32, #tpu.memory_space<vmem>>
    %dma_start3A_717 = arith.constant 0 : i32
    %dma_start3A_718 = arith.constant 0 : i32
    %dma_start3A_719 = tpu.memref_slice %arg2[%dma_start3A_717, %dma_start3A_718] : memref<10000x128xf32, #tpu.memory_space<hbm>> -> memref<10000x128xf32, #tpu.memory_space<hbm>>
    %dma_start3A_720 = tpu.memref_slice %arg11[%dma_start3A_709] : memref<4x!tpu.dma_semaphore, #tpu.memory_space<semaphore_mem>> -> memref<1x!tpu.dma_semaphore, #tpu.memory_space<semaphore_mem>>
    %dma_start3A_721 = tpu.memref_squeeze %dma_start3A_720 : memref<1x!tpu.dma_semaphore, #tpu.memory_space<semaphore_mem>> -> memref<!tpu.dma_semaphore, #tpu.memory_space<semaphore_mem>>
    tpu.enqueue_indirect_dma source(%dma_start3A_719 : memref<10000x128xf32, #tpu.memory_space<hbm>>) target(%dma_start3A_713 : memref<16x128xf32, #tpu.memory_space<vmem>>) offsets(%dma_start3A_716 : memref<16xi32, #tpu.memory_space<vmem>>) semaphore(%dma_start3A_721 : memref<!tpu.dma_semaphore, #tpu.memory_space<semaphore_mem>>)
    %dma_start3A_722 = arith.constant 1 : i32
    %dma_start3A_723 = arith.constant 1 : i32
    %dma_start3A_724 = arith.constant 1 : i32
    %dma_start3A_725 = arith.constant 32 : i32
    %dma_start3A_726 = arith.constant 0 : i32
    %dma_start3A_727 = tpu.memref_slice %arg9[%dma_start3A_723, %dma_start3A_725, %dma_start3A_726] : memref<4x64x128xf32, #tpu.memory_space<vmem>> -> memref<1x16x128xf32, #tpu.memory_space<vmem>>
    %dma_start3A_728 = tpu.memref_squeeze %dma_start3A_727 : memref<1x16x128xf32, #tpu.memory_space<vmem>> -> memref<16x128xf32, #tpu.memory_space<vmem>>
    %dma_start3A_729 = arith.constant 32 : i32
    %dma_start3A_730 = tpu.memref_slice %arg7[%dma_start3A_722, %dma_start3A_729] : memref<40x64xi32, #tpu.memory_space<vmem>> -> memref<1x16xi32, #tpu.memory_space<vmem>>
    %dma_start3A_731 = tpu.memref_squeeze %dma_start3A_730 : memref<1x16xi32, #tpu.memory_space<vmem>> -> memref<16xi32, #tpu.memory_space<vmem>>
    %dma_start3A_732 = arith.constant 0 : i32
    %dma_start3A_733 = arith.constant 0 : i32
    %dma_start3A_734 = tpu.memref_slice %arg2[%dma_start3A_732, %dma_start3A_733] : memref<10000x128xf32, #tpu.memory_space<hbm>> -> memref<10000x128xf32, #tpu.memory_space<hbm>>
    %dma_start3A_735 = tpu.memref_slice %arg11[%dma_start3A_724] : memref<4x!tpu.dma_semaphore, #tpu.memory_space<semaphore_mem>> -> memref<1x!tpu.dma_semaphore, #tpu.memory_space<semaphore_mem>>
    %dma_start3A_736 = tpu.memref_squeeze %dma_start3A_735 : memref<1x!tpu.dma_semaphore, #tpu.memory_space<semaphore_mem>> -> memref<!tpu.dma_semaphore, #tpu.memory_space<semaphore_mem>>
    tpu.enqueue_indirect_dma source(%dma_start3A_734 : memref<10000x128xf32, #tpu.memory_space<hbm>>) target(%dma_start3A_728 : memref<16x128xf32, #tpu.memory_space<vmem>>) offsets(%dma_start3A_731 : memref<16xi32, #tpu.memory_space<vmem>>) semaphore(%dma_start3A_736 : memref<!tpu.dma_semaphore, #tpu.memory_space<semaphore_mem>>)
    %dma_start3A_737 = arith.constant 1 : i32
    %dma_start3A_738 = arith.constant 1 : i32
    %dma_start3A_739 = arith.constant 1 : i32
    %dma_start3A_740 = arith.constant 48 : i32
    %dma_start3A_741 = arith.constant 0 : i32
    %dma_start3A_742 = tpu.memref_slice %arg9[%dma_start3A_738, %dma_start3A_740, %dma_start3A_741] : memref<4x64x128xf32, #tpu.memory_space<vmem>> -> memref<1x16x128xf32, #tpu.memory_space<vmem>>
    %dma_start3A_743 = tpu.memref_squeeze %dma_start3A_742 : memref<1x16x128xf32, #tpu.memory_space<vmem>> -> memref<16x128xf32, #tpu.memory_space<vmem>>
    %dma_start3A_744 = arith.constant 48 : i32
    %dma_start3A_745 = tpu.memref_slice %arg7[%dma_start3A_737, %dma_start3A_744] : memref<40x64xi32, #tpu.memory_space<vmem>> -> memref<1x16xi32, #tpu.memory_space<vmem>>
    %dma_start3A_746 = tpu.memref_squeeze %dma_start3A_745 : memref<1x16xi32, #tpu.memory_space<vmem>> -> memref<16xi32, #tpu.memory_space<vmem>>
    %dma_start3A_747 = arith.constant 0 : i32
    %dma_start3A_748 = arith.constant 0 : i32
    %dma_start3A_749 = tpu.memref_slice %arg2[%dma_start3A_747, %dma_start3A_748] : memref<10000x128xf32, #tpu.memory_space<hbm>> -> memref<10000x128xf32, #tpu.memory_space<hbm>>
    %dma_start3A_750 = tpu.memref_slice %arg11[%dma_start3A_739] : memref<4x!tpu.dma_semaphore, #tpu.memory_space<semaphore_mem>> -> memref<1x!tpu.dma_semaphore, #tpu.memory_space<semaphore_mem>>
    %dma_start3A_751 = tpu.memref_squeeze %dma_start3A_750 : memref<1x!tpu.dma_semaphore, #tpu.memory_space<semaphore_mem>> -> memref<!tpu.dma_semaphore, #tpu.memory_space<semaphore_mem>>
    tpu.enqueue_indirect_dma source(%dma_start3A_749 : memref<10000x128xf32, #tpu.memory_space<hbm>>) target(%dma_start3A_743 : memref<16x128xf32, #tpu.memory_space<vmem>>) offsets(%dma_start3A_746 : memref<16xi32, #tpu.memory_space<vmem>>) semaphore(%dma_start3A_751 : memref<!tpu.dma_semaphore, #tpu.memory_space<semaphore_mem>>)
    %dma_start3A_752 = arith.constant 2 : i32
    %dma_start3A_753 = arith.constant 2 : i32
    %dma_start3A_754 = arith.constant 2 : i32
    %dma_start3A_755 = arith.constant 0 : i32
    %dma_start3A_756 = arith.constant 0 : i32
    %dma_start3A_757 = tpu.memref_slice %arg9[%dma_start3A_753, %dma_start3A_755, %dma_start3A_756] : memref<4x64x128xf32, #tpu.memory_space<vmem>> -> memref<1x16x128xf32, #tpu.memory_space<vmem>>
    %dma_start3A_758 = tpu.memref_squeeze %dma_start3A_757 : memref<1x16x128xf32, #tpu.memory_space<vmem>> -> memref<16x128xf32, #tpu.memory_space<vmem>>
    %dma_start3A_759 = arith.constant 0 : i32
    %dma_start3A_760 = tpu.memref_slice %arg7[%dma_start3A_752, %dma_start3A_759] : memref<40x64xi32, #tpu.memory_space<vmem>> -> memref<1x16xi32, #tpu.memory_space<vmem>>
    %dma_start3A_761 = tpu.memref_squeeze %dma_start3A_760 : memref<1x16xi32, #tpu.memory_space<vmem>> -> memref<16xi32, #tpu.memory_space<vmem>>
    %dma_start3A_762 = arith.constant 0 : i32
    %dma_start3A_763 = arith.constant 0 : i32
    %dma_start3A_764 = tpu.memref_slice %arg2[%dma_start3A_762, %dma_start3A_763] : memref<10000x128xf32, #tpu.memory_space<hbm>> -> memref<10000x128xf32, #tpu.memory_space<hbm>>
    %dma_start3A_765 = tpu.memref_slice %arg11[%dma_start3A_754] : memref<4x!tpu.dma_semaphore, #tpu.memory_space<semaphore_mem>> -> memref<1x!tpu.dma_semaphore, #tpu.memory_space<semaphore_mem>>
    %dma_start3A_766 = tpu.memref_squeeze %dma_start3A_765 : memref<1x!tpu.dma_semaphore, #tpu.memory_space<semaphore_mem>> -> memref<!tpu.dma_semaphore, #tpu.memory_space<semaphore_mem>>
    tpu.enqueue_indirect_dma source(%dma_start3A_764 : memref<10000x128xf32, #tpu.memory_space<hbm>>) target(%dma_start3A_758 : memref<16x128xf32, #tpu.memory_space<vmem>>) offsets(%dma_start3A_761 : memref<16xi32, #tpu.memory_space<vmem>>) semaphore(%dma_start3A_766 : memref<!tpu.dma_semaphore, #tpu.memory_space<semaphore_mem>>)
    %dma_start3A_767 = arith.constant 2 : i32
    %dma_start3A_768 = arith.constant 2 : i32
    %dma_start3A_769 = arith.constant 2 : i32
    %dma_start3A_770 = arith.constant 16 : i32
    %dma_start3A_771 = arith.constant 0 : i32
    %dma_start3A_772 = tpu.memref_slice %arg9[%dma_start3A_768, %dma_start3A_770, %dma_start3A_771] : memref<4x64x128xf32, #tpu.memory_space<vmem>> -> memref<1x16x128xf32, #tpu.memory_space<vmem>>
    %dma_start3A_773 = tpu.memref_squeeze %dma_start3A_772 : memref<1x16x128xf32, #tpu.memory_space<vmem>> -> memref<16x128xf32, #tpu.memory_space<vmem>>
    %dma_start3A_774 = arith.constant 16 : i32
    %dma_start3A_775 = tpu.memref_slice %arg7[%dma_start3A_767, %dma_start3A_774] : memref<40x64xi32, #tpu.memory_space<vmem>> -> memref<1x16xi32, #tpu.memory_space<vmem>>
    %dma_start3A_776 = tpu.memref_squeeze %dma_start3A_775 : memref<1x16xi32, #tpu.memory_space<vmem>> -> memref<16xi32, #tpu.memory_space<vmem>>
    %dma_start3A_777 = arith.constant 0 : i32
    %dma_start3A_778 = arith.constant 0 : i32
    %dma_start3A_779 = tpu.memref_slice %arg2[%dma_start3A_777, %dma_start3A_778] : memref<10000x128xf32, #tpu.memory_space<hbm>> -> memref<10000x128xf32, #tpu.memory_space<hbm>>
    %dma_start3A_780 = tpu.memref_slice %arg11[%dma_start3A_769] : memref<4x!tpu.dma_semaphore, #tpu.memory_space<semaphore_mem>> -> memref<1x!tpu.dma_semaphore, #tpu.memory_space<semaphore_mem>>
    %dma_start3A_781 = tpu.memref_squeeze %dma_start3A_780 : memref<1x!tpu.dma_semaphore, #tpu.memory_space<semaphore_mem>> -> memref<!tpu.dma_semaphore, #tpu.memory_space<semaphore_mem>>
    tpu.enqueue_indirect_dma source(%dma_start3A_779 : memref<10000x128xf32, #tpu.memory_space<hbm>>) target(%dma_start3A_773 : memref<16x128xf32, #tpu.memory_space<vmem>>) offsets(%dma_start3A_776 : memref<16xi32, #tpu.memory_space<vmem>>) semaphore(%dma_start3A_781 : memref<!tpu.dma_semaphore, #tpu.memory_space<semaphore_mem>>)
    %dma_start3A_782 = arith.constant 2 : i32
    %dma_start3A_783 = arith.constant 2 : i32
    %dma_start3A_784 = arith.constant 2 : i32
    %dma_start3A_785 = arith.constant 32 : i32
    %dma_start3A_786 = arith.constant 0 : i32
    %dma_start3A_787 = tpu.memref_slice %arg9[%dma_start3A_783, %dma_start3A_785, %dma_start3A_786] : memref<4x64x128xf32, #tpu.memory_space<vmem>> -> memref<1x16x128xf32, #tpu.memory_space<vmem>>
    %dma_start3A_788 = tpu.memref_squeeze %dma_start3A_787 : memref<1x16x128xf32, #tpu.memory_space<vmem>> -> memref<16x128xf32, #tpu.memory_space<vmem>>
    %dma_start3A_789 = arith.constant 32 : i32
    %dma_start3A_790 = tpu.memref_slice %arg7[%dma_start3A_782, %dma_start3A_789] : memref<40x64xi32, #tpu.memory_space<vmem>> -> memref<1x16xi32, #tpu.memory_space<vmem>>
    %dma_start3A_791 = tpu.memref_squeeze %dma_start3A_790 : memref<1x16xi32, #tpu.memory_space<vmem>> -> memref<16xi32, #tpu.memory_space<vmem>>
    %dma_start3A_792 = arith.constant 0 : i32
    %dma_start3A_793 = arith.constant 0 : i32
    %dma_start3A_794 = tpu.memref_slice %arg2[%dma_start3A_792, %dma_start3A_793] : memref<10000x128xf32, #tpu.memory_space<hbm>> -> memref<10000x128xf32, #tpu.memory_space<hbm>>
    %dma_start3A_795 = tpu.memref_slice %arg11[%dma_start3A_784] : memref<4x!tpu.dma_semaphore, #tpu.memory_space<semaphore_mem>> -> memref<1x!tpu.dma_semaphore, #tpu.memory_space<semaphore_mem>>
    %dma_start3A_796 = tpu.memref_squeeze %dma_start3A_795 : memref<1x!tpu.dma_semaphore, #tpu.memory_space<semaphore_mem>> -> memref<!tpu.dma_semaphore, #tpu.memory_space<semaphore_mem>>
    tpu.enqueue_indirect_dma source(%dma_start3A_794 : memref<10000x128xf32, #tpu.memory_space<hbm>>) target(%dma_start3A_788 : memref<16x128xf32, #tpu.memory_space<vmem>>) offsets(%dma_start3A_791 : memref<16xi32, #tpu.memory_space<vmem>>) semaphore(%dma_start3A_796 : memref<!tpu.dma_semaphore, #tpu.memory_space<semaphore_mem>>)
    %dma_start3A_797 = arith.constant 2 : i32
    %dma_start3A_798 = arith.constant 2 : i32
    %dma_start3A_799 = arith.constant 2 : i32
    %dma_start3A_800 = arith.constant 48 : i32
    %dma_start3A_801 = arith.constant 0 : i32
    %dma_start3A_802 = tpu.memref_slice %arg9[%dma_start3A_798, %dma_start3A_800, %dma_start3A_801] : memref<4x64x128xf32, #tpu.memory_space<vmem>> -> memref<1x16x128xf32, #tpu.memory_space<vmem>>
    %dma_start3A_803 = tpu.memref_squeeze %dma_start3A_802 : memref<1x16x128xf32, #tpu.memory_space<vmem>> -> memref<16x128xf32, #tpu.memory_space<vmem>>
    %dma_start3A_804 = arith.constant 48 : i32
    %dma_start3A_805 = tpu.memref_slice %arg7[%dma_start3A_797, %dma_start3A_804] : memref<40x64xi32, #tpu.memory_space<vmem>> -> memref<1x16xi32, #tpu.memory_space<vmem>>
    %dma_start3A_806 = tpu.memref_squeeze %dma_start3A_805 : memref<1x16xi32, #tpu.memory_space<vmem>> -> memref<16xi32, #tpu.memory_space<vmem>>
    %dma_start3A_807 = arith.constant 0 : i32
    %dma_start3A_808 = arith.constant 0 : i32
    %dma_start3A_809 = tpu.memref_slice %arg2[%dma_start3A_807, %dma_start3A_808] : memref<10000x128xf32, #tpu.memory_space<hbm>> -> memref<10000x128xf32, #tpu.memory_space<hbm>>
    %dma_start3A_810 = tpu.memref_slice %arg11[%dma_start3A_799] : memref<4x!tpu.dma_semaphore, #tpu.memory_space<semaphore_mem>> -> memref<1x!tpu.dma_semaphore, #tpu.memory_space<semaphore_mem>>
    %dma_start3A_811 = tpu.memref_squeeze %dma_start3A_810 : memref<1x!tpu.dma_semaphore, #tpu.memory_space<semaphore_mem>> -> memref<!tpu.dma_semaphore, #tpu.memory_space<semaphore_mem>>
    tpu.enqueue_indirect_dma source(%dma_start3A_809 : memref<10000x128xf32, #tpu.memory_space<hbm>>) target(%dma_start3A_803 : memref<16x128xf32, #tpu.memory_space<vmem>>) offsets(%dma_start3A_806 : memref<16xi32, #tpu.memory_space<vmem>>) semaphore(%dma_start3A_811 : memref<!tpu.dma_semaphore, #tpu.memory_space<semaphore_mem>>)
    %scan3A_812 = arith.constant 0 : i32
    %scan3A_813 = arith.constant 0 : i32
    %scan3A_814 = arith.constant 10 : i32
    %scan3A_815 = arith.addi %scan3A_813, %scan3A_814 : i32
    %scan3A_816 = arith.constant 1 : i32
    scf.for %scan3A_841 = %scan3A_813 to %scan3A_815 step %scan3A_816  : i32 {
      %mul3A_842 = arith.constant 4 : i32
      %mul3A_843 = arith.muli %scan3A_841, %mul3A_842 : i32
      %add3A_844 = arith.constant 0 : i32
      %add3A_845 = arith.addi %mul3A_843, %add3A_844 : i32
      %dma_wait3A_846 = arith.constant 0 : i32
      %dma_wait3A_847 = arith.constant 0 : i32
      %dma_wait3A_848 = arith.constant 0 : i32
      %dma_wait3A_849 = arith.constant 0 : i32
      %dma_wait3A_850 = tpu.memref_slice %arg9[%dma_wait3A_846, %dma_wait3A_848, %dma_wait3A_849] : memref<4x64x128xf32, #tpu.memory_space<vmem>> -> memref<1x64x128xf32, #tpu.memory_space<vmem>>
      %dma_wait3A_851 = tpu.memref_squeeze %dma_wait3A_850 : memref<1x64x128xf32, #tpu.memory_space<vmem>> -> memref<64x128xf32, #tpu.memory_space<vmem>>
      %dma_wait3A_852 = arith.constant 0 : i32
      %dma_wait3A_853 = arith.constant 0 : i32
      %dma_wait3A_854 = tpu.memref_slice %arg2[%dma_wait3A_852, %dma_wait3A_853] : memref<10000x128xf32, #tpu.memory_space<hbm>> -> memref<64x128xf32, #tpu.memory_space<hbm>>
      %dma_wait3A_855 = tpu.memref_slice %arg11[%dma_wait3A_847] : memref<4x!tpu.dma_semaphore, #tpu.memory_space<semaphore_mem>> -> memref<1x!tpu.dma_semaphore, #tpu.memory_space<semaphore_mem>>
      %dma_wait3A_856 = tpu.memref_squeeze %dma_wait3A_855 : memref<1x!tpu.dma_semaphore, #tpu.memory_space<semaphore_mem>> -> memref<!tpu.dma_semaphore, #tpu.memory_space<semaphore_mem>>
      %dma_wait3A_857 = arith.constant 0 : i32
      %dma_wait3A_858 = arith.constant 0 : i32
      %dma_wait3A_859 = tpu.memref_slice %arg9[%dma_wait3A_846, %dma_wait3A_857, %dma_wait3A_858] : memref<4x64x128xf32, #tpu.memory_space<vmem>> -> memref<1x64x128xf32, #tpu.memory_space<vmem>>
      %dma_wait3A_860 = tpu.memref_squeeze %dma_wait3A_859 : memref<1x64x128xf32, #tpu.memory_space<vmem>> -> memref<64x128xf32, #tpu.memory_space<vmem>>
      %dma_wait3A_861 = arith.constant 0 : i32
      %dma_wait3A_862 = arith.constant 0 : i32
      %dma_wait3A_863 = tpu.memref_slice %arg2[%dma_wait3A_861, %dma_wait3A_862] : memref<10000x128xf32, #tpu.memory_space<hbm>> -> memref<64x128xf32, #tpu.memory_space<hbm>>
      tpu.wait_dma2 semaphore(%dma_wait3A_856 : memref<!tpu.dma_semaphore, #tpu.memory_space<semaphore_mem>>) src(%dma_wait3A_863 : memref<64x128xf32, #tpu.memory_space<hbm>>) dst(%dma_wait3A_860 : memref<64x128xf32, #tpu.memory_space<vmem>>)
      %dma_start3A_864 = arith.constant 0 : i32
      %dma_start3A_865 = arith.constant 0 : i32
      %dma_start3A_866 = arith.constant 0 : i32
      %dma_start3A_867 = arith.constant 0 : i32
      %dma_start3A_868 = tpu.memref_slice %arg9[%dma_start3A_864, %dma_start3A_866, %dma_start3A_867] : memref<4x64x128xf32, #tpu.memory_space<vmem>> -> memref<1x64x128xf32, #tpu.memory_space<vmem>>
      %dma_start3A_869 = tpu.memref_squeeze %dma_start3A_868 : memref<1x64x128xf32, #tpu.memory_space<vmem>> -> memref<64x128xf32, #tpu.memory_space<vmem>>
      %dma_start3A_870 = arith.constant 0 : i32
      %dma_start3A_871 = tpu.memref_slice %arg8[%add3A_845, %dma_start3A_870] : memref<40x64xi32, #tpu.memory_space<vmem>> -> memref<1x64xi32, #tpu.memory_space<vmem>>
      %dma_start3A_872 = tpu.memref_squeeze %dma_start3A_871 : memref<1x64xi32, #tpu.memory_space<vmem>> -> memref<64xi32, #tpu.memory_space<vmem>>
      %dma_start3A_873 = arith.constant 0 : i32
      %dma_start3A_874 = arith.constant 0 : i32
      %dma_start3A_875 = tpu.memref_slice %arg10[%dma_start3A_873, %dma_start3A_874] : memref<10240x128xf32, #tpu.memory_space<vmem_shared>> -> memref<10240x128xf32, #tpu.memory_space<vmem_shared>>
      %dma_start3A_876 = tpu.memref_slice %arg12[%dma_start3A_865] : memref<4x!tpu.dma_semaphore, #tpu.memory_space<semaphore_mem>> -> memref<1x!tpu.dma_semaphore, #tpu.memory_space<semaphore_mem>>
      %dma_start3A_877 = tpu.memref_squeeze %dma_start3A_876 : memref<1x!tpu.dma_semaphore, #tpu.memory_space<semaphore_mem>> -> memref<!tpu.dma_semaphore, #tpu.memory_space<semaphore_mem>>
      tpu.enqueue_indirect_dma source(%dma_start3A_869 : memref<64x128xf32, #tpu.memory_space<vmem>>) target(%dma_start3A_875 : memref<10240x128xf32, #tpu.memory_space<vmem_shared>>) offsets(%dma_start3A_872 : memref<64xi32, #tpu.memory_space<vmem>>) semaphore(%dma_start3A_877 : memref<!tpu.dma_semaphore, #tpu.memory_space<semaphore_mem>>) {add = true}
      %ge3A = arith.constant 1 : i32
      %ge3A_878 = arith.cmpi sge, %add3A_845, %ge3A : i32
      %convert_element_type3A = arith.extui %ge3A_878 : i1 to i32
      %cond3A = arith.constant 0 : i32
      %cond3A_879 = arith.cmpi ne, %convert_element_type3A, %cond3A : i32
      scf.if %cond3A_879 {
        %dma_wait3A_1037 = arith.constant 3 : i32
        %dma_wait3A_1038 = arith.constant 3 : i32
        %dma_wait3A_1039 = arith.constant 0 : i32
        %dma_wait3A_1040 = arith.constant 0 : i32
        %dma_wait3A_1041 = tpu.memref_slice %arg9[%dma_wait3A_1037, %dma_wait3A_1039, %dma_wait3A_1040] : memref<4x64x128xf32, #tpu.memory_space<vmem>> -> memref<1x64x128xf32, #tpu.memory_space<vmem>>
        %dma_wait3A_1042 = tpu.memref_squeeze %dma_wait3A_1041 : memref<1x64x128xf32, #tpu.memory_space<vmem>> -> memref<64x128xf32, #tpu.memory_space<vmem>>
        %dma_wait3A_1043 = arith.constant 0 : i32
        %dma_wait3A_1044 = arith.constant 0 : i32
        %dma_wait3A_1045 = tpu.memref_slice %arg2[%dma_wait3A_1043, %dma_wait3A_1044] : memref<10000x128xf32, #tpu.memory_space<hbm>> -> memref<64x128xf32, #tpu.memory_space<hbm>>
        %dma_wait3A_1046 = tpu.memref_slice %arg12[%dma_wait3A_1038] : memref<4x!tpu.dma_semaphore, #tpu.memory_space<semaphore_mem>> -> memref<1x!tpu.dma_semaphore, #tpu.memory_space<semaphore_mem>>
        %dma_wait3A_1047 = tpu.memref_squeeze %dma_wait3A_1046 : memref<1x!tpu.dma_semaphore, #tpu.memory_space<semaphore_mem>> -> memref<!tpu.dma_semaphore, #tpu.memory_space<semaphore_mem>>
        %dma_wait3A_1048 = arith.constant 0 : i32
        %dma_wait3A_1049 = arith.constant 0 : i32
        %dma_wait3A_1050 = tpu.memref_slice %arg9[%dma_wait3A_1037, %dma_wait3A_1048, %dma_wait3A_1049] : memref<4x64x128xf32, #tpu.memory_space<vmem>> -> memref<1x64x128xf32, #tpu.memory_space<vmem>>
        %dma_wait3A_1051 = tpu.memref_squeeze %dma_wait3A_1050 : memref<1x64x128xf32, #tpu.memory_space<vmem>> -> memref<64x128xf32, #tpu.memory_space<vmem>>
        %dma_wait3A_1052 = arith.constant 0 : i32
        %dma_wait3A_1053 = arith.constant 0 : i32
        %dma_wait3A_1054 = tpu.memref_slice %arg2[%dma_wait3A_1052, %dma_wait3A_1053] : memref<10000x128xf32, #tpu.memory_space<hbm>> -> memref<64x128xf32, #tpu.memory_space<hbm>>
        tpu.wait_dma2 semaphore(%dma_wait3A_1047 : memref<!tpu.dma_semaphore, #tpu.memory_space<semaphore_mem>>) src(%dma_wait3A_1054 : memref<64x128xf32, #tpu.memory_space<hbm>>) dst(%dma_wait3A_1051 : memref<64x128xf32, #tpu.memory_space<vmem>>)
      } else {
      }
      %add3A_880 = arith.constant 4 : i32
      %add3A_881 = arith.addi %add3A_845, %add3A_880 : i32
      %sub3A = arith.constant 1 : i32
      %sub3A_882 = arith.subi %add3A_881, %sub3A : i32
      %lt3A = arith.constant 40 : i32
      %lt3A_883 = arith.cmpi slt, %sub3A_882, %lt3A : i32
      %convert_element_type3A_884 = arith.extui %lt3A_883 : i1 to i32
      %cond3A_885 = arith.constant 0 : i32
      %cond3A_886 = arith.cmpi ne, %convert_element_type3A_884, %cond3A_885 : i32
      scf.if %cond3A_886 {
        %add3A_1037 = arith.constant 4 : i32
        %add3A_1038 = arith.addi %add3A_845, %add3A_1037 : i32
        %sub3A_1039 = arith.constant 1 : i32
        %sub3A_1040 = arith.subi %add3A_1038, %sub3A_1039 : i32
        %dma_start3A_1041 = arith.constant 3 : i32
        %dma_start3A_1042 = arith.constant 3 : i32
        %dma_start3A_1043 = arith.constant 0 : i32
        %dma_start3A_1044 = arith.constant 0 : i32
        %dma_start3A_1045 = tpu.memref_slice %arg9[%dma_start3A_1041, %dma_start3A_1043, %dma_start3A_1044] : memref<4x64x128xf32, #tpu.memory_space<vmem>> -> memref<1x16x128xf32, #tpu.memory_space<vmem>>
        %dma_start3A_1046 = tpu.memref_squeeze %dma_start3A_1045 : memref<1x16x128xf32, #tpu.memory_space<vmem>> -> memref<16x128xf32, #tpu.memory_space<vmem>>
        %dma_start3A_1047 = arith.constant 0 : i32
        %dma_start3A_1048 = tpu.memref_slice %arg7[%sub3A_1040, %dma_start3A_1047] : memref<40x64xi32, #tpu.memory_space<vmem>> -> memref<1x16xi32, #tpu.memory_space<vmem>>
        %dma_start3A_1049 = tpu.memref_squeeze %dma_start3A_1048 : memref<1x16xi32, #tpu.memory_space<vmem>> -> memref<16xi32, #tpu.memory_space<vmem>>
        %dma_start3A_1050 = arith.constant 0 : i32
        %dma_start3A_1051 = arith.constant 0 : i32
        %dma_start3A_1052 = tpu.memref_slice %arg2[%dma_start3A_1050, %dma_start3A_1051] : memref<10000x128xf32, #tpu.memory_space<hbm>> -> memref<10000x128xf32, #tpu.memory_space<hbm>>
        %dma_start3A_1053 = tpu.memref_slice %arg11[%dma_start3A_1042] : memref<4x!tpu.dma_semaphore, #tpu.memory_space<semaphore_mem>> -> memref<1x!tpu.dma_semaphore, #tpu.memory_space<semaphore_mem>>
        %dma_start3A_1054 = tpu.memref_squeeze %dma_start3A_1053 : memref<1x!tpu.dma_semaphore, #tpu.memory_space<semaphore_mem>> -> memref<!tpu.dma_semaphore, #tpu.memory_space<semaphore_mem>>
        tpu.enqueue_indirect_dma source(%dma_start3A_1052 : memref<10000x128xf32, #tpu.memory_space<hbm>>) target(%dma_start3A_1046 : memref<16x128xf32, #tpu.memory_space<vmem>>) offsets(%dma_start3A_1049 : memref<16xi32, #tpu.memory_space<vmem>>) semaphore(%dma_start3A_1054 : memref<!tpu.dma_semaphore, #tpu.memory_space<semaphore_mem>>)
        %dma_start3A_1055 = arith.constant 3 : i32
        %dma_start3A_1056 = arith.constant 3 : i32
        %dma_start3A_1057 = arith.constant 16 : i32
        %dma_start3A_1058 = arith.constant 0 : i32
        %dma_start3A_1059 = tpu.memref_slice %arg9[%dma_start3A_1055, %dma_start3A_1057, %dma_start3A_1058] : memref<4x64x128xf32, #tpu.memory_space<vmem>> -> memref<1x16x128xf32, #tpu.memory_space<vmem>>
        %dma_start3A_1060 = tpu.memref_squeeze %dma_start3A_1059 : memref<1x16x128xf32, #tpu.memory_space<vmem>> -> memref<16x128xf32, #tpu.memory_space<vmem>>
        %dma_start3A_1061 = arith.constant 16 : i32
        %dma_start3A_1062 = tpu.memref_slice %arg7[%sub3A_1040, %dma_start3A_1061] : memref<40x64xi32, #tpu.memory_space<vmem>> -> memref<1x16xi32, #tpu.memory_space<vmem>>
        %dma_start3A_1063 = tpu.memref_squeeze %dma_start3A_1062 : memref<1x16xi32, #tpu.memory_space<vmem>> -> memref<16xi32, #tpu.memory_space<vmem>>
        %dma_start3A_1064 = arith.constant 0 : i32
        %dma_start3A_1065 = arith.constant 0 : i32
        %dma_start3A_1066 = tpu.memref_slice %arg2[%dma_start3A_1064, %dma_start3A_1065] : memref<10000x128xf32, #tpu.memory_space<hbm>> -> memref<10000x128xf32, #tpu.memory_space<hbm>>
        %dma_start3A_1067 = tpu.memref_slice %arg11[%dma_start3A_1056] : memref<4x!tpu.dma_semaphore, #tpu.memory_space<semaphore_mem>> -> memref<1x!tpu.dma_semaphore, #tpu.memory_space<semaphore_mem>>
        %dma_start3A_1068 = tpu.memref_squeeze %dma_start3A_1067 : memref<1x!tpu.dma_semaphore, #tpu.memory_space<semaphore_mem>> -> memref<!tpu.dma_semaphore, #tpu.memory_space<semaphore_mem>>
        tpu.enqueue_indirect_dma source(%dma_start3A_1066 : memref<10000x128xf32, #tpu.memory_space<hbm>>) target(%dma_start3A_1060 : memref<16x128xf32, #tpu.memory_space<vmem>>) offsets(%dma_start3A_1063 : memref<16xi32, #tpu.memory_space<vmem>>) semaphore(%dma_start3A_1068 : memref<!tpu.dma_semaphore, #tpu.memory_space<semaphore_mem>>)
        %dma_start3A_1069 = arith.constant 3 : i32
        %dma_start3A_1070 = arith.constant 3 : i32
        %dma_start3A_1071 = arith.constant 32 : i32
        %dma_start3A_1072 = arith.constant 0 : i32
        %dma_start3A_1073 = tpu.memref_slice %arg9[%dma_start3A_1069, %dma_start3A_1071, %dma_start3A_1072] : memref<4x64x128xf32, #tpu.memory_space<vmem>> -> memref<1x16x128xf32, #tpu.memory_space<vmem>>
        %dma_start3A_1074 = tpu.memref_squeeze %dma_start3A_1073 : memref<1x16x128xf32, #tpu.memory_space<vmem>> -> memref<16x128xf32, #tpu.memory_space<vmem>>
        %dma_start3A_1075 = arith.constant 32 : i32
        %dma_start3A_1076 = tpu.memref_slice %arg7[%sub3A_1040, %dma_start3A_1075] : memref<40x64xi32, #tpu.memory_space<vmem>> -> memref<1x16xi32, #tpu.memory_space<vmem>>
        %dma_start3A_1077 = tpu.memref_squeeze %dma_start3A_1076 : memref<1x16xi32, #tpu.memory_space<vmem>> -> memref<16xi32, #tpu.memory_space<vmem>>
        %dma_start3A_1078 = arith.constant 0 : i32
        %dma_start3A_1079 = arith.constant 0 : i32
        %dma_start3A_1080 = tpu.memref_slice %arg2[%dma_start3A_1078, %dma_start3A_1079] : memref<10000x128xf32, #tpu.memory_space<hbm>> -> memref<10000x128xf32, #tpu.memory_space<hbm>>
        %dma_start3A_1081 = tpu.memref_slice %arg11[%dma_start3A_1070] : memref<4x!tpu.dma_semaphore, #tpu.memory_space<semaphore_mem>> -> memref<1x!tpu.dma_semaphore, #tpu.memory_space<semaphore_mem>>
        %dma_start3A_1082 = tpu.memref_squeeze %dma_start3A_1081 : memref<1x!tpu.dma_semaphore, #tpu.memory_space<semaphore_mem>> -> memref<!tpu.dma_semaphore, #tpu.memory_space<semaphore_mem>>
        tpu.enqueue_indirect_dma source(%dma_start3A_1080 : memref<10000x128xf32, #tpu.memory_space<hbm>>) target(%dma_start3A_1074 : memref<16x128xf32, #tpu.memory_space<vmem>>) offsets(%dma_start3A_1077 : memref<16xi32, #tpu.memory_space<vmem>>) semaphore(%dma_start3A_1082 : memref<!tpu.dma_semaphore, #tpu.memory_space<semaphore_mem>>)
        %dma_start3A_1083 = arith.constant 3 : i32
        %dma_start3A_1084 = arith.constant 3 : i32
        %dma_start3A_1085 = arith.constant 48 : i32
        %dma_start3A_1086 = arith.constant 0 : i32
        %dma_start3A_1087 = tpu.memref_slice %arg9[%dma_start3A_1083, %dma_start3A_1085, %dma_start3A_1086] : memref<4x64x128xf32, #tpu.memory_space<vmem>> -> memref<1x16x128xf32, #tpu.memory_space<vmem>>
        %dma_start3A_1088 = tpu.memref_squeeze %dma_start3A_1087 : memref<1x16x128xf32, #tpu.memory_space<vmem>> -> memref<16x128xf32, #tpu.memory_space<vmem>>
        %dma_start3A_1089 = arith.constant 48 : i32
        %dma_start3A_1090 = tpu.memref_slice %arg7[%sub3A_1040, %dma_start3A_1089] : memref<40x64xi32, #tpu.memory_space<vmem>> -> memref<1x16xi32, #tpu.memory_space<vmem>>
        %dma_start3A_1091 = tpu.memref_squeeze %dma_start3A_1090 : memref<1x16xi32, #tpu.memory_space<vmem>> -> memref<16xi32, #tpu.memory_space<vmem>>
        %dma_start3A_1092 = arith.constant 0 : i32
        %dma_start3A_1093 = arith.constant 0 : i32
        %dma_start3A_1094 = tpu.memref_slice %arg2[%dma_start3A_1092, %dma_start3A_1093] : memref<10000x128xf32, #tpu.memory_space<hbm>> -> memref<10000x128xf32, #tpu.memory_space<hbm>>
        %dma_start3A_1095 = tpu.memref_slice %arg11[%dma_start3A_1084] : memref<4x!tpu.dma_semaphore, #tpu.memory_space<semaphore_mem>> -> memref<1x!tpu.dma_semaphore, #tpu.memory_space<semaphore_mem>>
        %dma_start3A_1096 = tpu.memref_squeeze %dma_start3A_1095 : memref<1x!tpu.dma_semaphore, #tpu.memory_space<semaphore_mem>> -> memref<!tpu.dma_semaphore, #tpu.memory_space<semaphore_mem>>
        tpu.enqueue_indirect_dma source(%dma_start3A_1094 : memref<10000x128xf32, #tpu.memory_space<hbm>>) target(%dma_start3A_1088 : memref<16x128xf32, #tpu.memory_space<vmem>>) offsets(%dma_start3A_1091 : memref<16xi32, #tpu.memory_space<vmem>>) semaphore(%dma_start3A_1096 : memref<!tpu.dma_semaphore, #tpu.memory_space<semaphore_mem>>)
      } else {
      }
      %mul3A_887 = arith.constant 4 : i32
      %mul3A_888 = arith.muli %scan3A_841, %mul3A_887 : i32
      %add3A_889 = arith.constant 1 : i32
      %add3A_890 = arith.addi %mul3A_888, %add3A_889 : i32
      %dma_wait3A_891 = arith.constant 1 : i32
      %dma_wait3A_892 = arith.constant 1 : i32
      %dma_wait3A_893 = arith.constant 0 : i32
      %dma_wait3A_894 = arith.constant 0 : i32
      %dma_wait3A_895 = tpu.memref_slice %arg9[%dma_wait3A_891, %dma_wait3A_893, %dma_wait3A_894] : memref<4x64x128xf32, #tpu.memory_space<vmem>> -> memref<1x64x128xf32, #tpu.memory_space<vmem>>
      %dma_wait3A_896 = tpu.memref_squeeze %dma_wait3A_895 : memref<1x64x128xf32, #tpu.memory_space<vmem>> -> memref<64x128xf32, #tpu.memory_space<vmem>>
      %dma_wait3A_897 = arith.constant 0 : i32
      %dma_wait3A_898 = arith.constant 0 : i32
      %dma_wait3A_899 = tpu.memref_slice %arg2[%dma_wait3A_897, %dma_wait3A_898] : memref<10000x128xf32, #tpu.memory_space<hbm>> -> memref<64x128xf32, #tpu.memory_space<hbm>>
      %dma_wait3A_900 = tpu.memref_slice %arg11[%dma_wait3A_892] : memref<4x!tpu.dma_semaphore, #tpu.memory_space<semaphore_mem>> -> memref<1x!tpu.dma_semaphore, #tpu.memory_space<semaphore_mem>>
      %dma_wait3A_901 = tpu.memref_squeeze %dma_wait3A_900 : memref<1x!tpu.dma_semaphore, #tpu.memory_space<semaphore_mem>> -> memref<!tpu.dma_semaphore, #tpu.memory_space<semaphore_mem>>
      %dma_wait3A_902 = arith.constant 0 : i32
      %dma_wait3A_903 = arith.constant 0 : i32
      %dma_wait3A_904 = tpu.memref_slice %arg9[%dma_wait3A_891, %dma_wait3A_902, %dma_wait3A_903] : memref<4x64x128xf32, #tpu.memory_space<vmem>> -> memref<1x64x128xf32, #tpu.memory_space<vmem>>
      %dma_wait3A_905 = tpu.memref_squeeze %dma_wait3A_904 : memref<1x64x128xf32, #tpu.memory_space<vmem>> -> memref<64x128xf32, #tpu.memory_space<vmem>>
      %dma_wait3A_906 = arith.constant 0 : i32
      %dma_wait3A_907 = arith.constant 0 : i32
      %dma_wait3A_908 = tpu.memref_slice %arg2[%dma_wait3A_906, %dma_wait3A_907] : memref<10000x128xf32, #tpu.memory_space<hbm>> -> memref<64x128xf32, #tpu.memory_space<hbm>>
      tpu.wait_dma2 semaphore(%dma_wait3A_901 : memref<!tpu.dma_semaphore, #tpu.memory_space<semaphore_mem>>) src(%dma_wait3A_908 : memref<64x128xf32, #tpu.memory_space<hbm>>) dst(%dma_wait3A_905 : memref<64x128xf32, #tpu.memory_space<vmem>>)
      %dma_start3A_909 = arith.constant 1 : i32
      %dma_start3A_910 = arith.constant 1 : i32
      %dma_start3A_911 = arith.constant 0 : i32
      %dma_start3A_912 = arith.constant 0 : i32
      %dma_start3A_913 = tpu.memref_slice %arg9[%dma_start3A_909, %dma_start3A_911, %dma_start3A_912] : memref<4x64x128xf32, #tpu.memory_space<vmem>> -> memref<1x64x128xf32, #tpu.memory_space<vmem>>
      %dma_start3A_914 = tpu.memref_squeeze %dma_start3A_913 : memref<1x64x128xf32, #tpu.memory_space<vmem>> -> memref<64x128xf32, #tpu.memory_space<vmem>>
      %dma_start3A_915 = arith.constant 0 : i32
      %dma_start3A_916 = tpu.memref_slice %arg8[%add3A_890, %dma_start3A_915] : memref<40x64xi32, #tpu.memory_space<vmem>> -> memref<1x64xi32, #tpu.memory_space<vmem>>
      %dma_start3A_917 = tpu.memref_squeeze %dma_start3A_916 : memref<1x64xi32, #tpu.memory_space<vmem>> -> memref<64xi32, #tpu.memory_space<vmem>>
      %dma_start3A_918 = arith.constant 0 : i32
      %dma_start3A_919 = arith.constant 0 : i32
      %dma_start3A_920 = tpu.memref_slice %arg10[%dma_start3A_918, %dma_start3A_919] : memref<10240x128xf32, #tpu.memory_space<vmem_shared>> -> memref<10240x128xf32, #tpu.memory_space<vmem_shared>>
      %dma_start3A_921 = tpu.memref_slice %arg12[%dma_start3A_910] : memref<4x!tpu.dma_semaphore, #tpu.memory_space<semaphore_mem>> -> memref<1x!tpu.dma_semaphore, #tpu.memory_space<semaphore_mem>>
      %dma_start3A_922 = tpu.memref_squeeze %dma_start3A_921 : memref<1x!tpu.dma_semaphore, #tpu.memory_space<semaphore_mem>> -> memref<!tpu.dma_semaphore, #tpu.memory_space<semaphore_mem>>
      tpu.enqueue_indirect_dma source(%dma_start3A_914 : memref<64x128xf32, #tpu.memory_space<vmem>>) target(%dma_start3A_920 : memref<10240x128xf32, #tpu.memory_space<vmem_shared>>) offsets(%dma_start3A_917 : memref<64xi32, #tpu.memory_space<vmem>>) semaphore(%dma_start3A_922 : memref<!tpu.dma_semaphore, #tpu.memory_space<semaphore_mem>>) {add = true}
      %ge3A_923 = arith.constant 1 : i32
      %ge3A_924 = arith.cmpi sge, %add3A_890, %ge3A_923 : i32
      %convert_element_type3A_925 = arith.extui %ge3A_924 : i1 to i32
      %cond3A_926 = arith.constant 0 : i32
      %cond3A_927 = arith.cmpi ne, %convert_element_type3A_925, %cond3A_926 : i32
      scf.if %cond3A_927 {
        %dma_wait3A_1037 = arith.constant 0 : i32
        %dma_wait3A_1038 = arith.constant 0 : i32
        %dma_wait3A_1039 = arith.constant 0 : i32
        %dma_wait3A_1040 = arith.constant 0 : i32
        %dma_wait3A_1041 = tpu.memref_slice %arg9[%dma_wait3A_1037, %dma_wait3A_1039, %dma_wait3A_1040] : memref<4x64x128xf32, #tpu.memory_space<vmem>> -> memref<1x64x128xf32, #tpu.memory_space<vmem>>
        %dma_wait3A_1042 = tpu.memref_squeeze %dma_wait3A_1041 : memref<1x64x128xf32, #tpu.memory_space<vmem>> -> memref<64x128xf32, #tpu.memory_space<vmem>>
        %dma_wait3A_1043 = arith.constant 0 : i32
        %dma_wait3A_1044 = arith.constant 0 : i32
        %dma_wait3A_1045 = tpu.memref_slice %arg2[%dma_wait3A_1043, %dma_wait3A_1044] : memref<10000x128xf32, #tpu.memory_space<hbm>> -> memref<64x128xf32, #tpu.memory_space<hbm>>
        %dma_wait3A_1046 = tpu.memref_slice %arg12[%dma_wait3A_1038] : memref<4x!tpu.dma_semaphore, #tpu.memory_space<semaphore_mem>> -> memref<1x!tpu.dma_semaphore, #tpu.memory_space<semaphore_mem>>
        %dma_wait3A_1047 = tpu.memref_squeeze %dma_wait3A_1046 : memref<1x!tpu.dma_semaphore, #tpu.memory_space<semaphore_mem>> -> memref<!tpu.dma_semaphore, #tpu.memory_space<semaphore_mem>>
        %dma_wait3A_1048 = arith.constant 0 : i32
        %dma_wait3A_1049 = arith.constant 0 : i32
        %dma_wait3A_1050 = tpu.memref_slice %arg9[%dma_wait3A_1037, %dma_wait3A_1048, %dma_wait3A_1049] : memref<4x64x128xf32, #tpu.memory_space<vmem>> -> memref<1x64x128xf32, #tpu.memory_space<vmem>>
        %dma_wait3A_1051 = tpu.memref_squeeze %dma_wait3A_1050 : memref<1x64x128xf32, #tpu.memory_space<vmem>> -> memref<64x128xf32, #tpu.memory_space<vmem>>
        %dma_wait3A_1052 = arith.constant 0 : i32
        %dma_wait3A_1053 = arith.constant 0 : i32
        %dma_wait3A_1054 = tpu.memref_slice %arg2[%dma_wait3A_1052, %dma_wait3A_1053] : memref<10000x128xf32, #tpu.memory_space<hbm>> -> memref<64x128xf32, #tpu.memory_space<hbm>>
        tpu.wait_dma2 semaphore(%dma_wait3A_1047 : memref<!tpu.dma_semaphore, #tpu.memory_space<semaphore_mem>>) src(%dma_wait3A_1054 : memref<64x128xf32, #tpu.memory_space<hbm>>) dst(%dma_wait3A_1051 : memref<64x128xf32, #tpu.memory_space<vmem>>)
      } else {
      }
      %add3A_928 = arith.constant 4 : i32
      %add3A_929 = arith.addi %add3A_890, %add3A_928 : i32
      %sub3A_930 = arith.constant 1 : i32
      %sub3A_931 = arith.subi %add3A_929, %sub3A_930 : i32
      %lt3A_932 = arith.constant 40 : i32
      %lt3A_933 = arith.cmpi slt, %sub3A_931, %lt3A_932 : i32
      %convert_element_type3A_934 = arith.extui %lt3A_933 : i1 to i32
      %cond3A_935 = arith.constant 0 : i32
      %cond3A_936 = arith.cmpi ne, %convert_element_type3A_934, %cond3A_935 : i32
      scf.if %cond3A_936 {
        %add3A_1037 = arith.constant 4 : i32
        %add3A_1038 = arith.addi %add3A_890, %add3A_1037 : i32
        %sub3A_1039 = arith.constant 1 : i32
        %sub3A_1040 = arith.subi %add3A_1038, %sub3A_1039 : i32
        %dma_start3A_1041 = arith.constant 0 : i32
        %dma_start3A_1042 = arith.constant 0 : i32
        %dma_start3A_1043 = arith.constant 0 : i32
        %dma_start3A_1044 = arith.constant 0 : i32
        %dma_start3A_1045 = tpu.memref_slice %arg9[%dma_start3A_1041, %dma_start3A_1043, %dma_start3A_1044] : memref<4x64x128xf32, #tpu.memory_space<vmem>> -> memref<1x16x128xf32, #tpu.memory_space<vmem>>
        %dma_start3A_1046 = tpu.memref_squeeze %dma_start3A_1045 : memref<1x16x128xf32, #tpu.memory_space<vmem>> -> memref<16x128xf32, #tpu.memory_space<vmem>>
        %dma_start3A_1047 = arith.constant 0 : i32
        %dma_start3A_1048 = tpu.memref_slice %arg7[%sub3A_1040, %dma_start3A_1047] : memref<40x64xi32, #tpu.memory_space<vmem>> -> memref<1x16xi32, #tpu.memory_space<vmem>>
        %dma_start3A_1049 = tpu.memref_squeeze %dma_start3A_1048 : memref<1x16xi32, #tpu.memory_space<vmem>> -> memref<16xi32, #tpu.memory_space<vmem>>
        %dma_start3A_1050 = arith.constant 0 : i32
        %dma_start3A_1051 = arith.constant 0 : i32
        %dma_start3A_1052 = tpu.memref_slice %arg2[%dma_start3A_1050, %dma_start3A_1051] : memref<10000x128xf32, #tpu.memory_space<hbm>> -> memref<10000x128xf32, #tpu.memory_space<hbm>>
        %dma_start3A_1053 = tpu.memref_slice %arg11[%dma_start3A_1042] : memref<4x!tpu.dma_semaphore, #tpu.memory_space<semaphore_mem>> -> memref<1x!tpu.dma_semaphore, #tpu.memory_space<semaphore_mem>>
        %dma_start3A_1054 = tpu.memref_squeeze %dma_start3A_1053 : memref<1x!tpu.dma_semaphore, #tpu.memory_space<semaphore_mem>> -> memref<!tpu.dma_semaphore, #tpu.memory_space<semaphore_mem>>
        tpu.enqueue_indirect_dma source(%dma_start3A_1052 : memref<10000x128xf32, #tpu.memory_space<hbm>>) target(%dma_start3A_1046 : memref<16x128xf32, #tpu.memory_space<vmem>>) offsets(%dma_start3A_1049 : memref<16xi32, #tpu.memory_space<vmem>>) semaphore(%dma_start3A_1054 : memref<!tpu.dma_semaphore, #tpu.memory_space<semaphore_mem>>)
        %dma_start3A_1055 = arith.constant 0 : i32
        %dma_start3A_1056 = arith.constant 0 : i32
        %dma_start3A_1057 = arith.constant 16 : i32
        %dma_start3A_1058 = arith.constant 0 : i32
        %dma_start3A_1059 = tpu.memref_slice %arg9[%dma_start3A_1055, %dma_start3A_1057, %dma_start3A_1058] : memref<4x64x128xf32, #tpu.memory_space<vmem>> -> memref<1x16x128xf32, #tpu.memory_space<vmem>>
        %dma_start3A_1060 = tpu.memref_squeeze %dma_start3A_1059 : memref<1x16x128xf32, #tpu.memory_space<vmem>> -> memref<16x128xf32, #tpu.memory_space<vmem>>
        %dma_start3A_1061 = arith.constant 16 : i32
        %dma_start3A_1062 = tpu.memref_slice %arg7[%sub3A_1040, %dma_start3A_1061] : memref<40x64xi32, #tpu.memory_space<vmem>> -> memref<1x16xi32, #tpu.memory_space<vmem>>
        %dma_start3A_1063 = tpu.memref_squeeze %dma_start3A_1062 : memref<1x16xi32, #tpu.memory_space<vmem>> -> memref<16xi32, #tpu.memory_space<vmem>>
        %dma_start3A_1064 = arith.constant 0 : i32
        %dma_start3A_1065 = arith.constant 0 : i32
        %dma_start3A_1066 = tpu.memref_slice %arg2[%dma_start3A_1064, %dma_start3A_1065] : memref<10000x128xf32, #tpu.memory_space<hbm>> -> memref<10000x128xf32, #tpu.memory_space<hbm>>
        %dma_start3A_1067 = tpu.memref_slice %arg11[%dma_start3A_1056] : memref<4x!tpu.dma_semaphore, #tpu.memory_space<semaphore_mem>> -> memref<1x!tpu.dma_semaphore, #tpu.memory_space<semaphore_mem>>
        %dma_start3A_1068 = tpu.memref_squeeze %dma_start3A_1067 : memref<1x!tpu.dma_semaphore, #tpu.memory_space<semaphore_mem>> -> memref<!tpu.dma_semaphore, #tpu.memory_space<semaphore_mem>>
        tpu.enqueue_indirect_dma source(%dma_start3A_1066 : memref<10000x128xf32, #tpu.memory_space<hbm>>) target(%dma_start3A_1060 : memref<16x128xf32, #tpu.memory_space<vmem>>) offsets(%dma_start3A_1063 : memref<16xi32, #tpu.memory_space<vmem>>) semaphore(%dma_start3A_1068 : memref<!tpu.dma_semaphore, #tpu.memory_space<semaphore_mem>>)
        %dma_start3A_1069 = arith.constant 0 : i32
        %dma_start3A_1070 = arith.constant 0 : i32
        %dma_start3A_1071 = arith.constant 32 : i32
        %dma_start3A_1072 = arith.constant 0 : i32
        %dma_start3A_1073 = tpu.memref_slice %arg9[%dma_start3A_1069, %dma_start3A_1071, %dma_start3A_1072] : memref<4x64x128xf32, #tpu.memory_space<vmem>> -> memref<1x16x128xf32, #tpu.memory_space<vmem>>
        %dma_start3A_1074 = tpu.memref_squeeze %dma_start3A_1073 : memref<1x16x128xf32, #tpu.memory_space<vmem>> -> memref<16x128xf32, #tpu.memory_space<vmem>>
        %dma_start3A_1075 = arith.constant 32 : i32
        %dma_start3A_1076 = tpu.memref_slice %arg7[%sub3A_1040, %dma_start3A_1075] : memref<40x64xi32, #tpu.memory_space<vmem>> -> memref<1x16xi32, #tpu.memory_space<vmem>>
        %dma_start3A_1077 = tpu.memref_squeeze %dma_start3A_1076 : memref<1x16xi32, #tpu.memory_space<vmem>> -> memref<16xi32, #tpu.memory_space<vmem>>
        %dma_start3A_1078 = arith.constant 0 : i32
        %dma_start3A_1079 = arith.constant 0 : i32
        %dma_start3A_1080 = tpu.memref_slice %arg2[%dma_start3A_1078, %dma_start3A_1079] : memref<10000x128xf32, #tpu.memory_space<hbm>> -> memref<10000x128xf32, #tpu.memory_space<hbm>>
        %dma_start3A_1081 = tpu.memref_slice %arg11[%dma_start3A_1070] : memref<4x!tpu.dma_semaphore, #tpu.memory_space<semaphore_mem>> -> memref<1x!tpu.dma_semaphore, #tpu.memory_space<semaphore_mem>>
        %dma_start3A_1082 = tpu.memref_squeeze %dma_start3A_1081 : memref<1x!tpu.dma_semaphore, #tpu.memory_space<semaphore_mem>> -> memref<!tpu.dma_semaphore, #tpu.memory_space<semaphore_mem>>
        tpu.enqueue_indirect_dma source(%dma_start3A_1080 : memref<10000x128xf32, #tpu.memory_space<hbm>>) target(%dma_start3A_1074 : memref<16x128xf32, #tpu.memory_space<vmem>>) offsets(%dma_start3A_1077 : memref<16xi32, #tpu.memory_space<vmem>>) semaphore(%dma_start3A_1082 : memref<!tpu.dma_semaphore, #tpu.memory_space<semaphore_mem>>)
        %dma_start3A_1083 = arith.constant 0 : i32
        %dma_start3A_1084 = arith.constant 0 : i32
        %dma_start3A_1085 = arith.constant 48 : i32
        %dma_start3A_1086 = arith.constant 0 : i32
        %dma_start3A_1087 = tpu.memref_slice %arg9[%dma_start3A_1083, %dma_start3A_1085, %dma_start3A_1086] : memref<4x64x128xf32, #tpu.memory_space<vmem>> -> memref<1x16x128xf32, #tpu.memory_space<vmem>>
        %dma_start3A_1088 = tpu.memref_squeeze %dma_start3A_1087 : memref<1x16x128xf32, #tpu.memory_space<vmem>> -> memref<16x128xf32, #tpu.memory_space<vmem>>
        %dma_start3A_1089 = arith.constant 48 : i32
        %dma_start3A_1090 = tpu.memref_slice %arg7[%sub3A_1040, %dma_start3A_1089] : memref<40x64xi32, #tpu.memory_space<vmem>> -> memref<1x16xi32, #tpu.memory_space<vmem>>
        %dma_start3A_1091 = tpu.memref_squeeze %dma_start3A_1090 : memref<1x16xi32, #tpu.memory_space<vmem>> -> memref<16xi32, #tpu.memory_space<vmem>>
        %dma_start3A_1092 = arith.constant 0 : i32
        %dma_start3A_1093 = arith.constant 0 : i32
        %dma_start3A_1094 = tpu.memref_slice %arg2[%dma_start3A_1092, %dma_start3A_1093] : memref<10000x128xf32, #tpu.memory_space<hbm>> -> memref<10000x128xf32, #tpu.memory_space<hbm>>
        %dma_start3A_1095 = tpu.memref_slice %arg11[%dma_start3A_1084] : memref<4x!tpu.dma_semaphore, #tpu.memory_space<semaphore_mem>> -> memref<1x!tpu.dma_semaphore, #tpu.memory_space<semaphore_mem>>
        %dma_start3A_1096 = tpu.memref_squeeze %dma_start3A_1095 : memref<1x!tpu.dma_semaphore, #tpu.memory_space<semaphore_mem>> -> memref<!tpu.dma_semaphore, #tpu.memory_space<semaphore_mem>>
        tpu.enqueue_indirect_dma source(%dma_start3A_1094 : memref<10000x128xf32, #tpu.memory_space<hbm>>) target(%dma_start3A_1088 : memref<16x128xf32, #tpu.memory_space<vmem>>) offsets(%dma_start3A_1091 : memref<16xi32, #tpu.memory_space<vmem>>) semaphore(%dma_start3A_1096 : memref<!tpu.dma_semaphore, #tpu.memory_space<semaphore_mem>>)
      } else {
      }
      %mul3A_937 = arith.constant 4 : i32
      %mul3A_938 = arith.muli %scan3A_841, %mul3A_937 : i32
      %add3A_939 = arith.constant 2 : i32
      %add3A_940 = arith.addi %mul3A_938, %add3A_939 : i32
      %dma_wait3A_941 = arith.constant 2 : i32
      %dma_wait3A_942 = arith.constant 2 : i32
      %dma_wait3A_943 = arith.constant 0 : i32
      %dma_wait3A_944 = arith.constant 0 : i32
      %dma_wait3A_945 = tpu.memref_slice %arg9[%dma_wait3A_941, %dma_wait3A_943, %dma_wait3A_944] : memref<4x64x128xf32, #tpu.memory_space<vmem>> -> memref<1x64x128xf32, #tpu.memory_space<vmem>>
      %dma_wait3A_946 = tpu.memref_squeeze %dma_wait3A_945 : memref<1x64x128xf32, #tpu.memory_space<vmem>> -> memref<64x128xf32, #tpu.memory_space<vmem>>
      %dma_wait3A_947 = arith.constant 0 : i32
      %dma_wait3A_948 = arith.constant 0 : i32
      %dma_wait3A_949 = tpu.memref_slice %arg2[%dma_wait3A_947, %dma_wait3A_948] : memref<10000x128xf32, #tpu.memory_space<hbm>> -> memref<64x128xf32, #tpu.memory_space<hbm>>
      %dma_wait3A_950 = tpu.memref_slice %arg11[%dma_wait3A_942] : memref<4x!tpu.dma_semaphore, #tpu.memory_space<semaphore_mem>> -> memref<1x!tpu.dma_semaphore, #tpu.memory_space<semaphore_mem>>
      %dma_wait3A_951 = tpu.memref_squeeze %dma_wait3A_950 : memref<1x!tpu.dma_semaphore, #tpu.memory_space<semaphore_mem>> -> memref<!tpu.dma_semaphore, #tpu.memory_space<semaphore_mem>>
      %dma_wait3A_952 = arith.constant 0 : i32
      %dma_wait3A_953 = arith.constant 0 : i32
      %dma_wait3A_954 = tpu.memref_slice %arg9[%dma_wait3A_941, %dma_wait3A_952, %dma_wait3A_953] : memref<4x64x128xf32, #tpu.memory_space<vmem>> -> memref<1x64x128xf32, #tpu.memory_space<vmem>>
      %dma_wait3A_955 = tpu.memref_squeeze %dma_wait3A_954 : memref<1x64x128xf32, #tpu.memory_space<vmem>> -> memref<64x128xf32, #tpu.memory_space<vmem>>
      %dma_wait3A_956 = arith.constant 0 : i32
      %dma_wait3A_957 = arith.constant 0 : i32
      %dma_wait3A_958 = tpu.memref_slice %arg2[%dma_wait3A_956, %dma_wait3A_957] : memref<10000x128xf32, #tpu.memory_space<hbm>> -> memref<64x128xf32, #tpu.memory_space<hbm>>
      tpu.wait_dma2 semaphore(%dma_wait3A_951 : memref<!tpu.dma_semaphore, #tpu.memory_space<semaphore_mem>>) src(%dma_wait3A_958 : memref<64x128xf32, #tpu.memory_space<hbm>>) dst(%dma_wait3A_955 : memref<64x128xf32, #tpu.memory_space<vmem>>)
      %dma_start3A_959 = arith.constant 2 : i32
      %dma_start3A_960 = arith.constant 2 : i32
      %dma_start3A_961 = arith.constant 0 : i32
      %dma_start3A_962 = arith.constant 0 : i32
      %dma_start3A_963 = tpu.memref_slice %arg9[%dma_start3A_959, %dma_start3A_961, %dma_start3A_962] : memref<4x64x128xf32, #tpu.memory_space<vmem>> -> memref<1x64x128xf32, #tpu.memory_space<vmem>>
      %dma_start3A_964 = tpu.memref_squeeze %dma_start3A_963 : memref<1x64x128xf32, #tpu.memory_space<vmem>> -> memref<64x128xf32, #tpu.memory_space<vmem>>
      %dma_start3A_965 = arith.constant 0 : i32
      %dma_start3A_966 = tpu.memref_slice %arg8[%add3A_940, %dma_start3A_965] : memref<40x64xi32, #tpu.memory_space<vmem>> -> memref<1x64xi32, #tpu.memory_space<vmem>>
      %dma_start3A_967 = tpu.memref_squeeze %dma_start3A_966 : memref<1x64xi32, #tpu.memory_space<vmem>> -> memref<64xi32, #tpu.memory_space<vmem>>
      %dma_start3A_968 = arith.constant 0 : i32
      %dma_start3A_969 = arith.constant 0 : i32
      %dma_start3A_970 = tpu.memref_slice %arg10[%dma_start3A_968, %dma_start3A_969] : memref<10240x128xf32, #tpu.memory_space<vmem_shared>> -> memref<10240x128xf32, #tpu.memory_space<vmem_shared>>
      %dma_start3A_971 = tpu.memref_slice %arg12[%dma_start3A_960] : memref<4x!tpu.dma_semaphore, #tpu.memory_space<semaphore_mem>> -> memref<1x!tpu.dma_semaphore, #tpu.memory_space<semaphore_mem>>
      %dma_start3A_972 = tpu.memref_squeeze %dma_start3A_971 : memref<1x!tpu.dma_semaphore, #tpu.memory_space<semaphore_mem>> -> memref<!tpu.dma_semaphore, #tpu.memory_space<semaphore_mem>>
      tpu.enqueue_indirect_dma source(%dma_start3A_964 : memref<64x128xf32, #tpu.memory_space<vmem>>) target(%dma_start3A_970 : memref<10240x128xf32, #tpu.memory_space<vmem_shared>>) offsets(%dma_start3A_967 : memref<64xi32, #tpu.memory_space<vmem>>) semaphore(%dma_start3A_972 : memref<!tpu.dma_semaphore, #tpu.memory_space<semaphore_mem>>) {add = true}
      %ge3A_973 = arith.constant 1 : i32
      %ge3A_974 = arith.cmpi sge, %add3A_940, %ge3A_973 : i32
      %convert_element_type3A_975 = arith.extui %ge3A_974 : i1 to i32
      %cond3A_976 = arith.constant 0 : i32
      %cond3A_977 = arith.cmpi ne, %convert_element_type3A_975, %cond3A_976 : i32
      scf.if %cond3A_977 {
        %dma_wait3A_1037 = arith.constant 1 : i32
        %dma_wait3A_1038 = arith.constant 1 : i32
        %dma_wait3A_1039 = arith.constant 0 : i32
        %dma_wait3A_1040 = arith.constant 0 : i32
        %dma_wait3A_1041 = tpu.memref_slice %arg9[%dma_wait3A_1037, %dma_wait3A_1039, %dma_wait3A_1040] : memref<4x64x128xf32, #tpu.memory_space<vmem>> -> memref<1x64x128xf32, #tpu.memory_space<vmem>>
        %dma_wait3A_1042 = tpu.memref_squeeze %dma_wait3A_1041 : memref<1x64x128xf32, #tpu.memory_space<vmem>> -> memref<64x128xf32, #tpu.memory_space<vmem>>
        %dma_wait3A_1043 = arith.constant 0 : i32
        %dma_wait3A_1044 = arith.constant 0 : i32
        %dma_wait3A_1045 = tpu.memref_slice %arg2[%dma_wait3A_1043, %dma_wait3A_1044] : memref<10000x128xf32, #tpu.memory_space<hbm>> -> memref<64x128xf32, #tpu.memory_space<hbm>>
        %dma_wait3A_1046 = tpu.memref_slice %arg12[%dma_wait3A_1038] : memref<4x!tpu.dma_semaphore, #tpu.memory_space<semaphore_mem>> -> memref<1x!tpu.dma_semaphore, #tpu.memory_space<semaphore_mem>>
        %dma_wait3A_1047 = tpu.memref_squeeze %dma_wait3A_1046 : memref<1x!tpu.dma_semaphore, #tpu.memory_space<semaphore_mem>> -> memref<!tpu.dma_semaphore, #tpu.memory_space<semaphore_mem>>
        %dma_wait3A_1048 = arith.constant 0 : i32
        %dma_wait3A_1049 = arith.constant 0 : i32
        %dma_wait3A_1050 = tpu.memref_slice %arg9[%dma_wait3A_1037, %dma_wait3A_1048, %dma_wait3A_1049] : memref<4x64x128xf32, #tpu.memory_space<vmem>> -> memref<1x64x128xf32, #tpu.memory_space<vmem>>
        %dma_wait3A_1051 = tpu.memref_squeeze %dma_wait3A_1050 : memref<1x64x128xf32, #tpu.memory_space<vmem>> -> memref<64x128xf32, #tpu.memory_space<vmem>>
        %dma_wait3A_1052 = arith.constant 0 : i32
        %dma_wait3A_1053 = arith.constant 0 : i32
        %dma_wait3A_1054 = tpu.memref_slice %arg2[%dma_wait3A_1052, %dma_wait3A_1053] : memref<10000x128xf32, #tpu.memory_space<hbm>> -> memref<64x128xf32, #tpu.memory_space<hbm>>
        tpu.wait_dma2 semaphore(%dma_wait3A_1047 : memref<!tpu.dma_semaphore, #tpu.memory_space<semaphore_mem>>) src(%dma_wait3A_1054 : memref<64x128xf32, #tpu.memory_space<hbm>>) dst(%dma_wait3A_1051 : memref<64x128xf32, #tpu.memory_space<vmem>>)
      } else {
      }
      %add3A_978 = arith.constant 4 : i32
      %add3A_979 = arith.addi %add3A_940, %add3A_978 : i32
      %sub3A_980 = arith.constant 1 : i32
      %sub3A_981 = arith.subi %add3A_979, %sub3A_980 : i32
      %lt3A_982 = arith.constant 40 : i32
      %lt3A_983 = arith.cmpi slt, %sub3A_981, %lt3A_982 : i32
      %convert_element_type3A_984 = arith.extui %lt3A_983 : i1 to i32
      %cond3A_985 = arith.constant 0 : i32
      %cond3A_986 = arith.cmpi ne, %convert_element_type3A_984, %cond3A_985 : i32
      scf.if %cond3A_986 {
        %add3A_1037 = arith.constant 4 : i32
        %add3A_1038 = arith.addi %add3A_940, %add3A_1037 : i32
        %sub3A_1039 = arith.constant 1 : i32
        %sub3A_1040 = arith.subi %add3A_1038, %sub3A_1039 : i32
        %dma_start3A_1041 = arith.constant 1 : i32
        %dma_start3A_1042 = arith.constant 1 : i32
        %dma_start3A_1043 = arith.constant 0 : i32
        %dma_start3A_1044 = arith.constant 0 : i32
        %dma_start3A_1045 = tpu.memref_slice %arg9[%dma_start3A_1041, %dma_start3A_1043, %dma_start3A_1044] : memref<4x64x128xf32, #tpu.memory_space<vmem>> -> memref<1x16x128xf32, #tpu.memory_space<vmem>>
        %dma_start3A_1046 = tpu.memref_squeeze %dma_start3A_1045 : memref<1x16x128xf32, #tpu.memory_space<vmem>> -> memref<16x128xf32, #tpu.memory_space<vmem>>
        %dma_start3A_1047 = arith.constant 0 : i32
        %dma_start3A_1048 = tpu.memref_slice %arg7[%sub3A_1040, %dma_start3A_1047] : memref<40x64xi32, #tpu.memory_space<vmem>> -> memref<1x16xi32, #tpu.memory_space<vmem>>
        %dma_start3A_1049 = tpu.memref_squeeze %dma_start3A_1048 : memref<1x16xi32, #tpu.memory_space<vmem>> -> memref<16xi32, #tpu.memory_space<vmem>>
        %dma_start3A_1050 = arith.constant 0 : i32
        %dma_start3A_1051 = arith.constant 0 : i32
        %dma_start3A_1052 = tpu.memref_slice %arg2[%dma_start3A_1050, %dma_start3A_1051] : memref<10000x128xf32, #tpu.memory_space<hbm>> -> memref<10000x128xf32, #tpu.memory_space<hbm>>
        %dma_start3A_1053 = tpu.memref_slice %arg11[%dma_start3A_1042] : memref<4x!tpu.dma_semaphore, #tpu.memory_space<semaphore_mem>> -> memref<1x!tpu.dma_semaphore, #tpu.memory_space<semaphore_mem>>
        %dma_start3A_1054 = tpu.memref_squeeze %dma_start3A_1053 : memref<1x!tpu.dma_semaphore, #tpu.memory_space<semaphore_mem>> -> memref<!tpu.dma_semaphore, #tpu.memory_space<semaphore_mem>>
        tpu.enqueue_indirect_dma source(%dma_start3A_1052 : memref<10000x128xf32, #tpu.memory_space<hbm>>) target(%dma_start3A_1046 : memref<16x128xf32, #tpu.memory_space<vmem>>) offsets(%dma_start3A_1049 : memref<16xi32, #tpu.memory_space<vmem>>) semaphore(%dma_start3A_1054 : memref<!tpu.dma_semaphore, #tpu.memory_space<semaphore_mem>>)
        %dma_start3A_1055 = arith.constant 1 : i32
        %dma_start3A_1056 = arith.constant 1 : i32
        %dma_start3A_1057 = arith.constant 16 : i32
        %dma_start3A_1058 = arith.constant 0 : i32
        %dma_start3A_1059 = tpu.memref_slice %arg9[%dma_start3A_1055, %dma_start3A_1057, %dma_start3A_1058] : memref<4x64x128xf32, #tpu.memory_space<vmem>> -> memref<1x16x128xf32, #tpu.memory_space<vmem>>
        %dma_start3A_1060 = tpu.memref_squeeze %dma_start3A_1059 : memref<1x16x128xf32, #tpu.memory_space<vmem>> -> memref<16x128xf32, #tpu.memory_space<vmem>>
        %dma_start3A_1061 = arith.constant 16 : i32
        %dma_start3A_1062 = tpu.memref_slice %arg7[%sub3A_1040, %dma_start3A_1061] : memref<40x64xi32, #tpu.memory_space<vmem>> -> memref<1x16xi32, #tpu.memory_space<vmem>>
        %dma_start3A_1063 = tpu.memref_squeeze %dma_start3A_1062 : memref<1x16xi32, #tpu.memory_space<vmem>> -> memref<16xi32, #tpu.memory_space<vmem>>
        %dma_start3A_1064 = arith.constant 0 : i32
        %dma_start3A_1065 = arith.constant 0 : i32
        %dma_start3A_1066 = tpu.memref_slice %arg2[%dma_start3A_1064, %dma_start3A_1065] : memref<10000x128xf32, #tpu.memory_space<hbm>> -> memref<10000x128xf32, #tpu.memory_space<hbm>>
        %dma_start3A_1067 = tpu.memref_slice %arg11[%dma_start3A_1056] : memref<4x!tpu.dma_semaphore, #tpu.memory_space<semaphore_mem>> -> memref<1x!tpu.dma_semaphore, #tpu.memory_space<semaphore_mem>>
        %dma_start3A_1068 = tpu.memref_squeeze %dma_start3A_1067 : memref<1x!tpu.dma_semaphore, #tpu.memory_space<semaphore_mem>> -> memref<!tpu.dma_semaphore, #tpu.memory_space<semaphore_mem>>
        tpu.enqueue_indirect_dma source(%dma_start3A_1066 : memref<10000x128xf32, #tpu.memory_space<hbm>>) target(%dma_start3A_1060 : memref<16x128xf32, #tpu.memory_space<vmem>>) offsets(%dma_start3A_1063 : memref<16xi32, #tpu.memory_space<vmem>>) semaphore(%dma_start3A_1068 : memref<!tpu.dma_semaphore, #tpu.memory_space<semaphore_mem>>)
        %dma_start3A_1069 = arith.constant 1 : i32
        %dma_start3A_1070 = arith.constant 1 : i32
        %dma_start3A_1071 = arith.constant 32 : i32
        %dma_start3A_1072 = arith.constant 0 : i32
        %dma_start3A_1073 = tpu.memref_slice %arg9[%dma_start3A_1069, %dma_start3A_1071, %dma_start3A_1072] : memref<4x64x128xf32, #tpu.memory_space<vmem>> -> memref<1x16x128xf32, #tpu.memory_space<vmem>>
        %dma_start3A_1074 = tpu.memref_squeeze %dma_start3A_1073 : memref<1x16x128xf32, #tpu.memory_space<vmem>> -> memref<16x128xf32, #tpu.memory_space<vmem>>
        %dma_start3A_1075 = arith.constant 32 : i32
        %dma_start3A_1076 = tpu.memref_slice %arg7[%sub3A_1040, %dma_start3A_1075] : memref<40x64xi32, #tpu.memory_space<vmem>> -> memref<1x16xi32, #tpu.memory_space<vmem>>
        %dma_start3A_1077 = tpu.memref_squeeze %dma_start3A_1076 : memref<1x16xi32, #tpu.memory_space<vmem>> -> memref<16xi32, #tpu.memory_space<vmem>>
        %dma_start3A_1078 = arith.constant 0 : i32
        %dma_start3A_1079 = arith.constant 0 : i32
        %dma_start3A_1080 = tpu.memref_slice %arg2[%dma_start3A_1078, %dma_start3A_1079] : memref<10000x128xf32, #tpu.memory_space<hbm>> -> memref<10000x128xf32, #tpu.memory_space<hbm>>
        %dma_start3A_1081 = tpu.memref_slice %arg11[%dma_start3A_1070] : memref<4x!tpu.dma_semaphore, #tpu.memory_space<semaphore_mem>> -> memref<1x!tpu.dma_semaphore, #tpu.memory_space<semaphore_mem>>
        %dma_start3A_1082 = tpu.memref_squeeze %dma_start3A_1081 : memref<1x!tpu.dma_semaphore, #tpu.memory_space<semaphore_mem>> -> memref<!tpu.dma_semaphore, #tpu.memory_space<semaphore_mem>>
        tpu.enqueue_indirect_dma source(%dma_start3A_1080 : memref<10000x128xf32, #tpu.memory_space<hbm>>) target(%dma_start3A_1074 : memref<16x128xf32, #tpu.memory_space<vmem>>) offsets(%dma_start3A_1077 : memref<16xi32, #tpu.memory_space<vmem>>) semaphore(%dma_start3A_1082 : memref<!tpu.dma_semaphore, #tpu.memory_space<semaphore_mem>>)
        %dma_start3A_1083 = arith.constant 1 : i32
        %dma_start3A_1084 = arith.constant 1 : i32
        %dma_start3A_1085 = arith.constant 48 : i32
        %dma_start3A_1086 = arith.constant 0 : i32
        %dma_start3A_1087 = tpu.memref_slice %arg9[%dma_start3A_1083, %dma_start3A_1085, %dma_start3A_1086] : memref<4x64x128xf32, #tpu.memory_space<vmem>> -> memref<1x16x128xf32, #tpu.memory_space<vmem>>
        %dma_start3A_1088 = tpu.memref_squeeze %dma_start3A_1087 : memref<1x16x128xf32, #tpu.memory_space<vmem>> -> memref<16x128xf32, #tpu.memory_space<vmem>>
        %dma_start3A_1089 = arith.constant 48 : i32
        %dma_start3A_1090 = tpu.memref_slice %arg7[%sub3A_1040, %dma_start3A_1089] : memref<40x64xi32, #tpu.memory_space<vmem>> -> memref<1x16xi32, #tpu.memory_space<vmem>>
        %dma_start3A_1091 = tpu.memref_squeeze %dma_start3A_1090 : memref<1x16xi32, #tpu.memory_space<vmem>> -> memref<16xi32, #tpu.memory_space<vmem>>
        %dma_start3A_1092 = arith.constant 0 : i32
        %dma_start3A_1093 = arith.constant 0 : i32
        %dma_start3A_1094 = tpu.memref_slice %arg2[%dma_start3A_1092, %dma_start3A_1093] : memref<10000x128xf32, #tpu.memory_space<hbm>> -> memref<10000x128xf32, #tpu.memory_space<hbm>>
        %dma_start3A_1095 = tpu.memref_slice %arg11[%dma_start3A_1084] : memref<4x!tpu.dma_semaphore, #tpu.memory_space<semaphore_mem>> -> memref<1x!tpu.dma_semaphore, #tpu.memory_space<semaphore_mem>>
        %dma_start3A_1096 = tpu.memref_squeeze %dma_start3A_1095 : memref<1x!tpu.dma_semaphore, #tpu.memory_space<semaphore_mem>> -> memref<!tpu.dma_semaphore, #tpu.memory_space<semaphore_mem>>
        tpu.enqueue_indirect_dma source(%dma_start3A_1094 : memref<10000x128xf32, #tpu.memory_space<hbm>>) target(%dma_start3A_1088 : memref<16x128xf32, #tpu.memory_space<vmem>>) offsets(%dma_start3A_1091 : memref<16xi32, #tpu.memory_space<vmem>>) semaphore(%dma_start3A_1096 : memref<!tpu.dma_semaphore, #tpu.memory_space<semaphore_mem>>)
      } else {
      }
      %mul3A_987 = arith.constant 4 : i32
      %mul3A_988 = arith.muli %scan3A_841, %mul3A_987 : i32
      %add3A_989 = arith.constant 3 : i32
      %add3A_990 = arith.addi %mul3A_988, %add3A_989 : i32
      %dma_wait3A_991 = arith.constant 3 : i32
      %dma_wait3A_992 = arith.constant 3 : i32
      %dma_wait3A_993 = arith.constant 0 : i32
      %dma_wait3A_994 = arith.constant 0 : i32
      %dma_wait3A_995 = tpu.memref_slice %arg9[%dma_wait3A_991, %dma_wait3A_993, %dma_wait3A_994] : memref<4x64x128xf32, #tpu.memory_space<vmem>> -> memref<1x64x128xf32, #tpu.memory_space<vmem>>
      %dma_wait3A_996 = tpu.memref_squeeze %dma_wait3A_995 : memref<1x64x128xf32, #tpu.memory_space<vmem>> -> memref<64x128xf32, #tpu.memory_space<vmem>>
      %dma_wait3A_997 = arith.constant 0 : i32
      %dma_wait3A_998 = arith.constant 0 : i32
      %dma_wait3A_999 = tpu.memref_slice %arg2[%dma_wait3A_997, %dma_wait3A_998] : memref<10000x128xf32, #tpu.memory_space<hbm>> -> memref<64x128xf32, #tpu.memory_space<hbm>>
      %dma_wait3A_1000 = tpu.memref_slice %arg11[%dma_wait3A_992] : memref<4x!tpu.dma_semaphore, #tpu.memory_space<semaphore_mem>> -> memref<1x!tpu.dma_semaphore, #tpu.memory_space<semaphore_mem>>
      %dma_wait3A_1001 = tpu.memref_squeeze %dma_wait3A_1000 : memref<1x!tpu.dma_semaphore, #tpu.memory_space<semaphore_mem>> -> memref<!tpu.dma_semaphore, #tpu.memory_space<semaphore_mem>>
      %dma_wait3A_1002 = arith.constant 0 : i32
      %dma_wait3A_1003 = arith.constant 0 : i32
      %dma_wait3A_1004 = tpu.memref_slice %arg9[%dma_wait3A_991, %dma_wait3A_1002, %dma_wait3A_1003] : memref<4x64x128xf32, #tpu.memory_space<vmem>> -> memref<1x64x128xf32, #tpu.memory_space<vmem>>
      %dma_wait3A_1005 = tpu.memref_squeeze %dma_wait3A_1004 : memref<1x64x128xf32, #tpu.memory_space<vmem>> -> memref<64x128xf32, #tpu.memory_space<vmem>>
      %dma_wait3A_1006 = arith.constant 0 : i32
      %dma_wait3A_1007 = arith.constant 0 : i32
      %dma_wait3A_1008 = tpu.memref_slice %arg2[%dma_wait3A_1006, %dma_wait3A_1007] : memref<10000x128xf32, #tpu.memory_space<hbm>> -> memref<64x128xf32, #tpu.memory_space<hbm>>
      tpu.wait_dma2 semaphore(%dma_wait3A_1001 : memref<!tpu.dma_semaphore, #tpu.memory_space<semaphore_mem>>) src(%dma_wait3A_1008 : memref<64x128xf32, #tpu.memory_space<hbm>>) dst(%dma_wait3A_1005 : memref<64x128xf32, #tpu.memory_space<vmem>>)
      %dma_start3A_1009 = arith.constant 3 : i32
      %dma_start3A_1010 = arith.constant 3 : i32
      %dma_start3A_1011 = arith.constant 0 : i32
      %dma_start3A_1012 = arith.constant 0 : i32
      %dma_start3A_1013 = tpu.memref_slice %arg9[%dma_start3A_1009, %dma_start3A_1011, %dma_start3A_1012] : memref<4x64x128xf32, #tpu.memory_space<vmem>> -> memref<1x64x128xf32, #tpu.memory_space<vmem>>
      %dma_start3A_1014 = tpu.memref_squeeze %dma_start3A_1013 : memref<1x64x128xf32, #tpu.memory_space<vmem>> -> memref<64x128xf32, #tpu.memory_space<vmem>>
      %dma_start3A_1015 = arith.constant 0 : i32
      %dma_start3A_1016 = tpu.memref_slice %arg8[%add3A_990, %dma_start3A_1015] : memref<40x64xi32, #tpu.memory_space<vmem>> -> memref<1x64xi32, #tpu.memory_space<vmem>>
      %dma_start3A_1017 = tpu.memref_squeeze %dma_start3A_1016 : memref<1x64xi32, #tpu.memory_space<vmem>> -> memref<64xi32, #tpu.memory_space<vmem>>
      %dma_start3A_1018 = arith.constant 0 : i32
      %dma_start3A_1019 = arith.constant 0 : i32
      %dma_start3A_1020 = tpu.memref_slice %arg10[%dma_start3A_1018, %dma_start3A_1019] : memref<10240x128xf32, #tpu.memory_space<vmem_shared>> -> memref<10240x128xf32, #tpu.memory_space<vmem_shared>>
      %dma_start3A_1021 = tpu.memref_slice %arg12[%dma_start3A_1010] : memref<4x!tpu.dma_semaphore, #tpu.memory_space<semaphore_mem>> -> memref<1x!tpu.dma_semaphore, #tpu.memory_space<semaphore_mem>>
      %dma_start3A_1022 = tpu.memref_squeeze %dma_start3A_1021 : memref<1x!tpu.dma_semaphore, #tpu.memory_space<semaphore_mem>> -> memref<!tpu.dma_semaphore, #tpu.memory_space<semaphore_mem>>
      tpu.enqueue_indirect_dma source(%dma_start3A_1014 : memref<64x128xf32, #tpu.memory_space<vmem>>) target(%dma_start3A_1020 : memref<10240x128xf32, #tpu.memory_space<vmem_shared>>) offsets(%dma_start3A_1017 : memref<64xi32, #tpu.memory_space<vmem>>) semaphore(%dma_start3A_1022 : memref<!tpu.dma_semaphore, #tpu.memory_space<semaphore_mem>>) {add = true}
      %ge3A_1023 = arith.constant 1 : i32
      %ge3A_1024 = arith.cmpi sge, %add3A_990, %ge3A_1023 : i32
      %convert_element_type3A_1025 = arith.extui %ge3A_1024 : i1 to i32
      %cond3A_1026 = arith.constant 0 : i32
      %cond3A_1027 = arith.cmpi ne, %convert_element_type3A_1025, %cond3A_1026 : i32
      scf.if %cond3A_1027 {
        %dma_wait3A_1037 = arith.constant 2 : i32
        %dma_wait3A_1038 = arith.constant 2 : i32
        %dma_wait3A_1039 = arith.constant 0 : i32
        %dma_wait3A_1040 = arith.constant 0 : i32
        %dma_wait3A_1041 = tpu.memref_slice %arg9[%dma_wait3A_1037, %dma_wait3A_1039, %dma_wait3A_1040] : memref<4x64x128xf32, #tpu.memory_space<vmem>> -> memref<1x64x128xf32, #tpu.memory_space<vmem>>
        %dma_wait3A_1042 = tpu.memref_squeeze %dma_wait3A_1041 : memref<1x64x128xf32, #tpu.memory_space<vmem>> -> memref<64x128xf32, #tpu.memory_space<vmem>>
        %dma_wait3A_1043 = arith.constant 0 : i32
        %dma_wait3A_1044 = arith.constant 0 : i32
        %dma_wait3A_1045 = tpu.memref_slice %arg2[%dma_wait3A_1043, %dma_wait3A_1044] : memref<10000x128xf32, #tpu.memory_space<hbm>> -> memref<64x128xf32, #tpu.memory_space<hbm>>
        %dma_wait3A_1046 = tpu.memref_slice %arg12[%dma_wait3A_1038] : memref<4x!tpu.dma_semaphore, #tpu.memory_space<semaphore_mem>> -> memref<1x!tpu.dma_semaphore, #tpu.memory_space<semaphore_mem>>
        %dma_wait3A_1047 = tpu.memref_squeeze %dma_wait3A_1046 : memref<1x!tpu.dma_semaphore, #tpu.memory_space<semaphore_mem>> -> memref<!tpu.dma_semaphore, #tpu.memory_space<semaphore_mem>>
        %dma_wait3A_1048 = arith.constant 0 : i32
        %dma_wait3A_1049 = arith.constant 0 : i32
        %dma_wait3A_1050 = tpu.memref_slice %arg9[%dma_wait3A_1037, %dma_wait3A_1048, %dma_wait3A_1049] : memref<4x64x128xf32, #tpu.memory_space<vmem>> -> memref<1x64x128xf32, #tpu.memory_space<vmem>>
        %dma_wait3A_1051 = tpu.memref_squeeze %dma_wait3A_1050 : memref<1x64x128xf32, #tpu.memory_space<vmem>> -> memref<64x128xf32, #tpu.memory_space<vmem>>
        %dma_wait3A_1052 = arith.constant 0 : i32
        %dma_wait3A_1053 = arith.constant 0 : i32
        %dma_wait3A_1054 = tpu.memref_slice %arg2[%dma_wait3A_1052, %dma_wait3A_1053] : memref<10000x128xf32, #tpu.memory_space<hbm>> -> memref<64x128xf32, #tpu.memory_space<hbm>>
        tpu.wait_dma2 semaphore(%dma_wait3A_1047 : memref<!tpu.dma_semaphore, #tpu.memory_space<semaphore_mem>>) src(%dma_wait3A_1054 : memref<64x128xf32, #tpu.memory_space<hbm>>) dst(%dma_wait3A_1051 : memref<64x128xf32, #tpu.memory_space<vmem>>)
      } else {
      }
      %add3A_1028 = arith.constant 4 : i32
      %add3A_1029 = arith.addi %add3A_990, %add3A_1028 : i32
      %sub3A_1030 = arith.constant 1 : i32
      %sub3A_1031 = arith.subi %add3A_1029, %sub3A_1030 : i32
      %lt3A_1032 = arith.constant 40 : i32
      %lt3A_1033 = arith.cmpi slt, %sub3A_1031, %lt3A_1032 : i32
      %convert_element_type3A_1034 = arith.extui %lt3A_1033 : i1 to i32
      %cond3A_1035 = arith.constant 0 : i32
      %cond3A_1036 = arith.cmpi ne, %convert_element_type3A_1034, %cond3A_1035 : i32
      scf.if %cond3A_1036 {
        %add3A_1037 = arith.constant 4 : i32
        %add3A_1038 = arith.addi %add3A_990, %add3A_1037 : i32
        %sub3A_1039 = arith.constant 1 : i32
        %sub3A_1040 = arith.subi %add3A_1038, %sub3A_1039 : i32
        %dma_start3A_1041 = arith.constant 2 : i32
        %dma_start3A_1042 = arith.constant 2 : i32
        %dma_start3A_1043 = arith.constant 0 : i32
        %dma_start3A_1044 = arith.constant 0 : i32
        %dma_start3A_1045 = tpu.memref_slice %arg9[%dma_start3A_1041, %dma_start3A_1043, %dma_start3A_1044] : memref<4x64x128xf32, #tpu.memory_space<vmem>> -> memref<1x16x128xf32, #tpu.memory_space<vmem>>
        %dma_start3A_1046 = tpu.memref_squeeze %dma_start3A_1045 : memref<1x16x128xf32, #tpu.memory_space<vmem>> -> memref<16x128xf32, #tpu.memory_space<vmem>>
        %dma_start3A_1047 = arith.constant 0 : i32
        %dma_start3A_1048 = tpu.memref_slice %arg7[%sub3A_1040, %dma_start3A_1047] : memref<40x64xi32, #tpu.memory_space<vmem>> -> memref<1x16xi32, #tpu.memory_space<vmem>>
        %dma_start3A_1049 = tpu.memref_squeeze %dma_start3A_1048 : memref<1x16xi32, #tpu.memory_space<vmem>> -> memref<16xi32, #tpu.memory_space<vmem>>
        %dma_start3A_1050 = arith.constant 0 : i32
        %dma_start3A_1051 = arith.constant 0 : i32
        %dma_start3A_1052 = tpu.memref_slice %arg2[%dma_start3A_1050, %dma_start3A_1051] : memref<10000x128xf32, #tpu.memory_space<hbm>> -> memref<10000x128xf32, #tpu.memory_space<hbm>>
        %dma_start3A_1053 = tpu.memref_slice %arg11[%dma_start3A_1042] : memref<4x!tpu.dma_semaphore, #tpu.memory_space<semaphore_mem>> -> memref<1x!tpu.dma_semaphore, #tpu.memory_space<semaphore_mem>>
        %dma_start3A_1054 = tpu.memref_squeeze %dma_start3A_1053 : memref<1x!tpu.dma_semaphore, #tpu.memory_space<semaphore_mem>> -> memref<!tpu.dma_semaphore, #tpu.memory_space<semaphore_mem>>
        tpu.enqueue_indirect_dma source(%dma_start3A_1052 : memref<10000x128xf32, #tpu.memory_space<hbm>>) target(%dma_start3A_1046 : memref<16x128xf32, #tpu.memory_space<vmem>>) offsets(%dma_start3A_1049 : memref<16xi32, #tpu.memory_space<vmem>>) semaphore(%dma_start3A_1054 : memref<!tpu.dma_semaphore, #tpu.memory_space<semaphore_mem>>)
        %dma_start3A_1055 = arith.constant 2 : i32
        %dma_start3A_1056 = arith.constant 2 : i32
        %dma_start3A_1057 = arith.constant 16 : i32
        %dma_start3A_1058 = arith.constant 0 : i32
        %dma_start3A_1059 = tpu.memref_slice %arg9[%dma_start3A_1055, %dma_start3A_1057, %dma_start3A_1058] : memref<4x64x128xf32, #tpu.memory_space<vmem>> -> memref<1x16x128xf32, #tpu.memory_space<vmem>>
        %dma_start3A_1060 = tpu.memref_squeeze %dma_start3A_1059 : memref<1x16x128xf32, #tpu.memory_space<vmem>> -> memref<16x128xf32, #tpu.memory_space<vmem>>
        %dma_start3A_1061 = arith.constant 16 : i32
        %dma_start3A_1062 = tpu.memref_slice %arg7[%sub3A_1040, %dma_start3A_1061] : memref<40x64xi32, #tpu.memory_space<vmem>> -> memref<1x16xi32, #tpu.memory_space<vmem>>
        %dma_start3A_1063 = tpu.memref_squeeze %dma_start3A_1062 : memref<1x16xi32, #tpu.memory_space<vmem>> -> memref<16xi32, #tpu.memory_space<vmem>>
        %dma_start3A_1064 = arith.constant 0 : i32
        %dma_start3A_1065 = arith.constant 0 : i32
        %dma_start3A_1066 = tpu.memref_slice %arg2[%dma_start3A_1064, %dma_start3A_1065] : memref<10000x128xf32, #tpu.memory_space<hbm>> -> memref<10000x128xf32, #tpu.memory_space<hbm>>
        %dma_start3A_1067 = tpu.memref_slice %arg11[%dma_start3A_1056] : memref<4x!tpu.dma_semaphore, #tpu.memory_space<semaphore_mem>> -> memref<1x!tpu.dma_semaphore, #tpu.memory_space<semaphore_mem>>
        %dma_start3A_1068 = tpu.memref_squeeze %dma_start3A_1067 : memref<1x!tpu.dma_semaphore, #tpu.memory_space<semaphore_mem>> -> memref<!tpu.dma_semaphore, #tpu.memory_space<semaphore_mem>>
        tpu.enqueue_indirect_dma source(%dma_start3A_1066 : memref<10000x128xf32, #tpu.memory_space<hbm>>) target(%dma_start3A_1060 : memref<16x128xf32, #tpu.memory_space<vmem>>) offsets(%dma_start3A_1063 : memref<16xi32, #tpu.memory_space<vmem>>) semaphore(%dma_start3A_1068 : memref<!tpu.dma_semaphore, #tpu.memory_space<semaphore_mem>>)
        %dma_start3A_1069 = arith.constant 2 : i32
        %dma_start3A_1070 = arith.constant 2 : i32
        %dma_start3A_1071 = arith.constant 32 : i32
        %dma_start3A_1072 = arith.constant 0 : i32
        %dma_start3A_1073 = tpu.memref_slice %arg9[%dma_start3A_1069, %dma_start3A_1071, %dma_start3A_1072] : memref<4x64x128xf32, #tpu.memory_space<vmem>> -> memref<1x16x128xf32, #tpu.memory_space<vmem>>
        %dma_start3A_1074 = tpu.memref_squeeze %dma_start3A_1073 : memref<1x16x128xf32, #tpu.memory_space<vmem>> -> memref<16x128xf32, #tpu.memory_space<vmem>>
        %dma_start3A_1075 = arith.constant 32 : i32
        %dma_start3A_1076 = tpu.memref_slice %arg7[%sub3A_1040, %dma_start3A_1075] : memref<40x64xi32, #tpu.memory_space<vmem>> -> memref<1x16xi32, #tpu.memory_space<vmem>>
        %dma_start3A_1077 = tpu.memref_squeeze %dma_start3A_1076 : memref<1x16xi32, #tpu.memory_space<vmem>> -> memref<16xi32, #tpu.memory_space<vmem>>
        %dma_start3A_1078 = arith.constant 0 : i32
        %dma_start3A_1079 = arith.constant 0 : i32
        %dma_start3A_1080 = tpu.memref_slice %arg2[%dma_start3A_1078, %dma_start3A_1079] : memref<10000x128xf32, #tpu.memory_space<hbm>> -> memref<10000x128xf32, #tpu.memory_space<hbm>>
        %dma_start3A_1081 = tpu.memref_slice %arg11[%dma_start3A_1070] : memref<4x!tpu.dma_semaphore, #tpu.memory_space<semaphore_mem>> -> memref<1x!tpu.dma_semaphore, #tpu.memory_space<semaphore_mem>>
        %dma_start3A_1082 = tpu.memref_squeeze %dma_start3A_1081 : memref<1x!tpu.dma_semaphore, #tpu.memory_space<semaphore_mem>> -> memref<!tpu.dma_semaphore, #tpu.memory_space<semaphore_mem>>
        tpu.enqueue_indirect_dma source(%dma_start3A_1080 : memref<10000x128xf32, #tpu.memory_space<hbm>>) target(%dma_start3A_1074 : memref<16x128xf32, #tpu.memory_space<vmem>>) offsets(%dma_start3A_1077 : memref<16xi32, #tpu.memory_space<vmem>>) semaphore(%dma_start3A_1082 : memref<!tpu.dma_semaphore, #tpu.memory_space<semaphore_mem>>)
        %dma_start3A_1083 = arith.constant 2 : i32
        %dma_start3A_1084 = arith.constant 2 : i32
        %dma_start3A_1085 = arith.constant 48 : i32
        %dma_start3A_1086 = arith.constant 0 : i32
        %dma_start3A_1087 = tpu.memref_slice %arg9[%dma_start3A_1083, %dma_start3A_1085, %dma_start3A_1086] : memref<4x64x128xf32, #tpu.memory_space<vmem>> -> memref<1x16x128xf32, #tpu.memory_space<vmem>>
        %dma_start3A_1088 = tpu.memref_squeeze %dma_start3A_1087 : memref<1x16x128xf32, #tpu.memory_space<vmem>> -> memref<16x128xf32, #tpu.memory_space<vmem>>
        %dma_start3A_1089 = arith.constant 48 : i32
        %dma_start3A_1090 = tpu.memref_slice %arg7[%sub3A_1040, %dma_start3A_1089] : memref<40x64xi32, #tpu.memory_space<vmem>> -> memref<1x16xi32, #tpu.memory_space<vmem>>
        %dma_start3A_1091 = tpu.memref_squeeze %dma_start3A_1090 : memref<1x16xi32, #tpu.memory_space<vmem>> -> memref<16xi32, #tpu.memory_space<vmem>>
        %dma_start3A_1092 = arith.constant 0 : i32
        %dma_start3A_1093 = arith.constant 0 : i32
        %dma_start3A_1094 = tpu.memref_slice %arg2[%dma_start3A_1092, %dma_start3A_1093] : memref<10000x128xf32, #tpu.memory_space<hbm>> -> memref<10000x128xf32, #tpu.memory_space<hbm>>
        %dma_start3A_1095 = tpu.memref_slice %arg11[%dma_start3A_1084] : memref<4x!tpu.dma_semaphore, #tpu.memory_space<semaphore_mem>> -> memref<1x!tpu.dma_semaphore, #tpu.memory_space<semaphore_mem>>
        %dma_start3A_1096 = tpu.memref_squeeze %dma_start3A_1095 : memref<1x!tpu.dma_semaphore, #tpu.memory_space<semaphore_mem>> -> memref<!tpu.dma_semaphore, #tpu.memory_space<semaphore_mem>>
        tpu.enqueue_indirect_dma source(%dma_start3A_1094 : memref<10000x128xf32, #tpu.memory_space<hbm>>) target(%dma_start3A_1088 : memref<16x128xf32, #tpu.memory_space<vmem>>) offsets(%dma_start3A_1091 : memref<16xi32, #tpu.memory_space<vmem>>) semaphore(%dma_start3A_1096 : memref<!tpu.dma_semaphore, #tpu.memory_space<semaphore_mem>>)
      } else {
      }
    }
    %scan3A_817 = arith.constant 10 : i32
    %dma_wait3A_818 = arith.constant 3 : i32
    %dma_wait3A_819 = arith.constant 3 : i32
    %dma_wait3A_820 = arith.constant 0 : i32
    %dma_wait3A_821 = arith.constant 0 : i32
    %dma_wait3A_822 = tpu.memref_slice %arg9[%dma_wait3A_818, %dma_wait3A_820, %dma_wait3A_821] : memref<4x64x128xf32, #tpu.memory_space<vmem>> -> memref<1x64x128xf32, #tpu.memory_space<vmem>>
    %dma_wait3A_823 = tpu.memref_squeeze %dma_wait3A_822 : memref<1x64x128xf32, #tpu.memory_space<vmem>> -> memref<64x128xf32, #tpu.memory_space<vmem>>
    %dma_wait3A_824 = arith.constant 0 : i32
    %dma_wait3A_825 = arith.constant 0 : i32
    %dma_wait3A_826 = tpu.memref_slice %arg2[%dma_wait3A_824, %dma_wait3A_825] : memref<10000x128xf32, #tpu.memory_space<hbm>> -> memref<64x128xf32, #tpu.memory_space<hbm>>
    %dma_wait3A_827 = tpu.memref_slice %arg12[%dma_wait3A_819] : memref<4x!tpu.dma_semaphore, #tpu.memory_space<semaphore_mem>> -> memref<1x!tpu.dma_semaphore, #tpu.memory_space<semaphore_mem>>
    %dma_wait3A_828 = tpu.memref_squeeze %dma_wait3A_827 : memref<1x!tpu.dma_semaphore, #tpu.memory_space<semaphore_mem>> -> memref<!tpu.dma_semaphore, #tpu.memory_space<semaphore_mem>>
    %dma_wait3A_829 = arith.constant 0 : i32
    %dma_wait3A_830 = arith.constant 0 : i32
    %dma_wait3A_831 = tpu.memref_slice %arg9[%dma_wait3A_818, %dma_wait3A_829, %dma_wait3A_830] : memref<4x64x128xf32, #tpu.memory_space<vmem>> -> memref<1x64x128xf32, #tpu.memory_space<vmem>>
    %dma_wait3A_832 = tpu.memref_squeeze %dma_wait3A_831 : memref<1x64x128xf32, #tpu.memory_space<vmem>> -> memref<64x128xf32, #tpu.memory_space<vmem>>
    %dma_wait3A_833 = arith.constant 0 : i32
    %dma_wait3A_834 = arith.constant 0 : i32
    %dma_wait3A_835 = tpu.memref_slice %arg2[%dma_wait3A_833, %dma_wait3A_834] : memref<10000x128xf32, #tpu.memory_space<hbm>> -> memref<64x128xf32, #tpu.memory_space<hbm>>
    tpu.wait_dma2 semaphore(%dma_wait3A_828 : memref<!tpu.dma_semaphore, #tpu.memory_space<semaphore_mem>>) src(%dma_wait3A_835 : memref<64x128xf32, #tpu.memory_space<hbm>>) dst(%dma_wait3A_832 : memref<64x128xf32, #tpu.memory_space<vmem>>)
    %barrier3A_836 = arith.constant 0 : index
    tpu.barrier barrier_id(%barrier3A_836)
    %mul3A_837 = arith.constant 640 : i32
    %mul3A_838 = arith.muli %arg1, %mul3A_837 : i32
    %mul3A_839 = arith.constant 640 : i32
    %mul3A_840 = arith.muli %arg1, %mul3A_839 : i32
    "tpu.region"() ({
      %run_scoped3A = tpu.sem_alloc : memref<!tpu.dma_semaphore, #tpu.memory_space<semaphore_mem>>
      %dma_start3A_841 = arith.constant 0 : i32
      %dma_start3A_842 = tpu.memref_slice %arg6[%arg0, %mul3A_840, %dma_start3A_841] : memref<2x10240x128xf32, #tpu.memory_space<hbm>> -> memref<1x640x128xf32, #tpu.memory_space<hbm>>
      %dma_start3A_843 = tpu.memref_squeeze %dma_start3A_842 : memref<1x640x128xf32, #tpu.memory_space<hbm>> -> memref<640x128xf32, #tpu.memory_space<hbm>>
      %dma_start3A_844 = arith.constant 0 : i32
      %dma_start3A_845 = tpu.memref_slice %arg10[%mul3A_838, %dma_start3A_844] : memref<10240x128xf32, #tpu.memory_space<vmem_shared>> -> memref<640x128xf32, #tpu.memory_space<vmem_shared>>
      tpu.enqueue_dma source(%dma_start3A_845 : memref<640x128xf32, #tpu.memory_space<vmem_shared>>) target(%dma_start3A_843 : memref<640x128xf32, #tpu.memory_space<hbm>>) target_semaphore(%run_scoped3A : memref<!tpu.dma_semaphore, #tpu.memory_space<semaphore_mem>>)
      %dma_wait3A_846 = arith.constant 0 : i32
      %dma_wait3A_847 = tpu.memref_slice %arg6[%arg0, %mul3A_840, %dma_wait3A_846] : memref<2x10240x128xf32, #tpu.memory_space<hbm>> -> memref<1x640x128xf32, #tpu.memory_space<hbm>>
      %dma_wait3A_848 = tpu.memref_squeeze %dma_wait3A_847 : memref<1x640x128xf32, #tpu.memory_space<hbm>> -> memref<640x128xf32, #tpu.memory_space<hbm>>
      %dma_wait3A_849 = arith.constant 0 : i32
      %dma_wait3A_850 = tpu.memref_slice %arg10[%mul3A_838, %dma_wait3A_849] : memref<10240x128xf32, #tpu.memory_space<vmem_shared>> -> memref<640x128xf32, #tpu.memory_space<vmem_shared>>
      tpu.wait_dma2 semaphore(%run_scoped3A : memref<!tpu.dma_semaphore, #tpu.memory_space<semaphore_mem>>) src(%dma_wait3A_850 : memref<640x128xf32, #tpu.memory_space<vmem_shared>>) dst(%dma_wait3A_848 : memref<640x128xf32, #tpu.memory_space<hbm>>)
      tpu.yield
    }) : () -> ()
    return
  }
}

module attributes {stable_mosaic.version = 14 : i64} {
  func.func @_mm_body(%arg0: i32, %arg1: memref<1000x128xf32, #tpu.memory_space<vmem>>, %arg2: memref<128x128xf32, #tpu.memory_space<vmem>>, %arg3: memref<1000x128xf32, #tpu.memory_space<vmem>>) attributes {dimension_semantics = [#tpu.dimension_semantics<arbitrary>], iteration_bounds = array<i64: 10>, scalar_prefetch = 0 : i64, scratch_operands = 0 : i64, tpu.core_type = #tpu.core_type<tc>, window_params = [{transform_indices = @transform_0, window_bounds = array<i64: 1000, 128>}, {pipeline_mode = #tpu.pipeline_mode<synchronous>, transform_indices = @transform_1, window_bounds = array<i64: 128, 128>}, {transform_indices = @transform_2, window_bounds = array<i64: 1000, 128>}]} {
    %get3A = arith.constant 0 : index
    %get3A_0 = arith.constant 0 : index
    %get3A_1 = vector.load %arg1[%get3A, %get3A_0] : memref<1000x128xf32, #tpu.memory_space<vmem>>, vector<1000x128xf32>
    %get3A_2 = arith.constant 0 : index
    %get3A_3 = arith.constant 0 : index
    %get3A_4 = vector.load %arg2[%get3A_2, %get3A_3] : memref<128x128xf32, #tpu.memory_space<vmem>>, vector<128x128xf32>
    %dot_general3A = arith.constant dense<0.000000e+00> : vector<1000x128xf32>
    %dot_general3A_5 = tpu.matmul %get3A_1, %get3A_4, %dot_general3A {dimension_numbers = #tpu.dot_dimension_numbers<[1], [1], [0], [0], [0, 0, 1, 0], [], []>, transpose_lhs_hint = false} : vector<1000x128xf32>, vector<128x128xf32>, vector<1000x128xf32> -> vector<1000x128xf32>
    %max3A = arith.constant 0.000000e+00 : f32
    %max3A_6 = vector.broadcast %max3A : f32 to vector<1000x128xf32>
    %max3A_7 = arith.maximumf %dot_general3A_5, %max3A_6 : vector<1000x128xf32>
    %swap3A = arith.constant 0 : index
    %swap3A_8 = arith.constant 0 : index
    %swap3A_9 = vector.load %arg3[%swap3A, %swap3A_8] : memref<1000x128xf32, #tpu.memory_space<vmem>>, vector<1000x128xf32>
    tpu.vector_store %arg3[%swap3A, %swap3A_8], %max3A_7 {strides = array<i32>} : memref<1000x128xf32, #tpu.memory_space<vmem>>, vector<1000x128xf32>,
    return
  }
  func.func @transform_0(%arg0: i32) -> (i32, i32) {
    %c0_i32 = arith.constant 0 : i32
    %c0_i32_0 = arith.constant 0 : i32
    return %arg0, %c0_i32 : i32, i32
  }
  func.func @transform_1(%arg0: i32) -> (i32, i32) {
    %c0_i32 = arith.constant 0 : i32
    %c0_i32_0 = arith.constant 0 : i32
    %c0_i32_1 = arith.constant 0 : i32
    return %c0_i32, %c0_i32_0 : i32, i32
  }
  func.func @transform_2(%arg0: i32) -> (i32, i32) {
    %c0_i32 = arith.constant 0 : i32
    %c0_i32_0 = arith.constant 0 : i32
    return %arg0, %c0_i32 : i32, i32
  }
}

module attributes {stable_mosaic.version = 14 : i64} {
  func.func @_combine_body(%arg0: i32, %arg1: memref<2x1000x128xf32, #tpu.memory_space<vmem>>, %arg2: memref<1000x128xf32, #tpu.memory_space<vmem>>) attributes {dimension_semantics = [#tpu.dimension_semantics<arbitrary>], iteration_bounds = array<i64: 10>, scalar_prefetch = 0 : i64, scratch_operands = 0 : i64, tpu.core_type = #tpu.core_type<tc>, window_params = [{transform_indices = @transform_0, window_bounds = array<i64: 2, 1000, 128>}, {transform_indices = @transform_1, window_bounds = array<i64: 1000, 128>}]} {
    %get3A = arith.constant 0 : index
    %get3A_0 = arith.constant 0 : index
    %get3A_1 = arith.constant 0 : index
    %get3A_2 = vector.load %arg1[%get3A, %get3A_0, %get3A_1] : memref<2x1000x128xf32, #tpu.memory_space<vmem>>, vector<1x1000x128xf32>
    %get3A_3 = vector.shape_cast %get3A_2 : vector<1x1000x128xf32> to vector<1000x128xf32>
    %get3A_4 = arith.constant 1 : index
    %get3A_5 = arith.constant 0 : index
    %get3A_6 = arith.constant 0 : index
    %get3A_7 = vector.load %arg1[%get3A_4, %get3A_5, %get3A_6] : memref<2x1000x128xf32, #tpu.memory_space<vmem>>, vector<1x1000x128xf32>
    %get3A_8 = vector.shape_cast %get3A_7 : vector<1x1000x128xf32> to vector<1000x128xf32>
    %add3A = arith.addf %get3A_3, %get3A_8 : vector<1000x128xf32>
    %swap3A = arith.constant 0 : index
    %swap3A_9 = arith.constant 0 : index
    %swap3A_10 = vector.load %arg2[%swap3A, %swap3A_9] : memref<1000x128xf32, #tpu.memory_space<vmem>>, vector<1000x128xf32>
    tpu.vector_store %arg2[%swap3A, %swap3A_9], %add3A {strides = array<i32>} : memref<1000x128xf32, #tpu.memory_space<vmem>>, vector<1000x128xf32>,
    return
  }
  func.func @transform_0(%arg0: i32) -> (i32, i32, i32) {
    %c0_i32 = arith.constant 0 : i32
    %c0_i32_0 = arith.constant 0 : i32
    %c0_i32_1 = arith.constant 0 : i32
    return %c0_i32, %arg0, %c0_i32_0 : i32, i32, i32
  }
  func.func @transform_1(%arg0: i32) -> (i32, i32) {
    %c0_i32 = arith.constant 0 : i32
    %c0_i32_0 = arith.constant 0 : i32
    return %arg0, %c0_i32 : i32, i32
  }
}

</mosaic_0001>

<sc_bundles>
// kernel: kernel.5.cloned.1.call-start
scs
__scs_entry_jumppad:
0x0: {  	(pc) =	sbr.rel $0x88, $3  }
0x1: {  	(tag) =	ssettag $0x0;
	lr =	simm.s32 $0x1  }
0x2: {  	[smem:$0x3F9E] =	sst lr;
	_ =	strace $0xD0000000  }
0x3: {  	_ = 	snop  }
0x4: {  	_ = 	snop  }
0x5: {  	_ = 	snop  }
0x6: {  	_ = 	snop  }
0x7: {  	_ = 	snop  }
__scs_overlays_trampoline_lowered:
0x8: {  	[smem:$0x3FAD] =	sst s0  }
0x9: {  	[smem:$0x3FAE] =	sst s1  }
0xa: {  	[smem:$0x3FAF] =	sst s2  }
0xb: {  	[smem:$0x3FB0] =	sst s3  }
0xc: {  	[smem:$0x3FB1] =	sst s4  }
0xd: {  	[smem:$0x3FB2] =	sst s5  }
0xe: {  	[smem:$0x3FB3] =	sst s6  }
0xf: {  	[smem:$0x3FB4] =	sst s7  }
0x10: {  	[smem:$0x3FB5] =	sst s8  }
0x11: {  	[smem:$0x3FB6] =	sst s9;
	s0 =	simm.s32 @!p0 $0x0  }
0x12: {  	s1 =	sld [smem:$0x3F9C];
	s0 =	simm.s32 @p0 $0x1  }
0x13: {  	[smem:$0x3FB7] =	sst s0;
	s0 =	simm.s32 @!p1 $0x0  }
0x14: {  	s2 =	sld [smem:$0x3F9B];
	s0 =	simm.s32 @p1 $0x1  }
0x15: {  	[smem:$0x3FB8] =	sst s0;
	s0 =	simm.s32 @!p2 $0x0  }
0x16: {  	s3 =	sld [smem:$0x3FDB];
	s0 =	simm.s32 @p2 $0x1  }
0x17: {  	s4 =	simm.s32 $0x1BF5;
	[smem:$0x3FBA] =	sst s0  }
0x18: {  	s0 =	sld [smem:$0x3F9D];
	_ =	swait.ge [sflag:s4], $0x0  }
0x19: {  	s7 =	sld [smem:$0x3F9E]  }
0x1a: {  	s8 =	sadd.s32 $0xFFFFE003, lr  }
0x1b: {  	s9 =	sadd.s32 $0xFFFFFEF7, lr;
	s5 =	simm.s32 $0xFFFFFFFF;
	p2 =	slt.u32 s8, $0xFFFFF086  }
0x1c: {  	p1 =	slt.u32 s9, $0xF7A;
	s5 =	simm.s32 @!p2 $0x0  }
0x1d: {  	s5 =	simm.s32 @p1 $0x1;
	p0 =	seq.s32 s7, s2  }
0x1e: {  	s7 =	smul.u32 @!p0 $0xF7A, s2;
	p2 =	seq.s32 @!p0 s5, $0x0  }
0x1f: {  	s9 =	smul.u32 $0xF7A, s1;
	s8 =	simm.s32 @!p0 $0x1BF5;
	p2 =	por !p2, p0  }
0x20: {  	[sflag:s8] =	ssyncset.s32 @!p0 $0xFFFFF086;
	s6 =	sadd.s32 @!p0 s3, s7;
	s7 =	simm.s32 @!p0 $0x108  }
0x21: {  	s3 =	sadd.s32 s3, s9;
	s6 =	sadd.s32 @!p0 $0x88, s6;
	s7 =	simm.s32 @p2 $0x1082  }
0x22: {  	[simem:s7], [sflag:s8] =	dma.local @!p0 [hbm:s6], $0xF7A  }
0x23: {  	s9 =	sor.u32 $0xD0000000, s2;
	s6 =	simm.s32 $0x108;
	_ =	swait.ge @!p0 [sflag:s8], $0x0  }
0x24: {  	s3 =	sadd.s32 $0x88, s3;
	s6 =	simm.s32 @!p1 $0x1082;
	[sflag:s4] =	ssyncset.s32 $0xFFFFF086  }
0x25: {  	[simem:s6], [sflag:s4] =	dma.local [hbm:s3], $0xF7A  }
0x26: {  	[smem:$0x3F9E] =	sst s1;
	(tag) =	ssettag s2;
	_ =	strace s9  }
0x27: {  	s1 =	sld [smem:$0x3FAE]  }
0x28: {  	s2 =	sld [smem:$0x3FAF]  }
0x29: {  	s4 =	sld [smem:$0x3FB1]  }
0x2a: {  	p0 =	seq.s32 s5, $0x0;
	s5 =	sld [smem:$0x3FB2]  }
0x2b: {  	s6 =	sld [smem:$0x3FB3]  }
0x2c: {  	s7 =	sld [smem:$0x3FB4]  }
0x2d: {  	s3 =	simm.s32 $0x108;
	s8 =	sld [smem:$0x3FB5]  }
0x2e: {  	s3 =	simm.s32 @!p0 $0x1082;
	s9 =	sld [smem:$0x3FB6]  }
0x2f: {  	lr =	sadd.s32 s0, s3;
	s0 =	sld [smem:$0x3FAD]  }
0x30: {  	s3 =	sld [smem:$0x3FB0]  }
0x31: {  	[smem:$0x3FB9] =	sst s10  }
0x32: {  	s10 =	sld [smem:$0x3FB7];
	_ =	sdelay $0x3  }
0x33: {  	p0 =	seq.s32 s10, $0x1;
	s10 =	sld [smem:$0x3FB9];
	_ =	sdelay $0x3  }
0x34: {  	[smem:$0x3FB9] =	sst s10  }
0x35: {  	s10 =	sld [smem:$0x3FB8];
	_ =	sdelay $0x3  }
0x36: {  	p1 =	seq.s32 s10, $0x1;
	s10 =	sld [smem:$0x3FB9];
	_ =	sdelay $0x3  }
0x37: {  	[smem:$0x3FB9] =	sst s10  }
0x38: {  	s10 =	sld [smem:$0x3FBA]  }
0x39: {  	_ = 	snop;
	(pc) =	sbr.ind lr, $3  }
0x3a: {  	_ = 	snop  }
0x3b: {  	_ = 	snop  }
0x3c: {  	p2 =	seq.s32 s10, $0x1;
	s10 =	sld [smem:$0x3FB9]  }
0x3d: {  	_ =	shalt  }
0x3e: {  	_ =	shalt  }
0x3f: {  	_ =	shalt  }
0x40: {  	_ =	shalt  }
0x41: {  	_ =	shalt  }
0x42: {  	_ =	shalt  }
0x43: {  	_ =	shalt  }
0x44: {  	_ =	shalt  }
0x45: {  	_ =	shalt  }
0x46: {  	_ =	shalt  }
0x47: {  	_ =	shalt  }
0x48: {  	_ =	shalt  }
0x49: {  	_ =	shalt  }
0x4a: {  	_ =	shalt  }
0x4b: {  	_ =	shalt  }
0x4c: {  	_ =	shalt  }
0x4d: {  	_ =	shalt  }
0x4e: {  	_ =	shalt  }
0x4f: {  	_ =	shalt  }
0x50: {  	_ =	shalt  }
0x51: {  	_ =	shalt  }
0x52: {  	_ =	shalt  }
0x53: {  	_ =	shalt  }
0x54: {  	_ =	shalt  }
0x55: {  	_ =	shalt  }
0x56: {  	_ =	shalt  }
0x57: {  	_ =	shalt  }
0x58: {  	_ =	shalt  }
0x59: {  	_ =	shalt  }
0x5a: {  	_ =	shalt  }
0x5b: {  	_ =	shalt  }
0x5c: {  	_ =	shalt  }
0x5d: {  	_ =	shalt  }
0x5e: {  	_ =	shalt  }
0x5f: {  	_ =	shalt  }
0x60: {  	_ =	shalt  }
0x61: {  	_ =	shalt  }
0x62: {  	_ =	shalt  }
0x63: {  	_ =	shalt  }
0x64: {  	_ =	shalt  }
0x65: {  	_ =	shalt  }
0x66: {  	_ =	shalt  }
0x67: {  	_ =	shalt  }
0x68: {  	_ =	shalt  }
0x69: {  	_ =	shalt  }
0x6a: {  	_ =	shalt  }
0x6b: {  	_ =	shalt  }
0x6c: {  	_ =	shalt  }
0x6d: {  	_ =	shalt  }
0x6e: {  	_ =	shalt  }
0x6f: {  	_ =	shalt  }
0x70: {  	_ =	shalt  }
0x71: {  	_ =	shalt  }
0x72: {  	_ =	shalt  }
0x73: {  	_ =	shalt  }
0x74: {  	_ =	shalt  }
0x75: {  	_ =	shalt  }
0x76: {  	_ =	shalt  }
0x77: {  	_ =	shalt  }
0x78: {  	_ =	shalt  }
0x79: {  	_ =	shalt  }
0x7a: {  	_ =	shalt  }
0x7b: {  	_ =	shalt  }
0x7c: {  	_ =	shalt  }
0x7d: {  	_ =	shalt  }
0x7e: {  	_ =	shalt  }
0x7f: {  	_ =	shalt  }
0x80: {  	_ =	shalt  }
0x81: {  	_ =	shalt  }
0x82: {  	_ =	shalt  }
0x83: {  	_ =	shalt  }
0x84: {  	_ =	shalt  }
0x85: {  	_ =	shalt  }
0x86: {  	_ =	shalt  }
0x87: {  	_ =	shalt  }
.Lfunc_end0:
.L_simem_size_0:
called_computation_lowered:
.L_overlay_start_0:
0x88: {  	s2 =	sld [smem:$0x3FD9]  }
0x89: {  	s3 =	sld [smem:$0x3FFE];
	_ =	sdelay $0x1  }
0x8a: {  	s1 =	srdreg.scid  }
0x8b: {  	s0 =	sand.u32 $0x1, s1  }
0x8c: {  	s17 =	sshll.u32 s0, $0xA;
	s2 =	sadd.s32 s3, s2  }
0x8d: {  	s2 =	sadd.s32 s2, s17  }
0x8e: {  	[smem:$0x3FC5] =	sst s2  }
0x8f: {  	_ = 	snop  }
0x90: {  	s2 =	sld [smem:$0x3FD0];
	(tm) =	ssettm $0x1  }
0x91: {  	s18 =	sld [smem:$0x3FFB];
	_ =	sdelay $0x3  }
0x92: {  	_ =	strace s18  }
0x93: {  	s3 =	sld [smem:$0x3FFC];
	_ =	sdelay $0x3  }
0x94: {  	_ =	strace s3  }
0x95: {  	s3 =	sld [smem:$0x3FFD];
	_ =	sdelay $0x3  }
0x96: {  	_ =	strace s3  }
0x97: {  	_ =	strace $0x8FFFFFFF  }
0x98: {  	s19 =	sld [smem:$0x3FDB];
	_ =	sdelay $0x1  }
0x99: {  	s4 =	simm.s32 $_scs_section_size  }
0x9a: {  	s5 =	simm.s32 $_size__tile_overlayer_lowered;
	s6 =	simm.s32 $_tile_overlayer_lowered  }
0x9b: {  	s22 =	simm.s32 $0x1BFF;
	s21 =	sshll.u32 s6, $0x1;
	s3 =	sadd.s32 s4, s19  }
0x9c: {  	s7 =	simm.s32 $0x0;
	s20 =	sshll.u32 s5, $0x1;
	s5 =	sadd.s32 s21, s3  }
0x9d: {  	[timem:s7], [sflag:s22] =	dma.local [hbm:s5], s20  }
0x9e: {  	_ =	swait.ge [sflag:s22], s20  }
0x9f: {  	s4 =	ssub.s32 $0x0, s20;
	[sflag:s22] =	ssyncset.done $0x0  }
0xa0: {  	[sflag:s22] =	ssyncadd.s32 s4;
	_ =	sdelay $0x1  }
0xa1: {  	s23 =	simm.s32 $0x1B8B  }
0xa2: {  	_ =	swait.ge [sflag:s23], $0x1  }
0xa3: {  	[sflag:s23] =	ssyncset.done $0x0  }
0xa4: {  	s25 =	simm.s32 $0x1B8E;
	s24 =	sld [smem:$0x3FFE];
	[sflag:s23] =	ssyncadd.s32 $0xFFFFFFFF  }
0xa5: {  	s26 =	simm.s32 $execute0_lowered;
	[smem:$0x3FD2] =	sst s25  }
0xa6: {  	s5 =	sshll.u32 s26, $0x1;
	_ =	strace $0x80000046;
	[dreg:$0x1] =	wrdreg $0xFFFFFFFF  }
0xa7: {  	s28 =	simm.s32 $_size_execute0_lowered;
	s3 =	sadd.s32 s3, s5;
	[dreg:$0x0] =	wrdreg $0x0  }
0xa8: {  	s5 =	sshll.u32 s28, $0x1;
	[dreg:$0x2] =	wrdreg s3  }
0xa9: {  	[dreg:$0x3] =	wrdreg s5  }
0xaa: {  	[dreg:$0x4] =	wrdreg $0xC0  }
0xab: {  	_ =	task [dreg:s7], $0x5FFFF  }
0xac: {  	[dreg:$0x1] =	wrdreg $0xFFFFFFFF  }
0xad: {  	[dreg:$0x0] =	wrdreg $0x60  }
0xae: {  	[dreg:$0x2] =	wrdreg s2  }
0xaf: {  	[dreg:$0x3] =	wrdreg s24  }
0xb0: {  	[dreg:$0x4] =	wrdreg $0xA8000  }
0xb1: {  	[dreg:$0x5] =	wrdreg $0x9  }
0xb2: {  	_ =	task.clear_ibuf [dreg:s7], $0x6FFFF;
	_ =	strace $0x90000046  }
0xb3: {  	s29 =	simm.s32 $0x9;
	_ =	strace $0x80000048  }
0xb4: {  	_ =	swait.ge [sflag:s29], $0x1  }
0xb5: {  	[sflag:s29] =	ssyncadd.s32 $0xFFFFFFFF  }
0xb6: {  	_ =	strace $0x90000048  }
0xb7: {  	_ =	sfence  }
0xb8: {  	s30 =	sld [smem:$0x0];
	_ =	sdelay $0x2  }
0xb9: {  	s31 =	sshll.u32 s1, $0xD;
	s1 =	sshrl.u32 s1, $0x2  }
0xba: {  	s3 =	sand.u32 $0x4000, s31;
	s1 =	sadd.s32 s1, s30  }
0xbb: {  	s0 =	sor.u32 s3, s0;
	s1 =	sshll.u32 s1, $0x11  }
0xbc: {  	s0 =	sor.u32 s1, s0  }
0xbd: {  	s0 =	sadd.s32 $0x8F2B, s0  }
0xbe: {  	[sflag:s0] =	ssyncadd.remote.s32 $0x1  }
0xbf: {  	_ =	sfence.sel $0xFFFF  }
0xc0: {  	[dreg:$0x0] =	wrdreg $0xFFFFFFFF;
	(pc) =	sbr.abs _section_cstart, $3  }
0xc1: {  	[dreg:$0x1] =	wrdreg $0xFFFFFFFF  }
0xc2: {  	_ =	task.clear_ibuf [dreg:s7], $0x2FFFF;
	_ =	strace $0x9FFFFFFF  }
0xc3: {  	(tm) =	ssettm $0x7FFFFFFF  }
tec
execute0_lowered:
.L_overlay_start_1:
0x0: {  	(tag) =	ssettag $0x1  }
0x1: {  	s1 =	rddreg [dreg:$0x0]  }
0x2: {  	s0 =	rddreg [dreg:$0x1]  }
0x3: {  	s2 =	rddreg [dreg:$0x2];
	s3 =	srdreg.scid;
	s5 =	simm.s32 $0x0  }
0x4: {  	s10 =	stileid.u32;
	s30 =	simm.s32 $0x4800;
	s31 =	simm.s32 $0x9800  }
0x5: {  	s29 =	simm.s32 $0x7;
	s11 =	simm.s32 $0x8;
	s3 =	sand.u32 $0x1, s3  }
0x6: {  	[smem:$0x7FF] =	sst s5;
	s13 =	smul.u32 $0x14000, s10;
	s6 =	sadd.s32 $0xC00, s0  }
0x7: {  	s7 =	sadd.s32 $0x14C00, s0;
	s14 =	sadd.s32 $0x28C00, s0;
	s8 =	smul.u32 $0x50000, s10  }
0x8: {  	s4 =	smul.u32 $0x140000, s3;
	_ =	strace $0x80000047;
	s15 =	sshll.u32 s3, $0x4  }
0x9: {  	[dreg:$0x4] =	wrdreg s14;
	s3 =	ssub.s32 $0x2, s3;
	s5 =	sor.u32 s10, s15  }
0xa: {  	s16 =	sshrl.u32 s3, $0x1;
	s17 =	sshrl.u32 s8, $0x2;
	s10 =	sshll.u32 s10, $0x6  }
0xb: {  	s15 =	simm.s32 $0x6;
	s4 =	sadd.s32 s13, s4;
	s9 =	smul.u32 $0x5000, s5  }
0xc: {  	s3 =	ssub.s32 s3, s16;
	s5 =	smul.u32 $0xA00, s5;
	[dreg:$0x5] =	wrdreg s10  }
0xd: {  	s19 =	sor.u32 $0x1C09, s10;
	s10 =	simm.s32 $0x6800;
	s13 =	simm.s32 $0x5  }
0xe: {  	s4 =	sshrl.u32 s4, $0x3;
	[dreg:$0x6] =	wrdreg s19;
	s28 =	smax.u32 s3, $0x1  }
0xf: {  	s3 =	simm.s32 $0x3;
	s0 =	sadd.s32 s4, s0;
	s4 =	sadd.s32 s17, s2  }
0x10: {  	s18 =	sshrl.u32 s9, $0x3;
	s20 =	sadd.s32 s6, s5;
	[dreg:$0x10] =	wrdreg s28  }
0x11: {  	s5 =	sadd.s32 s7, s5;
	s17 =	simm.s32 $0x4;
	[dreg:$0x7] =	wrdreg s20  }
0x12: {  	s21 =	sadd.s32 $0x280, s18;
	[dreg:$0x8] =	wrdreg s5;
	s23 =	sadd.s32 $0x500, s18  }
0x13: {  	s8 =	sadd.s32 $0x780, s18;
	s0 =	sadd.s32 $0x2B400, s0;
	s18 =	simm.s32 $0x8800  }
0x14: {  	s22 =	sadd.s32 s6, s21;
	s9 =	sadd.s32 s7, s21;
	[dreg:$0xf] =	wrdreg s0  }
0x15: {  	s24 =	sadd.s32 s6, s23;
	s5 =	sadd.s32 s7, s23;
	[dreg:$0x9] =	wrdreg s22  }
0x16: {  	s25 =	sadd.s32 s6, s8;
	s26 =	sadd.s32 s7, s8;
	[dreg:$0xa] =	wrdreg s9  }
.Ltmp0:
0x17: {  	s23 =	sshrl.u32 s4, $0x3;
	[dreg:$0xb] =	wrdreg s24;
	(pc) =	sbr.rel .LBB2_1-.Ltmp0, $4  }
0x18: {  	s21 =	simm.s32 $0x10;
	s6 =	simm.s32 $0x1;
	[dreg:$0xc] =	wrdreg s5  }
0x19: {  	s4 =	simm.s32 $0x40;
	s7 =	simm.s32 $0xA000;
	[dreg:$0xd] =	wrdreg s25  }
0x1a: {  	s0 =	simm.s32 $0x0;
	[dreg:$0xe] =	wrdreg s26;
	s24 =	simm.s32 $0xA  }
0x1b: {  	s22 =	simm.s32 $0x2800;
	s9 =	simm.s32 $0x2;
	[dreg:$0x11] =	wrdreg s23  }
.LBB2_13:
0x1c: {  	_ =	swait.ge [sflag:s3], $0x2000  }
0x1d: {  	[sflag:s3] =	ssyncset.done $0x0  }
0x1e: {  	[sflag:s3] =	ssyncadd.s32 $0xFFFFE000  }
0x1f: {  	[spmem:s2] =	stream.indirect.scatter.add.f32 [tilespmem:s10], [sflag:$0x7], $0x80, s19, s4, $0xb8;
	[tilespmem:$0x1E800] =	vst v63  }
0x20: {  	_ =	swait.ge [sflag:s15], $0x2000  }
0x21: {  	[sflag:s15] =	ssyncset.done $0x0  }
0x22: {  	[sflag:s15] =	ssyncadd.s32 $0xFFFFE000  }
0x23: {  	_ =	swait.ge [sflag:s17], $0x2000  }
0x24: {  	[sflag:s17] =	ssyncset.done $0x0  }
0x25: {  	s0 =	simm.s32 $0x2780;
	[sflag:s17] =	ssyncadd.s32 $0xFFFFE000  }
0x26: {  	[spmem:s2] =	stream.indirect.scatter.add.f32 [tilespmem:s18], [sflag:$0x8], $0x80, s0, s4, $0xb8;
	[tilespmem:$0x1E800] =	vst v63  }
0x27: {  	_ =	swait.ge [sflag:s29], $0x2000  }
0x28: {  	[sflag:s29] =	ssyncset.done $0x0  }
0x29: {  	[sflag:s29] =	ssyncadd.s32 $0xFFFFE000  }
0x2a: {  	_ =	swait.ge [sflag:s11], $0x2000  }
0x2b: {  	[sflag:s11] =	ssyncset.done $0x0  }
0x2c: {  	[sflag:s11] =	ssyncadd.s32 $0xFFFFE000  }
0x2d: {  	[bflag:$0x0] =	sbarrier.arrive $0xFFFF  }
0x2e: {  	s25 =	rddreg [dreg:$0x5]  }
0x2f: {  	s20 =	rddreg [dreg:$0xf]  }
0x30: {  	s24 =	simm.s32 $0xA;
	s23 =	rddreg [dreg:$0x11];
	s19 =	sor.u32 $0x1C0A, s25  }
0x31: {  	[hbm:s20], [sflag:s19] =	dma.local [spmem:s23], $0x2800  }
0x32: {  	_ =	swait.ge [sflag:s24], $0x2800  }
0x33: {  	s26 =	rddreg [dreg:$0x12]  }
0x34: {  	s28 =	rddreg [dreg:$0x10];
	s0 =	sadd.s32 $0x1, s26  }
0x35: {  	p0 =	sne.s32 s0, s28  }
.Ltmp1:
0x36: {  	_ = 	snop;
	(pc) =	sbr.rel @!p0 .LBB2_14-.Ltmp1, $3  }
0x37: {  	_ =	sdelay $0x1  }
0x38: {  	[sflag:s24] =	ssyncset.done $0x0  }
0x39: {  	[sflag:s24] =	ssyncadd.s32 $0xFFFFD800  }
.LBB2_1:
0x3a: {  	[dreg:$0x12] =	wrdreg s0  }
0x3b: {  	s19 =	rddreg [dreg:$0x4]  }
0x3c: {  	s20 =	rddreg [dreg:$0x6]  }
0x3d: {  	[spmem:s23], [sflag:s20] =	dma.local [hbm:s19], $0x2800  }
0x3e: {  	s5 =	simm.s32 $0x0;
	s20 =	rddreg [dreg:$0x7]  }
0x3f: {  	[tilespmem:s5], [sflag:$0xA] =	stream.linear.gather [hbm4b:s20+s5], $0x1400, $0x38;
	[tilespmem:$0x1E800] =	vst v63  }
0x40: {  	_ =	swait.ge [sflag:s24], $0x1400  }
0x41: {  	[sflag:s24] =	ssyncset.done $0x0  }
0x42: {  	s23 =	simm.s32 $0x1400;
	s8 =	rddreg [dreg:$0x8];
	[sflag:s24] =	ssyncadd.s32 $0xFFFFEC00  }
0x43: {  	[tilespmem:s23], [sflag:$0xA] =	stream.linear.gather [hbm4b:s8+s5], $0x1400, $0x38;
	[tilespmem:$0x1E800] =	vst v63  }
0x44: {  	_ =	swait.ge [sflag:s24], $0x1400  }
0x45: {  	[sflag:s24] =	ssyncset.done $0x0  }
0x46: {  	[sflag:s24] =	ssyncadd.s32 $0xFFFFEC00  }
0x47: {  	[tilespmem:s22], [sflag:$0x1] =	stream.indirect.gather [hbm4b:s1+s21], $0x80, s5, s21, $0xb8;
	[tilespmem:$0x1E800] =	vst v63  }
0x48: {  	s0 =	simm.s32 $0x3000  }
0x49: {  	[tilespmem:s0], [sflag:$0x1] =	stream.indirect.gather [hbm4b:s1+s21], $0x80, s21, s21, $0xb8;
	[tilespmem:$0x1E800] =	vst v63  }
0x4a: {  	s12 =	simm.s32 $0x20;
	s24 =	simm.s32 $0x3800  }
0x4b: {  	[tilespmem:s24], [sflag:$0x1] =	stream.indirect.gather [hbm4b:s1+s21], $0x80, s12, s21, $0xb8;
	[tilespmem:$0x1E800] =	vst v63  }
0x4c: {  	s14 =	simm.s32 $0x30;
	s19 =	simm.s32 $0x4000  }
0x4d: {  	[tilespmem:s19], [sflag:$0x1] =	stream.indirect.gather [hbm4b:s1+s21], $0x80, s14, s21, $0xb8;
	[tilespmem:$0x1E800] =	vst v63  }
0x4e: {  	s16 =	simm.s32 $0x80  }
0x4f: {  	[tilespmem:s30], [sflag:$0x2] =	stream.indirect.gather [hbm4b:s1+s21], $0x80, s16, s21, $0xb8;
	[tilespmem:$0x1E800] =	vst v63  }
0x50: {  	s25 =	simm.s32 $0x90;
	s12 =	simm.s32 $0x5000  }
0x51: {  	[tilespmem:s12], [sflag:$0x2] =	stream.indirect.gather [hbm4b:s1+s21], $0x80, s25, s21, $0xb8;
	[tilespmem:$0x1E800] =	vst v63  }
0x52: {  	s20 =	simm.s32 $0x5800;
	s5 =	simm.s32 $0xA0  }
0x53: {  	[tilespmem:s20], [sflag:$0x2] =	stream.indirect.gather [hbm4b:s1+s21], $0x80, s5, s21, $0xb8;
	[tilespmem:$0x1E800] =	vst v63  }
0x54: {  	s26 =	simm.s32 $0xB0;
	s16 =	simm.s32 $0x6000  }
0x55: {  	[tilespmem:s16], [sflag:$0x2] =	stream.indirect.gather [hbm4b:s1+s21], $0x80, s26, s21, $0xb8;
	[tilespmem:$0x1E800] =	vst v63  }
0x56: {  	s8 =	simm.s32 $0x100  }
0x57: {  	[tilespmem:s10], [sflag:$0x3] =	stream.indirect.gather [hbm4b:s1+s21], $0x80, s8, s21, $0xb8;
	[tilespmem:$0x1E800] =	vst v63  }
0x58: {  	s14 =	simm.s32 $0x110;
	s26 =	simm.s32 $0x7000  }
0x59: {  	[tilespmem:s26], [sflag:$0x3] =	stream.indirect.gather [hbm4b:s1+s21], $0x80, s14, s21, $0xb8;
	[tilespmem:$0x1E800] =	vst v63  }
0x5a: {  	s25 =	simm.s32 $0x120;
	s8 =	simm.s32 $0x7800  }
0x5b: {  	[tilespmem:s8], [sflag:$0x3] =	stream.indirect.gather [hbm4b:s1+s21], $0x80, s25, s21, $0xb8;
	[tilespmem:$0x1E800] =	vst v63  }
0x5c: {  	s14 =	simm.s32 $0x130;
	s25 =	simm.s32 $0x8000  }
0x5d: {  	[tilespmem:s25], [sflag:$0x3] =	stream.indirect.gather [hbm4b:s1+s21], $0x80, s14, s21, $0xb8;
	[tilespmem:$0x1E800] =	vst v63  }
0x5e: {  	s14 =	simm.s32 $0x9  }
0x5f: {  	_ =	swait.ge [sflag:s14], $0x2800  }
0x60: {  	[sflag:s14] =	ssyncset.done $0x0  }
0x61: {  	[sflag:s14] =	ssyncadd.s32 $0xFFFFD800  }
0x62: {  	[bflag:$0x0] =	sbarrier.arrive $0xFFFF  }
0x63: {  	_ =	swait.ge [sflag:s6], $0x2000  }
0x64: {  	[sflag:s6] =	ssyncset.done $0x0  }
0x65: {  	[sflag:s6] =	ssyncadd.s32 $0xFFFFE000  }
0x66: {  	[spmem:s2] =	stream.indirect.scatter.add.f32 [tilespmem:s22], [sflag:$0x5], $0x80, s23, s4, $0xb8;
	[tilespmem:$0x1E800] =	vst v63  }
0x67: {  	s25 =	simm.s32 $0x180  }
0x68: {  	[tilespmem:s18], [sflag:$0x4] =	stream.indirect.gather [hbm4b:s1+s21], $0x80, s25, s21, $0xb8;
	[tilespmem:$0x1E800] =	vst v63  }
0x69: {  	s8 =	simm.s32 $0x190;
	s14 =	simm.s32 $0x9000  }
0x6a: {  	[tilespmem:s14], [sflag:$0x4] =	stream.indirect.gather [hbm4b:s1+s21], $0x80, s8, s21, $0xb8;
	[tilespmem:$0x1E800] =	vst v63  }
0x6b: {  	s23 =	simm.s32 $0x1A0  }
0x6c: {  	[tilespmem:s31], [sflag:$0x4] =	stream.indirect.gather [hbm4b:s1+s21], $0x80, s23, s21, $0xb8;
	[tilespmem:$0x1E800] =	vst v63  }
0x6d: {  	s25 =	simm.s32 $0x1B0  }
0x6e: {  	[tilespmem:s7], [sflag:$0x4] =	stream.indirect.gather [hbm4b:s1+s21], $0x80, s25, s21, $0xb8;
	[tilespmem:$0x1E800] =	vst v63  }
0x6f: {  	_ =	swait.ge [sflag:s9], $0x2000  }
0x70: {  	[sflag:s9] =	ssyncset.done $0x0  }
0x71: {  	s8 =	simm.s32 $0x1480;
	[sflag:s9] =	ssyncadd.s32 $0xFFFFE000  }
0x72: {  	[spmem:s2] =	stream.indirect.scatter.add.f32 [tilespmem:s30], [sflag:$0x6], $0x80, s8, s4, $0xb8;
	[tilespmem:$0x1E800] =	vst v63  }
0x73: {  	_ =	swait.ge [sflag:s13], $0x2000  }
0x74: {  	[sflag:s13] =	ssyncset.done $0x0  }
0x75: {  	s14 =	simm.s32 $0x200;
	[sflag:s13] =	ssyncadd.s32 $0xFFFFE000  }
0x76: {  	[tilespmem:s22], [sflag:$0x1] =	stream.indirect.gather [hbm4b:s1+s21], $0x80, s14, s21, $0xb8;
	[tilespmem:$0x1E800] =	vst v63  }
0x77: {  	s23 =	simm.s32 $0x210  }
0x78: {  	[tilespmem:s0], [sflag:$0x1] =	stream.indirect.gather [hbm4b:s1+s21], $0x80, s23, s21, $0xb8;
	[tilespmem:$0x1E800] =	vst v63  }
0x79: {  	s8 =	simm.s32 $0x220  }
0x7a: {  	[tilespmem:s24], [sflag:$0x1] =	stream.indirect.gather [hbm4b:s1+s21], $0x80, s8, s21, $0xb8;
	[tilespmem:$0x1E800] =	vst v63  }
0x7b: {  	s14 =	simm.s32 $0x230  }
0x7c: {  	[tilespmem:s19], [sflag:$0x1] =	stream.indirect.gather [hbm4b:s1+s21], $0x80, s14, s21, $0xb8;
	[tilespmem:$0x1E800] =	vst v63  }
0x7d: {  	_ =	swait.ge [sflag:s3], $0x2000  }
0x7e: {  	[sflag:s3] =	ssyncset.done $0x0  }
0x7f: {  	s19 =	simm.s32 $0x1500;
	[sflag:s3] =	ssyncadd.s32 $0xFFFFE000  }
0x80: {  	[spmem:s2] =	stream.indirect.scatter.add.f32 [tilespmem:s10], [sflag:$0x7], $0x80, s19, s4, $0xb8;
	[tilespmem:$0x1E800] =	vst v63  }
0x81: {  	_ =	swait.ge [sflag:s15], $0x2000  }
0x82: {  	[sflag:s15] =	ssyncset.done $0x0  }
0x83: {  	s23 =	simm.s32 $0x280;
	[sflag:s15] =	ssyncadd.s32 $0xFFFFE000  }
0x84: {  	[tilespmem:s30], [sflag:$0x2] =	stream.indirect.gather [hbm4b:s1+s21], $0x80, s23, s21, $0xb8;
	[tilespmem:$0x1E800] =	vst v63  }
0x85: {  	s24 =	simm.s32 $0x290  }
0x86: {  	[tilespmem:s12], [sflag:$0x2] =	stream.indirect.gather [hbm4b:s1+s21], $0x80, s24, s21, $0xb8;
	[tilespmem:$0x1E800] =	vst v63  }
0x87: {  	s14 =	simm.s32 $0x2A0  }
0x88: {  	[tilespmem:s20], [sflag:$0x2] =	stream.indirect.gather [hbm4b:s1+s21], $0x80, s14, s21, $0xb8;
	[tilespmem:$0x1E800] =	vst v63  }
0x89: {  	s14 =	simm.s32 $0x2B0  }
0x8a: {  	[tilespmem:s16], [sflag:$0x2] =	stream.indirect.gather [hbm4b:s1+s21], $0x80, s14, s21, $0xb8;
	[tilespmem:$0x1E800] =	vst v63  }
0x8b: {  	_ =	swait.ge [sflag:s17], $0x2000  }
0x8c: {  	[sflag:s17] =	ssyncset.done $0x0  }
0x8d: {  	s28 =	simm.s32 $0x3800;
	s19 =	simm.s32 $0x1580;
	[sflag:s17] =	ssyncadd.s32 $0xFFFFE000  }
0x8e: {  	[spmem:s2] =	stream.indirect.scatter.add.f32 [tilespmem:s18], [sflag:$0x8], $0x80, s19, s4, $0xb8;
	[tilespmem:$0x1E800] =	vst v63  }
0x8f: {  	s5 =	simm.s32 $0x5000;
	s25 =	simm.s32 $0x3000;
	_ =	swait.ge [sflag:s29], $0x2000  }
0x90: {  	s0 =	simm.s32 $0x4000;
	s8 =	simm.s32 $0x5800;
	[sflag:s29] =	ssyncset.done $0x0  }
0x91: {  	s23 =	simm.s32 $0x310;
	s20 =	simm.s32 $0x300;
	[sflag:s29] =	ssyncadd.s32 $0xFFFFE000  }
0x92: {  	[tilespmem:s10], [sflag:$0x3] =	stream.indirect.gather [hbm4b:s1+s21], $0x80, s20, s21, $0xb8;
	[tilespmem:$0x1E800] =	vst v63  }
0x93: {  	s12 =	simm.s32 $0x6000;
	s24 =	simm.s32 $0x320;
	s14 =	simm.s32 $0x7000  }
0x94: {  	[tilespmem:s26], [sflag:$0x3] =	stream.indirect.gather [hbm4b:s1+s21], $0x80, s23, s21, $0xb8;
	[tilespmem:$0x1E800] =	vst v63  }
0x95: {  	s16 =	simm.s32 $0x7800;
	s20 =	simm.s32 $0x0;
	s26 =	simm.s32 $0x7800  }
0x96: {  	[tilespmem:s26], [sflag:$0x3] =	stream.indirect.gather [hbm4b:s1+s21], $0x80, s24, s21, $0xb8;
	[tilespmem:$0x1E800] =	vst v63  }
0x97: {  	s23 =	simm.s32 $0x330;
	s26 =	simm.s32 $0x8000;
	s24 =	simm.s32 $0x8000  }
0x98: {  	[tilespmem:s24], [sflag:$0x3] =	stream.indirect.gather [hbm4b:s1+s21], $0x80, s23, s21, $0xb8;
	[tilespmem:$0x1E800] =	vst v63  }
.LBB2_2:
0x99: {  	_ =	swait.ge [sflag:s6], $0x2000  }
0x9a: {  	s24 =	sshra.s32 s20, $0x2;
	[sflag:s6] =	ssyncset.done $0x0  }
0x9b: {  	s19 =	sadd.s32 $0x1600, s24;
	[sflag:s6] =	ssyncadd.s32 $0xFFFFE000  }
0x9c: {  	[spmem:s2] =	stream.indirect.scatter.add.f32 [tilespmem:s22], [sflag:$0x5], $0x80, s19, s4, $0xb8;
	[tilespmem:$0x1E800] =	vst v63  }
0x9d: {  	_ =	swait.ge [sflag:s11], $0x2000  }
0x9e: {  	[sflag:s11] =	ssyncset.done $0x0  }
0x9f: {  	s23 =	sadd.s32 $0x380, s24;
	[sflag:s11] =	ssyncadd.s32 $0xFFFFE000  }
0xa0: {  	[tilespmem:s18], [sflag:$0x4] =	stream.indirect.gather [hbm4b:s1+s21], $0x80, s23, s21, $0xb8;
	[tilespmem:$0x1E800] =	vst v63  }
0xa1: {  	s19 =	sadd.s32 $0x390, s24;
	s23 =	simm.s32 $0x9000  }
0xa2: {  	[tilespmem:s23], [sflag:$0x4] =	stream.indirect.gather [hbm4b:s1+s21], $0x80, s19, s21, $0xb8;
	[tilespmem:$0x1E800] =	vst v63  }
0xa3: {  	s23 =	sadd.s32 $0x3A0, s24  }
0xa4: {  	[tilespmem:s31], [sflag:$0x4] =	stream.indirect.gather [hbm4b:s1+s21], $0x80, s23, s21, $0xb8;
	[tilespmem:$0x1E800] =	vst v63  }
0xa5: {  	s23 =	sadd.s32 $0x3B0, s24  }
0xa6: {  	[tilespmem:s7], [sflag:$0x4] =	stream.indirect.gather [hbm4b:s1+s21], $0x80, s23, s21, $0xb8;
	[tilespmem:$0x1E800] =	vst v63  }
0xa7: {  	_ =	swait.ge [sflag:s9], $0x2000  }
0xa8: {  	p0 =	seq.s32 s20, $0x4000;
	[sflag:s9] =	ssyncset.done $0x0  }
.Ltmp2:
0xa9: {  	s23 =	sadd.s32 $0x1680, s24;
	[sflag:s9] =	ssyncadd.s32 $0xFFFFE000;
	(pc) =	sbr.rel @p0 .LBB2_4-.Ltmp2, $4  }
0xaa: {  	[spmem:s2] =	stream.indirect.scatter.add.f32 [tilespmem:s30], [sflag:$0x6], $0x80, s23, s4, $0xb8;
	[tilespmem:$0x1E800] =	vst v63  }
0xab: {  	_ =	swait.ge [sflag:s13], $0x2000  }
0xac: {  	[sflag:s13] =	ssyncset.done $0x0  }
0xad: {  	s19 =	sadd.s32 $0x1700, s24;
	[sflag:s13] =	ssyncadd.s32 $0xFFFFE000  }
0xae: {  	s23 =	sadd.s32 $0x400, s24  }
0xaf: {  	[tilespmem:s22], [sflag:$0x1] =	stream.indirect.gather [hbm4b:s1+s21], $0x80, s23, s21, $0xb8;
	[tilespmem:$0x1E800] =	vst v63  }
0xb0: {  	s23 =	sadd.s32 $0x410, s24  }
0xb1: {  	[tilespmem:s25], [sflag:$0x1] =	stream.indirect.gather [hbm4b:s1+s21], $0x80, s23, s21, $0xb8;
	[tilespmem:$0x1E800] =	vst v63  }
0xb2: {  	s23 =	sadd.s32 $0x420, s24  }
0xb3: {  	[tilespmem:s28], [sflag:$0x1] =	stream.indirect.gather [hbm4b:s1+s21], $0x80, s23, s21, $0xb8;
	[tilespmem:$0x1E800] =	vst v63  }
0xb4: {  	s23 =	sadd.s32 $0x430, s24  }
0xb5: {  	[tilespmem:s0], [sflag:$0x1] =	stream.indirect.gather [hbm4b:s1+s21], $0x80, s23, s21, $0xb8;
	[tilespmem:$0x1E800] =	vst v63  }
0xb6: {  	_ =	swait.ge [sflag:s3], $0x2000  }
0xb7: {  	[sflag:s3] =	ssyncset.done $0x0  }
0xb8: {  	[sflag:s3] =	ssyncadd.s32 $0xFFFFE000  }
0xb9: {  	[spmem:s2] =	stream.indirect.scatter.add.f32 [tilespmem:s10], [sflag:$0x7], $0x80, s19, s4, $0xb8;
	[tilespmem:$0x1E800] =	vst v63  }
0xba: {  	_ =	swait.ge [sflag:s15], $0x2000  }
0xbb: {  	[sflag:s15] =	ssyncset.done $0x0  }
0xbc: {  	s23 =	sadd.s32 $0x480, s24;
	[sflag:s15] =	ssyncadd.s32 $0xFFFFE000  }
0xbd: {  	[tilespmem:s30], [sflag:$0x2] =	stream.indirect.gather [hbm4b:s1+s21], $0x80, s23, s21, $0xb8;
	[tilespmem:$0x1E800] =	vst v63  }
0xbe: {  	s23 =	sadd.s32 $0x490, s24  }
0xbf: {  	[tilespmem:s5], [sflag:$0x2] =	stream.indirect.gather [hbm4b:s1+s21], $0x80, s23, s21, $0xb8;
	[tilespmem:$0x1E800] =	vst v63  }
0xc0: {  	s23 =	sadd.s32 $0x4A0, s24  }
0xc1: {  	[tilespmem:s8], [sflag:$0x2] =	stream.indirect.gather [hbm4b:s1+s21], $0x80, s23, s21, $0xb8;
	[tilespmem:$0x1E800] =	vst v63  }
0xc2: {  	s23 =	sadd.s32 $0x4B0, s24  }
0xc3: {  	[tilespmem:s12], [sflag:$0x2] =	stream.indirect.gather [hbm4b:s1+s21], $0x80, s23, s21, $0xb8;
	[tilespmem:$0x1E800] =	vst v63  }
0xc4: {  	_ =	swait.ge [sflag:s17], $0x2000  }
0xc5: {  	[sflag:s17] =	ssyncset.done $0x0  }
0xc6: {  	s23 =	sadd.s32 $0x1780, s24;
	[sflag:s17] =	ssyncadd.s32 $0xFFFFE000  }
0xc7: {  	[spmem:s2] =	stream.indirect.scatter.add.f32 [tilespmem:s18], [sflag:$0x8], $0x80, s23, s4, $0xb8;
	[tilespmem:$0x1E800] =	vst v63  }
0xc8: {  	_ =	swait.ge [sflag:s29], $0x2000  }
0xc9: {  	[sflag:s29] =	ssyncset.done $0x0  }
0xca: {  	s23 =	sadd.s32 $0x500, s24;
	[sflag:s29] =	ssyncadd.s32 $0xFFFFE000  }
0xcb: {  	[tilespmem:s10], [sflag:$0x3] =	stream.indirect.gather [hbm4b:s1+s21], $0x80, s23, s21, $0xb8;
	[tilespmem:$0x1E800] =	vst v63  }
0xcc: {  	s23 =	sadd.s32 $0x510, s24  }
0xcd: {  	[tilespmem:s14], [sflag:$0x3] =	stream.indirect.gather [hbm4b:s1+s21], $0x80, s23, s21, $0xb8;
	[tilespmem:$0x1E800] =	vst v63  }
.Ltmp3:
0xce: {  	_ = 	snop;
	(pc) =	sbr.rel .LBB2_2-.Ltmp3, $4  }
0xcf: {  	s23 =	sadd.s32 $0x520, s24  }
0xd0: {  	[tilespmem:s16], [sflag:$0x3] =	stream.indirect.gather [hbm4b:s1+s21], $0x80, s23, s21, $0xb8;
	[tilespmem:$0x1E800] =	vst v63  }
0xd1: {  	s20 =	sadd.s32 $0x800, s20;
	s24 =	sadd.s32 $0x530, s24  }
0xd2: {  	[tilespmem:s26], [sflag:$0x3] =	stream.indirect.gather [hbm4b:s1+s21], $0x80, s24, s21, $0xb8;
	[tilespmem:$0x1E800] =	vst v63  }
.LBB2_4:
0xd3: {  	_ =	swait.ge [sflag:s3], $0x2000  }
0xd4: {  	[sflag:s3] =	ssyncset.done $0x0  }
0xd5: {  	[sflag:s3] =	ssyncadd.s32 $0xFFFFE000  }
0xd6: {  	[spmem:s2] =	stream.indirect.scatter.add.f32 [tilespmem:s10], [sflag:$0x7], $0x80, s19, s4, $0xb8;
	[tilespmem:$0x1E800] =	vst v63  }
0xd7: {  	_ =	swait.ge [sflag:s15], $0x2000  }
0xd8: {  	[sflag:s15] =	ssyncset.done $0x0  }
0xd9: {  	[sflag:s15] =	ssyncadd.s32 $0xFFFFE000  }
0xda: {  	_ =	swait.ge [sflag:s17], $0x2000  }
0xdb: {  	[sflag:s17] =	ssyncset.done $0x0  }
0xdc: {  	s0 =	simm.s32 $0x2780;
	[sflag:s17] =	ssyncadd.s32 $0xFFFFE000  }
0xdd: {  	[spmem:s2] =	stream.indirect.scatter.add.f32 [tilespmem:s18], [sflag:$0x8], $0x80, s0, s4, $0xb8;
	[tilespmem:$0x1E800] =	vst v63  }
0xde: {  	_ =	swait.ge [sflag:s29], $0x2000  }
0xdf: {  	[sflag:s29] =	ssyncset.done $0x0  }
0xe0: {  	[sflag:s29] =	ssyncadd.s32 $0xFFFFE000  }
0xe1: {  	_ =	swait.ge [sflag:s11], $0x2000  }
0xe2: {  	s20 =	simm.s32 $0x0;
	[sflag:s11] =	ssyncset.done $0x0  }
0xe3: {  	s23 =	simm.s32 $0xA;
	s0 =	rddreg [dreg:$0x9];
	[sflag:s11] =	ssyncadd.s32 $0xFFFFE000  }
0xe4: {  	[tilespmem:s20], [sflag:$0xA] =	stream.linear.gather [hbm4b:s0+s20], $0x1400, $0x38;
	[tilespmem:$0x1E800] =	vst v63  }
0xe5: {  	_ =	swait.ge [sflag:s23], $0x1400  }
0xe6: {  	[sflag:s23] =	ssyncset.done $0x0  }
0xe7: {  	s24 =	simm.s32 $0x1400;
	s5 =	rddreg [dreg:$0xa];
	[sflag:s23] =	ssyncadd.s32 $0xFFFFEC00  }
0xe8: {  	[tilespmem:s24], [sflag:$0xA] =	stream.linear.gather [hbm4b:s5+s20], $0x1400, $0x38;
	[tilespmem:$0x1E800] =	vst v63  }
0xe9: {  	_ =	swait.ge [sflag:s23], $0x1400  }
0xea: {  	[sflag:s23] =	ssyncset.done $0x0  }
0xeb: {  	[sflag:s23] =	ssyncadd.s32 $0xFFFFEC00  }
0xec: {  	[tilespmem:s22], [sflag:$0x1] =	stream.indirect.gather [hbm4b:s1+s21], $0x80, s20, s21, $0xb8;
	[tilespmem:$0x1E800] =	vst v63  }
0xed: {  	s28 =	simm.s32 $0x3000  }
0xee: {  	[tilespmem:s28], [sflag:$0x1] =	stream.indirect.gather [hbm4b:s1+s21], $0x80, s21, s21, $0xb8;
	[tilespmem:$0x1E800] =	vst v63  }
0xef: {  	s8 =	simm.s32 $0x20;
	s19 =	simm.s32 $0x3800  }
0xf0: {  	[tilespmem:s19], [sflag:$0x1] =	stream.indirect.gather [hbm4b:s1+s21], $0x80, s8, s21, $0xb8;
	[tilespmem:$0x1E800] =	vst v63  }
0xf1: {  	s12 =	simm.s32 $0x30;
	s8 =	simm.s32 $0x4000  }
0xf2: {  	[tilespmem:s8], [sflag:$0x1] =	stream.indirect.gather [hbm4b:s1+s21], $0x80, s12, s21, $0xb8;
	[tilespmem:$0x1E800] =	vst v63  }
0xf3: {  	s14 =	simm.s32 $0x80  }
0xf4: {  	[tilespmem:s30], [sflag:$0x2] =	stream.indirect.gather [hbm4b:s1+s21], $0x80, s14, s21, $0xb8;
	[tilespmem:$0x1E800] =	vst v63  }
0xf5: {  	s16 =	simm.s32 $0x90;
	s23 =	simm.s32 $0x5000  }
0xf6: {  	[tilespmem:s23], [sflag:$0x2] =	stream.indirect.gather [hbm4b:s1+s21], $0x80, s16, s21, $0xb8;
	[tilespmem:$0x1E800] =	vst v63  }
0xf7: {  	s25 =	simm.s32 $0xA0;
	s14 =	simm.s32 $0x5800  }
0xf8: {  	[tilespmem:s14], [sflag:$0x2] =	stream.indirect.gather [hbm4b:s1+s21], $0x80, s25, s21, $0xb8;
	[tilespmem:$0x1E800] =	vst v63  }
0xf9: {  	s26 =	simm.s32 $0xB0;
	s16 =	simm.s32 $0x6000  }
0xfa: {  	[tilespmem:s16], [sflag:$0x2] =	stream.indirect.gather [hbm4b:s1+s21], $0x80, s26, s21, $0xb8;
	[tilespmem:$0x1E800] =	vst v63  }
0xfb: {  	s5 =	simm.s32 $0x100  }
0xfc: {  	[tilespmem:s10], [sflag:$0x3] =	stream.indirect.gather [hbm4b:s1+s21], $0x80, s5, s21, $0xb8;
	[tilespmem:$0x1E800] =	vst v63  }
0xfd: {  	s12 =	simm.s32 $0x110;
	s26 =	simm.s32 $0x7000  }
0xfe: {  	[tilespmem:s26], [sflag:$0x3] =	stream.indirect.gather [hbm4b:s1+s21], $0x80, s12, s21, $0xb8;
	[tilespmem:$0x1E800] =	vst v63  }
0xff: {  	s25 =	simm.s32 $0x120;
	s5 =	simm.s32 $0x7800  }
0x100: {  	[tilespmem:s5], [sflag:$0x3] =	stream.indirect.gather [hbm4b:s1+s21], $0x80, s25, s21, $0xb8;
	[tilespmem:$0x1E800] =	vst v63  }
0x101: {  	s12 =	simm.s32 $0x130;
	s25 =	simm.s32 $0x8000  }
0x102: {  	[tilespmem:s25], [sflag:$0x3] =	stream.indirect.gather [hbm4b:s1+s21], $0x80, s12, s21, $0xb8;
	[tilespmem:$0x1E800] =	vst v63  }
0x103: {  	_ =	swait.ge [sflag:s6], $0x2000  }
0x104: {  	[sflag:s6] =	ssyncset.done $0x0  }
0x105: {  	[sflag:s6] =	ssyncadd.s32 $0xFFFFE000  }
0x106: {  	[spmem:s2] =	stream.indirect.scatter.add.f32 [tilespmem:s22], [sflag:$0x5], $0x80, s24, s4, $0xb8;
	[tilespmem:$0x1E800] =	vst v63  }
0x107: {  	s12 =	simm.s32 $0x180  }
0x108: {  	[tilespmem:s18], [sflag:$0x4] =	stream.indirect.gather [hbm4b:s1+s21], $0x80, s12, s21, $0xb8;
	[tilespmem:$0x1E800] =	vst v63  }
0x109: {  	s25 =	simm.s32 $0x9000;
	s24 =	simm.s32 $0x190  }
0x10a: {  	[tilespmem:s25], [sflag:$0x4] =	stream.indirect.gather [hbm4b:s1+s21], $0x80, s24, s21, $0xb8;
	[tilespmem:$0x1E800] =	vst v63  }
0x10b: {  	s5 =	simm.s32 $0x1A0  }
0x10c: {  	[tilespmem:s31], [sflag:$0x4] =	stream.indirect.gather [hbm4b:s1+s21], $0x80, s5, s21, $0xb8;
	[tilespmem:$0x1E800] =	vst v63  }
0x10d: {  	s12 =	simm.s32 $0x1B0  }
0x10e: {  	[tilespmem:s7], [sflag:$0x4] =	stream.indirect.gather [hbm4b:s1+s21], $0x80, s12, s21, $0xb8;
	[tilespmem:$0x1E800] =	vst v63  }
0x10f: {  	_ =	swait.ge [sflag:s9], $0x2000  }
0x110: {  	[sflag:s9] =	ssyncset.done $0x0  }
0x111: {  	s24 =	simm.s32 $0x1480;
	[sflag:s9] =	ssyncadd.s32 $0xFFFFE000  }
0x112: {  	[spmem:s2] =	stream.indirect.scatter.add.f32 [tilespmem:s30], [sflag:$0x6], $0x80, s24, s4, $0xb8;
	[tilespmem:$0x1E800] =	vst v63  }
0x113: {  	_ =	swait.ge [sflag:s13], $0x2000  }
0x114: {  	[sflag:s13] =	ssyncset.done $0x0  }
0x115: {  	s25 =	simm.s32 $0x200;
	[sflag:s13] =	ssyncadd.s32 $0xFFFFE000  }
0x116: {  	[tilespmem:s22], [sflag:$0x1] =	stream.indirect.gather [hbm4b:s1+s21], $0x80, s25, s21, $0xb8;
	[tilespmem:$0x1E800] =	vst v63  }
0x117: {  	s5 =	simm.s32 $0x210  }
0x118: {  	[tilespmem:s28], [sflag:$0x1] =	stream.indirect.gather [hbm4b:s1+s21], $0x80, s5, s21, $0xb8;
	[tilespmem:$0x1E800] =	vst v63  }
0x119: {  	s12 =	simm.s32 $0x220  }
0x11a: {  	[tilespmem:s19], [sflag:$0x1] =	stream.indirect.gather [hbm4b:s1+s21], $0x80, s12, s21, $0xb8;
	[tilespmem:$0x1E800] =	vst v63  }
0x11b: {  	s24 =	simm.s32 $0x230  }
0x11c: {  	[tilespmem:s8], [sflag:$0x1] =	stream.indirect.gather [hbm4b:s1+s21], $0x80, s24, s21, $0xb8;
	[tilespmem:$0x1E800] =	vst v63  }
0x11d: {  	_ =	swait.ge [sflag:s3], $0x2000  }
0x11e: {  	[sflag:s3] =	ssyncset.done $0x0  }
0x11f: {  	s8 =	simm.s32 $0x1500;
	[sflag:s3] =	ssyncadd.s32 $0xFFFFE000  }
0x120: {  	[spmem:s2] =	stream.indirect.scatter.add.f32 [tilespmem:s10], [sflag:$0x7], $0x80, s8, s4, $0xb8;
	[tilespmem:$0x1E800] =	vst v63  }
0x121: {  	_ =	swait.ge [sflag:s15], $0x2000  }
0x122: {  	[sflag:s15] =	ssyncset.done $0x0  }
0x123: {  	s12 =	simm.s32 $0x280;
	[sflag:s15] =	ssyncadd.s32 $0xFFFFE000  }
0x124: {  	[tilespmem:s30], [sflag:$0x2] =	stream.indirect.gather [hbm4b:s1+s21], $0x80, s12, s21, $0xb8;
	[tilespmem:$0x1E800] =	vst v63  }
0x125: {  	s19 =	simm.s32 $0x290  }
0x126: {  	[tilespmem:s23], [sflag:$0x2] =	stream.indirect.gather [hbm4b:s1+s21], $0x80, s19, s21, $0xb8;
	[tilespmem:$0x1E800] =	vst v63  }
0x127: {  	s12 =	simm.s32 $0x2A0  }
0x128: {  	[tilespmem:s14], [sflag:$0x2] =	stream.indirect.gather [hbm4b:s1+s21], $0x80, s12, s21, $0xb8;
	[tilespmem:$0x1E800] =	vst v63  }
0x129: {  	s24 =	simm.s32 $0x2B0  }
0x12a: {  	[tilespmem:s16], [sflag:$0x2] =	stream.indirect.gather [hbm4b:s1+s21], $0x80, s24, s21, $0xb8;
	[tilespmem:$0x1E800] =	vst v63  }
0x12b: {  	_ =	swait.ge [sflag:s17], $0x2000  }
0x12c: {  	[sflag:s17] =	ssyncset.done $0x0  }
0x12d: {  	s16 =	simm.s32 $0x1580;
	[sflag:s17] =	ssyncadd.s32 $0xFFFFE000  }
0x12e: {  	[spmem:s2] =	stream.indirect.scatter.add.f32 [tilespmem:s18], [sflag:$0x8], $0x80, s16, s4, $0xb8;
	[tilespmem:$0x1E800] =	vst v63  }
0x12f: {  	s0 =	simm.s32 $0x4000;
	s25 =	simm.s32 $0x3000;
	_ =	swait.ge [sflag:s29], $0x2000  }
0x130: {  	s28 =	simm.s32 $0x3800;
	s5 =	simm.s32 $0x5000;
	[sflag:s29] =	ssyncset.done $0x0  }
0x131: {  	s8 =	simm.s32 $0x5800;
	s19 =	simm.s32 $0x300;
	[sflag:s29] =	ssyncadd.s32 $0xFFFFE000  }
0x132: {  	[tilespmem:s10], [sflag:$0x3] =	stream.indirect.gather [hbm4b:s1+s21], $0x80, s19, s21, $0xb8;
	[tilespmem:$0x1E800] =	vst v63  }
0x133: {  	s23 =	simm.s32 $0x310;
	s12 =	simm.s32 $0x6000;
	s14 =	simm.s32 $0x7000  }
0x134: {  	[tilespmem:s26], [sflag:$0x3] =	stream.indirect.gather [hbm4b:s1+s21], $0x80, s23, s21, $0xb8;
	[tilespmem:$0x1E800] =	vst v63  }
0x135: {  	s24 =	simm.s32 $0x320;
	s16 =	simm.s32 $0x7800;
	s26 =	simm.s32 $0x7800  }
0x136: {  	[tilespmem:s26], [sflag:$0x3] =	stream.indirect.gather [hbm4b:s1+s21], $0x80, s24, s21, $0xb8;
	[tilespmem:$0x1E800] =	vst v63  }
0x137: {  	s23 =	simm.s32 $0x330;
	s26 =	simm.s32 $0x8000;
	s24 =	simm.s32 $0x8000  }
0x138: {  	[tilespmem:s24], [sflag:$0x3] =	stream.indirect.gather [hbm4b:s1+s21], $0x80, s23, s21, $0xb8;
	[tilespmem:$0x1E800] =	vst v63  }
.LBB2_5:
0x139: {  	_ =	swait.ge [sflag:s6], $0x2000  }
0x13a: {  	s24 =	sshra.s32 s20, $0x2;
	[sflag:s6] =	ssyncset.done $0x0  }
0x13b: {  	s19 =	sadd.s32 $0x1600, s24;
	[sflag:s6] =	ssyncadd.s32 $0xFFFFE000  }
0x13c: {  	[spmem:s2] =	stream.indirect.scatter.add.f32 [tilespmem:s22], [sflag:$0x5], $0x80, s19, s4, $0xb8;
	[tilespmem:$0x1E800] =	vst v63  }
0x13d: {  	_ =	swait.ge [sflag:s11], $0x2000  }
0x13e: {  	[sflag:s11] =	ssyncset.done $0x0  }
0x13f: {  	s23 =	sadd.s32 $0x380, s24;
	[sflag:s11] =	ssyncadd.s32 $0xFFFFE000  }
0x140: {  	[tilespmem:s18], [sflag:$0x4] =	stream.indirect.gather [hbm4b:s1+s21], $0x80, s23, s21, $0xb8;
	[tilespmem:$0x1E800] =	vst v63  }
0x141: {  	s19 =	sadd.s32 $0x390, s24;
	s23 =	simm.s32 $0x9000  }
0x142: {  	[tilespmem:s23], [sflag:$0x4] =	stream.indirect.gather [hbm4b:s1+s21], $0x80, s19, s21, $0xb8;
	[tilespmem:$0x1E800] =	vst v63  }
0x143: {  	s23 =	sadd.s32 $0x3A0, s24  }
0x144: {  	[tilespmem:s31], [sflag:$0x4] =	stream.indirect.gather [hbm4b:s1+s21], $0x80, s23, s21, $0xb8;
	[tilespmem:$0x1E800] =	vst v63  }
0x145: {  	s23 =	sadd.s32 $0x3B0, s24  }
0x146: {  	[tilespmem:s7], [sflag:$0x4] =	stream.indirect.gather [hbm4b:s1+s21], $0x80, s23, s21, $0xb8;
	[tilespmem:$0x1E800] =	vst v63  }
0x147: {  	_ =	swait.ge [sflag:s9], $0x2000  }
0x148: {  	p0 =	seq.s32 s20, $0x4000;
	[sflag:s9] =	ssyncset.done $0x0  }
.Ltmp4:
0x149: {  	s23 =	sadd.s32 $0x1680, s24;
	[sflag:s9] =	ssyncadd.s32 $0xFFFFE000;
	(pc) =	sbr.rel @p0 .LBB2_7-.Ltmp4, $4  }
0x14a: {  	[spmem:s2] =	stream.indirect.scatter.add.f32 [tilespmem:s30], [sflag:$0x6], $0x80, s23, s4, $0xb8;
	[tilespmem:$0x1E800] =	vst v63  }
0x14b: {  	_ =	swait.ge [sflag:s13], $0x2000  }
0x14c: {  	[sflag:s13] =	ssyncset.done $0x0  }
0x14d: {  	s19 =	sadd.s32 $0x1700, s24;
	[sflag:s13] =	ssyncadd.s32 $0xFFFFE000  }
0x14e: {  	s23 =	sadd.s32 $0x400, s24  }
0x14f: {  	[tilespmem:s22], [sflag:$0x1] =	stream.indirect.gather [hbm4b:s1+s21], $0x80, s23, s21, $0xb8;
	[tilespmem:$0x1E800] =	vst v63  }
0x150: {  	s23 =	sadd.s32 $0x410, s24  }
0x151: {  	[tilespmem:s25], [sflag:$0x1] =	stream.indirect.gather [hbm4b:s1+s21], $0x80, s23, s21, $0xb8;
	[tilespmem:$0x1E800] =	vst v63  }
0x152: {  	s23 =	sadd.s32 $0x420, s24  }
0x153: {  	[tilespmem:s28], [sflag:$0x1] =	stream.indirect.gather [hbm4b:s1+s21], $0x80, s23, s21, $0xb8;
	[tilespmem:$0x1E800] =	vst v63  }
0x154: {  	s23 =	sadd.s32 $0x430, s24  }
0x155: {  	[tilespmem:s0], [sflag:$0x1] =	stream.indirect.gather [hbm4b:s1+s21], $0x80, s23, s21, $0xb8;
	[tilespmem:$0x1E800] =	vst v63  }
0x156: {  	_ =	swait.ge [sflag:s3], $0x2000  }
0x157: {  	[sflag:s3] =	ssyncset.done $0x0  }
0x158: {  	[sflag:s3] =	ssyncadd.s32 $0xFFFFE000  }
0x159: {  	[spmem:s2] =	stream.indirect.scatter.add.f32 [tilespmem:s10], [sflag:$0x7], $0x80, s19, s4, $0xb8;
	[tilespmem:$0x1E800] =	vst v63  }
0x15a: {  	_ =	swait.ge [sflag:s15], $0x2000  }
0x15b: {  	[sflag:s15] =	ssyncset.done $0x0  }
0x15c: {  	s23 =	sadd.s32 $0x480, s24;
	[sflag:s15] =	ssyncadd.s32 $0xFFFFE000  }
0x15d: {  	[tilespmem:s30], [sflag:$0x2] =	stream.indirect.gather [hbm4b:s1+s21], $0x80, s23, s21, $0xb8;
	[tilespmem:$0x1E800] =	vst v63  }
0x15e: {  	s23 =	sadd.s32 $0x490, s24  }
0x15f: {  	[tilespmem:s5], [sflag:$0x2] =	stream.indirect.gather [hbm4b:s1+s21], $0x80, s23, s21, $0xb8;
	[tilespmem:$0x1E800] =	vst v63  }
0x160: {  	s23 =	sadd.s32 $0x4A0, s24  }
0x161: {  	[tilespmem:s8], [sflag:$0x2] =	stream.indirect.gather [hbm4b:s1+s21], $0x80, s23, s21, $0xb8;
	[tilespmem:$0x1E800] =	vst v63  }
0x162: {  	s23 =	sadd.s32 $0x4B0, s24  }
0x163: {  	[tilespmem:s12], [sflag:$0x2] =	stream.indirect.gather [hbm4b:s1+s21], $0x80, s23, s21, $0xb8;
	[tilespmem:$0x1E800] =	vst v63  }
0x164: {  	_ =	swait.ge [sflag:s17], $0x2000  }
0x165: {  	[sflag:s17] =	ssyncset.done $0x0  }
0x166: {  	s23 =	sadd.s32 $0x1780, s24;
	[sflag:s17] =	ssyncadd.s32 $0xFFFFE000  }
0x167: {  	[spmem:s2] =	stream.indirect.scatter.add.f32 [tilespmem:s18], [sflag:$0x8], $0x80, s23, s4, $0xb8;
	[tilespmem:$0x1E800] =	vst v63  }
0x168: {  	_ =	swait.ge [sflag:s29], $0x2000  }
0x169: {  	[sflag:s29] =	ssyncset.done $0x0  }
0x16a: {  	s23 =	sadd.s32 $0x500, s24;
	[sflag:s29] =	ssyncadd.s32 $0xFFFFE000  }
0x16b: {  	[tilespmem:s10], [sflag:$0x3] =	stream.indirect.gather [hbm4b:s1+s21], $0x80, s23, s21, $0xb8;
	[tilespmem:$0x1E800] =	vst v63  }
0x16c: {  	s23 =	sadd.s32 $0x510, s24  }
0x16d: {  	[tilespmem:s14], [sflag:$0x3] =	stream.indirect.gather [hbm4b:s1+s21], $0x80, s23, s21, $0xb8;
	[tilespmem:$0x1E800] =	vst v63  }
.Ltmp5:
0x16e: {  	_ = 	snop;
	(pc) =	sbr.rel .LBB2_5-.Ltmp5, $4  }
0x16f: {  	s23 =	sadd.s32 $0x520, s24  }
0x170: {  	[tilespmem:s16], [sflag:$0x3] =	stream.indirect.gather [hbm4b:s1+s21], $0x80, s23, s21, $0xb8;
	[tilespmem:$0x1E800] =	vst v63  }
0x171: {  	s20 =	sadd.s32 $0x800, s20;
	s24 =	sadd.s32 $0x530, s24  }
0x172: {  	[tilespmem:s26], [sflag:$0x3] =	stream.indirect.gather [hbm4b:s1+s21], $0x80, s24, s21, $0xb8;
	[tilespmem:$0x1E800] =	vst v63  }
.LBB2_7:
0x173: {  	_ =	swait.ge [sflag:s3], $0x2000  }
0x174: {  	[sflag:s3] =	ssyncset.done $0x0  }
0x175: {  	[sflag:s3] =	ssyncadd.s32 $0xFFFFE000  }
0x176: {  	[spmem:s2] =	stream.indirect.scatter.add.f32 [tilespmem:s10], [sflag:$0x7], $0x80, s19, s4, $0xb8;
	[tilespmem:$0x1E800] =	vst v63  }
0x177: {  	_ =	swait.ge [sflag:s15], $0x2000  }
0x178: {  	[sflag:s15] =	ssyncset.done $0x0  }
0x179: {  	[sflag:s15] =	ssyncadd.s32 $0xFFFFE000  }
0x17a: {  	_ =	swait.ge [sflag:s17], $0x2000  }
0x17b: {  	[sflag:s17] =	ssyncset.done $0x0  }
0x17c: {  	s0 =	simm.s32 $0x2780;
	[sflag:s17] =	ssyncadd.s32 $0xFFFFE000  }
0x17d: {  	[spmem:s2] =	stream.indirect.scatter.add.f32 [tilespmem:s18], [sflag:$0x8], $0x80, s0, s4, $0xb8;
	[tilespmem:$0x1E800] =	vst v63  }
0x17e: {  	_ =	swait.ge [sflag:s29], $0x2000  }
0x17f: {  	[sflag:s29] =	ssyncset.done $0x0  }
0x180: {  	[sflag:s29] =	ssyncadd.s32 $0xFFFFE000  }
0x181: {  	_ =	swait.ge [sflag:s11], $0x2000  }
0x182: {  	s20 =	simm.s32 $0x0;
	[sflag:s11] =	ssyncset.done $0x0  }
0x183: {  	s23 =	simm.s32 $0xA;
	s0 =	rddreg [dreg:$0xb];
	[sflag:s11] =	ssyncadd.s32 $0xFFFFE000  }
0x184: {  	[tilespmem:s20], [sflag:$0xA] =	stream.linear.gather [hbm4b:s0+s20], $0x1400, $0x38;
	[tilespmem:$0x1E800] =	vst v63  }
0x185: {  	_ =	swait.ge [sflag:s23], $0x1400  }
0x186: {  	[sflag:s23] =	ssyncset.done $0x0  }
0x187: {  	s24 =	simm.s32 $0x1400;
	s5 =	rddreg [dreg:$0xc];
	[sflag:s23] =	ssyncadd.s32 $0xFFFFEC00  }
0x188: {  	[tilespmem:s24], [sflag:$0xA] =	stream.linear.gather [hbm4b:s5+s20], $0x1400, $0x38;
	[tilespmem:$0x1E800] =	vst v63  }
0x189: {  	_ =	swait.ge [sflag:s23], $0x1400  }
0x18a: {  	[sflag:s23] =	ssyncset.done $0x0  }
0x18b: {  	[sflag:s23] =	ssyncadd.s32 $0xFFFFEC00  }
0x18c: {  	[tilespmem:s22], [sflag:$0x1] =	stream.indirect.gather [hbm4b:s1+s21], $0x80, s20, s21, $0xb8;
	[tilespmem:$0x1E800] =	vst v63  }
0x18d: {  	s28 =	simm.s32 $0x3000  }
0x18e: {  	[tilespmem:s28], [sflag:$0x1] =	stream.indirect.gather [hbm4b:s1+s21], $0x80, s21, s21, $0xb8;
	[tilespmem:$0x1E800] =	vst v63  }
0x18f: {  	s8 =	simm.s32 $0x20;
	s19 =	simm.s32 $0x3800  }
0x190: {  	[tilespmem:s19], [sflag:$0x1] =	stream.indirect.gather [hbm4b:s1+s21], $0x80, s8, s21, $0xb8;
	[tilespmem:$0x1E800] =	vst v63  }
0x191: {  	s12 =	simm.s32 $0x30;
	s8 =	simm.s32 $0x4000  }
0x192: {  	[tilespmem:s8], [sflag:$0x1] =	stream.indirect.gather [hbm4b:s1+s21], $0x80, s12, s21, $0xb8;
	[tilespmem:$0x1E800] =	vst v63  }
0x193: {  	s14 =	simm.s32 $0x80  }
0x194: {  	[tilespmem:s30], [sflag:$0x2] =	stream.indirect.gather [hbm4b:s1+s21], $0x80, s14, s21, $0xb8;
	[tilespmem:$0x1E800] =	vst v63  }
0x195: {  	s16 =	simm.s32 $0x90;
	s23 =	simm.s32 $0x5000  }
0x196: {  	[tilespmem:s23], [sflag:$0x2] =	stream.indirect.gather [hbm4b:s1+s21], $0x80, s16, s21, $0xb8;
	[tilespmem:$0x1E800] =	vst v63  }
0x197: {  	s25 =	simm.s32 $0xA0;
	s14 =	simm.s32 $0x5800  }
0x198: {  	[tilespmem:s14], [sflag:$0x2] =	stream.indirect.gather [hbm4b:s1+s21], $0x80, s25, s21, $0xb8;
	[tilespmem:$0x1E800] =	vst v63  }
0x199: {  	s26 =	simm.s32 $0xB0;
	s16 =	simm.s32 $0x6000  }
0x19a: {  	[tilespmem:s16], [sflag:$0x2] =	stream.indirect.gather [hbm4b:s1+s21], $0x80, s26, s21, $0xb8;
	[tilespmem:$0x1E800] =	vst v63  }
0x19b: {  	s5 =	simm.s32 $0x100  }
0x19c: {  	[tilespmem:s10], [sflag:$0x3] =	stream.indirect.gather [hbm4b:s1+s21], $0x80, s5, s21, $0xb8;
	[tilespmem:$0x1E800] =	vst v63  }
0x19d: {  	s12 =	simm.s32 $0x110;
	s26 =	simm.s32 $0x7000  }
0x19e: {  	[tilespmem:s26], [sflag:$0x3] =	stream.indirect.gather [hbm4b:s1+s21], $0x80, s12, s21, $0xb8;
	[tilespmem:$0x1E800] =	vst v63  }
0x19f: {  	s25 =	simm.s32 $0x120;
	s5 =	simm.s32 $0x7800  }
0x1a0: {  	[tilespmem:s5], [sflag:$0x3] =	stream.indirect.gather [hbm4b:s1+s21], $0x80, s25, s21, $0xb8;
	[tilespmem:$0x1E800] =	vst v63  }
0x1a1: {  	s12 =	simm.s32 $0x130;
	s25 =	simm.s32 $0x8000  }
0x1a2: {  	[tilespmem:s25], [sflag:$0x3] =	stream.indirect.gather [hbm4b:s1+s21], $0x80, s12, s21, $0xb8;
	[tilespmem:$0x1E800] =	vst v63  }
0x1a3: {  	_ =	swait.ge [sflag:s6], $0x2000  }
0x1a4: {  	[sflag:s6] =	ssyncset.done $0x0  }
0x1a5: {  	[sflag:s6] =	ssyncadd.s32 $0xFFFFE000  }
0x1a6: {  	[spmem:s2] =	stream.indirect.scatter.add.f32 [tilespmem:s22], [sflag:$0x5], $0x80, s24, s4, $0xb8;
	[tilespmem:$0x1E800] =	vst v63  }
0x1a7: {  	s12 =	simm.s32 $0x180  }
0x1a8: {  	[tilespmem:s18], [sflag:$0x4] =	stream.indirect.gather [hbm4b:s1+s21], $0x80, s12, s21, $0xb8;
	[tilespmem:$0x1E800] =	vst v63  }
0x1a9: {  	s25 =	simm.s32 $0x9000;
	s24 =	simm.s32 $0x190  }
0x1aa: {  	[tilespmem:s25], [sflag:$0x4] =	stream.indirect.gather [hbm4b:s1+s21], $0x80, s24, s21, $0xb8;
	[tilespmem:$0x1E800] =	vst v63  }
0x1ab: {  	s5 =	simm.s32 $0x1A0  }
0x1ac: {  	[tilespmem:s31], [sflag:$0x4] =	stream.indirect.gather [hbm4b:s1+s21], $0x80, s5, s21, $0xb8;
	[tilespmem:$0x1E800] =	vst v63  }
0x1ad: {  	s12 =	simm.s32 $0x1B0  }
0x1ae: {  	[tilespmem:s7], [sflag:$0x4] =	stream.indirect.gather [hbm4b:s1+s21], $0x80, s12, s21, $0xb8;
	[tilespmem:$0x1E800] =	vst v63  }
0x1af: {  	_ =	swait.ge [sflag:s9], $0x2000  }
0x1b0: {  	[sflag:s9] =	ssyncset.done $0x0  }
0x1b1: {  	s24 =	simm.s32 $0x1480;
	[sflag:s9] =	ssyncadd.s32 $0xFFFFE000  }
0x1b2: {  	[spmem:s2] =	stream.indirect.scatter.add.f32 [tilespmem:s30], [sflag:$0x6], $0x80, s24, s4, $0xb8;
	[tilespmem:$0x1E800] =	vst v63  }
0x1b3: {  	_ =	swait.ge [sflag:s13], $0x2000  }
0x1b4: {  	[sflag:s13] =	ssyncset.done $0x0  }
0x1b5: {  	s25 =	simm.s32 $0x200;
	[sflag:s13] =	ssyncadd.s32 $0xFFFFE000  }
0x1b6: {  	[tilespmem:s22], [sflag:$0x1] =	stream.indirect.gather [hbm4b:s1+s21], $0x80, s25, s21, $0xb8;
	[tilespmem:$0x1E800] =	vst v63  }
0x1b7: {  	s5 =	simm.s32 $0x210  }
0x1b8: {  	[tilespmem:s28], [sflag:$0x1] =	stream.indirect.gather [hbm4b:s1+s21], $0x80, s5, s21, $0xb8;
	[tilespmem:$0x1E800] =	vst v63  }
0x1b9: {  	s12 =	simm.s32 $0x220  }
0x1ba: {  	[tilespmem:s19], [sflag:$0x1] =	stream.indirect.gather [hbm4b:s1+s21], $0x80, s12, s21, $0xb8;
	[tilespmem:$0x1E800] =	vst v63  }
0x1bb: {  	s24 =	simm.s32 $0x230  }
0x1bc: {  	[tilespmem:s8], [sflag:$0x1] =	stream.indirect.gather [hbm4b:s1+s21], $0x80, s24, s21, $0xb8;
	[tilespmem:$0x1E800] =	vst v63  }
0x1bd: {  	_ =	swait.ge [sflag:s3], $0x2000  }
0x1be: {  	[sflag:s3] =	ssyncset.done $0x0  }
0x1bf: {  	s8 =	simm.s32 $0x1500;
	[sflag:s3] =	ssyncadd.s32 $0xFFFFE000  }
0x1c0: {  	[spmem:s2] =	stream.indirect.scatter.add.f32 [tilespmem:s10], [sflag:$0x7], $0x80, s8, s4, $0xb8;
	[tilespmem:$0x1E800] =	vst v63  }
0x1c1: {  	_ =	swait.ge [sflag:s15], $0x2000  }
0x1c2: {  	[sflag:s15] =	ssyncset.done $0x0  }
0x1c3: {  	s12 =	simm.s32 $0x280;
	[sflag:s15] =	ssyncadd.s32 $0xFFFFE000  }
0x1c4: {  	[tilespmem:s30], [sflag:$0x2] =	stream.indirect.gather [hbm4b:s1+s21], $0x80, s12, s21, $0xb8;
	[tilespmem:$0x1E800] =	vst v63  }
0x1c5: {  	s19 =	simm.s32 $0x290  }
0x1c6: {  	[tilespmem:s23], [sflag:$0x2] =	stream.indirect.gather [hbm4b:s1+s21], $0x80, s19, s21, $0xb8;
	[tilespmem:$0x1E800] =	vst v63  }
0x1c7: {  	s12 =	simm.s32 $0x2A0  }
0x1c8: {  	[tilespmem:s14], [sflag:$0x2] =	stream.indirect.gather [hbm4b:s1+s21], $0x80, s12, s21, $0xb8;
	[tilespmem:$0x1E800] =	vst v63  }
0x1c9: {  	s24 =	simm.s32 $0x2B0  }
0x1ca: {  	[tilespmem:s16], [sflag:$0x2] =	stream.indirect.gather [hbm4b:s1+s21], $0x80, s24, s21, $0xb8;
	[tilespmem:$0x1E800] =	vst v63  }
0x1cb: {  	_ =	swait.ge [sflag:s17], $0x2000  }
0x1cc: {  	[sflag:s17] =	ssyncset.done $0x0  }
0x1cd: {  	s16 =	simm.s32 $0x1580;
	[sflag:s17] =	ssyncadd.s32 $0xFFFFE000  }
0x1ce: {  	[spmem:s2] =	stream.indirect.scatter.add.f32 [tilespmem:s18], [sflag:$0x8], $0x80, s16, s4, $0xb8;
	[tilespmem:$0x1E800] =	vst v63  }
0x1cf: {  	s0 =	simm.s32 $0x4000;
	s25 =	simm.s32 $0x3000;
	_ =	swait.ge [sflag:s29], $0x2000  }
0x1d0: {  	s28 =	simm.s32 $0x3800;
	s5 =	simm.s32 $0x5000;
	[sflag:s29] =	ssyncset.done $0x0  }
0x1d1: {  	s8 =	simm.s32 $0x5800;
	s19 =	simm.s32 $0x300;
	[sflag:s29] =	ssyncadd.s32 $0xFFFFE000  }
0x1d2: {  	[tilespmem:s10], [sflag:$0x3] =	stream.indirect.gather [hbm4b:s1+s21], $0x80, s19, s21, $0xb8;
	[tilespmem:$0x1E800] =	vst v63  }
0x1d3: {  	s23 =	simm.s32 $0x310;
	s12 =	simm.s32 $0x6000;
	s14 =	simm.s32 $0x7000  }
0x1d4: {  	[tilespmem:s26], [sflag:$0x3] =	stream.indirect.gather [hbm4b:s1+s21], $0x80, s23, s21, $0xb8;
	[tilespmem:$0x1E800] =	vst v63  }
0x1d5: {  	s24 =	simm.s32 $0x320;
	s16 =	simm.s32 $0x7800;
	s26 =	simm.s32 $0x7800  }
0x1d6: {  	[tilespmem:s26], [sflag:$0x3] =	stream.indirect.gather [hbm4b:s1+s21], $0x80, s24, s21, $0xb8;
	[tilespmem:$0x1E800] =	vst v63  }
0x1d7: {  	s23 =	simm.s32 $0x330;
	s26 =	simm.s32 $0x8000;
	s24 =	simm.s32 $0x8000  }
0x1d8: {  	[tilespmem:s24], [sflag:$0x3] =	stream.indirect.gather [hbm4b:s1+s21], $0x80, s23, s21, $0xb8;
	[tilespmem:$0x1E800] =	vst v63  }
.LBB2_8:
0x1d9: {  	_ =	swait.ge [sflag:s6], $0x2000  }
0x1da: {  	s24 =	sshra.s32 s20, $0x2;
	[sflag:s6] =	ssyncset.done $0x0  }
0x1db: {  	s19 =	sadd.s32 $0x1600, s24;
	[sflag:s6] =	ssyncadd.s32 $0xFFFFE000  }
0x1dc: {  	[spmem:s2] =	stream.indirect.scatter.add.f32 [tilespmem:s22], [sflag:$0x5], $0x80, s19, s4, $0xb8;
	[tilespmem:$0x1E800] =	vst v63  }
0x1dd: {  	_ =	swait.ge [sflag:s11], $0x2000  }
0x1de: {  	[sflag:s11] =	ssyncset.done $0x0  }
0x1df: {  	s23 =	sadd.s32 $0x380, s24;
	[sflag:s11] =	ssyncadd.s32 $0xFFFFE000  }
0x1e0: {  	[tilespmem:s18], [sflag:$0x4] =	stream.indirect.gather [hbm4b:s1+s21], $0x80, s23, s21, $0xb8;
	[tilespmem:$0x1E800] =	vst v63  }
0x1e1: {  	s19 =	sadd.s32 $0x390, s24;
	s23 =	simm.s32 $0x9000  }
0x1e2: {  	[tilespmem:s23], [sflag:$0x4] =	stream.indirect.gather [hbm4b:s1+s21], $0x80, s19, s21, $0xb8;
	[tilespmem:$0x1E800] =	vst v63  }
0x1e3: {  	s23 =	sadd.s32 $0x3A0, s24  }
0x1e4: {  	[tilespmem:s31], [sflag:$0x4] =	stream.indirect.gather [hbm4b:s1+s21], $0x80, s23, s21, $0xb8;
	[tilespmem:$0x1E800] =	vst v63  }
0x1e5: {  	s23 =	sadd.s32 $0x3B0, s24  }
0x1e6: {  	[tilespmem:s7], [sflag:$0x4] =	stream.indirect.gather [hbm4b:s1+s21], $0x80, s23, s21, $0xb8;
	[tilespmem:$0x1E800] =	vst v63  }
0x1e7: {  	_ =	swait.ge [sflag:s9], $0x2000  }
0x1e8: {  	p0 =	seq.s32 s20, $0x4000;
	[sflag:s9] =	ssyncset.done $0x0  }
.Ltmp6:
0x1e9: {  	s23 =	sadd.s32 $0x1680, s24;
	[sflag:s9] =	ssyncadd.s32 $0xFFFFE000;
	(pc) =	sbr.rel @p0 .LBB2_10-.Ltmp6, $4  }
0x1ea: {  	[spmem:s2] =	stream.indirect.scatter.add.f32 [tilespmem:s30], [sflag:$0x6], $0x80, s23, s4, $0xb8;
	[tilespmem:$0x1E800] =	vst v63  }
0x1eb: {  	_ =	swait.ge [sflag:s13], $0x2000  }
0x1ec: {  	[sflag:s13] =	ssyncset.done $0x0  }
0x1ed: {  	s19 =	sadd.s32 $0x1700, s24;
	[sflag:s13] =	ssyncadd.s32 $0xFFFFE000  }
0x1ee: {  	s23 =	sadd.s32 $0x400, s24  }
0x1ef: {  	[tilespmem:s22], [sflag:$0x1] =	stream.indirect.gather [hbm4b:s1+s21], $0x80, s23, s21, $0xb8;
	[tilespmem:$0x1E800] =	vst v63  }
0x1f0: {  	s23 =	sadd.s32 $0x410, s24  }
0x1f1: {  	[tilespmem:s25], [sflag:$0x1] =	stream.indirect.gather [hbm4b:s1+s21], $0x80, s23, s21, $0xb8;
	[tilespmem:$0x1E800] =	vst v63  }
0x1f2: {  	s23 =	sadd.s32 $0x420, s24  }
0x1f3: {  	[tilespmem:s28], [sflag:$0x1] =	stream.indirect.gather [hbm4b:s1+s21], $0x80, s23, s21, $0xb8;
	[tilespmem:$0x1E800] =	vst v63  }
0x1f4: {  	s23 =	sadd.s32 $0x430, s24  }
0x1f5: {  	[tilespmem:s0], [sflag:$0x1] =	stream.indirect.gather [hbm4b:s1+s21], $0x80, s23, s21, $0xb8;
	[tilespmem:$0x1E800] =	vst v63  }
0x1f6: {  	_ =	swait.ge [sflag:s3], $0x2000  }
0x1f7: {  	[sflag:s3] =	ssyncset.done $0x0  }
0x1f8: {  	[sflag:s3] =	ssyncadd.s32 $0xFFFFE000  }
0x1f9: {  	[spmem:s2] =	stream.indirect.scatter.add.f32 [tilespmem:s10], [sflag:$0x7], $0x80, s19, s4, $0xb8;
	[tilespmem:$0x1E800] =	vst v63  }
0x1fa: {  	_ =	swait.ge [sflag:s15], $0x2000  }
0x1fb: {  	[sflag:s15] =	ssyncset.done $0x0  }
0x1fc: {  	s23 =	sadd.s32 $0x480, s24;
	[sflag:s15] =	ssyncadd.s32 $0xFFFFE000  }
0x1fd: {  	[tilespmem:s30], [sflag:$0x2] =	stream.indirect.gather [hbm4b:s1+s21], $0x80, s23, s21, $0xb8;
	[tilespmem:$0x1E800] =	vst v63  }
0x1fe: {  	s23 =	sadd.s32 $0x490, s24  }
0x1ff: {  	[tilespmem:s5], [sflag:$0x2] =	stream.indirect.gather [hbm4b:s1+s21], $0x80, s23, s21, $0xb8;
	[tilespmem:$0x1E800] =	vst v63  }
0x200: {  	s23 =	sadd.s32 $0x4A0, s24  }
0x201: {  	[tilespmem:s8], [sflag:$0x2] =	stream.indirect.gather [hbm4b:s1+s21], $0x80, s23, s21, $0xb8;
	[tilespmem:$0x1E800] =	vst v63  }
0x202: {  	s23 =	sadd.s32 $0x4B0, s24  }
0x203: {  	[tilespmem:s12], [sflag:$0x2] =	stream.indirect.gather [hbm4b:s1+s21], $0x80, s23, s21, $0xb8;
	[tilespmem:$0x1E800] =	vst v63  }
0x204: {  	_ =	swait.ge [sflag:s17], $0x2000  }
0x205: {  	[sflag:s17] =	ssyncset.done $0x0  }
0x206: {  	s23 =	sadd.s32 $0x1780, s24;
	[sflag:s17] =	ssyncadd.s32 $0xFFFFE000  }
0x207: {  	[spmem:s2] =	stream.indirect.scatter.add.f32 [tilespmem:s18], [sflag:$0x8], $0x80, s23, s4, $0xb8;
	[tilespmem:$0x1E800] =	vst v63  }
0x208: {  	_ =	swait.ge [sflag:s29], $0x2000  }
0x209: {  	[sflag:s29] =	ssyncset.done $0x0  }
0x20a: {  	s23 =	sadd.s32 $0x500, s24;
	[sflag:s29] =	ssyncadd.s32 $0xFFFFE000  }
0x20b: {  	[tilespmem:s10], [sflag:$0x3] =	stream.indirect.gather [hbm4b:s1+s21], $0x80, s23, s21, $0xb8;
	[tilespmem:$0x1E800] =	vst v63  }
0x20c: {  	s23 =	sadd.s32 $0x510, s24  }
0x20d: {  	[tilespmem:s14], [sflag:$0x3] =	stream.indirect.gather [hbm4b:s1+s21], $0x80, s23, s21, $0xb8;
	[tilespmem:$0x1E800] =	vst v63  }
.Ltmp7:
0x20e: {  	_ = 	snop;
	(pc) =	sbr.rel .LBB2_8-.Ltmp7, $4  }
0x20f: {  	s23 =	sadd.s32 $0x520, s24  }
0x210: {  	[tilespmem:s16], [sflag:$0x3] =	stream.indirect.gather [hbm4b:s1+s21], $0x80, s23, s21, $0xb8;
	[tilespmem:$0x1E800] =	vst v63  }
0x211: {  	s20 =	sadd.s32 $0x800, s20;
	s24 =	sadd.s32 $0x530, s24  }
0x212: {  	[tilespmem:s26], [sflag:$0x3] =	stream.indirect.gather [hbm4b:s1+s21], $0x80, s24, s21, $0xb8;
	[tilespmem:$0x1E800] =	vst v63  }
.LBB2_10:
0x213: {  	_ =	swait.ge [sflag:s3], $0x2000  }
0x214: {  	[sflag:s3] =	ssyncset.done $0x0  }
0x215: {  	[sflag:s3] =	ssyncadd.s32 $0xFFFFE000  }
0x216: {  	[spmem:s2] =	stream.indirect.scatter.add.f32 [tilespmem:s10], [sflag:$0x7], $0x80, s19, s4, $0xb8;
	[tilespmem:$0x1E800] =	vst v63  }
0x217: {  	_ =	swait.ge [sflag:s15], $0x2000  }
0x218: {  	[sflag:s15] =	ssyncset.done $0x0  }
0x219: {  	[sflag:s15] =	ssyncadd.s32 $0xFFFFE000  }
0x21a: {  	_ =	swait.ge [sflag:s17], $0x2000  }
0x21b: {  	[sflag:s17] =	ssyncset.done $0x0  }
0x21c: {  	s0 =	simm.s32 $0x2780;
	[sflag:s17] =	ssyncadd.s32 $0xFFFFE000  }
0x21d: {  	[spmem:s2] =	stream.indirect.scatter.add.f32 [tilespmem:s18], [sflag:$0x8], $0x80, s0, s4, $0xb8;
	[tilespmem:$0x1E800] =	vst v63  }
0x21e: {  	_ =	swait.ge [sflag:s29], $0x2000  }
0x21f: {  	[sflag:s29] =	ssyncset.done $0x0  }
0x220: {  	[sflag:s29] =	ssyncadd.s32 $0xFFFFE000  }
0x221: {  	_ =	swait.ge [sflag:s11], $0x2000  }
0x222: {  	s20 =	simm.s32 $0x0;
	[sflag:s11] =	ssyncset.done $0x0  }
0x223: {  	s23 =	simm.s32 $0xA;
	s0 =	rddreg [dreg:$0xd];
	[sflag:s11] =	ssyncadd.s32 $0xFFFFE000  }
0x224: {  	[tilespmem:s20], [sflag:$0xA] =	stream.linear.gather [hbm4b:s0+s20], $0x1400, $0x38;
	[tilespmem:$0x1E800] =	vst v63  }
0x225: {  	_ =	swait.ge [sflag:s23], $0x1400  }
0x226: {  	[sflag:s23] =	ssyncset.done $0x0  }
0x227: {  	s24 =	simm.s32 $0x1400;
	s5 =	rddreg [dreg:$0xe];
	[sflag:s23] =	ssyncadd.s32 $0xFFFFEC00  }
0x228: {  	[tilespmem:s24], [sflag:$0xA] =	stream.linear.gather [hbm4b:s5+s20], $0x1400, $0x38;
	[tilespmem:$0x1E800] =	vst v63  }
0x229: {  	_ =	swait.ge [sflag:s23], $0x1400  }
0x22a: {  	[sflag:s23] =	ssyncset.done $0x0  }
0x22b: {  	[sflag:s23] =	ssyncadd.s32 $0xFFFFEC00  }
0x22c: {  	[tilespmem:s22], [sflag:$0x1] =	stream.indirect.gather [hbm4b:s1+s21], $0x80, s20, s21, $0xb8;
	[tilespmem:$0x1E800] =	vst v63  }
0x22d: {  	s28 =	simm.s32 $0x3000  }
0x22e: {  	[tilespmem:s28], [sflag:$0x1] =	stream.indirect.gather [hbm4b:s1+s21], $0x80, s21, s21, $0xb8;
	[tilespmem:$0x1E800] =	vst v63  }
0x22f: {  	s8 =	simm.s32 $0x20;
	s19 =	simm.s32 $0x3800  }
0x230: {  	[tilespmem:s19], [sflag:$0x1] =	stream.indirect.gather [hbm4b:s1+s21], $0x80, s8, s21, $0xb8;
	[tilespmem:$0x1E800] =	vst v63  }
0x231: {  	s12 =	simm.s32 $0x30;
	s8 =	simm.s32 $0x4000  }
0x232: {  	[tilespmem:s8], [sflag:$0x1] =	stream.indirect.gather [hbm4b:s1+s21], $0x80, s12, s21, $0xb8;
	[tilespmem:$0x1E800] =	vst v63  }
0x233: {  	s14 =	simm.s32 $0x80  }
0x234: {  	[tilespmem:s30], [sflag:$0x2] =	stream.indirect.gather [hbm4b:s1+s21], $0x80, s14, s21, $0xb8;
	[tilespmem:$0x1E800] =	vst v63  }
0x235: {  	s16 =	simm.s32 $0x90;
	s23 =	simm.s32 $0x5000  }
0x236: {  	[tilespmem:s23], [sflag:$0x2] =	stream.indirect.gather [hbm4b:s1+s21], $0x80, s16, s21, $0xb8;
	[tilespmem:$0x1E800] =	vst v63  }
0x237: {  	s25 =	simm.s32 $0xA0;
	s14 =	simm.s32 $0x5800  }
0x238: {  	[tilespmem:s14], [sflag:$0x2] =	stream.indirect.gather [hbm4b:s1+s21], $0x80, s25, s21, $0xb8;
	[tilespmem:$0x1E800] =	vst v63  }
0x239: {  	s26 =	simm.s32 $0xB0;
	s16 =	simm.s32 $0x6000  }
0x23a: {  	[tilespmem:s16], [sflag:$0x2] =	stream.indirect.gather [hbm4b:s1+s21], $0x80, s26, s21, $0xb8;
	[tilespmem:$0x1E800] =	vst v63  }
0x23b: {  	s5 =	simm.s32 $0x100  }
0x23c: {  	[tilespmem:s10], [sflag:$0x3] =	stream.indirect.gather [hbm4b:s1+s21], $0x80, s5, s21, $0xb8;
	[tilespmem:$0x1E800] =	vst v63  }
0x23d: {  	s12 =	simm.s32 $0x110;
	s26 =	simm.s32 $0x7000  }
0x23e: {  	[tilespmem:s26], [sflag:$0x3] =	stream.indirect.gather [hbm4b:s1+s21], $0x80, s12, s21, $0xb8;
	[tilespmem:$0x1E800] =	vst v63  }
0x23f: {  	s25 =	simm.s32 $0x120;
	s5 =	simm.s32 $0x7800  }
0x240: {  	[tilespmem:s5], [sflag:$0x3] =	stream.indirect.gather [hbm4b:s1+s21], $0x80, s25, s21, $0xb8;
	[tilespmem:$0x1E800] =	vst v63  }
0x241: {  	s12 =	simm.s32 $0x130;
	s25 =	simm.s32 $0x8000  }
0x242: {  	[tilespmem:s25], [sflag:$0x3] =	stream.indirect.gather [hbm4b:s1+s21], $0x80, s12, s21, $0xb8;
	[tilespmem:$0x1E800] =	vst v63  }
0x243: {  	_ =	swait.ge [sflag:s6], $0x2000  }
0x244: {  	[sflag:s6] =	ssyncset.done $0x0  }
0x245: {  	[sflag:s6] =	ssyncadd.s32 $0xFFFFE000  }
0x246: {  	[spmem:s2] =	stream.indirect.scatter.add.f32 [tilespmem:s22], [sflag:$0x5], $0x80, s24, s4, $0xb8;
	[tilespmem:$0x1E800] =	vst v63  }
0x247: {  	s12 =	simm.s32 $0x180  }
0x248: {  	[tilespmem:s18], [sflag:$0x4] =	stream.indirect.gather [hbm4b:s1+s21], $0x80, s12, s21, $0xb8;
	[tilespmem:$0x1E800] =	vst v63  }
0x249: {  	s25 =	simm.s32 $0x9000;
	s24 =	simm.s32 $0x190  }
0x24a: {  	[tilespmem:s25], [sflag:$0x4] =	stream.indirect.gather [hbm4b:s1+s21], $0x80, s24, s21, $0xb8;
	[tilespmem:$0x1E800] =	vst v63  }
0x24b: {  	s5 =	simm.s32 $0x1A0  }
0x24c: {  	[tilespmem:s31], [sflag:$0x4] =	stream.indirect.gather [hbm4b:s1+s21], $0x80, s5, s21, $0xb8;
	[tilespmem:$0x1E800] =	vst v63  }
0x24d: {  	s12 =	simm.s32 $0x1B0  }
0x24e: {  	[tilespmem:s7], [sflag:$0x4] =	stream.indirect.gather [hbm4b:s1+s21], $0x80, s12, s21, $0xb8;
	[tilespmem:$0x1E800] =	vst v63  }
0x24f: {  	_ =	swait.ge [sflag:s9], $0x2000  }
0x250: {  	[sflag:s9] =	ssyncset.done $0x0  }
0x251: {  	s24 =	simm.s32 $0x1480;
	[sflag:s9] =	ssyncadd.s32 $0xFFFFE000  }
0x252: {  	[spmem:s2] =	stream.indirect.scatter.add.f32 [tilespmem:s30], [sflag:$0x6], $0x80, s24, s4, $0xb8;
	[tilespmem:$0x1E800] =	vst v63  }
0x253: {  	_ =	swait.ge [sflag:s13], $0x2000  }
0x254: {  	[sflag:s13] =	ssyncset.done $0x0  }
0x255: {  	s25 =	simm.s32 $0x200;
	[sflag:s13] =	ssyncadd.s32 $0xFFFFE000  }
0x256: {  	[tilespmem:s22], [sflag:$0x1] =	stream.indirect.gather [hbm4b:s1+s21], $0x80, s25, s21, $0xb8;
	[tilespmem:$0x1E800] =	vst v63  }
0x257: {  	s5 =	simm.s32 $0x210  }
0x258: {  	[tilespmem:s28], [sflag:$0x1] =	stream.indirect.gather [hbm4b:s1+s21], $0x80, s5, s21, $0xb8;
	[tilespmem:$0x1E800] =	vst v63  }
0x259: {  	s12 =	simm.s32 $0x220  }
0x25a: {  	[tilespmem:s19], [sflag:$0x1] =	stream.indirect.gather [hbm4b:s1+s21], $0x80, s12, s21, $0xb8;
	[tilespmem:$0x1E800] =	vst v63  }
0x25b: {  	s24 =	simm.s32 $0x230  }
0x25c: {  	[tilespmem:s8], [sflag:$0x1] =	stream.indirect.gather [hbm4b:s1+s21], $0x80, s24, s21, $0xb8;
	[tilespmem:$0x1E800] =	vst v63  }
0x25d: {  	_ =	swait.ge [sflag:s3], $0x2000  }
0x25e: {  	[sflag:s3] =	ssyncset.done $0x0  }
0x25f: {  	s8 =	simm.s32 $0x1500;
	[sflag:s3] =	ssyncadd.s32 $0xFFFFE000  }
0x260: {  	[spmem:s2] =	stream.indirect.scatter.add.f32 [tilespmem:s10], [sflag:$0x7], $0x80, s8, s4, $0xb8;
	[tilespmem:$0x1E800] =	vst v63  }
0x261: {  	_ =	swait.ge [sflag:s15], $0x2000  }
0x262: {  	[sflag:s15] =	ssyncset.done $0x0  }
0x263: {  	s12 =	simm.s32 $0x280;
	[sflag:s15] =	ssyncadd.s32 $0xFFFFE000  }
0x264: {  	[tilespmem:s30], [sflag:$0x2] =	stream.indirect.gather [hbm4b:s1+s21], $0x80, s12, s21, $0xb8;
	[tilespmem:$0x1E800] =	vst v63  }
0x265: {  	s19 =	simm.s32 $0x290  }
0x266: {  	[tilespmem:s23], [sflag:$0x2] =	stream.indirect.gather [hbm4b:s1+s21], $0x80, s19, s21, $0xb8;
	[tilespmem:$0x1E800] =	vst v63  }
0x267: {  	s12 =	simm.s32 $0x2A0  }
0x268: {  	[tilespmem:s14], [sflag:$0x2] =	stream.indirect.gather [hbm4b:s1+s21], $0x80, s12, s21, $0xb8;
	[tilespmem:$0x1E800] =	vst v63  }
0x269: {  	s24 =	simm.s32 $0x2B0  }
0x26a: {  	[tilespmem:s16], [sflag:$0x2] =	stream.indirect.gather [hbm4b:s1+s21], $0x80, s24, s21, $0xb8;
	[tilespmem:$0x1E800] =	vst v63  }
0x26b: {  	_ =	swait.ge [sflag:s17], $0x2000  }
0x26c: {  	[sflag:s17] =	ssyncset.done $0x0  }
0x26d: {  	s16 =	simm.s32 $0x1580;
	[sflag:s17] =	ssyncadd.s32 $0xFFFFE000  }
0x26e: {  	[spmem:s2] =	stream.indirect.scatter.add.f32 [tilespmem:s18], [sflag:$0x8], $0x80, s16, s4, $0xb8;
	[tilespmem:$0x1E800] =	vst v63  }
0x26f: {  	s0 =	simm.s32 $0x4000;
	s25 =	simm.s32 $0x3000;
	_ =	swait.ge [sflag:s29], $0x2000  }
0x270: {  	s28 =	simm.s32 $0x3800;
	s5 =	simm.s32 $0x5000;
	[sflag:s29] =	ssyncset.done $0x0  }
0x271: {  	s8 =	simm.s32 $0x5800;
	s19 =	simm.s32 $0x300;
	[sflag:s29] =	ssyncadd.s32 $0xFFFFE000  }
0x272: {  	[tilespmem:s10], [sflag:$0x3] =	stream.indirect.gather [hbm4b:s1+s21], $0x80, s19, s21, $0xb8;
	[tilespmem:$0x1E800] =	vst v63  }
0x273: {  	s23 =	simm.s32 $0x310;
	s12 =	simm.s32 $0x6000;
	s14 =	simm.s32 $0x7000  }
0x274: {  	[tilespmem:s26], [sflag:$0x3] =	stream.indirect.gather [hbm4b:s1+s21], $0x80, s23, s21, $0xb8;
	[tilespmem:$0x1E800] =	vst v63  }
0x275: {  	s24 =	simm.s32 $0x320;
	s16 =	simm.s32 $0x7800;
	s26 =	simm.s32 $0x7800  }
0x276: {  	[tilespmem:s26], [sflag:$0x3] =	stream.indirect.gather [hbm4b:s1+s21], $0x80, s24, s21, $0xb8;
	[tilespmem:$0x1E800] =	vst v63  }
0x277: {  	s23 =	simm.s32 $0x330;
	s26 =	simm.s32 $0x8000;
	s24 =	simm.s32 $0x8000  }
0x278: {  	[tilespmem:s24], [sflag:$0x3] =	stream.indirect.gather [hbm4b:s1+s21], $0x80, s23, s21, $0xb8;
	[tilespmem:$0x1E800] =	vst v63  }
.LBB2_11:
0x279: {  	_ =	swait.ge [sflag:s6], $0x2000  }
0x27a: {  	s24 =	sshra.s32 s20, $0x2;
	[sflag:s6] =	ssyncset.done $0x0  }
0x27b: {  	s19 =	sadd.s32 $0x1600, s24;
	[sflag:s6] =	ssyncadd.s32 $0xFFFFE000  }
0x27c: {  	[spmem:s2] =	stream.indirect.scatter.add.f32 [tilespmem:s22], [sflag:$0x5], $0x80, s19, s4, $0xb8;
	[tilespmem:$0x1E800] =	vst v63  }
0x27d: {  	_ =	swait.ge [sflag:s11], $0x2000  }
0x27e: {  	[sflag:s11] =	ssyncset.done $0x0  }
0x27f: {  	s23 =	sadd.s32 $0x380, s24;
	[sflag:s11] =	ssyncadd.s32 $0xFFFFE000  }
0x280: {  	[tilespmem:s18], [sflag:$0x4] =	stream.indirect.gather [hbm4b:s1+s21], $0x80, s23, s21, $0xb8;
	[tilespmem:$0x1E800] =	vst v63  }
0x281: {  	s19 =	sadd.s32 $0x390, s24;
	s23 =	simm.s32 $0x9000  }
0x282: {  	[tilespmem:s23], [sflag:$0x4] =	stream.indirect.gather [hbm4b:s1+s21], $0x80, s19, s21, $0xb8;
	[tilespmem:$0x1E800] =	vst v63  }
0x283: {  	s23 =	sadd.s32 $0x3A0, s24  }
0x284: {  	[tilespmem:s31], [sflag:$0x4] =	stream.indirect.gather [hbm4b:s1+s21], $0x80, s23, s21, $0xb8;
	[tilespmem:$0x1E800] =	vst v63  }
0x285: {  	s23 =	sadd.s32 $0x3B0, s24  }
0x286: {  	[tilespmem:s7], [sflag:$0x4] =	stream.indirect.gather [hbm4b:s1+s21], $0x80, s23, s21, $0xb8;
	[tilespmem:$0x1E800] =	vst v63  }
0x287: {  	_ =	swait.ge [sflag:s9], $0x2000  }
0x288: {  	p0 =	seq.s32 s20, $0x4000;
	[sflag:s9] =	ssyncset.done $0x0  }
.Ltmp8:
0x289: {  	s23 =	sadd.s32 $0x1680, s24;
	[sflag:s9] =	ssyncadd.s32 $0xFFFFE000;
	(pc) =	sbr.rel @p0 .LBB2_13-.Ltmp8, $4  }
0x28a: {  	[spmem:s2] =	stream.indirect.scatter.add.f32 [tilespmem:s30], [sflag:$0x6], $0x80, s23, s4, $0xb8;
	[tilespmem:$0x1E800] =	vst v63  }
0x28b: {  	_ =	swait.ge [sflag:s13], $0x2000  }
0x28c: {  	[sflag:s13] =	ssyncset.done $0x0  }
0x28d: {  	s19 =	sadd.s32 $0x1700, s24;
	[sflag:s13] =	ssyncadd.s32 $0xFFFFE000  }
0x28e: {  	s23 =	sadd.s32 $0x400, s24  }
0x28f: {  	[tilespmem:s22], [sflag:$0x1] =	stream.indirect.gather [hbm4b:s1+s21], $0x80, s23, s21, $0xb8;
	[tilespmem:$0x1E800] =	vst v63  }
0x290: {  	s23 =	sadd.s32 $0x410, s24  }
0x291: {  	[tilespmem:s25], [sflag:$0x1] =	stream.indirect.gather [hbm4b:s1+s21], $0x80, s23, s21, $0xb8;
	[tilespmem:$0x1E800] =	vst v63  }
0x292: {  	s23 =	sadd.s32 $0x420, s24  }
0x293: {  	[tilespmem:s28], [sflag:$0x1] =	stream.indirect.gather [hbm4b:s1+s21], $0x80, s23, s21, $0xb8;
	[tilespmem:$0x1E800] =	vst v63  }
0x294: {  	s23 =	sadd.s32 $0x430, s24  }
0x295: {  	[tilespmem:s0], [sflag:$0x1] =	stream.indirect.gather [hbm4b:s1+s21], $0x80, s23, s21, $0xb8;
	[tilespmem:$0x1E800] =	vst v63  }
0x296: {  	_ =	swait.ge [sflag:s3], $0x2000  }
0x297: {  	[sflag:s3] =	ssyncset.done $0x0  }
0x298: {  	[sflag:s3] =	ssyncadd.s32 $0xFFFFE000  }
0x299: {  	[spmem:s2] =	stream.indirect.scatter.add.f32 [tilespmem:s10], [sflag:$0x7], $0x80, s19, s4, $0xb8;
	[tilespmem:$0x1E800] =	vst v63  }
0x29a: {  	_ =	swait.ge [sflag:s15], $0x2000  }
0x29b: {  	[sflag:s15] =	ssyncset.done $0x0  }
0x29c: {  	s23 =	sadd.s32 $0x480, s24;
	[sflag:s15] =	ssyncadd.s32 $0xFFFFE000  }
0x29d: {  	[tilespmem:s30], [sflag:$0x2] =	stream.indirect.gather [hbm4b:s1+s21], $0x80, s23, s21, $0xb8;
	[tilespmem:$0x1E800] =	vst v63  }
0x29e: {  	s23 =	sadd.s32 $0x490, s24  }
0x29f: {  	[tilespmem:s5], [sflag:$0x2] =	stream.indirect.gather [hbm4b:s1+s21], $0x80, s23, s21, $0xb8;
	[tilespmem:$0x1E800] =	vst v63  }
0x2a0: {  	s23 =	sadd.s32 $0x4A0, s24  }
0x2a1: {  	[tilespmem:s8], [sflag:$0x2] =	stream.indirect.gather [hbm4b:s1+s21], $0x80, s23, s21, $0xb8;
	[tilespmem:$0x1E800] =	vst v63  }
0x2a2: {  	s23 =	sadd.s32 $0x4B0, s24  }
0x2a3: {  	[tilespmem:s12], [sflag:$0x2] =	stream.indirect.gather [hbm4b:s1+s21], $0x80, s23, s21, $0xb8;
	[tilespmem:$0x1E800] =	vst v63  }
0x2a4: {  	_ =	swait.ge [sflag:s17], $0x2000  }
0x2a5: {  	[sflag:s17] =	ssyncset.done $0x0  }
0x2a6: {  	s23 =	sadd.s32 $0x1780, s24;
	[sflag:s17] =	ssyncadd.s32 $0xFFFFE000  }
0x2a7: {  	[spmem:s2] =	stream.indirect.scatter.add.f32 [tilespmem:s18], [sflag:$0x8], $0x80, s23, s4, $0xb8;
	[tilespmem:$0x1E800] =	vst v63  }
0x2a8: {  	_ =	swait.ge [sflag:s29], $0x2000  }
0x2a9: {  	[sflag:s29] =	ssyncset.done $0x0  }
0x2aa: {  	s23 =	sadd.s32 $0x500, s24;
	[sflag:s29] =	ssyncadd.s32 $0xFFFFE000  }
0x2ab: {  	[tilespmem:s10], [sflag:$0x3] =	stream.indirect.gather [hbm4b:s1+s21], $0x80, s23, s21, $0xb8;
	[tilespmem:$0x1E800] =	vst v63  }
0x2ac: {  	s23 =	sadd.s32 $0x510, s24  }
0x2ad: {  	[tilespmem:s14], [sflag:$0x3] =	stream.indirect.gather [hbm4b:s1+s21], $0x80, s23, s21, $0xb8;
	[tilespmem:$0x1E800] =	vst v63  }
.Ltmp9:
0x2ae: {  	_ = 	snop;
	(pc) =	sbr.rel .LBB2_11-.Ltmp9, $4  }
0x2af: {  	s23 =	sadd.s32 $0x520, s24  }
0x2b0: {  	[tilespmem:s16], [sflag:$0x3] =	stream.indirect.gather [hbm4b:s1+s21], $0x80, s23, s21, $0xb8;
	[tilespmem:$0x1E800] =	vst v63  }
0x2b1: {  	s20 =	sadd.s32 $0x800, s20;
	s24 =	sadd.s32 $0x530, s24  }
0x2b2: {  	[tilespmem:s26], [sflag:$0x3] =	stream.indirect.gather [hbm4b:s1+s21], $0x80, s24, s21, $0xb8;
	[tilespmem:$0x1E800] =	vst v63  }
.LBB2_14:
0x2b3: {  	_ =	sfence.sel $0x180000  }
0x2b4: {  	[bflag:$0x0] =	sbarrier.arrive $0xFFFF  }
0x2b5: {  	_ =	strace $0x90000047  }
0x2b6: {  	s0 =	stileid.u32;
	[bflag:$0x2] =	sbarrier.arrive $0xFFFF  }
0x2b7: {  	p0 =	sne.s32 s0, $0x0;
	s0 =	rddreg [dreg:$0x3]  }
0x2b8: {  	s0 =	sadd.s32 @!p0 $0x100000, s0  }
0x2b9: {  	[sflag:s0] =	ssyncadd.tile.s32 @!p0 $0x1;
	_ =	shalt  }
.Lfunc_end2:
_tile_overlayer_lowered:
.L_overlay_start_2:
0x2ba: {  	(tag) =	ssettag $0x2  }
0x2bb: {  	s0 =	rddreg [dreg:$0x0];
	s2 =	stileid.u32  }
0x2bc: {  	s1 =	rddreg [dreg:$0x1];
	p0 =	sne.s32 s2, $0x0  }
0x2bd: {  	s3 =	rddreg [dreg:$0x2];
	[bflag:$0x3] =	sbarrier.arrive $0xFFFF;
	s2 =	simm.s32 @!p0 $0x1C0A  }
0x2be: {  	[timem:s3], [sflag:s2] =	dma.local @!p0 [hbm:s0], s1  }
0x2bf: {  	s0 =	simm.s32 @!p0 $0xA  }
0x2c0: {  	_ =	swait.ge @!p0 [sflag:s0], s1  }
0x2c1: {  	s1 =	ssub.s32 @!p0 $0x0, s1;
	[sflag:s0] =	ssyncset.done @!p0 $0x0  }
0x2c2: {  	[sflag:s0] =	ssyncadd.s32 @!p0 s1  }
0x2c3: {  	[bflag:$0x3] =	sbarrier.arrive $0xFFFF  }
0x2c4: {  	_ =	shalt  }

</sc_bundles>
